<compile_context>
chip_gen: v7x
topology: tpu7x:2x2x1
jax: 0.10.2.dev20260603
libtpu: 0.0.44.dev20260713+nightly
codegen_flags: <defaults>
</compile_context>

<pallas_src>
import functools

import jax
import jax.numpy as jnp
from jax import lax
from jax.experimental import pallas as pl
from jax.experimental.pallas import tpu as pltpu
from jax.experimental.pallas import tpu_sc as plsc

N = 32768
D = 128
S = 2048
K = 10
NW = 16
SPW = S // NW
PPW = N // NW
INF = 0x7FFFFFFF

_mesh = plsc.VectorSubcoreMesh(
    core_axis_name="c", subcore_axis_name="s", num_cores=2)


def _body(feats, idx1, randt, out,
          idx_full, focc, rc, randb, tb, orows, fb,
          fbuf, fbuf2, idxb, ct1, zbuf, recipb, iall, sem0, sem1, sem2,
          acc_sh, cnt_sh):
    cid = lax.axis_index("c")
    sid = lax.axis_index("s")
    s0 = sid * SPW
    iota = lax.iota(jnp.int32, 16)

    @pl.when(cid == 0)
    def _():
        pltpu.sync_copy(idx1, idx_full)
        pltpu.sync_copy(randt.at[pl.ds(sid * 8, 8)], randb)

        def zrc(g, acc):
            rc[pl.ds(g * 16, 16)] = jnp.zeros((16,), jnp.int32)
            return acc
        lax.fori_loop(0, SPW // 16, zrc, 0)

        def it(v, carry):
            mk, mnb = carry
            x = idx_full[pl.ds(v * 16, 16)]
            iv = v * 16 + iota
            local = x - s0
            m = (local >= 0) & (local < SPW)
            occ, lastm = plsc.scan_count(x, mask=m)
            lsafe = local & (SPW - 1)
            old = plsc.load_gather(rc, [lsafe])
            r = old + occ - 1
            plsc.store_scatter(rc, [lsafe], old + occ, mask=m & lastm)
            m10 = m & (r < K)
            flat = lsafe * 16 + jnp.clip(r, 0, 15)
            plsc.store_scatter(focc, [flat], iv, mask=m10)
            key = x * N + iv
            mnb = jnp.minimum(mnb, jnp.where(x >= s0 + SPW, key, INF))
            mk = jnp.maximum(mk, key)
            return mk, mnb

        mk0 = jnp.full((16,), -1, jnp.int32)
        mnb0 = jnp.full((16,), INF, jnp.int32)
        mk, mnb = lax.fori_loop(0, N // 16, it, (mk0, mnb0))
        lastp = jnp.max(mk) & (N - 1)
        mnbs = jnp.min(mnb)

        carry0 = jnp.minimum(jnp.full((16,), INF, jnp.int32), mnbs)

        def fscan(gi, carry):
            g = SPW // 16 - 1 - gi
            jl = g * 16 + iota
            c = rc[pl.ds(g * 16, 16)]
            fo0 = plsc.load_gather(focc, [jl * 16])
            kj = jnp.where(c > 0, (s0 + jl) * N + fo0, INF)
            sm = -lax.rev(plsc.cummax(-lax.rev(kj, (0,))), (0,))
            smj = jnp.minimum(sm, carry)
            fv = jnp.where(smj < INF, smj & (N - 1), lastp)
            fb[pl.ds(g * 16, 16)] = fv
            return jnp.minimum(carry, jnp.min(kj))
        lax.fori_loop(0, SPW // 16, fscan, carry0)

        def tbuild(g, acc):
            jl = g * 16 + iota
            c = rc[pl.ds(g * 16, 16)]
            ml = jnp.maximum(c, 1)
            fbv = fb[pl.ds(g * 16, 16)]
            for k in range(K):
                rv = randb[g, pl.ds(k * 16, 16)]
                off = lax.rem(rv, ml)
                tv = plsc.load_gather(focc, [jl * 16 + off])
                tv = jnp.where(c == 0, fbv, tv)
                tb[k, pl.ds(g * 16, 16)] = tv
                orows[k, pl.ds(g * 16, 16)] = (s0 + jl) * (K + 1) + k
            return acc
        lax.fori_loop(0, SPW // 16, tbuild, 0)

        bufs = [fbuf, fbuf2]
        gsems = [sem0, sem1]
        d = pltpu.async_copy(feats.at[tb.at[0]], bufs[0], gsems[0])
        descs = [d]
        for k in range(K):
            if k + 1 < K:
                descs.append(pltpu.async_copy(
                    feats.at[tb.at[k + 1]], bufs[(k + 1) % 2],
                    gsems[(k + 1) % 2]))
            descs[k].wait()
            pltpu.sync_copy(bufs[k % 2], out.at[orows.at[k]])

    @pl.when(cid == 1)
    def _():
        def zb(r, acc):
            for c in range(8):
                zbuf[r, pl.ds(c * 16, 16)] = jnp.zeros((16,), jnp.float32)
            return acc
        lax.fori_loop(0, 8, zb, 0)

        def zct(r, acc):
            for c in range(8):
                ct1[r, pl.ds(c * 16, 16)] = jnp.zeros((16,), jnp.int32)
            return acc
        lax.fori_loop(0, NW, zct, 0)

        for t in range(SPW // 8):
            pltpu.sync_copy(zbuf, acc_sh.at[pl.ds(s0 + t * 8, 8)])

        @pl.when(sid == 0)
        def _():
            pltpu.sync_copy(ct1.at[pl.ds(0, 8)], cnt_sh.at[pl.ds(0, 8)])
            pltpu.sync_copy(ct1.at[pl.ds(0, 8)], cnt_sh.at[pl.ds(8, 8)])

        for t in range(NW):
            pltpu.sync_copy(idx1.at[pl.ds(sid * PPW + t * 128, 128)],
                            idxb.at[t])

        def cnt_row(r, acc):
            for c in range(8):
                x = idxb[r, pl.ds(c * 16, 16)]
                occ, lastm = plsc.scan_count(x)
                plsc.addupdate_scatter(
                    ct1, [x >> 7, x & (SPW - 1)], occ, mask=lastm)
            return acc
        lax.fori_loop(0, NW, cnt_row, 0)

        iall[pl.ds(0, 16)] = iota
        plsc.subcore_barrier()

        pltpu.sync_copy(ct1, cnt_sh.at[iall], add=True)
        base = sid * PPW

        bufs = [fbuf, fbuf2]
        gsems = [sem0, sem1]
        NT = PPW // 128
        gdescs = [pltpu.async_copy(
            feats.at[pl.ds(base, 128)], bufs[0], gsems[0])]
        sdescs = []
        for t in range(NT):
            if t + 1 < NT:
                if t >= 1:
                    sdescs[t - 1].wait()
                gdescs.append(pltpu.async_copy(
                    feats.at[pl.ds(base + (t + 1) * 128, 128)],
                    bufs[(t + 1) % 2], gsems[(t + 1) % 2]))
            gdescs[t].wait()
            sdescs.append(pltpu.async_copy(
                bufs[t % 2], acc_sh.at[idxb.at[t]], sem2, add=True))
        sdescs[NT - 2].wait()
        sdescs[NT - 1].wait()

        plsc.subcore_barrier()

        pltpu.sync_copy(cnt_sh, idxb)
        pltpu.sync_copy(acc_sh.at[pl.ds(s0, SPW)], fbuf)
        for g in range(SPW // 16):
            c = idxb[sid, pl.ds(g * 16, 16)]
            cf = jnp.maximum(c, 1).astype(jnp.float32)
            recipb[pl.ds(g * 16, 16)] = 1.0 / cf

        def scale(j, acc):
            rv = plsc.load_gather(recipb, [jnp.full((16,), j, jnp.int32)])
            for c8 in range(8):
                fbuf[j, pl.ds(c8 * 16, 16)] = (
                    fbuf[j, pl.ds(c8 * 16, 16)] * rv)
            return acc
        lax.fori_loop(0, SPW, scale, 0)
        for g in range(SPW // 16):
            orows[0, pl.ds(g * 16, 16)] = (s0 + g * 16 + iota) * (K + 1) + K
        pltpu.sync_copy(fbuf, out.at[orows.at[0]])


_hsm3 = functools.partial(
    pl.kernel,
    out_type=jax.ShapeDtypeStruct((S * (K + 1), D), jnp.float32),
    mesh=_mesh,
    scratch_types=[
        pltpu.VMEM((N,), jnp.int32),
        pltpu.VMEM((SPW * 16,), jnp.int32),
        pltpu.VMEM((SPW,), jnp.int32),
        pltpu.VMEM((8, K * 16), jnp.int32),
        pltpu.VMEM((K, SPW), jnp.int32),
        pltpu.VMEM((K, SPW), jnp.int32),
        pltpu.VMEM((SPW,), jnp.int32),
        pltpu.VMEM((128, D), jnp.float32),
        pltpu.VMEM((128, D), jnp.float32),
        pltpu.VMEM((NW, 128), jnp.int32),
        pltpu.VMEM((NW, SPW), jnp.int32),
        pltpu.VMEM((8, D), jnp.float32),
        pltpu.VMEM((SPW,), jnp.float32),
        pltpu.VMEM((16,), jnp.int32),
        pltpu.SemaphoreType.DMA,
        pltpu.SemaphoreType.DMA,
        pltpu.SemaphoreType.DMA,
        pltpu.VMEM_SHARED((S, D), jnp.float32),
        pltpu.VMEM_SHARED((NW, SPW), jnp.int32),
    ],
    compiler_params=pltpu.CompilerParams(needs_layout_passes=False),
)(_body)


def kernel(raw_feats, raw2sp_idx):
    rand = jax.random.randint(jax.random.key(42), (S, K), 0, K)
    randt = rand.astype(jnp.int32).reshape(S // 16, 16, K)
    randt = randt.transpose(0, 2, 1).reshape(S // 16, K * 16)
    out = _hsm3(raw_feats, raw2sp_idx, randt)
    return out.reshape(S, K + 1, D)

# --- scband reference (transcript-rebuilt; emitter-appended) ---
"""Pipeline reference for scband-hsm3-d-30305289240968 (READ-ONLY COPY).

The authoritative reference and input builder live on the scoring server;
editing this copy changes nothing except your own understanding.
"""

import jax, jax.numpy as jnp
import numpy as np

N_RAW = 32768
D = 128
N_SP = 2048
K = 10


def setup_inputs(seed: int = 0) -> dict:
    key = jax.random.key(seed)
    k1, k2 = jax.random.split(key)
    raw_feats = jax.random.normal(k1, (N_RAW, D), dtype=jnp.float32)
    raw2sp_idx = jax.random.randint(k2, (N_RAW,), 0, N_SP, dtype=jnp.int32)
    return {"raw_feats": raw_feats, "raw2sp_idx": raw2sp_idx}


def reference(raw_feats, raw2sp_idx):
    S = N_SP
    # ---- average_pool_by_sp: segment mean over superpoints ----
    ones = jnp.ones((raw_feats.shape[0],), dtype=raw_feats.dtype)
    sums = jax.ops.segment_sum(raw_feats, raw2sp_idx, num_segments=S)
    counts = jax.ops.segment_sum(ones, raw2sp_idx, num_segments=S)
    counts = jnp.maximum(counts, 1.0)
    sp_feats = sums / counts[:, None]
    # ---- build_sp_sequences_tensor: K sampled raw points + 1 sp token ----
    sorted_idx = jnp.argsort(raw2sp_idx)
    sorted_feats = raw_feats[sorted_idx]
    sp_len = jnp.bincount(raw2sp_idx, length=S)
    sp_start = jnp.concatenate([jnp.zeros((1,), dtype=sp_len.dtype), jnp.cumsum(sp_len)[:-1]])
    max_len = jnp.clip(sp_len, 1, None)
    rand_idx = jax.random.randint(jax.random.key(42), (S, K), 0, K)
    gather_idx = sp_start[:, None] + (rand_idx % max_len[:, None])
    sampled_feats = sorted_feats[gather_idx]  # (S, K, D)
    sp_token = sp_feats[:, None, :]           # (S, 1, D)
    seq_tensor = jnp.concatenate([sampled_feats, sp_token], axis=1)  # (S, K+1, D)
    return seq_tensor

if __name__ == "__main__":
    import jax
    _d = setup_inputs()
    print(jax.jit(kernel)(*tuple(_d.values())))

</pallas_src>

<mosaic_0001>
#map = affine_map<(d0, d1) -> (0, 0)>
#map1 = affine_map<(d0, d1) -> (0)>
module attributes {stable_mosaic.version = 14 : i64} {
  func.func @_body(%arg0: i32, %arg1: i32, %arg2: memref<32768x128xf32, #tpu.memory_space<hbm>>, %arg3: memref<32768xi32, #tpu.memory_space<hbm>>, %arg4: memref<128x160xi32, #tpu.memory_space<hbm>>, %arg5: memref<22528x128xf32, #tpu.memory_space<hbm>>, %arg6: memref<32768xi32, #tpu.memory_space<vmem>>, %arg7: memref<2048xi32, #tpu.memory_space<vmem>>, %arg8: memref<128xi32, #tpu.memory_space<vmem>>, %arg9: memref<8x160xi32, #tpu.memory_space<vmem>>, %arg10: memref<10x128xi32, #tpu.memory_space<vmem>>, %arg11: memref<10x128xi32, #tpu.memory_space<vmem>>, %arg12: memref<128xi32, #tpu.memory_space<vmem>>, %arg13: memref<128x128xf32, #tpu.memory_space<vmem>>, %arg14: memref<128x128xf32, #tpu.memory_space<vmem>>, %arg15: memref<16x128xi32, #tpu.memory_space<vmem>>, %arg16: memref<16x128xi32, #tpu.memory_space<vmem>>, %arg17: memref<8x128xf32, #tpu.memory_space<vmem>>, %arg18: memref<128xf32, #tpu.memory_space<vmem>>, %arg19: memref<16xi32, #tpu.memory_space<vmem>>, %arg20: memref<!tpu.dma_semaphore, #tpu.memory_space<semaphore_mem>>, %arg21: memref<!tpu.dma_semaphore, #tpu.memory_space<semaphore_mem>>, %arg22: memref<!tpu.dma_semaphore, #tpu.memory_space<semaphore_mem>>, %arg23: memref<2048x128xf32, #tpu.memory_space<vmem_shared>>, %arg24: memref<16x128xi32, #tpu.memory_space<vmem_shared>>) attributes {dimension_semantics = [#tpu.dimension_semantics<core_parallel>, #tpu.dimension_semantics<subcore_parallel>], iteration_bounds = array<i64: 2, 16>, scalar_prefetch = 0 : i64, scratch_operands = 19 : i64, tpu.core_type = #tpu.core_type<sc_vector_subcore>, window_params = [{transform_indices = #map}, {transform_indices = #map1}, {transform_indices = #map}, {transform_indices = #map}]} {
    %mul3A = arith.constant 128 : i32
    %mul3A_0 = arith.muli %arg1, %mul3A : i32
    %iota3A = tpu.iota {dimensions = array<i32: 0>} : vector<16xi32>
    %eq3A = arith.constant 0 : i32
    %eq3A_1 = arith.cmpi eq, %arg0, %eq3A : i32
    %convert_element_type3A = arith.extui %eq3A_1 : i1 to i32
    %cond3A = arith.constant 0 : i32
    %cond3A_2 = arith.cmpi ne, %convert_element_type3A, %cond3A : i32
    scf.if %cond3A_2 {
      "tpu.region"() ({
        %run_scoped3A_201 = tpu.sem_alloc : memref<!tpu.dma_semaphore, #tpu.memory_space<semaphore_mem>>
        tpu.enqueue_dma source(%arg3 : memref<32768xi32, #tpu.memory_space<hbm>>) target(%arg6 : memref<32768xi32, #tpu.memory_space<vmem>>) target_semaphore(%run_scoped3A_201 : memref<!tpu.dma_semaphore, #tpu.memory_space<semaphore_mem>>)
        tpu.wait_dma2 semaphore(%run_scoped3A_201 : memref<!tpu.dma_semaphore, #tpu.memory_space<semaphore_mem>>) src(%arg3 : memref<32768xi32, #tpu.memory_space<hbm>>) dst(%arg6 : memref<32768xi32, #tpu.memory_space<vmem>>)
        tpu.yield
      }) : () -> ()
      %mul3A_8 = arith.constant 8 : i32
      %mul3A_9 = arith.muli %arg1, %mul3A_8 : i32
      "tpu.region"() ({
        %run_scoped3A_201 = tpu.sem_alloc : memref<!tpu.dma_semaphore, #tpu.memory_space<semaphore_mem>>
        %dma_start3A_202 = arith.constant 0 : i32
        %dma_start3A_203 = tpu.memref_slice %arg4[%mul3A_9, %dma_start3A_202] : memref<128x160xi32, #tpu.memory_space<hbm>> -> memref<8x160xi32, #tpu.memory_space<hbm>>
        %dma_start3A_204 = arith.constant 0 : i32
        %dma_start3A_205 = tpu.memref_slice %arg4[%mul3A_9, %dma_start3A_204] : memref<128x160xi32, #tpu.memory_space<hbm>> -> memref<8x160xi32, #tpu.memory_space<hbm>>
        tpu.enqueue_dma source(%dma_start3A_205 : memref<8x160xi32, #tpu.memory_space<hbm>>) target(%arg9 : memref<8x160xi32, #tpu.memory_space<vmem>>) target_semaphore(%run_scoped3A_201 : memref<!tpu.dma_semaphore, #tpu.memory_space<semaphore_mem>>)
        %dma_wait3A_206 = arith.constant 0 : i32
        %dma_wait3A_207 = tpu.memref_slice %arg4[%mul3A_9, %dma_wait3A_206] : memref<128x160xi32, #tpu.memory_space<hbm>> -> memref<8x160xi32, #tpu.memory_space<hbm>>
        %dma_wait3A_208 = arith.constant 0 : i32
        %dma_wait3A_209 = tpu.memref_slice %arg4[%mul3A_9, %dma_wait3A_208] : memref<128x160xi32, #tpu.memory_space<hbm>> -> memref<8x160xi32, #tpu.memory_space<hbm>>
        tpu.wait_dma2 semaphore(%run_scoped3A_201 : memref<!tpu.dma_semaphore, #tpu.memory_space<semaphore_mem>>) src(%dma_wait3A_209 : memref<8x160xi32, #tpu.memory_space<hbm>>) dst(%arg9 : memref<8x160xi32, #tpu.memory_space<vmem>>)
        tpu.yield
      }) : () -> ()
      %scan3A = arith.constant 0 : i32
      %scan3A_10 = arith.constant 0 : i32
      %scan3A_11 = arith.constant 8 : i32
      %scan3A_12 = arith.addi %scan3A_10, %scan3A_11 : i32
      %scan3A_13 = arith.constant 1 : i32
      scf.for %scan3A_201 = %scan3A_10 to %scan3A_12 step %scan3A_13  : i32 {
        %broadcast_in_dim3A_202 = arith.constant 0 : i32
        %broadcast_in_dim3A_203 = vector.broadcast %broadcast_in_dim3A_202 : i32 to vector<16xi32>
        %mul3A_204 = arith.constant 16 : i32
        %mul3A_205 = arith.muli %scan3A_201, %mul3A_204 : i32
        %swap3A = arith.index_cast %mul3A_205 : i32 to index
        %swap3A_206 = tpu.vector_load %arg8[%swap3A] {strides = array<i32>} : memref<128xi32, #tpu.memory_space<vmem>>, vector<16xi32>,
        tpu.vector_store %arg8[%swap3A], %broadcast_in_dim3A_203 {strides = array<i32>} : memref<128xi32, #tpu.memory_space<vmem>>, vector<16xi32>,
      }
      %scan3A_14 = arith.constant 8 : i32
      %broadcast_in_dim3A = arith.constant -1 : i32
      %broadcast_in_dim3A_15 = vector.broadcast %broadcast_in_dim3A : i32 to vector<16xi32>
      %broadcast_in_dim3A_16 = arith.constant 2147483647 : i32
      %broadcast_in_dim3A_17 = vector.broadcast %broadcast_in_dim3A_16 : i32 to vector<16xi32>
      %scan3A_18 = arith.constant 0 : i32
      %scan3A_19 = arith.constant 2048 : i32
      %scan3A_20 = arith.addi %scan3A_18, %scan3A_19 : i32
      %scan3A_21 = arith.constant 1 : i32
      %scan3A_22:2 = scf.for %scan3A_201 = %scan3A_18 to %scan3A_20 step %scan3A_21 iter_args(%scan3A_202 = %broadcast_in_dim3A_15, %scan3A_203 = %broadcast_in_dim3A_17) -> (vector<16xi32>, vector<16xi32>)  : i32 {
        %mul3A_204 = arith.constant 16 : i32
        %mul3A_205 = arith.muli %scan3A_201, %mul3A_204 : i32
        %get3A = arith.index_cast %mul3A_205 : i32 to index
        %get3A_206 = tpu.vector_load %arg6[%get3A] {strides = array<i32>} : memref<32768xi32, #tpu.memory_space<vmem>>, vector<16xi32>,
        %mul3A_207 = arith.constant 16 : i32
        %mul3A_208 = arith.muli %scan3A_201, %mul3A_207 : i32
        %add3A = vector.broadcast %mul3A_208 : i32 to vector<16xi32>
        %add3A_209 = arith.addi %add3A, %iota3A : vector<16xi32>
        %sub3A = vector.broadcast %mul3A_0 : i32 to vector<16xi32>
        %sub3A_210 = arith.subi %get3A_206, %sub3A : vector<16xi32>
        %ge3A = arith.constant 0 : i32
        %ge3A_211 = vector.broadcast %ge3A : i32 to vector<16xi32>
        %ge3A_212 = arith.cmpi sge, %sub3A_210, %ge3A_211 : vector<16xi32>
        %lt3A = arith.constant 128 : i32
        %lt3A_213 = vector.broadcast %lt3A : i32 to vector<16xi32>
        %lt3A_214 = arith.cmpi slt, %sub3A_210, %lt3A_213 : vector<16xi32>
        %and3A_215 = arith.andi %ge3A_212, %lt3A_214 : vector<16xi1>
        %unique3A, %unique3A_216 = tpu.scan_count mask(%and3A_215 : vector<16xi1>) value(%get3A_206 : vector<16xi32>) : vector<16xi1>, vector<16xi32>
        %and3A_217 = arith.constant 127 : i32
        %and3A_218 = vector.broadcast %and3A_217 : i32 to vector<16xi32>
        %and3A_219 = arith.andi %sub3A_210, %and3A_218 : vector<16xi32>
        %gather3A = tpu.vector_load_idx %arg8[%and3A_219] : memref<128xi32, #tpu.memory_space<vmem>>[vector<16xi32>], vector<16xi32>,
        %add3A_220 = arith.addi %gather3A, %unique3A_216 : vector<16xi32>
        %sub3A_221 = arith.constant 1 : i32
        %sub3A_222 = vector.broadcast %sub3A_221 : i32 to vector<16xi32>
        %sub3A_223 = arith.subi %add3A_220, %sub3A_222 : vector<16xi32>
        %add3A_224 = arith.addi %gather3A, %unique3A_216 : vector<16xi32>
        %and3A_225 = arith.andi %and3A_215, %unique3A : vector<16xi1>
        tpu.vector_store_idx %arg8[%and3A_219], %add3A_224 masked %and3A_225 : memref<128xi32, #tpu.memory_space<vmem>>[vector<16xi32>], vector<16xi32>, vector<16xi1>
        %lt3A_226 = arith.constant 10 : i32
        %lt3A_227 = vector.broadcast %lt3A_226 : i32 to vector<16xi32>
        %lt3A_228 = arith.cmpi slt, %sub3A_223, %lt3A_227 : vector<16xi32>
        %and3A_229 = arith.andi %and3A_215, %lt3A_228 : vector<16xi1>
        %mul3A_230 = arith.constant 16 : i32
        %mul3A_231 = vector.broadcast %mul3A_230 : i32 to vector<16xi32>
        %mul3A_232 = arith.muli %and3A_219, %mul3A_231 : vector<16xi32>
        %jit3A = arith.constant 0 : i32
        %jit3A_233 = arith.constant 15 : i32
        %max3A = vector.broadcast %jit3A : i32 to vector<16xi32>
        %max3A_234 = arith.maxsi %max3A, %sub3A_223 : vector<16xi32>
        %min3A_235 = vector.broadcast %jit3A_233 : i32 to vector<16xi32>
        %min3A_236 = arith.minsi %min3A_235, %max3A_234 : vector<16xi32>
        %add3A_237 = arith.addi %mul3A_232, %min3A_236 : vector<16xi32>
        tpu.vector_store_idx %arg7[%add3A_237], %add3A_209 masked %and3A_229 : memref<2048xi32, #tpu.memory_space<vmem>>[vector<16xi32>], vector<16xi32>, vector<16xi1>
        %mul3A_238 = arith.constant 32768 : i32
        %mul3A_239 = vector.broadcast %mul3A_238 : i32 to vector<16xi32>
        %mul3A_240 = arith.muli %get3A_206, %mul3A_239 : vector<16xi32>
        %add3A_241 = arith.addi %mul3A_240, %add3A_209 : vector<16xi32>
        %add3A_242 = arith.constant 128 : i32
        %add3A_243 = arith.addi %mul3A_0, %add3A_242 : i32
        %ge3A_244 = vector.broadcast %add3A_243 : i32 to vector<16xi32>
        %ge3A_245 = arith.cmpi sge, %get3A_206, %ge3A_244 : vector<16xi32>
        %jit3A_246 = arith.constant 2147483647 : i32
        %broadcast_in_dim3A_247 = vector.broadcast %jit3A_246 : i32 to vector<16xi32>
        %select_n3A = arith.select %ge3A_245, %add3A_241, %broadcast_in_dim3A_247 : vector<16xi1>, vector<16xi32>
        %min3A_248 = arith.minsi %scan3A_203, %select_n3A : vector<16xi32>
        %max3A_249 = arith.maxsi %scan3A_202, %add3A_241 : vector<16xi32>
        scf.yield %max3A_249, %min3A_248 : vector<16xi32>, vector<16xi32>
      }
      %scan3A_23 = arith.constant 2048 : i32
      %reduce_max3A = arith.constant true
      %reduce_max3A_24 = vector.broadcast %reduce_max3A : i1 to vector<16xi1>
      %reduce_max3A_25 = arith.constant -2147483648 : i32
      %reduce_max3A_26 = vector.broadcast %reduce_max3A_25 : i32 to vector<16xi32>
      %reduce_max3A_27 = arith.xori %scan3A_22#0, %reduce_max3A_26 : vector<16xi32>
      %reduce_max3A_28 = tpu.scan <max>, %reduce_max3A_27 masked %reduce_max3A_24 : vector<16xi32>, vector<16xi1> -> vector<16xi32>
      %reduce_max3A_29 = arith.xori %reduce_max3A_28, %reduce_max3A_26 : vector<16xi32>
      %reduce_max3A_30 = vector.extract %reduce_max3A_29[15] : i32 from vector<16xi32>
      %and3A = arith.constant 32767 : i32
      %and3A_31 = arith.andi %reduce_max3A_30, %and3A : i32
      %reduce_min3A = arith.constant true
      %reduce_min3A_32 = vector.broadcast %reduce_min3A : i1 to vector<16xi1>
      %reduce_min3A_33 = arith.constant -2147483648 : i32
      %reduce_min3A_34 = vector.broadcast %reduce_min3A_33 : i32 to vector<16xi32>
      %reduce_min3A_35 = arith.xori %scan3A_22#1, %reduce_min3A_34 : vector<16xi32>
      %reduce_min3A_36 = tpu.scan <min>, %reduce_min3A_35 masked %reduce_min3A_32 : vector<16xi32>, vector<16xi1> -> vector<16xi32>
      %reduce_min3A_37 = arith.xori %reduce_min3A_36, %reduce_min3A_34 : vector<16xi32>
      %reduce_min3A_38 = vector.extract %reduce_min3A_37[15] : i32 from vector<16xi32>
      %broadcast_in_dim3A_39 = arith.constant 2147483647 : i32
      %broadcast_in_dim3A_40 = vector.broadcast %broadcast_in_dim3A_39 : i32 to vector<16xi32>
      %min3A = vector.broadcast %reduce_min3A_38 : i32 to vector<16xi32>
      %min3A_41 = arith.minsi %broadcast_in_dim3A_40, %min3A : vector<16xi32>
      %scan3A_42 = arith.constant 0 : i32
      %scan3A_43 = arith.constant 8 : i32
      %scan3A_44 = arith.addi %scan3A_42, %scan3A_43 : i32
      %scan3A_45 = arith.constant 1 : i32
      %scan3A_46 = scf.for %scan3A_201 = %scan3A_42 to %scan3A_44 step %scan3A_45 iter_args(%scan3A_202 = %min3A_41) -> (vector<16xi32>)  : i32 {
        %sub3A = arith.constant 7 : i32
        %sub3A_203 = arith.subi %sub3A, %scan3A_201 : i32
        %mul3A_204 = arith.constant 16 : i32
        %mul3A_205 = arith.muli %sub3A_203, %mul3A_204 : i32
        %add3A = vector.broadcast %mul3A_205 : i32 to vector<16xi32>
        %add3A_206 = arith.addi %add3A, %iota3A : vector<16xi32>
        %mul3A_207 = arith.constant 16 : i32
        %mul3A_208 = arith.muli %sub3A_203, %mul3A_207 : i32
        %get3A = arith.index_cast %mul3A_208 : i32 to index
        %get3A_209 = tpu.vector_load %arg8[%get3A] {strides = array<i32>} : memref<128xi32, #tpu.memory_space<vmem>>, vector<16xi32>,
        %mul3A_210 = arith.constant 16 : i32
        %mul3A_211 = vector.broadcast %mul3A_210 : i32 to vector<16xi32>
        %mul3A_212 = arith.muli %add3A_206, %mul3A_211 : vector<16xi32>
        %gather3A = tpu.vector_load_idx %arg7[%mul3A_212] : memref<2048xi32, #tpu.memory_space<vmem>>[vector<16xi32>], vector<16xi32>,
        %gt3A = arith.constant 0 : i32
        %gt3A_213 = vector.broadcast %gt3A : i32 to vector<16xi32>
        %gt3A_214 = arith.cmpi sgt, %get3A_209, %gt3A_213 : vector<16xi32>
        %add3A_215 = vector.broadcast %mul3A_0 : i32 to vector<16xi32>
        %add3A_216 = arith.addi %add3A_215, %add3A_206 : vector<16xi32>
        %mul3A_217 = arith.constant 32768 : i32
        %mul3A_218 = vector.broadcast %mul3A_217 : i32 to vector<16xi32>
        %mul3A_219 = arith.muli %add3A_216, %mul3A_218 : vector<16xi32>
        %add3A_220 = arith.addi %mul3A_219, %gather3A : vector<16xi32>
        %jit3A = arith.constant 2147483647 : i32
        %broadcast_in_dim3A_221 = vector.broadcast %jit3A : i32 to vector<16xi32>
        %select_n3A = arith.select %gt3A_214, %add3A_220, %broadcast_in_dim3A_221 : vector<16xi1>, vector<16xi32>
        %rev3A = arith.constant 15 : i32
        %rev3A_222 = vector.broadcast %rev3A : i32 to vector<16xi32>
        %rev3A_223 = tpu.iota {dimensions = array<i32: 0>} : vector<16xi32>
        %rev3A_224 = arith.subi %rev3A_222, %rev3A_223 : vector<16xi32>
        %rev3A_225 = tpu.dynamic_gather %select_n3A[%rev3A_224] in [0] : vector<16xi32>, vector<16xi32> -> vector<16xi32>
        %neg3A = arith.constant 0 : i32
        %neg3A_226 = vector.broadcast %neg3A : i32 to vector<16xi32>
        %neg3A_227 = arith.subi %neg3A_226, %rev3A_225 : vector<16xi32>
        %broadcast_in_dim3A_228 = arith.constant true
        %broadcast_in_dim3A_229 = vector.broadcast %broadcast_in_dim3A_228 : i1 to vector<16xi1>
        %masked_cummax3A = arith.constant -2147483648 : i32
        %masked_cummax3A_230 = vector.broadcast %masked_cummax3A : i32 to vector<16xi32>
        %masked_cummax3A_231 = arith.xori %neg3A_227, %masked_cummax3A_230 : vector<16xi32>
        %masked_cummax3A_232 = tpu.scan <max>, %masked_cummax3A_231 masked %broadcast_in_dim3A_229 : vector<16xi32>, vector<16xi1> -> vector<16xi32>
        %masked_cummax3A_233 = arith.xori %masked_cummax3A_232, %masked_cummax3A_230 : vector<16xi32>
        %rev3A_234 = arith.constant 15 : i32
        %rev3A_235 = vector.broadcast %rev3A_234 : i32 to vector<16xi32>
        %rev3A_236 = tpu.iota {dimensions = array<i32: 0>} : vector<16xi32>
        %rev3A_237 = arith.subi %rev3A_235, %rev3A_236 : vector<16xi32>
        %rev3A_238 = tpu.dynamic_gather %masked_cummax3A_233[%rev3A_237] in [0] : vector<16xi32>, vector<16xi32> -> vector<16xi32>
        %neg3A_239 = arith.constant 0 : i32
        %neg3A_240 = vector.broadcast %neg3A_239 : i32 to vector<16xi32>
        %neg3A_241 = arith.subi %neg3A_240, %rev3A_238 : vector<16xi32>
        %min3A_242 = arith.minsi %neg3A_241, %scan3A_202 : vector<16xi32>
        %lt3A = arith.constant 2147483647 : i32
        %lt3A_243 = vector.broadcast %lt3A : i32 to vector<16xi32>
        %lt3A_244 = arith.cmpi slt, %min3A_242, %lt3A_243 : vector<16xi32>
        %and3A_245 = arith.constant 32767 : i32
        %and3A_246 = vector.broadcast %and3A_245 : i32 to vector<16xi32>
        %and3A_247 = arith.andi %min3A_242, %and3A_246 : vector<16xi32>
        %broadcast_in_dim3A_248 = vector.broadcast %and3A_31 : i32 to vector<16xi32>
        %select_n3A_249 = arith.select %lt3A_244, %and3A_247, %broadcast_in_dim3A_248 : vector<16xi1>, vector<16xi32>
        %mul3A_250 = arith.constant 16 : i32
        %mul3A_251 = arith.muli %sub3A_203, %mul3A_250 : i32
        %swap3A = arith.index_cast %mul3A_251 : i32 to index
        %swap3A_252 = tpu.vector_load %arg12[%swap3A] {strides = array<i32>} : memref<128xi32, #tpu.memory_space<vmem>>, vector<16xi32>,
        tpu.vector_store %arg12[%swap3A], %select_n3A_249 {strides = array<i32>} : memref<128xi32, #tpu.memory_space<vmem>>, vector<16xi32>,
        %reduce_min3A_253 = arith.constant true
        %reduce_min3A_254 = vector.broadcast %reduce_min3A_253 : i1 to vector<16xi1>
        %reduce_min3A_255 = arith.constant -2147483648 : i32
        %reduce_min3A_256 = vector.broadcast %reduce_min3A_255 : i32 to vector<16xi32>
        %reduce_min3A_257 = arith.xori %select_n3A, %reduce_min3A_256 : vector<16xi32>
        %reduce_min3A_258 = tpu.scan <min>, %reduce_min3A_257 masked %reduce_min3A_254 : vector<16xi32>, vector<16xi1> -> vector<16xi32>
        %reduce_min3A_259 = arith.xori %reduce_min3A_258, %reduce_min3A_256 : vector<16xi32>
        %reduce_min3A_260 = vector.extract %reduce_min3A_259[15] : i32 from vector<16xi32>
        %min3A_261 = vector.broadcast %reduce_min3A_260 : i32 to vector<16xi32>
        %min3A_262 = arith.minsi %scan3A_202, %min3A_261 : vector<16xi32>
        scf.yield %min3A_262 : vector<16xi32>
      }
      %scan3A_47 = arith.constant 8 : i32
      %scan3A_48 = arith.constant 0 : i32
      %scan3A_49 = arith.constant 0 : i32
      %scan3A_50 = arith.constant 8 : i32
      %scan3A_51 = arith.addi %scan3A_49, %scan3A_50 : i32
      %scan3A_52 = arith.constant 1 : i32
      scf.for %scan3A_201 = %scan3A_49 to %scan3A_51 step %scan3A_52  : i32 {
        %mul3A_202 = arith.constant 16 : i32
        %mul3A_203 = arith.muli %scan3A_201, %mul3A_202 : i32
        %add3A = vector.broadcast %mul3A_203 : i32 to vector<16xi32>
        %add3A_204 = arith.addi %add3A, %iota3A : vector<16xi32>
        %mul3A_205 = arith.constant 16 : i32
        %mul3A_206 = arith.muli %scan3A_201, %mul3A_205 : i32
        %get3A = arith.index_cast %mul3A_206 : i32 to index
        %get3A_207 = tpu.vector_load %arg8[%get3A] {strides = array<i32>} : memref<128xi32, #tpu.memory_space<vmem>>, vector<16xi32>,
        %max3A = arith.constant 1 : i32
        %max3A_208 = vector.broadcast %max3A : i32 to vector<16xi32>
        %max3A_209 = arith.maxsi %get3A_207, %max3A_208 : vector<16xi32>
        %mul3A_210 = arith.constant 16 : i32
        %mul3A_211 = arith.muli %scan3A_201, %mul3A_210 : i32
        %get3A_212 = arith.index_cast %mul3A_211 : i32 to index
        %get3A_213 = tpu.vector_load %arg12[%get3A_212] {strides = array<i32>} : memref<128xi32, #tpu.memory_space<vmem>>, vector<16xi32>,
        %get3A_214 = arith.index_cast %scan3A_201 : i32 to index
        %get3A_215 = arith.constant 0 : index
        %get3A_216 = tpu.vector_load %arg9[%get3A_214, %get3A_215] {strides = array<i32>} : memref<8x160xi32, #tpu.memory_space<vmem>>, vector<16xi32>,
        %rem3A = arith.remsi %get3A_216, %max3A_209 : vector<16xi32>
        %mul3A_217 = arith.constant 16 : i32
        %mul3A_218 = vector.broadcast %mul3A_217 : i32 to vector<16xi32>
        %mul3A_219 = arith.muli %add3A_204, %mul3A_218 : vector<16xi32>
        %add3A_220 = arith.addi %mul3A_219, %rem3A : vector<16xi32>
        %gather3A = tpu.vector_load_idx %arg7[%add3A_220] : memref<2048xi32, #tpu.memory_space<vmem>>[vector<16xi32>], vector<16xi32>,
        %eq3A_221 = arith.constant 0 : i32
        %eq3A_222 = vector.broadcast %eq3A_221 : i32 to vector<16xi32>
        %eq3A_223 = arith.cmpi eq, %get3A_207, %eq3A_222 : vector<16xi32>
        %select_n3A = arith.select %eq3A_223, %get3A_213, %gather3A : vector<16xi1>, vector<16xi32>
        %mul3A_224 = arith.constant 16 : i32
        %mul3A_225 = arith.muli %scan3A_201, %mul3A_224 : i32
        %swap3A = arith.constant 0 : i32
        %swap3A_226 = arith.index_cast %swap3A : i32 to index
        %swap3A_227 = arith.index_cast %mul3A_225 : i32 to index
        %swap3A_228 = tpu.vector_load %arg10[%swap3A_226, %swap3A_227] {strides = array<i32>} : memref<10x128xi32, #tpu.memory_space<vmem>>, vector<16xi32>,
        tpu.vector_store %arg10[%swap3A_226, %swap3A_227], %select_n3A {strides = array<i32>} : memref<10x128xi32, #tpu.memory_space<vmem>>, vector<16xi32>,
        %add3A_229 = vector.broadcast %mul3A_0 : i32 to vector<16xi32>
        %add3A_230 = arith.addi %add3A_229, %add3A_204 : vector<16xi32>
        %mul3A_231 = arith.constant 11 : i32
        %mul3A_232 = vector.broadcast %mul3A_231 : i32 to vector<16xi32>
        %mul3A_233 = arith.muli %add3A_230, %mul3A_232 : vector<16xi32>
        %add3A_234 = arith.constant 0 : i32
        %add3A_235 = vector.broadcast %add3A_234 : i32 to vector<16xi32>
        %add3A_236 = arith.addi %mul3A_233, %add3A_235 : vector<16xi32>
        %mul3A_237 = arith.constant 16 : i32
        %mul3A_238 = arith.muli %scan3A_201, %mul3A_237 : i32
        %swap3A_239 = arith.constant 0 : i32
        %swap3A_240 = arith.index_cast %swap3A_239 : i32 to index
        %swap3A_241 = arith.index_cast %mul3A_238 : i32 to index
        %swap3A_242 = tpu.vector_load %arg11[%swap3A_240, %swap3A_241] {strides = array<i32>} : memref<10x128xi32, #tpu.memory_space<vmem>>, vector<16xi32>,
        tpu.vector_store %arg11[%swap3A_240, %swap3A_241], %add3A_236 {strides = array<i32>} : memref<10x128xi32, #tpu.memory_space<vmem>>, vector<16xi32>,
        %get3A_243 = arith.index_cast %scan3A_201 : i32 to index
        %get3A_244 = arith.constant 16 : index
        %get3A_245 = tpu.vector_load %arg9[%get3A_243, %get3A_244] {strides = array<i32>} : memref<8x160xi32, #tpu.memory_space<vmem>>, vector<16xi32>,
        %rem3A_246 = arith.remsi %get3A_245, %max3A_209 : vector<16xi32>
        %mul3A_247 = arith.constant 16 : i32
        %mul3A_248 = vector.broadcast %mul3A_247 : i32 to vector<16xi32>
        %mul3A_249 = arith.muli %add3A_204, %mul3A_248 : vector<16xi32>
        %add3A_250 = arith.addi %mul3A_249, %rem3A_246 : vector<16xi32>
        %gather3A_251 = tpu.vector_load_idx %arg7[%add3A_250] : memref<2048xi32, #tpu.memory_space<vmem>>[vector<16xi32>], vector<16xi32>,
        %eq3A_252 = arith.constant 0 : i32
        %eq3A_253 = vector.broadcast %eq3A_252 : i32 to vector<16xi32>
        %eq3A_254 = arith.cmpi eq, %get3A_207, %eq3A_253 : vector<16xi32>
        %select_n3A_255 = arith.select %eq3A_254, %get3A_213, %gather3A_251 : vector<16xi1>, vector<16xi32>
        %mul3A_256 = arith.constant 16 : i32
        %mul3A_257 = arith.muli %scan3A_201, %mul3A_256 : i32
        %swap3A_258 = arith.constant 1 : i32
        %swap3A_259 = arith.index_cast %swap3A_258 : i32 to index
        %swap3A_260 = arith.index_cast %mul3A_257 : i32 to index
        %swap3A_261 = tpu.vector_load %arg10[%swap3A_259, %swap3A_260] {strides = array<i32>} : memref<10x128xi32, #tpu.memory_space<vmem>>, vector<16xi32>,
        tpu.vector_store %arg10[%swap3A_259, %swap3A_260], %select_n3A_255 {strides = array<i32>} : memref<10x128xi32, #tpu.memory_space<vmem>>, vector<16xi32>,
        %add3A_262 = vector.broadcast %mul3A_0 : i32 to vector<16xi32>
        %add3A_263 = arith.addi %add3A_262, %add3A_204 : vector<16xi32>
        %mul3A_264 = arith.constant 11 : i32
        %mul3A_265 = vector.broadcast %mul3A_264 : i32 to vector<16xi32>
        %mul3A_266 = arith.muli %add3A_263, %mul3A_265 : vector<16xi32>
        %add3A_267 = arith.constant 1 : i32
        %add3A_268 = vector.broadcast %add3A_267 : i32 to vector<16xi32>
        %add3A_269 = arith.addi %mul3A_266, %add3A_268 : vector<16xi32>
        %mul3A_270 = arith.constant 16 : i32
        %mul3A_271 = arith.muli %scan3A_201, %mul3A_270 : i32
        %swap3A_272 = arith.constant 1 : i32
        %swap3A_273 = arith.index_cast %swap3A_272 : i32 to index
        %swap3A_274 = arith.index_cast %mul3A_271 : i32 to index
        %swap3A_275 = tpu.vector_load %arg11[%swap3A_273, %swap3A_274] {strides = array<i32>} : memref<10x128xi32, #tpu.memory_space<vmem>>, vector<16xi32>,
        tpu.vector_store %arg11[%swap3A_273, %swap3A_274], %add3A_269 {strides = array<i32>} : memref<10x128xi32, #tpu.memory_space<vmem>>, vector<16xi32>,
        %get3A_276 = arith.index_cast %scan3A_201 : i32 to index
        %get3A_277 = arith.constant 32 : index
        %get3A_278 = tpu.vector_load %arg9[%get3A_276, %get3A_277] {strides = array<i32>} : memref<8x160xi32, #tpu.memory_space<vmem>>, vector<16xi32>,
        %rem3A_279 = arith.remsi %get3A_278, %max3A_209 : vector<16xi32>
        %mul3A_280 = arith.constant 16 : i32
        %mul3A_281 = vector.broadcast %mul3A_280 : i32 to vector<16xi32>
        %mul3A_282 = arith.muli %add3A_204, %mul3A_281 : vector<16xi32>
        %add3A_283 = arith.addi %mul3A_282, %rem3A_279 : vector<16xi32>
        %gather3A_284 = tpu.vector_load_idx %arg7[%add3A_283] : memref<2048xi32, #tpu.memory_space<vmem>>[vector<16xi32>], vector<16xi32>,
        %eq3A_285 = arith.constant 0 : i32
        %eq3A_286 = vector.broadcast %eq3A_285 : i32 to vector<16xi32>
        %eq3A_287 = arith.cmpi eq, %get3A_207, %eq3A_286 : vector<16xi32>
        %select_n3A_288 = arith.select %eq3A_287, %get3A_213, %gather3A_284 : vector<16xi1>, vector<16xi32>
        %mul3A_289 = arith.constant 16 : i32
        %mul3A_290 = arith.muli %scan3A_201, %mul3A_289 : i32
        %swap3A_291 = arith.constant 2 : i32
        %swap3A_292 = arith.index_cast %swap3A_291 : i32 to index
        %swap3A_293 = arith.index_cast %mul3A_290 : i32 to index
        %swap3A_294 = tpu.vector_load %arg10[%swap3A_292, %swap3A_293] {strides = array<i32>} : memref<10x128xi32, #tpu.memory_space<vmem>>, vector<16xi32>,
        tpu.vector_store %arg10[%swap3A_292, %swap3A_293], %select_n3A_288 {strides = array<i32>} : memref<10x128xi32, #tpu.memory_space<vmem>>, vector<16xi32>,
        %add3A_295 = vector.broadcast %mul3A_0 : i32 to vector<16xi32>
        %add3A_296 = arith.addi %add3A_295, %add3A_204 : vector<16xi32>
        %mul3A_297 = arith.constant 11 : i32
        %mul3A_298 = vector.broadcast %mul3A_297 : i32 to vector<16xi32>
        %mul3A_299 = arith.muli %add3A_296, %mul3A_298 : vector<16xi32>
        %add3A_300 = arith.constant 2 : i32
        %add3A_301 = vector.broadcast %add3A_300 : i32 to vector<16xi32>
        %add3A_302 = arith.addi %mul3A_299, %add3A_301 : vector<16xi32>
        %mul3A_303 = arith.constant 16 : i32
        %mul3A_304 = arith.muli %scan3A_201, %mul3A_303 : i32
        %swap3A_305 = arith.constant 2 : i32
        %swap3A_306 = arith.index_cast %swap3A_305 : i32 to index
        %swap3A_307 = arith.index_cast %mul3A_304 : i32 to index
        %swap3A_308 = tpu.vector_load %arg11[%swap3A_306, %swap3A_307] {strides = array<i32>} : memref<10x128xi32, #tpu.memory_space<vmem>>, vector<16xi32>,
        tpu.vector_store %arg11[%swap3A_306, %swap3A_307], %add3A_302 {strides = array<i32>} : memref<10x128xi32, #tpu.memory_space<vmem>>, vector<16xi32>,
        %get3A_309 = arith.index_cast %scan3A_201 : i32 to index
        %get3A_310 = arith.constant 48 : index
        %get3A_311 = tpu.vector_load %arg9[%get3A_309, %get3A_310] {strides = array<i32>} : memref<8x160xi32, #tpu.memory_space<vmem>>, vector<16xi32>,
        %rem3A_312 = arith.remsi %get3A_311, %max3A_209 : vector<16xi32>
        %mul3A_313 = arith.constant 16 : i32
        %mul3A_314 = vector.broadcast %mul3A_313 : i32 to vector<16xi32>
        %mul3A_315 = arith.muli %add3A_204, %mul3A_314 : vector<16xi32>
        %add3A_316 = arith.addi %mul3A_315, %rem3A_312 : vector<16xi32>
        %gather3A_317 = tpu.vector_load_idx %arg7[%add3A_316] : memref<2048xi32, #tpu.memory_space<vmem>>[vector<16xi32>], vector<16xi32>,
        %eq3A_318 = arith.constant 0 : i32
        %eq3A_319 = vector.broadcast %eq3A_318 : i32 to vector<16xi32>
        %eq3A_320 = arith.cmpi eq, %get3A_207, %eq3A_319 : vector<16xi32>
        %select_n3A_321 = arith.select %eq3A_320, %get3A_213, %gather3A_317 : vector<16xi1>, vector<16xi32>
        %mul3A_322 = arith.constant 16 : i32
        %mul3A_323 = arith.muli %scan3A_201, %mul3A_322 : i32
        %swap3A_324 = arith.constant 3 : i32
        %swap3A_325 = arith.index_cast %swap3A_324 : i32 to index
        %swap3A_326 = arith.index_cast %mul3A_323 : i32 to index
        %swap3A_327 = tpu.vector_load %arg10[%swap3A_325, %swap3A_326] {strides = array<i32>} : memref<10x128xi32, #tpu.memory_space<vmem>>, vector<16xi32>,
        tpu.vector_store %arg10[%swap3A_325, %swap3A_326], %select_n3A_321 {strides = array<i32>} : memref<10x128xi32, #tpu.memory_space<vmem>>, vector<16xi32>,
        %add3A_328 = vector.broadcast %mul3A_0 : i32 to vector<16xi32>
        %add3A_329 = arith.addi %add3A_328, %add3A_204 : vector<16xi32>
        %mul3A_330 = arith.constant 11 : i32
        %mul3A_331 = vector.broadcast %mul3A_330 : i32 to vector<16xi32>
        %mul3A_332 = arith.muli %add3A_329, %mul3A_331 : vector<16xi32>
        %add3A_333 = arith.constant 3 : i32
        %add3A_334 = vector.broadcast %add3A_333 : i32 to vector<16xi32>
        %add3A_335 = arith.addi %mul3A_332, %add3A_334 : vector<16xi32>
        %mul3A_336 = arith.constant 16 : i32
        %mul3A_337 = arith.muli %scan3A_201, %mul3A_336 : i32
        %swap3A_338 = arith.constant 3 : i32
        %swap3A_339 = arith.index_cast %swap3A_338 : i32 to index
        %swap3A_340 = arith.index_cast %mul3A_337 : i32 to index
        %swap3A_341 = tpu.vector_load %arg11[%swap3A_339, %swap3A_340] {strides = array<i32>} : memref<10x128xi32, #tpu.memory_space<vmem>>, vector<16xi32>,
        tpu.vector_store %arg11[%swap3A_339, %swap3A_340], %add3A_335 {strides = array<i32>} : memref<10x128xi32, #tpu.memory_space<vmem>>, vector<16xi32>,
        %get3A_342 = arith.index_cast %scan3A_201 : i32 to index
        %get3A_343 = arith.constant 64 : index
        %get3A_344 = tpu.vector_load %arg9[%get3A_342, %get3A_343] {strides = array<i32>} : memref<8x160xi32, #tpu.memory_space<vmem>>, vector<16xi32>,
        %rem3A_345 = arith.remsi %get3A_344, %max3A_209 : vector<16xi32>
        %mul3A_346 = arith.constant 16 : i32
        %mul3A_347 = vector.broadcast %mul3A_346 : i32 to vector<16xi32>
        %mul3A_348 = arith.muli %add3A_204, %mul3A_347 : vector<16xi32>
        %add3A_349 = arith.addi %mul3A_348, %rem3A_345 : vector<16xi32>
        %gather3A_350 = tpu.vector_load_idx %arg7[%add3A_349] : memref<2048xi32, #tpu.memory_space<vmem>>[vector<16xi32>], vector<16xi32>,
        %eq3A_351 = arith.constant 0 : i32
        %eq3A_352 = vector.broadcast %eq3A_351 : i32 to vector<16xi32>
        %eq3A_353 = arith.cmpi eq, %get3A_207, %eq3A_352 : vector<16xi32>
        %select_n3A_354 = arith.select %eq3A_353, %get3A_213, %gather3A_350 : vector<16xi1>, vector<16xi32>
        %mul3A_355 = arith.constant 16 : i32
        %mul3A_356 = arith.muli %scan3A_201, %mul3A_355 : i32
        %swap3A_357 = arith.constant 4 : i32
        %swap3A_358 = arith.index_cast %swap3A_357 : i32 to index
        %swap3A_359 = arith.index_cast %mul3A_356 : i32 to index
        %swap3A_360 = tpu.vector_load %arg10[%swap3A_358, %swap3A_359] {strides = array<i32>} : memref<10x128xi32, #tpu.memory_space<vmem>>, vector<16xi32>,
        tpu.vector_store %arg10[%swap3A_358, %swap3A_359], %select_n3A_354 {strides = array<i32>} : memref<10x128xi32, #tpu.memory_space<vmem>>, vector<16xi32>,
        %add3A_361 = vector.broadcast %mul3A_0 : i32 to vector<16xi32>
        %add3A_362 = arith.addi %add3A_361, %add3A_204 : vector<16xi32>
        %mul3A_363 = arith.constant 11 : i32
        %mul3A_364 = vector.broadcast %mul3A_363 : i32 to vector<16xi32>
        %mul3A_365 = arith.muli %add3A_362, %mul3A_364 : vector<16xi32>
        %add3A_366 = arith.constant 4 : i32
        %add3A_367 = vector.broadcast %add3A_366 : i32 to vector<16xi32>
        %add3A_368 = arith.addi %mul3A_365, %add3A_367 : vector<16xi32>
        %mul3A_369 = arith.constant 16 : i32
        %mul3A_370 = arith.muli %scan3A_201, %mul3A_369 : i32
        %swap3A_371 = arith.constant 4 : i32
        %swap3A_372 = arith.index_cast %swap3A_371 : i32 to index
        %swap3A_373 = arith.index_cast %mul3A_370 : i32 to index
        %swap3A_374 = tpu.vector_load %arg11[%swap3A_372, %swap3A_373] {strides = array<i32>} : memref<10x128xi32, #tpu.memory_space<vmem>>, vector<16xi32>,
        tpu.vector_store %arg11[%swap3A_372, %swap3A_373], %add3A_368 {strides = array<i32>} : memref<10x128xi32, #tpu.memory_space<vmem>>, vector<16xi32>,
        %get3A_375 = arith.index_cast %scan3A_201 : i32 to index
        %get3A_376 = arith.constant 80 : index
        %get3A_377 = tpu.vector_load %arg9[%get3A_375, %get3A_376] {strides = array<i32>} : memref<8x160xi32, #tpu.memory_space<vmem>>, vector<16xi32>,
        %rem3A_378 = arith.remsi %get3A_377, %max3A_209 : vector<16xi32>
        %mul3A_379 = arith.constant 16 : i32
        %mul3A_380 = vector.broadcast %mul3A_379 : i32 to vector<16xi32>
        %mul3A_381 = arith.muli %add3A_204, %mul3A_380 : vector<16xi32>
        %add3A_382 = arith.addi %mul3A_381, %rem3A_378 : vector<16xi32>
        %gather3A_383 = tpu.vector_load_idx %arg7[%add3A_382] : memref<2048xi32, #tpu.memory_space<vmem>>[vector<16xi32>], vector<16xi32>,
        %eq3A_384 = arith.constant 0 : i32
        %eq3A_385 = vector.broadcast %eq3A_384 : i32 to vector<16xi32>
        %eq3A_386 = arith.cmpi eq, %get3A_207, %eq3A_385 : vector<16xi32>
        %select_n3A_387 = arith.select %eq3A_386, %get3A_213, %gather3A_383 : vector<16xi1>, vector<16xi32>
        %mul3A_388 = arith.constant 16 : i32
        %mul3A_389 = arith.muli %scan3A_201, %mul3A_388 : i32
        %swap3A_390 = arith.constant 5 : i32
        %swap3A_391 = arith.index_cast %swap3A_390 : i32 to index
        %swap3A_392 = arith.index_cast %mul3A_389 : i32 to index
        %swap3A_393 = tpu.vector_load %arg10[%swap3A_391, %swap3A_392] {strides = array<i32>} : memref<10x128xi32, #tpu.memory_space<vmem>>, vector<16xi32>,
        tpu.vector_store %arg10[%swap3A_391, %swap3A_392], %select_n3A_387 {strides = array<i32>} : memref<10x128xi32, #tpu.memory_space<vmem>>, vector<16xi32>,
        %add3A_394 = vector.broadcast %mul3A_0 : i32 to vector<16xi32>
        %add3A_395 = arith.addi %add3A_394, %add3A_204 : vector<16xi32>
        %mul3A_396 = arith.constant 11 : i32
        %mul3A_397 = vector.broadcast %mul3A_396 : i32 to vector<16xi32>
        %mul3A_398 = arith.muli %add3A_395, %mul3A_397 : vector<16xi32>
        %add3A_399 = arith.constant 5 : i32
        %add3A_400 = vector.broadcast %add3A_399 : i32 to vector<16xi32>
        %add3A_401 = arith.addi %mul3A_398, %add3A_400 : vector<16xi32>
        %mul3A_402 = arith.constant 16 : i32
        %mul3A_403 = arith.muli %scan3A_201, %mul3A_402 : i32
        %swap3A_404 = arith.constant 5 : i32
        %swap3A_405 = arith.index_cast %swap3A_404 : i32 to index
        %swap3A_406 = arith.index_cast %mul3A_403 : i32 to index
        %swap3A_407 = tpu.vector_load %arg11[%swap3A_405, %swap3A_406] {strides = array<i32>} : memref<10x128xi32, #tpu.memory_space<vmem>>, vector<16xi32>,
        tpu.vector_store %arg11[%swap3A_405, %swap3A_406], %add3A_401 {strides = array<i32>} : memref<10x128xi32, #tpu.memory_space<vmem>>, vector<16xi32>,
        %get3A_408 = arith.index_cast %scan3A_201 : i32 to index
        %get3A_409 = arith.constant 96 : index
        %get3A_410 = tpu.vector_load %arg9[%get3A_408, %get3A_409] {strides = array<i32>} : memref<8x160xi32, #tpu.memory_space<vmem>>, vector<16xi32>,
        %rem3A_411 = arith.remsi %get3A_410, %max3A_209 : vector<16xi32>
        %mul3A_412 = arith.constant 16 : i32
        %mul3A_413 = vector.broadcast %mul3A_412 : i32 to vector<16xi32>
        %mul3A_414 = arith.muli %add3A_204, %mul3A_413 : vector<16xi32>
        %add3A_415 = arith.addi %mul3A_414, %rem3A_411 : vector<16xi32>
        %gather3A_416 = tpu.vector_load_idx %arg7[%add3A_415] : memref<2048xi32, #tpu.memory_space<vmem>>[vector<16xi32>], vector<16xi32>,
        %eq3A_417 = arith.constant 0 : i32
        %eq3A_418 = vector.broadcast %eq3A_417 : i32 to vector<16xi32>
        %eq3A_419 = arith.cmpi eq, %get3A_207, %eq3A_418 : vector<16xi32>
        %select_n3A_420 = arith.select %eq3A_419, %get3A_213, %gather3A_416 : vector<16xi1>, vector<16xi32>
        %mul3A_421 = arith.constant 16 : i32
        %mul3A_422 = arith.muli %scan3A_201, %mul3A_421 : i32
        %swap3A_423 = arith.constant 6 : i32
        %swap3A_424 = arith.index_cast %swap3A_423 : i32 to index
        %swap3A_425 = arith.index_cast %mul3A_422 : i32 to index
        %swap3A_426 = tpu.vector_load %arg10[%swap3A_424, %swap3A_425] {strides = array<i32>} : memref<10x128xi32, #tpu.memory_space<vmem>>, vector<16xi32>,
        tpu.vector_store %arg10[%swap3A_424, %swap3A_425], %select_n3A_420 {strides = array<i32>} : memref<10x128xi32, #tpu.memory_space<vmem>>, vector<16xi32>,
        %add3A_427 = vector.broadcast %mul3A_0 : i32 to vector<16xi32>
        %add3A_428 = arith.addi %add3A_427, %add3A_204 : vector<16xi32>
        %mul3A_429 = arith.constant 11 : i32
        %mul3A_430 = vector.broadcast %mul3A_429 : i32 to vector<16xi32>
        %mul3A_431 = arith.muli %add3A_428, %mul3A_430 : vector<16xi32>
        %add3A_432 = arith.constant 6 : i32
        %add3A_433 = vector.broadcast %add3A_432 : i32 to vector<16xi32>
        %add3A_434 = arith.addi %mul3A_431, %add3A_433 : vector<16xi32>
        %mul3A_435 = arith.constant 16 : i32
        %mul3A_436 = arith.muli %scan3A_201, %mul3A_435 : i32
        %swap3A_437 = arith.constant 6 : i32
        %swap3A_438 = arith.index_cast %swap3A_437 : i32 to index
        %swap3A_439 = arith.index_cast %mul3A_436 : i32 to index
        %swap3A_440 = tpu.vector_load %arg11[%swap3A_438, %swap3A_439] {strides = array<i32>} : memref<10x128xi32, #tpu.memory_space<vmem>>, vector<16xi32>,
        tpu.vector_store %arg11[%swap3A_438, %swap3A_439], %add3A_434 {strides = array<i32>} : memref<10x128xi32, #tpu.memory_space<vmem>>, vector<16xi32>,
        %get3A_441 = arith.index_cast %scan3A_201 : i32 to index
        %get3A_442 = arith.constant 112 : index
        %get3A_443 = tpu.vector_load %arg9[%get3A_441, %get3A_442] {strides = array<i32>} : memref<8x160xi32, #tpu.memory_space<vmem>>, vector<16xi32>,
        %rem3A_444 = arith.remsi %get3A_443, %max3A_209 : vector<16xi32>
        %mul3A_445 = arith.constant 16 : i32
        %mul3A_446 = vector.broadcast %mul3A_445 : i32 to vector<16xi32>
        %mul3A_447 = arith.muli %add3A_204, %mul3A_446 : vector<16xi32>
        %add3A_448 = arith.addi %mul3A_447, %rem3A_444 : vector<16xi32>
        %gather3A_449 = tpu.vector_load_idx %arg7[%add3A_448] : memref<2048xi32, #tpu.memory_space<vmem>>[vector<16xi32>], vector<16xi32>,
        %eq3A_450 = arith.constant 0 : i32
        %eq3A_451 = vector.broadcast %eq3A_450 : i32 to vector<16xi32>
        %eq3A_452 = arith.cmpi eq, %get3A_207, %eq3A_451 : vector<16xi32>
        %select_n3A_453 = arith.select %eq3A_452, %get3A_213, %gather3A_449 : vector<16xi1>, vector<16xi32>
        %mul3A_454 = arith.constant 16 : i32
        %mul3A_455 = arith.muli %scan3A_201, %mul3A_454 : i32
        %swap3A_456 = arith.constant 7 : i32
        %swap3A_457 = arith.index_cast %swap3A_456 : i32 to index
        %swap3A_458 = arith.index_cast %mul3A_455 : i32 to index
        %swap3A_459 = tpu.vector_load %arg10[%swap3A_457, %swap3A_458] {strides = array<i32>} : memref<10x128xi32, #tpu.memory_space<vmem>>, vector<16xi32>,
        tpu.vector_store %arg10[%swap3A_457, %swap3A_458], %select_n3A_453 {strides = array<i32>} : memref<10x128xi32, #tpu.memory_space<vmem>>, vector<16xi32>,
        %add3A_460 = vector.broadcast %mul3A_0 : i32 to vector<16xi32>
        %add3A_461 = arith.addi %add3A_460, %add3A_204 : vector<16xi32>
        %mul3A_462 = arith.constant 11 : i32
        %mul3A_463 = vector.broadcast %mul3A_462 : i32 to vector<16xi32>
        %mul3A_464 = arith.muli %add3A_461, %mul3A_463 : vector<16xi32>
        %add3A_465 = arith.constant 7 : i32
        %add3A_466 = vector.broadcast %add3A_465 : i32 to vector<16xi32>
        %add3A_467 = arith.addi %mul3A_464, %add3A_466 : vector<16xi32>
        %mul3A_468 = arith.constant 16 : i32
        %mul3A_469 = arith.muli %scan3A_201, %mul3A_468 : i32
        %swap3A_470 = arith.constant 7 : i32
        %swap3A_471 = arith.index_cast %swap3A_470 : i32 to index
        %swap3A_472 = arith.index_cast %mul3A_469 : i32 to index
        %swap3A_473 = tpu.vector_load %arg11[%swap3A_471, %swap3A_472] {strides = array<i32>} : memref<10x128xi32, #tpu.memory_space<vmem>>, vector<16xi32>,
        tpu.vector_store %arg11[%swap3A_471, %swap3A_472], %add3A_467 {strides = array<i32>} : memref<10x128xi32, #tpu.memory_space<vmem>>, vector<16xi32>,
        %get3A_474 = arith.index_cast %scan3A_201 : i32 to index
        %get3A_475 = arith.constant 128 : index
        %get3A_476 = tpu.vector_load %arg9[%get3A_474, %get3A_475] {strides = array<i32>} : memref<8x160xi32, #tpu.memory_space<vmem>>, vector<16xi32>,
        %rem3A_477 = arith.remsi %get3A_476, %max3A_209 : vector<16xi32>
        %mul3A_478 = arith.constant 16 : i32
        %mul3A_479 = vector.broadcast %mul3A_478 : i32 to vector<16xi32>
        %mul3A_480 = arith.muli %add3A_204, %mul3A_479 : vector<16xi32>
        %add3A_481 = arith.addi %mul3A_480, %rem3A_477 : vector<16xi32>
        %gather3A_482 = tpu.vector_load_idx %arg7[%add3A_481] : memref<2048xi32, #tpu.memory_space<vmem>>[vector<16xi32>], vector<16xi32>,
        %eq3A_483 = arith.constant 0 : i32
        %eq3A_484 = vector.broadcast %eq3A_483 : i32 to vector<16xi32>
        %eq3A_485 = arith.cmpi eq, %get3A_207, %eq3A_484 : vector<16xi32>
        %select_n3A_486 = arith.select %eq3A_485, %get3A_213, %gather3A_482 : vector<16xi1>, vector<16xi32>
        %mul3A_487 = arith.constant 16 : i32
        %mul3A_488 = arith.muli %scan3A_201, %mul3A_487 : i32
        %swap3A_489 = arith.constant 8 : i32
        %swap3A_490 = arith.index_cast %swap3A_489 : i32 to index
        %swap3A_491 = arith.index_cast %mul3A_488 : i32 to index
        %swap3A_492 = tpu.vector_load %arg10[%swap3A_490, %swap3A_491] {strides = array<i32>} : memref<10x128xi32, #tpu.memory_space<vmem>>, vector<16xi32>,
        tpu.vector_store %arg10[%swap3A_490, %swap3A_491], %select_n3A_486 {strides = array<i32>} : memref<10x128xi32, #tpu.memory_space<vmem>>, vector<16xi32>,
        %add3A_493 = vector.broadcast %mul3A_0 : i32 to vector<16xi32>
        %add3A_494 = arith.addi %add3A_493, %add3A_204 : vector<16xi32>
        %mul3A_495 = arith.constant 11 : i32
        %mul3A_496 = vector.broadcast %mul3A_495 : i32 to vector<16xi32>
        %mul3A_497 = arith.muli %add3A_494, %mul3A_496 : vector<16xi32>
        %add3A_498 = arith.constant 8 : i32
        %add3A_499 = vector.broadcast %add3A_498 : i32 to vector<16xi32>
        %add3A_500 = arith.addi %mul3A_497, %add3A_499 : vector<16xi32>
        %mul3A_501 = arith.constant 16 : i32
        %mul3A_502 = arith.muli %scan3A_201, %mul3A_501 : i32
        %swap3A_503 = arith.constant 8 : i32
        %swap3A_504 = arith.index_cast %swap3A_503 : i32 to index
        %swap3A_505 = arith.index_cast %mul3A_502 : i32 to index
        %swap3A_506 = tpu.vector_load %arg11[%swap3A_504, %swap3A_505] {strides = array<i32>} : memref<10x128xi32, #tpu.memory_space<vmem>>, vector<16xi32>,
        tpu.vector_store %arg11[%swap3A_504, %swap3A_505], %add3A_500 {strides = array<i32>} : memref<10x128xi32, #tpu.memory_space<vmem>>, vector<16xi32>,
        %get3A_507 = arith.index_cast %scan3A_201 : i32 to index
        %get3A_508 = arith.constant 144 : index
        %get3A_509 = tpu.vector_load %arg9[%get3A_507, %get3A_508] {strides = array<i32>} : memref<8x160xi32, #tpu.memory_space<vmem>>, vector<16xi32>,
        %rem3A_510 = arith.remsi %get3A_509, %max3A_209 : vector<16xi32>
        %mul3A_511 = arith.constant 16 : i32
        %mul3A_512 = vector.broadcast %mul3A_511 : i32 to vector<16xi32>
        %mul3A_513 = arith.muli %add3A_204, %mul3A_512 : vector<16xi32>
        %add3A_514 = arith.addi %mul3A_513, %rem3A_510 : vector<16xi32>
        %gather3A_515 = tpu.vector_load_idx %arg7[%add3A_514] : memref<2048xi32, #tpu.memory_space<vmem>>[vector<16xi32>], vector<16xi32>,
        %eq3A_516 = arith.constant 0 : i32
        %eq3A_517 = vector.broadcast %eq3A_516 : i32 to vector<16xi32>
        %eq3A_518 = arith.cmpi eq, %get3A_207, %eq3A_517 : vector<16xi32>
        %select_n3A_519 = arith.select %eq3A_518, %get3A_213, %gather3A_515 : vector<16xi1>, vector<16xi32>
        %mul3A_520 = arith.constant 16 : i32
        %mul3A_521 = arith.muli %scan3A_201, %mul3A_520 : i32
        %swap3A_522 = arith.constant 9 : i32
        %swap3A_523 = arith.index_cast %swap3A_522 : i32 to index
        %swap3A_524 = arith.index_cast %mul3A_521 : i32 to index
        %swap3A_525 = tpu.vector_load %arg10[%swap3A_523, %swap3A_524] {strides = array<i32>} : memref<10x128xi32, #tpu.memory_space<vmem>>, vector<16xi32>,
        tpu.vector_store %arg10[%swap3A_523, %swap3A_524], %select_n3A_519 {strides = array<i32>} : memref<10x128xi32, #tpu.memory_space<vmem>>, vector<16xi32>,
        %add3A_526 = vector.broadcast %mul3A_0 : i32 to vector<16xi32>
        %add3A_527 = arith.addi %add3A_526, %add3A_204 : vector<16xi32>
        %mul3A_528 = arith.constant 11 : i32
        %mul3A_529 = vector.broadcast %mul3A_528 : i32 to vector<16xi32>
        %mul3A_530 = arith.muli %add3A_527, %mul3A_529 : vector<16xi32>
        %add3A_531 = arith.constant 9 : i32
        %add3A_532 = vector.broadcast %add3A_531 : i32 to vector<16xi32>
        %add3A_533 = arith.addi %mul3A_530, %add3A_532 : vector<16xi32>
        %mul3A_534 = arith.constant 16 : i32
        %mul3A_535 = arith.muli %scan3A_201, %mul3A_534 : i32
        %swap3A_536 = arith.constant 9 : i32
        %swap3A_537 = arith.index_cast %swap3A_536 : i32 to index
        %swap3A_538 = arith.index_cast %mul3A_535 : i32 to index
        %swap3A_539 = tpu.vector_load %arg11[%swap3A_537, %swap3A_538] {strides = array<i32>} : memref<10x128xi32, #tpu.memory_space<vmem>>, vector<16xi32>,
        tpu.vector_store %arg11[%swap3A_537, %swap3A_538], %add3A_533 {strides = array<i32>} : memref<10x128xi32, #tpu.memory_space<vmem>>, vector<16xi32>,
      }
      %scan3A_53 = arith.constant 8 : i32
      %dma_start3A = arith.constant 0 : i32
      %dma_start3A_54 = arith.constant 0 : i32
      %dma_start3A_55 = tpu.memref_slice %arg10[%dma_start3A, %dma_start3A_54] : memref<10x128xi32, #tpu.memory_space<vmem>> -> memref<1x128xi32, #tpu.memory_space<vmem>>
      %dma_start3A_56 = tpu.memref_squeeze %dma_start3A_55 : memref<1x128xi32, #tpu.memory_space<vmem>> -> memref<128xi32, #tpu.memory_space<vmem>>
      %dma_start3A_57 = arith.constant 0 : i32
      %dma_start3A_58 = arith.constant 0 : i32
      %dma_start3A_59 = tpu.memref_slice %arg2[%dma_start3A_57, %dma_start3A_58] : memref<32768x128xf32, #tpu.memory_space<hbm>> -> memref<32768x128xf32, #tpu.memory_space<hbm>>
      tpu.enqueue_indirect_dma source(%dma_start3A_59 : memref<32768x128xf32, #tpu.memory_space<hbm>>) target(%arg13 : memref<128x128xf32, #tpu.memory_space<vmem>>) offsets(%dma_start3A_56 : memref<128xi32, #tpu.memory_space<vmem>>) semaphore(%arg20 : memref<!tpu.dma_semaphore, #tpu.memory_space<semaphore_mem>>)
      %dma_start3A_60 = arith.constant 1 : i32
      %dma_start3A_61 = arith.constant 0 : i32
      %dma_start3A_62 = tpu.memref_slice %arg10[%dma_start3A_60, %dma_start3A_61] : memref<10x128xi32, #tpu.memory_space<vmem>> -> memref<1x128xi32, #tpu.memory_space<vmem>>
      %dma_start3A_63 = tpu.memref_squeeze %dma_start3A_62 : memref<1x128xi32, #tpu.memory_space<vmem>> -> memref<128xi32, #tpu.memory_space<vmem>>
      %dma_start3A_64 = arith.constant 0 : i32
      %dma_start3A_65 = arith.constant 0 : i32
      %dma_start3A_66 = tpu.memref_slice %arg2[%dma_start3A_64, %dma_start3A_65] : memref<32768x128xf32, #tpu.memory_space<hbm>> -> memref<32768x128xf32, #tpu.memory_space<hbm>>
      tpu.enqueue_indirect_dma source(%dma_start3A_66 : memref<32768x128xf32, #tpu.memory_space<hbm>>) target(%arg14 : memref<128x128xf32, #tpu.memory_space<vmem>>) offsets(%dma_start3A_63 : memref<128xi32, #tpu.memory_space<vmem>>) semaphore(%arg21 : memref<!tpu.dma_semaphore, #tpu.memory_space<semaphore_mem>>)
      %dma_wait3A = arith.constant 0 : i32
      %dma_wait3A_67 = arith.constant 0 : i32
      %dma_wait3A_68 = tpu.memref_slice %arg10[%dma_wait3A, %dma_wait3A_67] : memref<10x128xi32, #tpu.memory_space<vmem>> -> memref<1x128xi32, #tpu.memory_space<vmem>>
      %dma_wait3A_69 = tpu.memref_squeeze %dma_wait3A_68 : memref<1x128xi32, #tpu.memory_space<vmem>> -> memref<128xi32, #tpu.memory_space<vmem>>
      %dma_wait3A_70 = arith.constant 0 : i32
      %dma_wait3A_71 = arith.constant 0 : i32
      %dma_wait3A_72 = tpu.memref_slice %arg2[%dma_wait3A_70, %dma_wait3A_71] : memref<32768x128xf32, #tpu.memory_space<hbm>> -> memref<32768x128xf32, #tpu.memory_space<hbm>>
      tpu.wait_indirect_dma semaphore(%arg20 : memref<!tpu.dma_semaphore, #tpu.memory_space<semaphore_mem>>) src(%dma_wait3A_72 : memref<32768x128xf32, #tpu.memory_space<hbm>>) dst(%arg13 : memref<128x128xf32, #tpu.memory_space<vmem>>)
      %run_scoped3A = arith.constant 0 : i32
      "tpu.region"() ({
        %run_scoped3A_201 = tpu.sem_alloc : memref<!tpu.dma_semaphore, #tpu.memory_space<semaphore_mem>>
        %dma_start3A_202 = arith.constant 0 : i32
        %dma_start3A_203 = tpu.memref_slice %arg11[%run_scoped3A, %dma_start3A_202] : memref<10x128xi32, #tpu.memory_space<vmem>> -> memref<1x128xi32, #tpu.memory_space<vmem>>
        %dma_start3A_204 = tpu.memref_squeeze %dma_start3A_203 : memref<1x128xi32, #tpu.memory_space<vmem>> -> memref<128xi32, #tpu.memory_space<vmem>>
        %dma_start3A_205 = arith.constant 0 : i32
        %dma_start3A_206 = arith.constant 0 : i32
        %dma_start3A_207 = tpu.memref_slice %arg5[%dma_start3A_205, %dma_start3A_206] : memref<22528x128xf32, #tpu.memory_space<hbm>> -> memref<22528x128xf32, #tpu.memory_space<hbm>>
        tpu.enqueue_indirect_dma source(%arg13 : memref<128x128xf32, #tpu.memory_space<vmem>>) target(%dma_start3A_207 : memref<22528x128xf32, #tpu.memory_space<hbm>>) offsets(%dma_start3A_204 : memref<128xi32, #tpu.memory_space<vmem>>) semaphore(%run_scoped3A_201 : memref<!tpu.dma_semaphore, #tpu.memory_space<semaphore_mem>>)
        %dma_wait3A_208 = arith.constant 0 : i32
        %dma_wait3A_209 = tpu.memref_slice %arg11[%run_scoped3A, %dma_wait3A_208] : memref<10x128xi32, #tpu.memory_space<vmem>> -> memref<1x128xi32, #tpu.memory_space<vmem>>
        %dma_wait3A_210 = tpu.memref_squeeze %dma_wait3A_209 : memref<1x128xi32, #tpu.memory_space<vmem>> -> memref<128xi32, #tpu.memory_space<vmem>>
        %dma_wait3A_211 = arith.constant 0 : i32
        %dma_wait3A_212 = arith.constant 0 : i32
        %dma_wait3A_213 = tpu.memref_slice %arg5[%dma_wait3A_211, %dma_wait3A_212] : memref<22528x128xf32, #tpu.memory_space<hbm>> -> memref<22528x128xf32, #tpu.memory_space<hbm>>
        tpu.wait_indirect_dma semaphore(%run_scoped3A_201 : memref<!tpu.dma_semaphore, #tpu.memory_space<semaphore_mem>>) src(%arg13 : memref<128x128xf32, #tpu.memory_space<vmem>>) dst(%dma_wait3A_213 : memref<22528x128xf32, #tpu.memory_space<hbm>>)
        tpu.yield
      }) : () -> ()
      %dma_start3A_73 = arith.constant 2 : i32
      %dma_start3A_74 = arith.constant 0 : i32
      %dma_start3A_75 = tpu.memref_slice %arg10[%dma_start3A_73, %dma_start3A_74] : memref<10x128xi32, #tpu.memory_space<vmem>> -> memref<1x128xi32, #tpu.memory_space<vmem>>
      %dma_start3A_76 = tpu.memref_squeeze %dma_start3A_75 : memref<1x128xi32, #tpu.memory_space<vmem>> -> memref<128xi32, #tpu.memory_space<vmem>>
      %dma_start3A_77 = arith.constant 0 : i32
      %dma_start3A_78 = arith.constant 0 : i32
      %dma_start3A_79 = tpu.memref_slice %arg2[%dma_start3A_77, %dma_start3A_78] : memref<32768x128xf32, #tpu.memory_space<hbm>> -> memref<32768x128xf32, #tpu.memory_space<hbm>>
      tpu.enqueue_indirect_dma source(%dma_start3A_79 : memref<32768x128xf32, #tpu.memory_space<hbm>>) target(%arg13 : memref<128x128xf32, #tpu.memory_space<vmem>>) offsets(%dma_start3A_76 : memref<128xi32, #tpu.memory_space<vmem>>) semaphore(%arg20 : memref<!tpu.dma_semaphore, #tpu.memory_space<semaphore_mem>>)
      %dma_wait3A_80 = arith.constant 1 : i32
      %dma_wait3A_81 = arith.constant 0 : i32
      %dma_wait3A_82 = tpu.memref_slice %arg10[%dma_wait3A_80, %dma_wait3A_81] : memref<10x128xi32, #tpu.memory_space<vmem>> -> memref<1x128xi32, #tpu.memory_space<vmem>>
      %dma_wait3A_83 = tpu.memref_squeeze %dma_wait3A_82 : memref<1x128xi32, #tpu.memory_space<vmem>> -> memref<128xi32, #tpu.memory_space<vmem>>
      %dma_wait3A_84 = arith.constant 0 : i32
      %dma_wait3A_85 = arith.constant 0 : i32
      %dma_wait3A_86 = tpu.memref_slice %arg2[%dma_wait3A_84, %dma_wait3A_85] : memref<32768x128xf32, #tpu.memory_space<hbm>> -> memref<32768x128xf32, #tpu.memory_space<hbm>>
      tpu.wait_indirect_dma semaphore(%arg21 : memref<!tpu.dma_semaphore, #tpu.memory_space<semaphore_mem>>) src(%dma_wait3A_86 : memref<32768x128xf32, #tpu.memory_space<hbm>>) dst(%arg14 : memref<128x128xf32, #tpu.memory_space<vmem>>)
      %run_scoped3A_87 = arith.constant 1 : i32
      "tpu.region"() ({
        %run_scoped3A_201 = tpu.sem_alloc : memref<!tpu.dma_semaphore, #tpu.memory_space<semaphore_mem>>
        %dma_start3A_202 = arith.constant 0 : i32
        %dma_start3A_203 = tpu.memref_slice %arg11[%run_scoped3A_87, %dma_start3A_202] : memref<10x128xi32, #tpu.memory_space<vmem>> -> memref<1x128xi32, #tpu.memory_space<vmem>>
        %dma_start3A_204 = tpu.memref_squeeze %dma_start3A_203 : memref<1x128xi32, #tpu.memory_space<vmem>> -> memref<128xi32, #tpu.memory_space<vmem>>
        %dma_start3A_205 = arith.constant 0 : i32
        %dma_start3A_206 = arith.constant 0 : i32
        %dma_start3A_207 = tpu.memref_slice %arg5[%dma_start3A_205, %dma_start3A_206] : memref<22528x128xf32, #tpu.memory_space<hbm>> -> memref<22528x128xf32, #tpu.memory_space<hbm>>
        tpu.enqueue_indirect_dma source(%arg14 : memref<128x128xf32, #tpu.memory_space<vmem>>) target(%dma_start3A_207 : memref<22528x128xf32, #tpu.memory_space<hbm>>) offsets(%dma_start3A_204 : memref<128xi32, #tpu.memory_space<vmem>>) semaphore(%run_scoped3A_201 : memref<!tpu.dma_semaphore, #tpu.memory_space<semaphore_mem>>)
        %dma_wait3A_208 = arith.constant 0 : i32
        %dma_wait3A_209 = tpu.memref_slice %arg11[%run_scoped3A_87, %dma_wait3A_208] : memref<10x128xi32, #tpu.memory_space<vmem>> -> memref<1x128xi32, #tpu.memory_space<vmem>>
        %dma_wait3A_210 = tpu.memref_squeeze %dma_wait3A_209 : memref<1x128xi32, #tpu.memory_space<vmem>> -> memref<128xi32, #tpu.memory_space<vmem>>
        %dma_wait3A_211 = arith.constant 0 : i32
        %dma_wait3A_212 = arith.constant 0 : i32
        %dma_wait3A_213 = tpu.memref_slice %arg5[%dma_wait3A_211, %dma_wait3A_212] : memref<22528x128xf32, #tpu.memory_space<hbm>> -> memref<22528x128xf32, #tpu.memory_space<hbm>>
        tpu.wait_indirect_dma semaphore(%run_scoped3A_201 : memref<!tpu.dma_semaphore, #tpu.memory_space<semaphore_mem>>) src(%arg14 : memref<128x128xf32, #tpu.memory_space<vmem>>) dst(%dma_wait3A_213 : memref<22528x128xf32, #tpu.memory_space<hbm>>)
        tpu.yield
      }) : () -> ()
      %dma_start3A_88 = arith.constant 3 : i32
      %dma_start3A_89 = arith.constant 0 : i32
      %dma_start3A_90 = tpu.memref_slice %arg10[%dma_start3A_88, %dma_start3A_89] : memref<10x128xi32, #tpu.memory_space<vmem>> -> memref<1x128xi32, #tpu.memory_space<vmem>>
      %dma_start3A_91 = tpu.memref_squeeze %dma_start3A_90 : memref<1x128xi32, #tpu.memory_space<vmem>> -> memref<128xi32, #tpu.memory_space<vmem>>
      %dma_start3A_92 = arith.constant 0 : i32
      %dma_start3A_93 = arith.constant 0 : i32
      %dma_start3A_94 = tpu.memref_slice %arg2[%dma_start3A_92, %dma_start3A_93] : memref<32768x128xf32, #tpu.memory_space<hbm>> -> memref<32768x128xf32, #tpu.memory_space<hbm>>
      tpu.enqueue_indirect_dma source(%dma_start3A_94 : memref<32768x128xf32, #tpu.memory_space<hbm>>) target(%arg14 : memref<128x128xf32, #tpu.memory_space<vmem>>) offsets(%dma_start3A_91 : memref<128xi32, #tpu.memory_space<vmem>>) semaphore(%arg21 : memref<!tpu.dma_semaphore, #tpu.memory_space<semaphore_mem>>)
      %dma_wait3A_95 = arith.constant 2 : i32
      %dma_wait3A_96 = arith.constant 0 : i32
      %dma_wait3A_97 = tpu.memref_slice %arg10[%dma_wait3A_95, %dma_wait3A_96] : memref<10x128xi32, #tpu.memory_space<vmem>> -> memref<1x128xi32, #tpu.memory_space<vmem>>
      %dma_wait3A_98 = tpu.memref_squeeze %dma_wait3A_97 : memref<1x128xi32, #tpu.memory_space<vmem>> -> memref<128xi32, #tpu.memory_space<vmem>>
      %dma_wait3A_99 = arith.constant 0 : i32
      %dma_wait3A_100 = arith.constant 0 : i32
      %dma_wait3A_101 = tpu.memref_slice %arg2[%dma_wait3A_99, %dma_wait3A_100] : memref<32768x128xf32, #tpu.memory_space<hbm>> -> memref<32768x128xf32, #tpu.memory_space<hbm>>
      tpu.wait_indirect_dma semaphore(%arg20 : memref<!tpu.dma_semaphore, #tpu.memory_space<semaphore_mem>>) src(%dma_wait3A_101 : memref<32768x128xf32, #tpu.memory_space<hbm>>) dst(%arg13 : memref<128x128xf32, #tpu.memory_space<vmem>>)
      %run_scoped3A_102 = arith.constant 2 : i32
      "tpu.region"() ({
        %run_scoped3A_201 = tpu.sem_alloc : memref<!tpu.dma_semaphore, #tpu.memory_space<semaphore_mem>>
        %dma_start3A_202 = arith.constant 0 : i32
        %dma_start3A_203 = tpu.memref_slice %arg11[%run_scoped3A_102, %dma_start3A_202] : memref<10x128xi32, #tpu.memory_space<vmem>> -> memref<1x128xi32, #tpu.memory_space<vmem>>
        %dma_start3A_204 = tpu.memref_squeeze %dma_start3A_203 : memref<1x128xi32, #tpu.memory_space<vmem>> -> memref<128xi32, #tpu.memory_space<vmem>>
        %dma_start3A_205 = arith.constant 0 : i32
        %dma_start3A_206 = arith.constant 0 : i32
        %dma_start3A_207 = tpu.memref_slice %arg5[%dma_start3A_205, %dma_start3A_206] : memref<22528x128xf32, #tpu.memory_space<hbm>> -> memref<22528x128xf32, #tpu.memory_space<hbm>>
        tpu.enqueue_indirect_dma source(%arg13 : memref<128x128xf32, #tpu.memory_space<vmem>>) target(%dma_start3A_207 : memref<22528x128xf32, #tpu.memory_space<hbm>>) offsets(%dma_start3A_204 : memref<128xi32, #tpu.memory_space<vmem>>) semaphore(%run_scoped3A_201 : memref<!tpu.dma_semaphore, #tpu.memory_space<semaphore_mem>>)
        %dma_wait3A_208 = arith.constant 0 : i32
        %dma_wait3A_209 = tpu.memref_slice %arg11[%run_scoped3A_102, %dma_wait3A_208] : memref<10x128xi32, #tpu.memory_space<vmem>> -> memref<1x128xi32, #tpu.memory_space<vmem>>
        %dma_wait3A_210 = tpu.memref_squeeze %dma_wait3A_209 : memref<1x128xi32, #tpu.memory_space<vmem>> -> memref<128xi32, #tpu.memory_space<vmem>>
        %dma_wait3A_211 = arith.constant 0 : i32
        %dma_wait3A_212 = arith.constant 0 : i32
        %dma_wait3A_213 = tpu.memref_slice %arg5[%dma_wait3A_211, %dma_wait3A_212] : memref<22528x128xf32, #tpu.memory_space<hbm>> -> memref<22528x128xf32, #tpu.memory_space<hbm>>
        tpu.wait_indirect_dma semaphore(%run_scoped3A_201 : memref<!tpu.dma_semaphore, #tpu.memory_space<semaphore_mem>>) src(%arg13 : memref<128x128xf32, #tpu.memory_space<vmem>>) dst(%dma_wait3A_213 : memref<22528x128xf32, #tpu.memory_space<hbm>>)
        tpu.yield
      }) : () -> ()
      %dma_start3A_103 = arith.constant 4 : i32
      %dma_start3A_104 = arith.constant 0 : i32
      %dma_start3A_105 = tpu.memref_slice %arg10[%dma_start3A_103, %dma_start3A_104] : memref<10x128xi32, #tpu.memory_space<vmem>> -> memref<1x128xi32, #tpu.memory_space<vmem>>
      %dma_start3A_106 = tpu.memref_squeeze %dma_start3A_105 : memref<1x128xi32, #tpu.memory_space<vmem>> -> memref<128xi32, #tpu.memory_space<vmem>>
      %dma_start3A_107 = arith.constant 0 : i32
      %dma_start3A_108 = arith.constant 0 : i32
      %dma_start3A_109 = tpu.memref_slice %arg2[%dma_start3A_107, %dma_start3A_108] : memref<32768x128xf32, #tpu.memory_space<hbm>> -> memref<32768x128xf32, #tpu.memory_space<hbm>>
      tpu.enqueue_indirect_dma source(%dma_start3A_109 : memref<32768x128xf32, #tpu.memory_space<hbm>>) target(%arg13 : memref<128x128xf32, #tpu.memory_space<vmem>>) offsets(%dma_start3A_106 : memref<128xi32, #tpu.memory_space<vmem>>) semaphore(%arg20 : memref<!tpu.dma_semaphore, #tpu.memory_space<semaphore_mem>>)
      %dma_wait3A_110 = arith.constant 3 : i32
      %dma_wait3A_111 = arith.constant 0 : i32
      %dma_wait3A_112 = tpu.memref_slice %arg10[%dma_wait3A_110, %dma_wait3A_111] : memref<10x128xi32, #tpu.memory_space<vmem>> -> memref<1x128xi32, #tpu.memory_space<vmem>>
      %dma_wait3A_113 = tpu.memref_squeeze %dma_wait3A_112 : memref<1x128xi32, #tpu.memory_space<vmem>> -> memref<128xi32, #tpu.memory_space<vmem>>
      %dma_wait3A_114 = arith.constant 0 : i32
      %dma_wait3A_115 = arith.constant 0 : i32
      %dma_wait3A_116 = tpu.memref_slice %arg2[%dma_wait3A_114, %dma_wait3A_115] : memref<32768x128xf32, #tpu.memory_space<hbm>> -> memref<32768x128xf32, #tpu.memory_space<hbm>>
      tpu.wait_indirect_dma semaphore(%arg21 : memref<!tpu.dma_semaphore, #tpu.memory_space<semaphore_mem>>) src(%dma_wait3A_116 : memref<32768x128xf32, #tpu.memory_space<hbm>>) dst(%arg14 : memref<128x128xf32, #tpu.memory_space<vmem>>)
      %run_scoped3A_117 = arith.constant 3 : i32
      "tpu.region"() ({
        %run_scoped3A_201 = tpu.sem_alloc : memref<!tpu.dma_semaphore, #tpu.memory_space<semaphore_mem>>
        %dma_start3A_202 = arith.constant 0 : i32
        %dma_start3A_203 = tpu.memref_slice %arg11[%run_scoped3A_117, %dma_start3A_202] : memref<10x128xi32, #tpu.memory_space<vmem>> -> memref<1x128xi32, #tpu.memory_space<vmem>>
        %dma_start3A_204 = tpu.memref_squeeze %dma_start3A_203 : memref<1x128xi32, #tpu.memory_space<vmem>> -> memref<128xi32, #tpu.memory_space<vmem>>
        %dma_start3A_205 = arith.constant 0 : i32
        %dma_start3A_206 = arith.constant 0 : i32
        %dma_start3A_207 = tpu.memref_slice %arg5[%dma_start3A_205, %dma_start3A_206] : memref<22528x128xf32, #tpu.memory_space<hbm>> -> memref<22528x128xf32, #tpu.memory_space<hbm>>
        tpu.enqueue_indirect_dma source(%arg14 : memref<128x128xf32, #tpu.memory_space<vmem>>) target(%dma_start3A_207 : memref<22528x128xf32, #tpu.memory_space<hbm>>) offsets(%dma_start3A_204 : memref<128xi32, #tpu.memory_space<vmem>>) semaphore(%run_scoped3A_201 : memref<!tpu.dma_semaphore, #tpu.memory_space<semaphore_mem>>)
        %dma_wait3A_208 = arith.constant 0 : i32
        %dma_wait3A_209 = tpu.memref_slice %arg11[%run_scoped3A_117, %dma_wait3A_208] : memref<10x128xi32, #tpu.memory_space<vmem>> -> memref<1x128xi32, #tpu.memory_space<vmem>>
        %dma_wait3A_210 = tpu.memref_squeeze %dma_wait3A_209 : memref<1x128xi32, #tpu.memory_space<vmem>> -> memref<128xi32, #tpu.memory_space<vmem>>
        %dma_wait3A_211 = arith.constant 0 : i32
        %dma_wait3A_212 = arith.constant 0 : i32
        %dma_wait3A_213 = tpu.memref_slice %arg5[%dma_wait3A_211, %dma_wait3A_212] : memref<22528x128xf32, #tpu.memory_space<hbm>> -> memref<22528x128xf32, #tpu.memory_space<hbm>>
        tpu.wait_indirect_dma semaphore(%run_scoped3A_201 : memref<!tpu.dma_semaphore, #tpu.memory_space<semaphore_mem>>) src(%arg14 : memref<128x128xf32, #tpu.memory_space<vmem>>) dst(%dma_wait3A_213 : memref<22528x128xf32, #tpu.memory_space<hbm>>)
        tpu.yield
      }) : () -> ()
      %dma_start3A_118 = arith.constant 5 : i32
      %dma_start3A_119 = arith.constant 0 : i32
      %dma_start3A_120 = tpu.memref_slice %arg10[%dma_start3A_118, %dma_start3A_119] : memref<10x128xi32, #tpu.memory_space<vmem>> -> memref<1x128xi32, #tpu.memory_space<vmem>>
      %dma_start3A_121 = tpu.memref_squeeze %dma_start3A_120 : memref<1x128xi32, #tpu.memory_space<vmem>> -> memref<128xi32, #tpu.memory_space<vmem>>
      %dma_start3A_122 = arith.constant 0 : i32
      %dma_start3A_123 = arith.constant 0 : i32
      %dma_start3A_124 = tpu.memref_slice %arg2[%dma_start3A_122, %dma_start3A_123] : memref<32768x128xf32, #tpu.memory_space<hbm>> -> memref<32768x128xf32, #tpu.memory_space<hbm>>
      tpu.enqueue_indirect_dma source(%dma_start3A_124 : memref<32768x128xf32, #tpu.memory_space<hbm>>) target(%arg14 : memref<128x128xf32, #tpu.memory_space<vmem>>) offsets(%dma_start3A_121 : memref<128xi32, #tpu.memory_space<vmem>>) semaphore(%arg21 : memref<!tpu.dma_semaphore, #tpu.memory_space<semaphore_mem>>)
      %dma_wait3A_125 = arith.constant 4 : i32
      %dma_wait3A_126 = arith.constant 0 : i32
      %dma_wait3A_127 = tpu.memref_slice %arg10[%dma_wait3A_125, %dma_wait3A_126] : memref<10x128xi32, #tpu.memory_space<vmem>> -> memref<1x128xi32, #tpu.memory_space<vmem>>
      %dma_wait3A_128 = tpu.memref_squeeze %dma_wait3A_127 : memref<1x128xi32, #tpu.memory_space<vmem>> -> memref<128xi32, #tpu.memory_space<vmem>>
      %dma_wait3A_129 = arith.constant 0 : i32
      %dma_wait3A_130 = arith.constant 0 : i32
      %dma_wait3A_131 = tpu.memref_slice %arg2[%dma_wait3A_129, %dma_wait3A_130] : memref<32768x128xf32, #tpu.memory_space<hbm>> -> memref<32768x128xf32, #tpu.memory_space<hbm>>
      tpu.wait_indirect_dma semaphore(%arg20 : memref<!tpu.dma_semaphore, #tpu.memory_space<semaphore_mem>>) src(%dma_wait3A_131 : memref<32768x128xf32, #tpu.memory_space<hbm>>) dst(%arg13 : memref<128x128xf32, #tpu.memory_space<vmem>>)
      %run_scoped3A_132 = arith.constant 4 : i32
      "tpu.region"() ({
        %run_scoped3A_201 = tpu.sem_alloc : memref<!tpu.dma_semaphore, #tpu.memory_space<semaphore_mem>>
        %dma_start3A_202 = arith.constant 0 : i32
        %dma_start3A_203 = tpu.memref_slice %arg11[%run_scoped3A_132, %dma_start3A_202] : memref<10x128xi32, #tpu.memory_space<vmem>> -> memref<1x128xi32, #tpu.memory_space<vmem>>
        %dma_start3A_204 = tpu.memref_squeeze %dma_start3A_203 : memref<1x128xi32, #tpu.memory_space<vmem>> -> memref<128xi32, #tpu.memory_space<vmem>>
        %dma_start3A_205 = arith.constant 0 : i32
        %dma_start3A_206 = arith.constant 0 : i32
        %dma_start3A_207 = tpu.memref_slice %arg5[%dma_start3A_205, %dma_start3A_206] : memref<22528x128xf32, #tpu.memory_space<hbm>> -> memref<22528x128xf32, #tpu.memory_space<hbm>>
        tpu.enqueue_indirect_dma source(%arg13 : memref<128x128xf32, #tpu.memory_space<vmem>>) target(%dma_start3A_207 : memref<22528x128xf32, #tpu.memory_space<hbm>>) offsets(%dma_start3A_204 : memref<128xi32, #tpu.memory_space<vmem>>) semaphore(%run_scoped3A_201 : memref<!tpu.dma_semaphore, #tpu.memory_space<semaphore_mem>>)
        %dma_wait3A_208 = arith.constant 0 : i32
        %dma_wait3A_209 = tpu.memref_slice %arg11[%run_scoped3A_132, %dma_wait3A_208] : memref<10x128xi32, #tpu.memory_space<vmem>> -> memref<1x128xi32, #tpu.memory_space<vmem>>
        %dma_wait3A_210 = tpu.memref_squeeze %dma_wait3A_209 : memref<1x128xi32, #tpu.memory_space<vmem>> -> memref<128xi32, #tpu.memory_space<vmem>>
        %dma_wait3A_211 = arith.constant 0 : i32
        %dma_wait3A_212 = arith.constant 0 : i32
        %dma_wait3A_213 = tpu.memref_slice %arg5[%dma_wait3A_211, %dma_wait3A_212] : memref<22528x128xf32, #tpu.memory_space<hbm>> -> memref<22528x128xf32, #tpu.memory_space<hbm>>
        tpu.wait_indirect_dma semaphore(%run_scoped3A_201 : memref<!tpu.dma_semaphore, #tpu.memory_space<semaphore_mem>>) src(%arg13 : memref<128x128xf32, #tpu.memory_space<vmem>>) dst(%dma_wait3A_213 : memref<22528x128xf32, #tpu.memory_space<hbm>>)
        tpu.yield
      }) : () -> ()
      %dma_start3A_133 = arith.constant 6 : i32
      %dma_start3A_134 = arith.constant 0 : i32
      %dma_start3A_135 = tpu.memref_slice %arg10[%dma_start3A_133, %dma_start3A_134] : memref<10x128xi32, #tpu.memory_space<vmem>> -> memref<1x128xi32, #tpu.memory_space<vmem>>
      %dma_start3A_136 = tpu.memref_squeeze %dma_start3A_135 : memref<1x128xi32, #tpu.memory_space<vmem>> -> memref<128xi32, #tpu.memory_space<vmem>>
      %dma_start3A_137 = arith.constant 0 : i32
      %dma_start3A_138 = arith.constant 0 : i32
      %dma_start3A_139 = tpu.memref_slice %arg2[%dma_start3A_137, %dma_start3A_138] : memref<32768x128xf32, #tpu.memory_space<hbm>> -> memref<32768x128xf32, #tpu.memory_space<hbm>>
      tpu.enqueue_indirect_dma source(%dma_start3A_139 : memref<32768x128xf32, #tpu.memory_space<hbm>>) target(%arg13 : memref<128x128xf32, #tpu.memory_space<vmem>>) offsets(%dma_start3A_136 : memref<128xi32, #tpu.memory_space<vmem>>) semaphore(%arg20 : memref<!tpu.dma_semaphore, #tpu.memory_space<semaphore_mem>>)
      %dma_wait3A_140 = arith.constant 5 : i32
      %dma_wait3A_141 = arith.constant 0 : i32
      %dma_wait3A_142 = tpu.memref_slice %arg10[%dma_wait3A_140, %dma_wait3A_141] : memref<10x128xi32, #tpu.memory_space<vmem>> -> memref<1x128xi32, #tpu.memory_space<vmem>>
      %dma_wait3A_143 = tpu.memref_squeeze %dma_wait3A_142 : memref<1x128xi32, #tpu.memory_space<vmem>> -> memref<128xi32, #tpu.memory_space<vmem>>
      %dma_wait3A_144 = arith.constant 0 : i32
      %dma_wait3A_145 = arith.constant 0 : i32
      %dma_wait3A_146 = tpu.memref_slice %arg2[%dma_wait3A_144, %dma_wait3A_145] : memref<32768x128xf32, #tpu.memory_space<hbm>> -> memref<32768x128xf32, #tpu.memory_space<hbm>>
      tpu.wait_indirect_dma semaphore(%arg21 : memref<!tpu.dma_semaphore, #tpu.memory_space<semaphore_mem>>) src(%dma_wait3A_146 : memref<32768x128xf32, #tpu.memory_space<hbm>>) dst(%arg14 : memref<128x128xf32, #tpu.memory_space<vmem>>)
      %run_scoped3A_147 = arith.constant 5 : i32
      "tpu.region"() ({
        %run_scoped3A_201 = tpu.sem_alloc : memref<!tpu.dma_semaphore, #tpu.memory_space<semaphore_mem>>
        %dma_start3A_202 = arith.constant 0 : i32
        %dma_start3A_203 = tpu.memref_slice %arg11[%run_scoped3A_147, %dma_start3A_202] : memref<10x128xi32, #tpu.memory_space<vmem>> -> memref<1x128xi32, #tpu.memory_space<vmem>>
        %dma_start3A_204 = tpu.memref_squeeze %dma_start3A_203 : memref<1x128xi32, #tpu.memory_space<vmem>> -> memref<128xi32, #tpu.memory_space<vmem>>
        %dma_start3A_205 = arith.constant 0 : i32
        %dma_start3A_206 = arith.constant 0 : i32
        %dma_start3A_207 = tpu.memref_slice %arg5[%dma_start3A_205, %dma_start3A_206] : memref<22528x128xf32, #tpu.memory_space<hbm>> -> memref<22528x128xf32, #tpu.memory_space<hbm>>
        tpu.enqueue_indirect_dma source(%arg14 : memref<128x128xf32, #tpu.memory_space<vmem>>) target(%dma_start3A_207 : memref<22528x128xf32, #tpu.memory_space<hbm>>) offsets(%dma_start3A_204 : memref<128xi32, #tpu.memory_space<vmem>>) semaphore(%run_scoped3A_201 : memref<!tpu.dma_semaphore, #tpu.memory_space<semaphore_mem>>)
        %dma_wait3A_208 = arith.constant 0 : i32
        %dma_wait3A_209 = tpu.memref_slice %arg11[%run_scoped3A_147, %dma_wait3A_208] : memref<10x128xi32, #tpu.memory_space<vmem>> -> memref<1x128xi32, #tpu.memory_space<vmem>>
        %dma_wait3A_210 = tpu.memref_squeeze %dma_wait3A_209 : memref<1x128xi32, #tpu.memory_space<vmem>> -> memref<128xi32, #tpu.memory_space<vmem>>
        %dma_wait3A_211 = arith.constant 0 : i32
        %dma_wait3A_212 = arith.constant 0 : i32
        %dma_wait3A_213 = tpu.memref_slice %arg5[%dma_wait3A_211, %dma_wait3A_212] : memref<22528x128xf32, #tpu.memory_space<hbm>> -> memref<22528x128xf32, #tpu.memory_space<hbm>>
        tpu.wait_indirect_dma semaphore(%run_scoped3A_201 : memref<!tpu.dma_semaphore, #tpu.memory_space<semaphore_mem>>) src(%arg14 : memref<128x128xf32, #tpu.memory_space<vmem>>) dst(%dma_wait3A_213 : memref<22528x128xf32, #tpu.memory_space<hbm>>)
        tpu.yield
      }) : () -> ()
      %dma_start3A_148 = arith.constant 7 : i32
      %dma_start3A_149 = arith.constant 0 : i32
      %dma_start3A_150 = tpu.memref_slice %arg10[%dma_start3A_148, %dma_start3A_149] : memref<10x128xi32, #tpu.memory_space<vmem>> -> memref<1x128xi32, #tpu.memory_space<vmem>>
      %dma_start3A_151 = tpu.memref_squeeze %dma_start3A_150 : memref<1x128xi32, #tpu.memory_space<vmem>> -> memref<128xi32, #tpu.memory_space<vmem>>
      %dma_start3A_152 = arith.constant 0 : i32
      %dma_start3A_153 = arith.constant 0 : i32
      %dma_start3A_154 = tpu.memref_slice %arg2[%dma_start3A_152, %dma_start3A_153] : memref<32768x128xf32, #tpu.memory_space<hbm>> -> memref<32768x128xf32, #tpu.memory_space<hbm>>
      tpu.enqueue_indirect_dma source(%dma_start3A_154 : memref<32768x128xf32, #tpu.memory_space<hbm>>) target(%arg14 : memref<128x128xf32, #tpu.memory_space<vmem>>) offsets(%dma_start3A_151 : memref<128xi32, #tpu.memory_space<vmem>>) semaphore(%arg21 : memref<!tpu.dma_semaphore, #tpu.memory_space<semaphore_mem>>)
      %dma_wait3A_155 = arith.constant 6 : i32
      %dma_wait3A_156 = arith.constant 0 : i32
      %dma_wait3A_157 = tpu.memref_slice %arg10[%dma_wait3A_155, %dma_wait3A_156] : memref<10x128xi32, #tpu.memory_space<vmem>> -> memref<1x128xi32, #tpu.memory_space<vmem>>
      %dma_wait3A_158 = tpu.memref_squeeze %dma_wait3A_157 : memref<1x128xi32, #tpu.memory_space<vmem>> -> memref<128xi32, #tpu.memory_space<vmem>>
      %dma_wait3A_159 = arith.constant 0 : i32
      %dma_wait3A_160 = arith.constant 0 : i32
      %dma_wait3A_161 = tpu.memref_slice %arg2[%dma_wait3A_159, %dma_wait3A_160] : memref<32768x128xf32, #tpu.memory_space<hbm>> -> memref<32768x128xf32, #tpu.memory_space<hbm>>
      tpu.wait_indirect_dma semaphore(%arg20 : memref<!tpu.dma_semaphore, #tpu.memory_space<semaphore_mem>>) src(%dma_wait3A_161 : memref<32768x128xf32, #tpu.memory_space<hbm>>) dst(%arg13 : memref<128x128xf32, #tpu.memory_space<vmem>>)
      %run_scoped3A_162 = arith.constant 6 : i32
      "tpu.region"() ({
        %run_scoped3A_201 = tpu.sem_alloc : memref<!tpu.dma_semaphore, #tpu.memory_space<semaphore_mem>>
        %dma_start3A_202 = arith.constant 0 : i32
        %dma_start3A_203 = tpu.memref_slice %arg11[%run_scoped3A_162, %dma_start3A_202] : memref<10x128xi32, #tpu.memory_space<vmem>> -> memref<1x128xi32, #tpu.memory_space<vmem>>
        %dma_start3A_204 = tpu.memref_squeeze %dma_start3A_203 : memref<1x128xi32, #tpu.memory_space<vmem>> -> memref<128xi32, #tpu.memory_space<vmem>>
        %dma_start3A_205 = arith.constant 0 : i32
        %dma_start3A_206 = arith.constant 0 : i32
        %dma_start3A_207 = tpu.memref_slice %arg5[%dma_start3A_205, %dma_start3A_206] : memref<22528x128xf32, #tpu.memory_space<hbm>> -> memref<22528x128xf32, #tpu.memory_space<hbm>>
        tpu.enqueue_indirect_dma source(%arg13 : memref<128x128xf32, #tpu.memory_space<vmem>>) target(%dma_start3A_207 : memref<22528x128xf32, #tpu.memory_space<hbm>>) offsets(%dma_start3A_204 : memref<128xi32, #tpu.memory_space<vmem>>) semaphore(%run_scoped3A_201 : memref<!tpu.dma_semaphore, #tpu.memory_space<semaphore_mem>>)
        %dma_wait3A_208 = arith.constant 0 : i32
        %dma_wait3A_209 = tpu.memref_slice %arg11[%run_scoped3A_162, %dma_wait3A_208] : memref<10x128xi32, #tpu.memory_space<vmem>> -> memref<1x128xi32, #tpu.memory_space<vmem>>
        %dma_wait3A_210 = tpu.memref_squeeze %dma_wait3A_209 : memref<1x128xi32, #tpu.memory_space<vmem>> -> memref<128xi32, #tpu.memory_space<vmem>>
        %dma_wait3A_211 = arith.constant 0 : i32
        %dma_wait3A_212 = arith.constant 0 : i32
        %dma_wait3A_213 = tpu.memref_slice %arg5[%dma_wait3A_211, %dma_wait3A_212] : memref<22528x128xf32, #tpu.memory_space<hbm>> -> memref<22528x128xf32, #tpu.memory_space<hbm>>
        tpu.wait_indirect_dma semaphore(%run_scoped3A_201 : memref<!tpu.dma_semaphore, #tpu.memory_space<semaphore_mem>>) src(%arg13 : memref<128x128xf32, #tpu.memory_space<vmem>>) dst(%dma_wait3A_213 : memref<22528x128xf32, #tpu.memory_space<hbm>>)
        tpu.yield
      }) : () -> ()
      %dma_start3A_163 = arith.constant 8 : i32
      %dma_start3A_164 = arith.constant 0 : i32
      %dma_start3A_165 = tpu.memref_slice %arg10[%dma_start3A_163, %dma_start3A_164] : memref<10x128xi32, #tpu.memory_space<vmem>> -> memref<1x128xi32, #tpu.memory_space<vmem>>
      %dma_start3A_166 = tpu.memref_squeeze %dma_start3A_165 : memref<1x128xi32, #tpu.memory_space<vmem>> -> memref<128xi32, #tpu.memory_space<vmem>>
      %dma_start3A_167 = arith.constant 0 : i32
      %dma_start3A_168 = arith.constant 0 : i32
      %dma_start3A_169 = tpu.memref_slice %arg2[%dma_start3A_167, %dma_start3A_168] : memref<32768x128xf32, #tpu.memory_space<hbm>> -> memref<32768x128xf32, #tpu.memory_space<hbm>>
      tpu.enqueue_indirect_dma source(%dma_start3A_169 : memref<32768x128xf32, #tpu.memory_space<hbm>>) target(%arg13 : memref<128x128xf32, #tpu.memory_space<vmem>>) offsets(%dma_start3A_166 : memref<128xi32, #tpu.memory_space<vmem>>) semaphore(%arg20 : memref<!tpu.dma_semaphore, #tpu.memory_space<semaphore_mem>>)
      %dma_wait3A_170 = arith.constant 7 : i32
      %dma_wait3A_171 = arith.constant 0 : i32
      %dma_wait3A_172 = tpu.memref_slice %arg10[%dma_wait3A_170, %dma_wait3A_171] : memref<10x128xi32, #tpu.memory_space<vmem>> -> memref<1x128xi32, #tpu.memory_space<vmem>>
      %dma_wait3A_173 = tpu.memref_squeeze %dma_wait3A_172 : memref<1x128xi32, #tpu.memory_space<vmem>> -> memref<128xi32, #tpu.memory_space<vmem>>
      %dma_wait3A_174 = arith.constant 0 : i32
      %dma_wait3A_175 = arith.constant 0 : i32
      %dma_wait3A_176 = tpu.memref_slice %arg2[%dma_wait3A_174, %dma_wait3A_175] : memref<32768x128xf32, #tpu.memory_space<hbm>> -> memref<32768x128xf32, #tpu.memory_space<hbm>>
      tpu.wait_indirect_dma semaphore(%arg21 : memref<!tpu.dma_semaphore, #tpu.memory_space<semaphore_mem>>) src(%dma_wait3A_176 : memref<32768x128xf32, #tpu.memory_space<hbm>>) dst(%arg14 : memref<128x128xf32, #tpu.memory_space<vmem>>)
      %run_scoped3A_177 = arith.constant 7 : i32
      "tpu.region"() ({
        %run_scoped3A_201 = tpu.sem_alloc : memref<!tpu.dma_semaphore, #tpu.memory_space<semaphore_mem>>
        %dma_start3A_202 = arith.constant 0 : i32
        %dma_start3A_203 = tpu.memref_slice %arg11[%run_scoped3A_177, %dma_start3A_202] : memref<10x128xi32, #tpu.memory_space<vmem>> -> memref<1x128xi32, #tpu.memory_space<vmem>>
        %dma_start3A_204 = tpu.memref_squeeze %dma_start3A_203 : memref<1x128xi32, #tpu.memory_space<vmem>> -> memref<128xi32, #tpu.memory_space<vmem>>
        %dma_start3A_205 = arith.constant 0 : i32
        %dma_start3A_206 = arith.constant 0 : i32
        %dma_start3A_207 = tpu.memref_slice %arg5[%dma_start3A_205, %dma_start3A_206] : memref<22528x128xf32, #tpu.memory_space<hbm>> -> memref<22528x128xf32, #tpu.memory_space<hbm>>
        tpu.enqueue_indirect_dma source(%arg14 : memref<128x128xf32, #tpu.memory_space<vmem>>) target(%dma_start3A_207 : memref<22528x128xf32, #tpu.memory_space<hbm>>) offsets(%dma_start3A_204 : memref<128xi32, #tpu.memory_space<vmem>>) semaphore(%run_scoped3A_201 : memref<!tpu.dma_semaphore, #tpu.memory_space<semaphore_mem>>)
        %dma_wait3A_208 = arith.constant 0 : i32
        %dma_wait3A_209 = tpu.memref_slice %arg11[%run_scoped3A_177, %dma_wait3A_208] : memref<10x128xi32, #tpu.memory_space<vmem>> -> memref<1x128xi32, #tpu.memory_space<vmem>>
        %dma_wait3A_210 = tpu.memref_squeeze %dma_wait3A_209 : memref<1x128xi32, #tpu.memory_space<vmem>> -> memref<128xi32, #tpu.memory_space<vmem>>
        %dma_wait3A_211 = arith.constant 0 : i32
        %dma_wait3A_212 = arith.constant 0 : i32
        %dma_wait3A_213 = tpu.memref_slice %arg5[%dma_wait3A_211, %dma_wait3A_212] : memref<22528x128xf32, #tpu.memory_space<hbm>> -> memref<22528x128xf32, #tpu.memory_space<hbm>>
        tpu.wait_indirect_dma semaphore(%run_scoped3A_201 : memref<!tpu.dma_semaphore, #tpu.memory_space<semaphore_mem>>) src(%arg14 : memref<128x128xf32, #tpu.memory_space<vmem>>) dst(%dma_wait3A_213 : memref<22528x128xf32, #tpu.memory_space<hbm>>)
        tpu.yield
      }) : () -> ()
      %dma_start3A_178 = arith.constant 9 : i32
      %dma_start3A_179 = arith.constant 0 : i32
      %dma_start3A_180 = tpu.memref_slice %arg10[%dma_start3A_178, %dma_start3A_179] : memref<10x128xi32, #tpu.memory_space<vmem>> -> memref<1x128xi32, #tpu.memory_space<vmem>>
      %dma_start3A_181 = tpu.memref_squeeze %dma_start3A_180 : memref<1x128xi32, #tpu.memory_space<vmem>> -> memref<128xi32, #tpu.memory_space<vmem>>
      %dma_start3A_182 = arith.constant 0 : i32
      %dma_start3A_183 = arith.constant 0 : i32
      %dma_start3A_184 = tpu.memref_slice %arg2[%dma_start3A_182, %dma_start3A_183] : memref<32768x128xf32, #tpu.memory_space<hbm>> -> memref<32768x128xf32, #tpu.memory_space<hbm>>
      tpu.enqueue_indirect_dma source(%dma_start3A_184 : memref<32768x128xf32, #tpu.memory_space<hbm>>) target(%arg14 : memref<128x128xf32, #tpu.memory_space<vmem>>) offsets(%dma_start3A_181 : memref<128xi32, #tpu.memory_space<vmem>>) semaphore(%arg21 : memref<!tpu.dma_semaphore, #tpu.memory_space<semaphore_mem>>)
      %dma_wait3A_185 = arith.constant 8 : i32
      %dma_wait3A_186 = arith.constant 0 : i32
      %dma_wait3A_187 = tpu.memref_slice %arg10[%dma_wait3A_185, %dma_wait3A_186] : memref<10x128xi32, #tpu.memory_space<vmem>> -> memref<1x128xi32, #tpu.memory_space<vmem>>
      %dma_wait3A_188 = tpu.memref_squeeze %dma_wait3A_187 : memref<1x128xi32, #tpu.memory_space<vmem>> -> memref<128xi32, #tpu.memory_space<vmem>>
      %dma_wait3A_189 = arith.constant 0 : i32
      %dma_wait3A_190 = arith.constant 0 : i32
      %dma_wait3A_191 = tpu.memref_slice %arg2[%dma_wait3A_189, %dma_wait3A_190] : memref<32768x128xf32, #tpu.memory_space<hbm>> -> memref<32768x128xf32, #tpu.memory_space<hbm>>
      tpu.wait_indirect_dma semaphore(%arg20 : memref<!tpu.dma_semaphore, #tpu.memory_space<semaphore_mem>>) src(%dma_wait3A_191 : memref<32768x128xf32, #tpu.memory_space<hbm>>) dst(%arg13 : memref<128x128xf32, #tpu.memory_space<vmem>>)
      %run_scoped3A_192 = arith.constant 8 : i32
      "tpu.region"() ({
        %run_scoped3A_201 = tpu.sem_alloc : memref<!tpu.dma_semaphore, #tpu.memory_space<semaphore_mem>>
        %dma_start3A_202 = arith.constant 0 : i32
        %dma_start3A_203 = tpu.memref_slice %arg11[%run_scoped3A_192, %dma_start3A_202] : memref<10x128xi32, #tpu.memory_space<vmem>> -> memref<1x128xi32, #tpu.memory_space<vmem>>
        %dma_start3A_204 = tpu.memref_squeeze %dma_start3A_203 : memref<1x128xi32, #tpu.memory_space<vmem>> -> memref<128xi32, #tpu.memory_space<vmem>>
        %dma_start3A_205 = arith.constant 0 : i32
        %dma_start3A_206 = arith.constant 0 : i32
        %dma_start3A_207 = tpu.memref_slice %arg5[%dma_start3A_205, %dma_start3A_206] : memref<22528x128xf32, #tpu.memory_space<hbm>> -> memref<22528x128xf32, #tpu.memory_space<hbm>>
        tpu.enqueue_indirect_dma source(%arg13 : memref<128x128xf32, #tpu.memory_space<vmem>>) target(%dma_start3A_207 : memref<22528x128xf32, #tpu.memory_space<hbm>>) offsets(%dma_start3A_204 : memref<128xi32, #tpu.memory_space<vmem>>) semaphore(%run_scoped3A_201 : memref<!tpu.dma_semaphore, #tpu.memory_space<semaphore_mem>>)
        %dma_wait3A_208 = arith.constant 0 : i32
        %dma_wait3A_209 = tpu.memref_slice %arg11[%run_scoped3A_192, %dma_wait3A_208] : memref<10x128xi32, #tpu.memory_space<vmem>> -> memref<1x128xi32, #tpu.memory_space<vmem>>
        %dma_wait3A_210 = tpu.memref_squeeze %dma_wait3A_209 : memref<1x128xi32, #tpu.memory_space<vmem>> -> memref<128xi32, #tpu.memory_space<vmem>>
        %dma_wait3A_211 = arith.constant 0 : i32
        %dma_wait3A_212 = arith.constant 0 : i32
        %dma_wait3A_213 = tpu.memref_slice %arg5[%dma_wait3A_211, %dma_wait3A_212] : memref<22528x128xf32, #tpu.memory_space<hbm>> -> memref<22528x128xf32, #tpu.memory_space<hbm>>
        tpu.wait_indirect_dma semaphore(%run_scoped3A_201 : memref<!tpu.dma_semaphore, #tpu.memory_space<semaphore_mem>>) src(%arg13 : memref<128x128xf32, #tpu.memory_space<vmem>>) dst(%dma_wait3A_213 : memref<22528x128xf32, #tpu.memory_space<hbm>>)
        tpu.yield
      }) : () -> ()
      %dma_wait3A_193 = arith.constant 9 : i32
      %dma_wait3A_194 = arith.constant 0 : i32
      %dma_wait3A_195 = tpu.memref_slice %arg10[%dma_wait3A_193, %dma_wait3A_194] : memref<10x128xi32, #tpu.memory_space<vmem>> -> memref<1x128xi32, #tpu.memory_space<vmem>>
      %dma_wait3A_196 = tpu.memref_squeeze %dma_wait3A_195 : memref<1x128xi32, #tpu.memory_space<vmem>> -> memref<128xi32, #tpu.memory_space<vmem>>
      %dma_wait3A_197 = arith.constant 0 : i32
      %dma_wait3A_198 = arith.constant 0 : i32
      %dma_wait3A_199 = tpu.memref_slice %arg2[%dma_wait3A_197, %dma_wait3A_198] : memref<32768x128xf32, #tpu.memory_space<hbm>> -> memref<32768x128xf32, #tpu.memory_space<hbm>>
      tpu.wait_indirect_dma semaphore(%arg21 : memref<!tpu.dma_semaphore, #tpu.memory_space<semaphore_mem>>) src(%dma_wait3A_199 : memref<32768x128xf32, #tpu.memory_space<hbm>>) dst(%arg14 : memref<128x128xf32, #tpu.memory_space<vmem>>)
      %run_scoped3A_200 = arith.constant 9 : i32
      "tpu.region"() ({
        %run_scoped3A_201 = tpu.sem_alloc : memref<!tpu.dma_semaphore, #tpu.memory_space<semaphore_mem>>
        %dma_start3A_202 = arith.constant 0 : i32
        %dma_start3A_203 = tpu.memref_slice %arg11[%run_scoped3A_200, %dma_start3A_202] : memref<10x128xi32, #tpu.memory_space<vmem>> -> memref<1x128xi32, #tpu.memory_space<vmem>>
        %dma_start3A_204 = tpu.memref_squeeze %dma_start3A_203 : memref<1x128xi32, #tpu.memory_space<vmem>> -> memref<128xi32, #tpu.memory_space<vmem>>
        %dma_start3A_205 = arith.constant 0 : i32
        %dma_start3A_206 = arith.constant 0 : i32
        %dma_start3A_207 = tpu.memref_slice %arg5[%dma_start3A_205, %dma_start3A_206] : memref<22528x128xf32, #tpu.memory_space<hbm>> -> memref<22528x128xf32, #tpu.memory_space<hbm>>
        tpu.enqueue_indirect_dma source(%arg14 : memref<128x128xf32, #tpu.memory_space<vmem>>) target(%dma_start3A_207 : memref<22528x128xf32, #tpu.memory_space<hbm>>) offsets(%dma_start3A_204 : memref<128xi32, #tpu.memory_space<vmem>>) semaphore(%run_scoped3A_201 : memref<!tpu.dma_semaphore, #tpu.memory_space<semaphore_mem>>)
        %dma_wait3A_208 = arith.constant 0 : i32
        %dma_wait3A_209 = tpu.memref_slice %arg11[%run_scoped3A_200, %dma_wait3A_208] : memref<10x128xi32, #tpu.memory_space<vmem>> -> memref<1x128xi32, #tpu.memory_space<vmem>>
        %dma_wait3A_210 = tpu.memref_squeeze %dma_wait3A_209 : memref<1x128xi32, #tpu.memory_space<vmem>> -> memref<128xi32, #tpu.memory_space<vmem>>
        %dma_wait3A_211 = arith.constant 0 : i32
        %dma_wait3A_212 = arith.constant 0 : i32
        %dma_wait3A_213 = tpu.memref_slice %arg5[%dma_wait3A_211, %dma_wait3A_212] : memref<22528x128xf32, #tpu.memory_space<hbm>> -> memref<22528x128xf32, #tpu.memory_space<hbm>>
        tpu.wait_indirect_dma semaphore(%run_scoped3A_201 : memref<!tpu.dma_semaphore, #tpu.memory_space<semaphore_mem>>) src(%arg14 : memref<128x128xf32, #tpu.memory_space<vmem>>) dst(%dma_wait3A_213 : memref<22528x128xf32, #tpu.memory_space<hbm>>)
        tpu.yield
      }) : () -> ()
    } else {
    }
    %eq3A_3 = arith.constant 1 : i32
    %eq3A_4 = arith.cmpi eq, %arg0, %eq3A_3 : i32
    %convert_element_type3A_5 = arith.extui %eq3A_4 : i1 to i32
    %cond3A_6 = arith.constant 0 : i32
    %cond3A_7 = arith.cmpi ne, %convert_element_type3A_5, %cond3A_6 : i32
    scf.if %cond3A_7 {
      %scan3A = arith.constant 0 : i32
      %scan3A_8 = arith.constant 0 : i32
      %scan3A_9 = arith.constant 8 : i32
      %scan3A_10 = arith.addi %scan3A_8, %scan3A_9 : i32
      %scan3A_11 = arith.constant 1 : i32
      scf.for %scan3A_736 = %scan3A_8 to %scan3A_10 step %scan3A_11  : i32 {
        %broadcast_in_dim3A = arith.constant 0.000000e+00 : f32
        %broadcast_in_dim3A_737 = vector.broadcast %broadcast_in_dim3A : f32 to vector<16xf32>
        %swap3A_738 = arith.index_cast %scan3A_736 : i32 to index
        %swap3A_739 = arith.constant 0 : index
        %swap3A_740 = tpu.vector_load %arg17[%swap3A_738, %swap3A_739] {strides = array<i32>} : memref<8x128xf32, #tpu.memory_space<vmem>>, vector<16xf32>,
        tpu.vector_store %arg17[%swap3A_738, %swap3A_739], %broadcast_in_dim3A_737 {strides = array<i32>} : memref<8x128xf32, #tpu.memory_space<vmem>>, vector<16xf32>,
        %broadcast_in_dim3A_741 = arith.constant 0.000000e+00 : f32
        %broadcast_in_dim3A_742 = vector.broadcast %broadcast_in_dim3A_741 : f32 to vector<16xf32>
        %swap3A_743 = arith.index_cast %scan3A_736 : i32 to index
        %swap3A_744 = arith.constant 16 : index
        %swap3A_745 = tpu.vector_load %arg17[%swap3A_743, %swap3A_744] {strides = array<i32>} : memref<8x128xf32, #tpu.memory_space<vmem>>, vector<16xf32>,
        tpu.vector_store %arg17[%swap3A_743, %swap3A_744], %broadcast_in_dim3A_742 {strides = array<i32>} : memref<8x128xf32, #tpu.memory_space<vmem>>, vector<16xf32>,
        %broadcast_in_dim3A_746 = arith.constant 0.000000e+00 : f32
        %broadcast_in_dim3A_747 = vector.broadcast %broadcast_in_dim3A_746 : f32 to vector<16xf32>
        %swap3A_748 = arith.index_cast %scan3A_736 : i32 to index
        %swap3A_749 = arith.constant 32 : index
        %swap3A_750 = tpu.vector_load %arg17[%swap3A_748, %swap3A_749] {strides = array<i32>} : memref<8x128xf32, #tpu.memory_space<vmem>>, vector<16xf32>,
        tpu.vector_store %arg17[%swap3A_748, %swap3A_749], %broadcast_in_dim3A_747 {strides = array<i32>} : memref<8x128xf32, #tpu.memory_space<vmem>>, vector<16xf32>,
        %broadcast_in_dim3A_751 = arith.constant 0.000000e+00 : f32
        %broadcast_in_dim3A_752 = vector.broadcast %broadcast_in_dim3A_751 : f32 to vector<16xf32>
        %swap3A_753 = arith.index_cast %scan3A_736 : i32 to index
        %swap3A_754 = arith.constant 48 : index
        %swap3A_755 = tpu.vector_load %arg17[%swap3A_753, %swap3A_754] {strides = array<i32>} : memref<8x128xf32, #tpu.memory_space<vmem>>, vector<16xf32>,
        tpu.vector_store %arg17[%swap3A_753, %swap3A_754], %broadcast_in_dim3A_752 {strides = array<i32>} : memref<8x128xf32, #tpu.memory_space<vmem>>, vector<16xf32>,
        %broadcast_in_dim3A_756 = arith.constant 0.000000e+00 : f32
        %broadcast_in_dim3A_757 = vector.broadcast %broadcast_in_dim3A_756 : f32 to vector<16xf32>
        %swap3A_758 = arith.index_cast %scan3A_736 : i32 to index
        %swap3A_759 = arith.constant 64 : index
        %swap3A_760 = tpu.vector_load %arg17[%swap3A_758, %swap3A_759] {strides = array<i32>} : memref<8x128xf32, #tpu.memory_space<vmem>>, vector<16xf32>,
        tpu.vector_store %arg17[%swap3A_758, %swap3A_759], %broadcast_in_dim3A_757 {strides = array<i32>} : memref<8x128xf32, #tpu.memory_space<vmem>>, vector<16xf32>,
        %broadcast_in_dim3A_761 = arith.constant 0.000000e+00 : f32
        %broadcast_in_dim3A_762 = vector.broadcast %broadcast_in_dim3A_761 : f32 to vector<16xf32>
        %swap3A_763 = arith.index_cast %scan3A_736 : i32 to index
        %swap3A_764 = arith.constant 80 : index
        %swap3A_765 = tpu.vector_load %arg17[%swap3A_763, %swap3A_764] {strides = array<i32>} : memref<8x128xf32, #tpu.memory_space<vmem>>, vector<16xf32>,
        tpu.vector_store %arg17[%swap3A_763, %swap3A_764], %broadcast_in_dim3A_762 {strides = array<i32>} : memref<8x128xf32, #tpu.memory_space<vmem>>, vector<16xf32>,
        %broadcast_in_dim3A_766 = arith.constant 0.000000e+00 : f32
        %broadcast_in_dim3A_767 = vector.broadcast %broadcast_in_dim3A_766 : f32 to vector<16xf32>
        %swap3A_768 = arith.index_cast %scan3A_736 : i32 to index
        %swap3A_769 = arith.constant 96 : index
        %swap3A_770 = tpu.vector_load %arg17[%swap3A_768, %swap3A_769] {strides = array<i32>} : memref<8x128xf32, #tpu.memory_space<vmem>>, vector<16xf32>,
        tpu.vector_store %arg17[%swap3A_768, %swap3A_769], %broadcast_in_dim3A_767 {strides = array<i32>} : memref<8x128xf32, #tpu.memory_space<vmem>>, vector<16xf32>,
        %broadcast_in_dim3A_771 = arith.constant 0.000000e+00 : f32
        %broadcast_in_dim3A_772 = vector.broadcast %broadcast_in_dim3A_771 : f32 to vector<16xf32>
        %swap3A_773 = arith.index_cast %scan3A_736 : i32 to index
        %swap3A_774 = arith.constant 112 : index
        %swap3A_775 = tpu.vector_load %arg17[%swap3A_773, %swap3A_774] {strides = array<i32>} : memref<8x128xf32, #tpu.memory_space<vmem>>, vector<16xf32>,
        tpu.vector_store %arg17[%swap3A_773, %swap3A_774], %broadcast_in_dim3A_772 {strides = array<i32>} : memref<8x128xf32, #tpu.memory_space<vmem>>, vector<16xf32>,
      }
      %scan3A_12 = arith.constant 8 : i32
      %scan3A_13 = arith.constant 0 : i32
      %scan3A_14 = arith.constant 0 : i32
      %scan3A_15 = arith.constant 16 : i32
      %scan3A_16 = arith.addi %scan3A_14, %scan3A_15 : i32
      %scan3A_17 = arith.constant 1 : i32
      scf.for %scan3A_736 = %scan3A_14 to %scan3A_16 step %scan3A_17  : i32 {
        %broadcast_in_dim3A = arith.constant 0 : i32
        %broadcast_in_dim3A_737 = vector.broadcast %broadcast_in_dim3A : i32 to vector<16xi32>
        %swap3A_738 = arith.index_cast %scan3A_736 : i32 to index
        %swap3A_739 = arith.constant 0 : index
        %swap3A_740 = tpu.vector_load %arg16[%swap3A_738, %swap3A_739] {strides = array<i32>} : memref<16x128xi32, #tpu.memory_space<vmem>>, vector<16xi32>,
        tpu.vector_store %arg16[%swap3A_738, %swap3A_739], %broadcast_in_dim3A_737 {strides = array<i32>} : memref<16x128xi32, #tpu.memory_space<vmem>>, vector<16xi32>,
        %broadcast_in_dim3A_741 = arith.constant 0 : i32
        %broadcast_in_dim3A_742 = vector.broadcast %broadcast_in_dim3A_741 : i32 to vector<16xi32>
        %swap3A_743 = arith.index_cast %scan3A_736 : i32 to index
        %swap3A_744 = arith.constant 16 : index
        %swap3A_745 = tpu.vector_load %arg16[%swap3A_743, %swap3A_744] {strides = array<i32>} : memref<16x128xi32, #tpu.memory_space<vmem>>, vector<16xi32>,
        tpu.vector_store %arg16[%swap3A_743, %swap3A_744], %broadcast_in_dim3A_742 {strides = array<i32>} : memref<16x128xi32, #tpu.memory_space<vmem>>, vector<16xi32>,
        %broadcast_in_dim3A_746 = arith.constant 0 : i32
        %broadcast_in_dim3A_747 = vector.broadcast %broadcast_in_dim3A_746 : i32 to vector<16xi32>
        %swap3A_748 = arith.index_cast %scan3A_736 : i32 to index
        %swap3A_749 = arith.constant 32 : index
        %swap3A_750 = tpu.vector_load %arg16[%swap3A_748, %swap3A_749] {strides = array<i32>} : memref<16x128xi32, #tpu.memory_space<vmem>>, vector<16xi32>,
        tpu.vector_store %arg16[%swap3A_748, %swap3A_749], %broadcast_in_dim3A_747 {strides = array<i32>} : memref<16x128xi32, #tpu.memory_space<vmem>>, vector<16xi32>,
        %broadcast_in_dim3A_751 = arith.constant 0 : i32
        %broadcast_in_dim3A_752 = vector.broadcast %broadcast_in_dim3A_751 : i32 to vector<16xi32>
        %swap3A_753 = arith.index_cast %scan3A_736 : i32 to index
        %swap3A_754 = arith.constant 48 : index
        %swap3A_755 = tpu.vector_load %arg16[%swap3A_753, %swap3A_754] {strides = array<i32>} : memref<16x128xi32, #tpu.memory_space<vmem>>, vector<16xi32>,
        tpu.vector_store %arg16[%swap3A_753, %swap3A_754], %broadcast_in_dim3A_752 {strides = array<i32>} : memref<16x128xi32, #tpu.memory_space<vmem>>, vector<16xi32>,
        %broadcast_in_dim3A_756 = arith.constant 0 : i32
        %broadcast_in_dim3A_757 = vector.broadcast %broadcast_in_dim3A_756 : i32 to vector<16xi32>
        %swap3A_758 = arith.index_cast %scan3A_736 : i32 to index
        %swap3A_759 = arith.constant 64 : index
        %swap3A_760 = tpu.vector_load %arg16[%swap3A_758, %swap3A_759] {strides = array<i32>} : memref<16x128xi32, #tpu.memory_space<vmem>>, vector<16xi32>,
        tpu.vector_store %arg16[%swap3A_758, %swap3A_759], %broadcast_in_dim3A_757 {strides = array<i32>} : memref<16x128xi32, #tpu.memory_space<vmem>>, vector<16xi32>,
        %broadcast_in_dim3A_761 = arith.constant 0 : i32
        %broadcast_in_dim3A_762 = vector.broadcast %broadcast_in_dim3A_761 : i32 to vector<16xi32>
        %swap3A_763 = arith.index_cast %scan3A_736 : i32 to index
        %swap3A_764 = arith.constant 80 : index
        %swap3A_765 = tpu.vector_load %arg16[%swap3A_763, %swap3A_764] {strides = array<i32>} : memref<16x128xi32, #tpu.memory_space<vmem>>, vector<16xi32>,
        tpu.vector_store %arg16[%swap3A_763, %swap3A_764], %broadcast_in_dim3A_762 {strides = array<i32>} : memref<16x128xi32, #tpu.memory_space<vmem>>, vector<16xi32>,
        %broadcast_in_dim3A_766 = arith.constant 0 : i32
        %broadcast_in_dim3A_767 = vector.broadcast %broadcast_in_dim3A_766 : i32 to vector<16xi32>
        %swap3A_768 = arith.index_cast %scan3A_736 : i32 to index
        %swap3A_769 = arith.constant 96 : index
        %swap3A_770 = tpu.vector_load %arg16[%swap3A_768, %swap3A_769] {strides = array<i32>} : memref<16x128xi32, #tpu.memory_space<vmem>>, vector<16xi32>,
        tpu.vector_store %arg16[%swap3A_768, %swap3A_769], %broadcast_in_dim3A_767 {strides = array<i32>} : memref<16x128xi32, #tpu.memory_space<vmem>>, vector<16xi32>,
        %broadcast_in_dim3A_771 = arith.constant 0 : i32
        %broadcast_in_dim3A_772 = vector.broadcast %broadcast_in_dim3A_771 : i32 to vector<16xi32>
        %swap3A_773 = arith.index_cast %scan3A_736 : i32 to index
        %swap3A_774 = arith.constant 112 : index
        %swap3A_775 = tpu.vector_load %arg16[%swap3A_773, %swap3A_774] {strides = array<i32>} : memref<16x128xi32, #tpu.memory_space<vmem>>, vector<16xi32>,
        tpu.vector_store %arg16[%swap3A_773, %swap3A_774], %broadcast_in_dim3A_772 {strides = array<i32>} : memref<16x128xi32, #tpu.memory_space<vmem>>, vector<16xi32>,
      }
      %scan3A_18 = arith.constant 16 : i32
      %add3A = arith.constant 0 : i32
      %add3A_19 = arith.addi %mul3A_0, %add3A : i32
      "tpu.region"() ({
        %run_scoped3A_736 = tpu.sem_alloc : memref<!tpu.dma_semaphore, #tpu.memory_space<semaphore_mem>>
        %dma_start3A_737 = arith.constant 0 : i32
        %dma_start3A_738 = tpu.memref_slice %arg23[%add3A_19, %dma_start3A_737] : memref<2048x128xf32, #tpu.memory_space<vmem_shared>> -> memref<8x128xf32, #tpu.memory_space<vmem_shared>>
        %dma_start3A_739 = arith.constant 0 : i32
        %dma_start3A_740 = tpu.memref_slice %arg23[%add3A_19, %dma_start3A_739] : memref<2048x128xf32, #tpu.memory_space<vmem_shared>> -> memref<8x128xf32, #tpu.memory_space<vmem_shared>>
        tpu.enqueue_dma source(%arg17 : memref<8x128xf32, #tpu.memory_space<vmem>>) target(%dma_start3A_740 : memref<8x128xf32, #tpu.memory_space<vmem_shared>>) target_semaphore(%run_scoped3A_736 : memref<!tpu.dma_semaphore, #tpu.memory_space<semaphore_mem>>)
        %dma_wait3A_741 = arith.constant 0 : i32
        %dma_wait3A_742 = tpu.memref_slice %arg23[%add3A_19, %dma_wait3A_741] : memref<2048x128xf32, #tpu.memory_space<vmem_shared>> -> memref<8x128xf32, #tpu.memory_space<vmem_shared>>
        %dma_wait3A_743 = arith.constant 0 : i32
        %dma_wait3A_744 = tpu.memref_slice %arg23[%add3A_19, %dma_wait3A_743] : memref<2048x128xf32, #tpu.memory_space<vmem_shared>> -> memref<8x128xf32, #tpu.memory_space<vmem_shared>>
        tpu.wait_dma2 semaphore(%run_scoped3A_736 : memref<!tpu.dma_semaphore, #tpu.memory_space<semaphore_mem>>) src(%arg17 : memref<8x128xf32, #tpu.memory_space<vmem>>) dst(%dma_wait3A_744 : memref<8x128xf32, #tpu.memory_space<vmem_shared>>)
        tpu.yield
      }) : () -> ()
      %add3A_20 = arith.constant 8 : i32
      %add3A_21 = arith.addi %mul3A_0, %add3A_20 : i32
      "tpu.region"() ({
        %run_scoped3A_736 = tpu.sem_alloc : memref<!tpu.dma_semaphore, #tpu.memory_space<semaphore_mem>>
        %dma_start3A_737 = arith.constant 0 : i32
        %dma_start3A_738 = tpu.memref_slice %arg23[%add3A_21, %dma_start3A_737] : memref<2048x128xf32, #tpu.memory_space<vmem_shared>> -> memref<8x128xf32, #tpu.memory_space<vmem_shared>>
        %dma_start3A_739 = arith.constant 0 : i32
        %dma_start3A_740 = tpu.memref_slice %arg23[%add3A_21, %dma_start3A_739] : memref<2048x128xf32, #tpu.memory_space<vmem_shared>> -> memref<8x128xf32, #tpu.memory_space<vmem_shared>>
        tpu.enqueue_dma source(%arg17 : memref<8x128xf32, #tpu.memory_space<vmem>>) target(%dma_start3A_740 : memref<8x128xf32, #tpu.memory_space<vmem_shared>>) target_semaphore(%run_scoped3A_736 : memref<!tpu.dma_semaphore, #tpu.memory_space<semaphore_mem>>)
        %dma_wait3A_741 = arith.constant 0 : i32
        %dma_wait3A_742 = tpu.memref_slice %arg23[%add3A_21, %dma_wait3A_741] : memref<2048x128xf32, #tpu.memory_space<vmem_shared>> -> memref<8x128xf32, #tpu.memory_space<vmem_shared>>
        %dma_wait3A_743 = arith.constant 0 : i32
        %dma_wait3A_744 = tpu.memref_slice %arg23[%add3A_21, %dma_wait3A_743] : memref<2048x128xf32, #tpu.memory_space<vmem_shared>> -> memref<8x128xf32, #tpu.memory_space<vmem_shared>>
        tpu.wait_dma2 semaphore(%run_scoped3A_736 : memref<!tpu.dma_semaphore, #tpu.memory_space<semaphore_mem>>) src(%arg17 : memref<8x128xf32, #tpu.memory_space<vmem>>) dst(%dma_wait3A_744 : memref<8x128xf32, #tpu.memory_space<vmem_shared>>)
        tpu.yield
      }) : () -> ()
      %add3A_22 = arith.constant 16 : i32
      %add3A_23 = arith.addi %mul3A_0, %add3A_22 : i32
      "tpu.region"() ({
        %run_scoped3A_736 = tpu.sem_alloc : memref<!tpu.dma_semaphore, #tpu.memory_space<semaphore_mem>>
        %dma_start3A_737 = arith.constant 0 : i32
        %dma_start3A_738 = tpu.memref_slice %arg23[%add3A_23, %dma_start3A_737] : memref<2048x128xf32, #tpu.memory_space<vmem_shared>> -> memref<8x128xf32, #tpu.memory_space<vmem_shared>>
        %dma_start3A_739 = arith.constant 0 : i32
        %dma_start3A_740 = tpu.memref_slice %arg23[%add3A_23, %dma_start3A_739] : memref<2048x128xf32, #tpu.memory_space<vmem_shared>> -> memref<8x128xf32, #tpu.memory_space<vmem_shared>>
        tpu.enqueue_dma source(%arg17 : memref<8x128xf32, #tpu.memory_space<vmem>>) target(%dma_start3A_740 : memref<8x128xf32, #tpu.memory_space<vmem_shared>>) target_semaphore(%run_scoped3A_736 : memref<!tpu.dma_semaphore, #tpu.memory_space<semaphore_mem>>)
        %dma_wait3A_741 = arith.constant 0 : i32
        %dma_wait3A_742 = tpu.memref_slice %arg23[%add3A_23, %dma_wait3A_741] : memref<2048x128xf32, #tpu.memory_space<vmem_shared>> -> memref<8x128xf32, #tpu.memory_space<vmem_shared>>
        %dma_wait3A_743 = arith.constant 0 : i32
        %dma_wait3A_744 = tpu.memref_slice %arg23[%add3A_23, %dma_wait3A_743] : memref<2048x128xf32, #tpu.memory_space<vmem_shared>> -> memref<8x128xf32, #tpu.memory_space<vmem_shared>>
        tpu.wait_dma2 semaphore(%run_scoped3A_736 : memref<!tpu.dma_semaphore, #tpu.memory_space<semaphore_mem>>) src(%arg17 : memref<8x128xf32, #tpu.memory_space<vmem>>) dst(%dma_wait3A_744 : memref<8x128xf32, #tpu.memory_space<vmem_shared>>)
        tpu.yield
      }) : () -> ()
      %add3A_24 = arith.constant 24 : i32
      %add3A_25 = arith.addi %mul3A_0, %add3A_24 : i32
      "tpu.region"() ({
        %run_scoped3A_736 = tpu.sem_alloc : memref<!tpu.dma_semaphore, #tpu.memory_space<semaphore_mem>>
        %dma_start3A_737 = arith.constant 0 : i32
        %dma_start3A_738 = tpu.memref_slice %arg23[%add3A_25, %dma_start3A_737] : memref<2048x128xf32, #tpu.memory_space<vmem_shared>> -> memref<8x128xf32, #tpu.memory_space<vmem_shared>>
        %dma_start3A_739 = arith.constant 0 : i32
        %dma_start3A_740 = tpu.memref_slice %arg23[%add3A_25, %dma_start3A_739] : memref<2048x128xf32, #tpu.memory_space<vmem_shared>> -> memref<8x128xf32, #tpu.memory_space<vmem_shared>>
        tpu.enqueue_dma source(%arg17 : memref<8x128xf32, #tpu.memory_space<vmem>>) target(%dma_start3A_740 : memref<8x128xf32, #tpu.memory_space<vmem_shared>>) target_semaphore(%run_scoped3A_736 : memref<!tpu.dma_semaphore, #tpu.memory_space<semaphore_mem>>)
        %dma_wait3A_741 = arith.constant 0 : i32
        %dma_wait3A_742 = tpu.memref_slice %arg23[%add3A_25, %dma_wait3A_741] : memref<2048x128xf32, #tpu.memory_space<vmem_shared>> -> memref<8x128xf32, #tpu.memory_space<vmem_shared>>
        %dma_wait3A_743 = arith.constant 0 : i32
        %dma_wait3A_744 = tpu.memref_slice %arg23[%add3A_25, %dma_wait3A_743] : memref<2048x128xf32, #tpu.memory_space<vmem_shared>> -> memref<8x128xf32, #tpu.memory_space<vmem_shared>>
        tpu.wait_dma2 semaphore(%run_scoped3A_736 : memref<!tpu.dma_semaphore, #tpu.memory_space<semaphore_mem>>) src(%arg17 : memref<8x128xf32, #tpu.memory_space<vmem>>) dst(%dma_wait3A_744 : memref<8x128xf32, #tpu.memory_space<vmem_shared>>)
        tpu.yield
      }) : () -> ()
      %add3A_26 = arith.constant 32 : i32
      %add3A_27 = arith.addi %mul3A_0, %add3A_26 : i32
      "tpu.region"() ({
        %run_scoped3A_736 = tpu.sem_alloc : memref<!tpu.dma_semaphore, #tpu.memory_space<semaphore_mem>>
        %dma_start3A_737 = arith.constant 0 : i32
        %dma_start3A_738 = tpu.memref_slice %arg23[%add3A_27, %dma_start3A_737] : memref<2048x128xf32, #tpu.memory_space<vmem_shared>> -> memref<8x128xf32, #tpu.memory_space<vmem_shared>>
        %dma_start3A_739 = arith.constant 0 : i32
        %dma_start3A_740 = tpu.memref_slice %arg23[%add3A_27, %dma_start3A_739] : memref<2048x128xf32, #tpu.memory_space<vmem_shared>> -> memref<8x128xf32, #tpu.memory_space<vmem_shared>>
        tpu.enqueue_dma source(%arg17 : memref<8x128xf32, #tpu.memory_space<vmem>>) target(%dma_start3A_740 : memref<8x128xf32, #tpu.memory_space<vmem_shared>>) target_semaphore(%run_scoped3A_736 : memref<!tpu.dma_semaphore, #tpu.memory_space<semaphore_mem>>)
        %dma_wait3A_741 = arith.constant 0 : i32
        %dma_wait3A_742 = tpu.memref_slice %arg23[%add3A_27, %dma_wait3A_741] : memref<2048x128xf32, #tpu.memory_space<vmem_shared>> -> memref<8x128xf32, #tpu.memory_space<vmem_shared>>
        %dma_wait3A_743 = arith.constant 0 : i32
        %dma_wait3A_744 = tpu.memref_slice %arg23[%add3A_27, %dma_wait3A_743] : memref<2048x128xf32, #tpu.memory_space<vmem_shared>> -> memref<8x128xf32, #tpu.memory_space<vmem_shared>>
        tpu.wait_dma2 semaphore(%run_scoped3A_736 : memref<!tpu.dma_semaphore, #tpu.memory_space<semaphore_mem>>) src(%arg17 : memref<8x128xf32, #tpu.memory_space<vmem>>) dst(%dma_wait3A_744 : memref<8x128xf32, #tpu.memory_space<vmem_shared>>)
        tpu.yield
      }) : () -> ()
      %add3A_28 = arith.constant 40 : i32
      %add3A_29 = arith.addi %mul3A_0, %add3A_28 : i32
      "tpu.region"() ({
        %run_scoped3A_736 = tpu.sem_alloc : memref<!tpu.dma_semaphore, #tpu.memory_space<semaphore_mem>>
        %dma_start3A_737 = arith.constant 0 : i32
        %dma_start3A_738 = tpu.memref_slice %arg23[%add3A_29, %dma_start3A_737] : memref<2048x128xf32, #tpu.memory_space<vmem_shared>> -> memref<8x128xf32, #tpu.memory_space<vmem_shared>>
        %dma_start3A_739 = arith.constant 0 : i32
        %dma_start3A_740 = tpu.memref_slice %arg23[%add3A_29, %dma_start3A_739] : memref<2048x128xf32, #tpu.memory_space<vmem_shared>> -> memref<8x128xf32, #tpu.memory_space<vmem_shared>>
        tpu.enqueue_dma source(%arg17 : memref<8x128xf32, #tpu.memory_space<vmem>>) target(%dma_start3A_740 : memref<8x128xf32, #tpu.memory_space<vmem_shared>>) target_semaphore(%run_scoped3A_736 : memref<!tpu.dma_semaphore, #tpu.memory_space<semaphore_mem>>)
        %dma_wait3A_741 = arith.constant 0 : i32
        %dma_wait3A_742 = tpu.memref_slice %arg23[%add3A_29, %dma_wait3A_741] : memref<2048x128xf32, #tpu.memory_space<vmem_shared>> -> memref<8x128xf32, #tpu.memory_space<vmem_shared>>
        %dma_wait3A_743 = arith.constant 0 : i32
        %dma_wait3A_744 = tpu.memref_slice %arg23[%add3A_29, %dma_wait3A_743] : memref<2048x128xf32, #tpu.memory_space<vmem_shared>> -> memref<8x128xf32, #tpu.memory_space<vmem_shared>>
        tpu.wait_dma2 semaphore(%run_scoped3A_736 : memref<!tpu.dma_semaphore, #tpu.memory_space<semaphore_mem>>) src(%arg17 : memref<8x128xf32, #tpu.memory_space<vmem>>) dst(%dma_wait3A_744 : memref<8x128xf32, #tpu.memory_space<vmem_shared>>)
        tpu.yield
      }) : () -> ()
      %add3A_30 = arith.constant 48 : i32
      %add3A_31 = arith.addi %mul3A_0, %add3A_30 : i32
      "tpu.region"() ({
        %run_scoped3A_736 = tpu.sem_alloc : memref<!tpu.dma_semaphore, #tpu.memory_space<semaphore_mem>>
        %dma_start3A_737 = arith.constant 0 : i32
        %dma_start3A_738 = tpu.memref_slice %arg23[%add3A_31, %dma_start3A_737] : memref<2048x128xf32, #tpu.memory_space<vmem_shared>> -> memref<8x128xf32, #tpu.memory_space<vmem_shared>>
        %dma_start3A_739 = arith.constant 0 : i32
        %dma_start3A_740 = tpu.memref_slice %arg23[%add3A_31, %dma_start3A_739] : memref<2048x128xf32, #tpu.memory_space<vmem_shared>> -> memref<8x128xf32, #tpu.memory_space<vmem_shared>>
        tpu.enqueue_dma source(%arg17 : memref<8x128xf32, #tpu.memory_space<vmem>>) target(%dma_start3A_740 : memref<8x128xf32, #tpu.memory_space<vmem_shared>>) target_semaphore(%run_scoped3A_736 : memref<!tpu.dma_semaphore, #tpu.memory_space<semaphore_mem>>)
        %dma_wait3A_741 = arith.constant 0 : i32
        %dma_wait3A_742 = tpu.memref_slice %arg23[%add3A_31, %dma_wait3A_741] : memref<2048x128xf32, #tpu.memory_space<vmem_shared>> -> memref<8x128xf32, #tpu.memory_space<vmem_shared>>
        %dma_wait3A_743 = arith.constant 0 : i32
        %dma_wait3A_744 = tpu.memref_slice %arg23[%add3A_31, %dma_wait3A_743] : memref<2048x128xf32, #tpu.memory_space<vmem_shared>> -> memref<8x128xf32, #tpu.memory_space<vmem_shared>>
        tpu.wait_dma2 semaphore(%run_scoped3A_736 : memref<!tpu.dma_semaphore, #tpu.memory_space<semaphore_mem>>) src(%arg17 : memref<8x128xf32, #tpu.memory_space<vmem>>) dst(%dma_wait3A_744 : memref<8x128xf32, #tpu.memory_space<vmem_shared>>)
        tpu.yield
      }) : () -> ()
      %add3A_32 = arith.constant 56 : i32
      %add3A_33 = arith.addi %mul3A_0, %add3A_32 : i32
      "tpu.region"() ({
        %run_scoped3A_736 = tpu.sem_alloc : memref<!tpu.dma_semaphore, #tpu.memory_space<semaphore_mem>>
        %dma_start3A_737 = arith.constant 0 : i32
        %dma_start3A_738 = tpu.memref_slice %arg23[%add3A_33, %dma_start3A_737] : memref<2048x128xf32, #tpu.memory_space<vmem_shared>> -> memref<8x128xf32, #tpu.memory_space<vmem_shared>>
        %dma_start3A_739 = arith.constant 0 : i32
        %dma_start3A_740 = tpu.memref_slice %arg23[%add3A_33, %dma_start3A_739] : memref<2048x128xf32, #tpu.memory_space<vmem_shared>> -> memref<8x128xf32, #tpu.memory_space<vmem_shared>>
        tpu.enqueue_dma source(%arg17 : memref<8x128xf32, #tpu.memory_space<vmem>>) target(%dma_start3A_740 : memref<8x128xf32, #tpu.memory_space<vmem_shared>>) target_semaphore(%run_scoped3A_736 : memref<!tpu.dma_semaphore, #tpu.memory_space<semaphore_mem>>)
        %dma_wait3A_741 = arith.constant 0 : i32
        %dma_wait3A_742 = tpu.memref_slice %arg23[%add3A_33, %dma_wait3A_741] : memref<2048x128xf32, #tpu.memory_space<vmem_shared>> -> memref<8x128xf32, #tpu.memory_space<vmem_shared>>
        %dma_wait3A_743 = arith.constant 0 : i32
        %dma_wait3A_744 = tpu.memref_slice %arg23[%add3A_33, %dma_wait3A_743] : memref<2048x128xf32, #tpu.memory_space<vmem_shared>> -> memref<8x128xf32, #tpu.memory_space<vmem_shared>>
        tpu.wait_dma2 semaphore(%run_scoped3A_736 : memref<!tpu.dma_semaphore, #tpu.memory_space<semaphore_mem>>) src(%arg17 : memref<8x128xf32, #tpu.memory_space<vmem>>) dst(%dma_wait3A_744 : memref<8x128xf32, #tpu.memory_space<vmem_shared>>)
        tpu.yield
      }) : () -> ()
      %add3A_34 = arith.constant 64 : i32
      %add3A_35 = arith.addi %mul3A_0, %add3A_34 : i32
      "tpu.region"() ({
        %run_scoped3A_736 = tpu.sem_alloc : memref<!tpu.dma_semaphore, #tpu.memory_space<semaphore_mem>>
        %dma_start3A_737 = arith.constant 0 : i32
        %dma_start3A_738 = tpu.memref_slice %arg23[%add3A_35, %dma_start3A_737] : memref<2048x128xf32, #tpu.memory_space<vmem_shared>> -> memref<8x128xf32, #tpu.memory_space<vmem_shared>>
        %dma_start3A_739 = arith.constant 0 : i32
        %dma_start3A_740 = tpu.memref_slice %arg23[%add3A_35, %dma_start3A_739] : memref<2048x128xf32, #tpu.memory_space<vmem_shared>> -> memref<8x128xf32, #tpu.memory_space<vmem_shared>>
        tpu.enqueue_dma source(%arg17 : memref<8x128xf32, #tpu.memory_space<vmem>>) target(%dma_start3A_740 : memref<8x128xf32, #tpu.memory_space<vmem_shared>>) target_semaphore(%run_scoped3A_736 : memref<!tpu.dma_semaphore, #tpu.memory_space<semaphore_mem>>)
        %dma_wait3A_741 = arith.constant 0 : i32
        %dma_wait3A_742 = tpu.memref_slice %arg23[%add3A_35, %dma_wait3A_741] : memref<2048x128xf32, #tpu.memory_space<vmem_shared>> -> memref<8x128xf32, #tpu.memory_space<vmem_shared>>
        %dma_wait3A_743 = arith.constant 0 : i32
        %dma_wait3A_744 = tpu.memref_slice %arg23[%add3A_35, %dma_wait3A_743] : memref<2048x128xf32, #tpu.memory_space<vmem_shared>> -> memref<8x128xf32, #tpu.memory_space<vmem_shared>>
        tpu.wait_dma2 semaphore(%run_scoped3A_736 : memref<!tpu.dma_semaphore, #tpu.memory_space<semaphore_mem>>) src(%arg17 : memref<8x128xf32, #tpu.memory_space<vmem>>) dst(%dma_wait3A_744 : memref<8x128xf32, #tpu.memory_space<vmem_shared>>)
        tpu.yield
      }) : () -> ()
      %add3A_36 = arith.constant 72 : i32
      %add3A_37 = arith.addi %mul3A_0, %add3A_36 : i32
      "tpu.region"() ({
        %run_scoped3A_736 = tpu.sem_alloc : memref<!tpu.dma_semaphore, #tpu.memory_space<semaphore_mem>>
        %dma_start3A_737 = arith.constant 0 : i32
        %dma_start3A_738 = tpu.memref_slice %arg23[%add3A_37, %dma_start3A_737] : memref<2048x128xf32, #tpu.memory_space<vmem_shared>> -> memref<8x128xf32, #tpu.memory_space<vmem_shared>>
        %dma_start3A_739 = arith.constant 0 : i32
        %dma_start3A_740 = tpu.memref_slice %arg23[%add3A_37, %dma_start3A_739] : memref<2048x128xf32, #tpu.memory_space<vmem_shared>> -> memref<8x128xf32, #tpu.memory_space<vmem_shared>>
        tpu.enqueue_dma source(%arg17 : memref<8x128xf32, #tpu.memory_space<vmem>>) target(%dma_start3A_740 : memref<8x128xf32, #tpu.memory_space<vmem_shared>>) target_semaphore(%run_scoped3A_736 : memref<!tpu.dma_semaphore, #tpu.memory_space<semaphore_mem>>)
        %dma_wait3A_741 = arith.constant 0 : i32
        %dma_wait3A_742 = tpu.memref_slice %arg23[%add3A_37, %dma_wait3A_741] : memref<2048x128xf32, #tpu.memory_space<vmem_shared>> -> memref<8x128xf32, #tpu.memory_space<vmem_shared>>
        %dma_wait3A_743 = arith.constant 0 : i32
        %dma_wait3A_744 = tpu.memref_slice %arg23[%add3A_37, %dma_wait3A_743] : memref<2048x128xf32, #tpu.memory_space<vmem_shared>> -> memref<8x128xf32, #tpu.memory_space<vmem_shared>>
        tpu.wait_dma2 semaphore(%run_scoped3A_736 : memref<!tpu.dma_semaphore, #tpu.memory_space<semaphore_mem>>) src(%arg17 : memref<8x128xf32, #tpu.memory_space<vmem>>) dst(%dma_wait3A_744 : memref<8x128xf32, #tpu.memory_space<vmem_shared>>)
        tpu.yield
      }) : () -> ()
      %add3A_38 = arith.constant 80 : i32
      %add3A_39 = arith.addi %mul3A_0, %add3A_38 : i32
      "tpu.region"() ({
        %run_scoped3A_736 = tpu.sem_alloc : memref<!tpu.dma_semaphore, #tpu.memory_space<semaphore_mem>>
        %dma_start3A_737 = arith.constant 0 : i32
        %dma_start3A_738 = tpu.memref_slice %arg23[%add3A_39, %dma_start3A_737] : memref<2048x128xf32, #tpu.memory_space<vmem_shared>> -> memref<8x128xf32, #tpu.memory_space<vmem_shared>>
        %dma_start3A_739 = arith.constant 0 : i32
        %dma_start3A_740 = tpu.memref_slice %arg23[%add3A_39, %dma_start3A_739] : memref<2048x128xf32, #tpu.memory_space<vmem_shared>> -> memref<8x128xf32, #tpu.memory_space<vmem_shared>>
        tpu.enqueue_dma source(%arg17 : memref<8x128xf32, #tpu.memory_space<vmem>>) target(%dma_start3A_740 : memref<8x128xf32, #tpu.memory_space<vmem_shared>>) target_semaphore(%run_scoped3A_736 : memref<!tpu.dma_semaphore, #tpu.memory_space<semaphore_mem>>)
        %dma_wait3A_741 = arith.constant 0 : i32
        %dma_wait3A_742 = tpu.memref_slice %arg23[%add3A_39, %dma_wait3A_741] : memref<2048x128xf32, #tpu.memory_space<vmem_shared>> -> memref<8x128xf32, #tpu.memory_space<vmem_shared>>
        %dma_wait3A_743 = arith.constant 0 : i32
        %dma_wait3A_744 = tpu.memref_slice %arg23[%add3A_39, %dma_wait3A_743] : memref<2048x128xf32, #tpu.memory_space<vmem_shared>> -> memref<8x128xf32, #tpu.memory_space<vmem_shared>>
        tpu.wait_dma2 semaphore(%run_scoped3A_736 : memref<!tpu.dma_semaphore, #tpu.memory_space<semaphore_mem>>) src(%arg17 : memref<8x128xf32, #tpu.memory_space<vmem>>) dst(%dma_wait3A_744 : memref<8x128xf32, #tpu.memory_space<vmem_shared>>)
        tpu.yield
      }) : () -> ()
      %add3A_40 = arith.constant 88 : i32
      %add3A_41 = arith.addi %mul3A_0, %add3A_40 : i32
      "tpu.region"() ({
        %run_scoped3A_736 = tpu.sem_alloc : memref<!tpu.dma_semaphore, #tpu.memory_space<semaphore_mem>>
        %dma_start3A_737 = arith.constant 0 : i32
        %dma_start3A_738 = tpu.memref_slice %arg23[%add3A_41, %dma_start3A_737] : memref<2048x128xf32, #tpu.memory_space<vmem_shared>> -> memref<8x128xf32, #tpu.memory_space<vmem_shared>>
        %dma_start3A_739 = arith.constant 0 : i32
        %dma_start3A_740 = tpu.memref_slice %arg23[%add3A_41, %dma_start3A_739] : memref<2048x128xf32, #tpu.memory_space<vmem_shared>> -> memref<8x128xf32, #tpu.memory_space<vmem_shared>>
        tpu.enqueue_dma source(%arg17 : memref<8x128xf32, #tpu.memory_space<vmem>>) target(%dma_start3A_740 : memref<8x128xf32, #tpu.memory_space<vmem_shared>>) target_semaphore(%run_scoped3A_736 : memref<!tpu.dma_semaphore, #tpu.memory_space<semaphore_mem>>)
        %dma_wait3A_741 = arith.constant 0 : i32
        %dma_wait3A_742 = tpu.memref_slice %arg23[%add3A_41, %dma_wait3A_741] : memref<2048x128xf32, #tpu.memory_space<vmem_shared>> -> memref<8x128xf32, #tpu.memory_space<vmem_shared>>
        %dma_wait3A_743 = arith.constant 0 : i32
        %dma_wait3A_744 = tpu.memref_slice %arg23[%add3A_41, %dma_wait3A_743] : memref<2048x128xf32, #tpu.memory_space<vmem_shared>> -> memref<8x128xf32, #tpu.memory_space<vmem_shared>>
        tpu.wait_dma2 semaphore(%run_scoped3A_736 : memref<!tpu.dma_semaphore, #tpu.memory_space<semaphore_mem>>) src(%arg17 : memref<8x128xf32, #tpu.memory_space<vmem>>) dst(%dma_wait3A_744 : memref<8x128xf32, #tpu.memory_space<vmem_shared>>)
        tpu.yield
      }) : () -> ()
      %add3A_42 = arith.constant 96 : i32
      %add3A_43 = arith.addi %mul3A_0, %add3A_42 : i32
      "tpu.region"() ({
        %run_scoped3A_736 = tpu.sem_alloc : memref<!tpu.dma_semaphore, #tpu.memory_space<semaphore_mem>>
        %dma_start3A_737 = arith.constant 0 : i32
        %dma_start3A_738 = tpu.memref_slice %arg23[%add3A_43, %dma_start3A_737] : memref<2048x128xf32, #tpu.memory_space<vmem_shared>> -> memref<8x128xf32, #tpu.memory_space<vmem_shared>>
        %dma_start3A_739 = arith.constant 0 : i32
        %dma_start3A_740 = tpu.memref_slice %arg23[%add3A_43, %dma_start3A_739] : memref<2048x128xf32, #tpu.memory_space<vmem_shared>> -> memref<8x128xf32, #tpu.memory_space<vmem_shared>>
        tpu.enqueue_dma source(%arg17 : memref<8x128xf32, #tpu.memory_space<vmem>>) target(%dma_start3A_740 : memref<8x128xf32, #tpu.memory_space<vmem_shared>>) target_semaphore(%run_scoped3A_736 : memref<!tpu.dma_semaphore, #tpu.memory_space<semaphore_mem>>)
        %dma_wait3A_741 = arith.constant 0 : i32
        %dma_wait3A_742 = tpu.memref_slice %arg23[%add3A_43, %dma_wait3A_741] : memref<2048x128xf32, #tpu.memory_space<vmem_shared>> -> memref<8x128xf32, #tpu.memory_space<vmem_shared>>
        %dma_wait3A_743 = arith.constant 0 : i32
        %dma_wait3A_744 = tpu.memref_slice %arg23[%add3A_43, %dma_wait3A_743] : memref<2048x128xf32, #tpu.memory_space<vmem_shared>> -> memref<8x128xf32, #tpu.memory_space<vmem_shared>>
        tpu.wait_dma2 semaphore(%run_scoped3A_736 : memref<!tpu.dma_semaphore, #tpu.memory_space<semaphore_mem>>) src(%arg17 : memref<8x128xf32, #tpu.memory_space<vmem>>) dst(%dma_wait3A_744 : memref<8x128xf32, #tpu.memory_space<vmem_shared>>)
        tpu.yield
      }) : () -> ()
      %add3A_44 = arith.constant 104 : i32
      %add3A_45 = arith.addi %mul3A_0, %add3A_44 : i32
      "tpu.region"() ({
        %run_scoped3A_736 = tpu.sem_alloc : memref<!tpu.dma_semaphore, #tpu.memory_space<semaphore_mem>>
        %dma_start3A_737 = arith.constant 0 : i32
        %dma_start3A_738 = tpu.memref_slice %arg23[%add3A_45, %dma_start3A_737] : memref<2048x128xf32, #tpu.memory_space<vmem_shared>> -> memref<8x128xf32, #tpu.memory_space<vmem_shared>>
        %dma_start3A_739 = arith.constant 0 : i32
        %dma_start3A_740 = tpu.memref_slice %arg23[%add3A_45, %dma_start3A_739] : memref<2048x128xf32, #tpu.memory_space<vmem_shared>> -> memref<8x128xf32, #tpu.memory_space<vmem_shared>>
        tpu.enqueue_dma source(%arg17 : memref<8x128xf32, #tpu.memory_space<vmem>>) target(%dma_start3A_740 : memref<8x128xf32, #tpu.memory_space<vmem_shared>>) target_semaphore(%run_scoped3A_736 : memref<!tpu.dma_semaphore, #tpu.memory_space<semaphore_mem>>)
        %dma_wait3A_741 = arith.constant 0 : i32
        %dma_wait3A_742 = tpu.memref_slice %arg23[%add3A_45, %dma_wait3A_741] : memref<2048x128xf32, #tpu.memory_space<vmem_shared>> -> memref<8x128xf32, #tpu.memory_space<vmem_shared>>
        %dma_wait3A_743 = arith.constant 0 : i32
        %dma_wait3A_744 = tpu.memref_slice %arg23[%add3A_45, %dma_wait3A_743] : memref<2048x128xf32, #tpu.memory_space<vmem_shared>> -> memref<8x128xf32, #tpu.memory_space<vmem_shared>>
        tpu.wait_dma2 semaphore(%run_scoped3A_736 : memref<!tpu.dma_semaphore, #tpu.memory_space<semaphore_mem>>) src(%arg17 : memref<8x128xf32, #tpu.memory_space<vmem>>) dst(%dma_wait3A_744 : memref<8x128xf32, #tpu.memory_space<vmem_shared>>)
        tpu.yield
      }) : () -> ()
      %add3A_46 = arith.constant 112 : i32
      %add3A_47 = arith.addi %mul3A_0, %add3A_46 : i32
      "tpu.region"() ({
        %run_scoped3A_736 = tpu.sem_alloc : memref<!tpu.dma_semaphore, #tpu.memory_space<semaphore_mem>>
        %dma_start3A_737 = arith.constant 0 : i32
        %dma_start3A_738 = tpu.memref_slice %arg23[%add3A_47, %dma_start3A_737] : memref<2048x128xf32, #tpu.memory_space<vmem_shared>> -> memref<8x128xf32, #tpu.memory_space<vmem_shared>>
        %dma_start3A_739 = arith.constant 0 : i32
        %dma_start3A_740 = tpu.memref_slice %arg23[%add3A_47, %dma_start3A_739] : memref<2048x128xf32, #tpu.memory_space<vmem_shared>> -> memref<8x128xf32, #tpu.memory_space<vmem_shared>>
        tpu.enqueue_dma source(%arg17 : memref<8x128xf32, #tpu.memory_space<vmem>>) target(%dma_start3A_740 : memref<8x128xf32, #tpu.memory_space<vmem_shared>>) target_semaphore(%run_scoped3A_736 : memref<!tpu.dma_semaphore, #tpu.memory_space<semaphore_mem>>)
        %dma_wait3A_741 = arith.constant 0 : i32
        %dma_wait3A_742 = tpu.memref_slice %arg23[%add3A_47, %dma_wait3A_741] : memref<2048x128xf32, #tpu.memory_space<vmem_shared>> -> memref<8x128xf32, #tpu.memory_space<vmem_shared>>
        %dma_wait3A_743 = arith.constant 0 : i32
        %dma_wait3A_744 = tpu.memref_slice %arg23[%add3A_47, %dma_wait3A_743] : memref<2048x128xf32, #tpu.memory_space<vmem_shared>> -> memref<8x128xf32, #tpu.memory_space<vmem_shared>>
        tpu.wait_dma2 semaphore(%run_scoped3A_736 : memref<!tpu.dma_semaphore, #tpu.memory_space<semaphore_mem>>) src(%arg17 : memref<8x128xf32, #tpu.memory_space<vmem>>) dst(%dma_wait3A_744 : memref<8x128xf32, #tpu.memory_space<vmem_shared>>)
        tpu.yield
      }) : () -> ()
      %add3A_48 = arith.constant 120 : i32
      %add3A_49 = arith.addi %mul3A_0, %add3A_48 : i32
      "tpu.region"() ({
        %run_scoped3A_736 = tpu.sem_alloc : memref<!tpu.dma_semaphore, #tpu.memory_space<semaphore_mem>>
        %dma_start3A_737 = arith.constant 0 : i32
        %dma_start3A_738 = tpu.memref_slice %arg23[%add3A_49, %dma_start3A_737] : memref<2048x128xf32, #tpu.memory_space<vmem_shared>> -> memref<8x128xf32, #tpu.memory_space<vmem_shared>>
        %dma_start3A_739 = arith.constant 0 : i32
        %dma_start3A_740 = tpu.memref_slice %arg23[%add3A_49, %dma_start3A_739] : memref<2048x128xf32, #tpu.memory_space<vmem_shared>> -> memref<8x128xf32, #tpu.memory_space<vmem_shared>>
        tpu.enqueue_dma source(%arg17 : memref<8x128xf32, #tpu.memory_space<vmem>>) target(%dma_start3A_740 : memref<8x128xf32, #tpu.memory_space<vmem_shared>>) target_semaphore(%run_scoped3A_736 : memref<!tpu.dma_semaphore, #tpu.memory_space<semaphore_mem>>)
        %dma_wait3A_741 = arith.constant 0 : i32
        %dma_wait3A_742 = tpu.memref_slice %arg23[%add3A_49, %dma_wait3A_741] : memref<2048x128xf32, #tpu.memory_space<vmem_shared>> -> memref<8x128xf32, #tpu.memory_space<vmem_shared>>
        %dma_wait3A_743 = arith.constant 0 : i32
        %dma_wait3A_744 = tpu.memref_slice %arg23[%add3A_49, %dma_wait3A_743] : memref<2048x128xf32, #tpu.memory_space<vmem_shared>> -> memref<8x128xf32, #tpu.memory_space<vmem_shared>>
        tpu.wait_dma2 semaphore(%run_scoped3A_736 : memref<!tpu.dma_semaphore, #tpu.memory_space<semaphore_mem>>) src(%arg17 : memref<8x128xf32, #tpu.memory_space<vmem>>) dst(%dma_wait3A_744 : memref<8x128xf32, #tpu.memory_space<vmem_shared>>)
        tpu.yield
      }) : () -> ()
      %eq3A_50 = arith.constant 0 : i32
      %eq3A_51 = arith.cmpi eq, %arg1, %eq3A_50 : i32
      %convert_element_type3A_52 = arith.extui %eq3A_51 : i1 to i32
      %cond3A_53 = arith.constant 0 : i32
      %cond3A_54 = arith.cmpi ne, %convert_element_type3A_52, %cond3A_53 : i32
      scf.if %cond3A_54 {
        "tpu.region"() ({
          %run_scoped3A_736 = tpu.sem_alloc : memref<!tpu.dma_semaphore, #tpu.memory_space<semaphore_mem>>
          %dma_start3A_737 = arith.constant 0 : i32
          %dma_start3A_738 = arith.constant 0 : i32
          %dma_start3A_739 = tpu.memref_slice %arg16[%dma_start3A_737, %dma_start3A_738] : memref<16x128xi32, #tpu.memory_space<vmem>> -> memref<8x128xi32, #tpu.memory_space<vmem>>
          %dma_start3A_740 = arith.constant 0 : i32
          %dma_start3A_741 = arith.constant 0 : i32
          %dma_start3A_742 = tpu.memref_slice %arg24[%dma_start3A_740, %dma_start3A_741] : memref<16x128xi32, #tpu.memory_space<vmem_shared>> -> memref<8x128xi32, #tpu.memory_space<vmem_shared>>
          %dma_start3A_743 = arith.constant 0 : i32
          %dma_start3A_744 = arith.constant 0 : i32
          %dma_start3A_745 = tpu.memref_slice %arg24[%dma_start3A_743, %dma_start3A_744] : memref<16x128xi32, #tpu.memory_space<vmem_shared>> -> memref<8x128xi32, #tpu.memory_space<vmem_shared>>
          %dma_start3A_746 = arith.constant 0 : i32
          %dma_start3A_747 = arith.constant 0 : i32
          %dma_start3A_748 = tpu.memref_slice %arg16[%dma_start3A_746, %dma_start3A_747] : memref<16x128xi32, #tpu.memory_space<vmem>> -> memref<8x128xi32, #tpu.memory_space<vmem>>
          tpu.enqueue_dma source(%dma_start3A_748 : memref<8x128xi32, #tpu.memory_space<vmem>>) target(%dma_start3A_745 : memref<8x128xi32, #tpu.memory_space<vmem_shared>>) target_semaphore(%run_scoped3A_736 : memref<!tpu.dma_semaphore, #tpu.memory_space<semaphore_mem>>)
          %dma_wait3A_749 = arith.constant 0 : i32
          %dma_wait3A_750 = arith.constant 0 : i32
          %dma_wait3A_751 = tpu.memref_slice %arg16[%dma_wait3A_749, %dma_wait3A_750] : memref<16x128xi32, #tpu.memory_space<vmem>> -> memref<8x128xi32, #tpu.memory_space<vmem>>
          %dma_wait3A_752 = arith.constant 0 : i32
          %dma_wait3A_753 = arith.constant 0 : i32
          %dma_wait3A_754 = tpu.memref_slice %arg24[%dma_wait3A_752, %dma_wait3A_753] : memref<16x128xi32, #tpu.memory_space<vmem_shared>> -> memref<8x128xi32, #tpu.memory_space<vmem_shared>>
          %dma_wait3A_755 = arith.constant 0 : i32
          %dma_wait3A_756 = arith.constant 0 : i32
          %dma_wait3A_757 = tpu.memref_slice %arg24[%dma_wait3A_755, %dma_wait3A_756] : memref<16x128xi32, #tpu.memory_space<vmem_shared>> -> memref<8x128xi32, #tpu.memory_space<vmem_shared>>
          %dma_wait3A_758 = arith.constant 0 : i32
          %dma_wait3A_759 = arith.constant 0 : i32
          %dma_wait3A_760 = tpu.memref_slice %arg16[%dma_wait3A_758, %dma_wait3A_759] : memref<16x128xi32, #tpu.memory_space<vmem>> -> memref<8x128xi32, #tpu.memory_space<vmem>>
          tpu.wait_dma2 semaphore(%run_scoped3A_736 : memref<!tpu.dma_semaphore, #tpu.memory_space<semaphore_mem>>) src(%dma_wait3A_760 : memref<8x128xi32, #tpu.memory_space<vmem>>) dst(%dma_wait3A_757 : memref<8x128xi32, #tpu.memory_space<vmem_shared>>)
          tpu.yield
        }) : () -> ()
        "tpu.region"() ({
          %run_scoped3A_736 = tpu.sem_alloc : memref<!tpu.dma_semaphore, #tpu.memory_space<semaphore_mem>>
          %dma_start3A_737 = arith.constant 0 : i32
          %dma_start3A_738 = arith.constant 0 : i32
          %dma_start3A_739 = tpu.memref_slice %arg16[%dma_start3A_737, %dma_start3A_738] : memref<16x128xi32, #tpu.memory_space<vmem>> -> memref<8x128xi32, #tpu.memory_space<vmem>>
          %dma_start3A_740 = arith.constant 8 : i32
          %dma_start3A_741 = arith.constant 0 : i32
          %dma_start3A_742 = tpu.memref_slice %arg24[%dma_start3A_740, %dma_start3A_741] : memref<16x128xi32, #tpu.memory_space<vmem_shared>> -> memref<8x128xi32, #tpu.memory_space<vmem_shared>>
          %dma_start3A_743 = arith.constant 8 : i32
          %dma_start3A_744 = arith.constant 0 : i32
          %dma_start3A_745 = tpu.memref_slice %arg24[%dma_start3A_743, %dma_start3A_744] : memref<16x128xi32, #tpu.memory_space<vmem_shared>> -> memref<8x128xi32, #tpu.memory_space<vmem_shared>>
          %dma_start3A_746 = arith.constant 0 : i32
          %dma_start3A_747 = arith.constant 0 : i32
          %dma_start3A_748 = tpu.memref_slice %arg16[%dma_start3A_746, %dma_start3A_747] : memref<16x128xi32, #tpu.memory_space<vmem>> -> memref<8x128xi32, #tpu.memory_space<vmem>>
          tpu.enqueue_dma source(%dma_start3A_748 : memref<8x128xi32, #tpu.memory_space<vmem>>) target(%dma_start3A_745 : memref<8x128xi32, #tpu.memory_space<vmem_shared>>) target_semaphore(%run_scoped3A_736 : memref<!tpu.dma_semaphore, #tpu.memory_space<semaphore_mem>>)
          %dma_wait3A_749 = arith.constant 0 : i32
          %dma_wait3A_750 = arith.constant 0 : i32
          %dma_wait3A_751 = tpu.memref_slice %arg16[%dma_wait3A_749, %dma_wait3A_750] : memref<16x128xi32, #tpu.memory_space<vmem>> -> memref<8x128xi32, #tpu.memory_space<vmem>>
          %dma_wait3A_752 = arith.constant 8 : i32
          %dma_wait3A_753 = arith.constant 0 : i32
          %dma_wait3A_754 = tpu.memref_slice %arg24[%dma_wait3A_752, %dma_wait3A_753] : memref<16x128xi32, #tpu.memory_space<vmem_shared>> -> memref<8x128xi32, #tpu.memory_space<vmem_shared>>
          %dma_wait3A_755 = arith.constant 8 : i32
          %dma_wait3A_756 = arith.constant 0 : i32
          %dma_wait3A_757 = tpu.memref_slice %arg24[%dma_wait3A_755, %dma_wait3A_756] : memref<16x128xi32, #tpu.memory_space<vmem_shared>> -> memref<8x128xi32, #tpu.memory_space<vmem_shared>>
          %dma_wait3A_758 = arith.constant 0 : i32
          %dma_wait3A_759 = arith.constant 0 : i32
          %dma_wait3A_760 = tpu.memref_slice %arg16[%dma_wait3A_758, %dma_wait3A_759] : memref<16x128xi32, #tpu.memory_space<vmem>> -> memref<8x128xi32, #tpu.memory_space<vmem>>
          tpu.wait_dma2 semaphore(%run_scoped3A_736 : memref<!tpu.dma_semaphore, #tpu.memory_space<semaphore_mem>>) src(%dma_wait3A_760 : memref<8x128xi32, #tpu.memory_space<vmem>>) dst(%dma_wait3A_757 : memref<8x128xi32, #tpu.memory_space<vmem_shared>>)
          tpu.yield
        }) : () -> ()
      } else {
      }
      %mul3A_55 = arith.constant 2048 : i32
      %mul3A_56 = arith.muli %arg1, %mul3A_55 : i32
      %add3A_57 = arith.constant 0 : i32
      %add3A_58 = arith.addi %mul3A_56, %add3A_57 : i32
      %run_scoped3A = arith.constant 0 : i32
      "tpu.region"() ({
        %run_scoped3A_736 = tpu.sem_alloc : memref<!tpu.dma_semaphore, #tpu.memory_space<semaphore_mem>>
        %dma_start3A_737 = arith.constant 0 : i32
        %dma_start3A_738 = tpu.memref_slice %arg15[%run_scoped3A, %dma_start3A_737] : memref<16x128xi32, #tpu.memory_space<vmem>> -> memref<1x128xi32, #tpu.memory_space<vmem>>
        %dma_start3A_739 = tpu.memref_squeeze %dma_start3A_738 : memref<1x128xi32, #tpu.memory_space<vmem>> -> memref<128xi32, #tpu.memory_space<vmem>>
        %dma_start3A_740 = tpu.memref_slice %arg3[%add3A_58] : memref<32768xi32, #tpu.memory_space<hbm>> -> memref<128xi32, #tpu.memory_space<hbm>>
        %dma_start3A_741 = arith.constant 0 : i32
        %dma_start3A_742 = tpu.memref_slice %arg15[%run_scoped3A, %dma_start3A_741] : memref<16x128xi32, #tpu.memory_space<vmem>> -> memref<1x128xi32, #tpu.memory_space<vmem>>
        %dma_start3A_743 = tpu.memref_squeeze %dma_start3A_742 : memref<1x128xi32, #tpu.memory_space<vmem>> -> memref<128xi32, #tpu.memory_space<vmem>>
        %dma_start3A_744 = tpu.memref_slice %arg3[%add3A_58] : memref<32768xi32, #tpu.memory_space<hbm>> -> memref<128xi32, #tpu.memory_space<hbm>>
        tpu.enqueue_dma source(%dma_start3A_744 : memref<128xi32, #tpu.memory_space<hbm>>) target(%dma_start3A_743 : memref<128xi32, #tpu.memory_space<vmem>>) target_semaphore(%run_scoped3A_736 : memref<!tpu.dma_semaphore, #tpu.memory_space<semaphore_mem>>)
        %dma_wait3A_745 = arith.constant 0 : i32
        %dma_wait3A_746 = tpu.memref_slice %arg15[%run_scoped3A, %dma_wait3A_745] : memref<16x128xi32, #tpu.memory_space<vmem>> -> memref<1x128xi32, #tpu.memory_space<vmem>>
        %dma_wait3A_747 = tpu.memref_squeeze %dma_wait3A_746 : memref<1x128xi32, #tpu.memory_space<vmem>> -> memref<128xi32, #tpu.memory_space<vmem>>
        %dma_wait3A_748 = tpu.memref_slice %arg3[%add3A_58] : memref<32768xi32, #tpu.memory_space<hbm>> -> memref<128xi32, #tpu.memory_space<hbm>>
        %dma_wait3A_749 = arith.constant 0 : i32
        %dma_wait3A_750 = tpu.memref_slice %arg15[%run_scoped3A, %dma_wait3A_749] : memref<16x128xi32, #tpu.memory_space<vmem>> -> memref<1x128xi32, #tpu.memory_space<vmem>>
        %dma_wait3A_751 = tpu.memref_squeeze %dma_wait3A_750 : memref<1x128xi32, #tpu.memory_space<vmem>> -> memref<128xi32, #tpu.memory_space<vmem>>
        %dma_wait3A_752 = tpu.memref_slice %arg3[%add3A_58] : memref<32768xi32, #tpu.memory_space<hbm>> -> memref<128xi32, #tpu.memory_space<hbm>>
        tpu.wait_dma2 semaphore(%run_scoped3A_736 : memref<!tpu.dma_semaphore, #tpu.memory_space<semaphore_mem>>) src(%dma_wait3A_752 : memref<128xi32, #tpu.memory_space<hbm>>) dst(%dma_wait3A_751 : memref<128xi32, #tpu.memory_space<vmem>>)
        tpu.yield
      }) : () -> ()
      %mul3A_59 = arith.constant 2048 : i32
      %mul3A_60 = arith.muli %arg1, %mul3A_59 : i32
      %add3A_61 = arith.constant 128 : i32
      %add3A_62 = arith.addi %mul3A_60, %add3A_61 : i32
      %run_scoped3A_63 = arith.constant 1 : i32
      "tpu.region"() ({
        %run_scoped3A_736 = tpu.sem_alloc : memref<!tpu.dma_semaphore, #tpu.memory_space<semaphore_mem>>
        %dma_start3A_737 = arith.constant 0 : i32
        %dma_start3A_738 = tpu.memref_slice %arg15[%run_scoped3A_63, %dma_start3A_737] : memref<16x128xi32, #tpu.memory_space<vmem>> -> memref<1x128xi32, #tpu.memory_space<vmem>>
        %dma_start3A_739 = tpu.memref_squeeze %dma_start3A_738 : memref<1x128xi32, #tpu.memory_space<vmem>> -> memref<128xi32, #tpu.memory_space<vmem>>
        %dma_start3A_740 = tpu.memref_slice %arg3[%add3A_62] : memref<32768xi32, #tpu.memory_space<hbm>> -> memref<128xi32, #tpu.memory_space<hbm>>
        %dma_start3A_741 = arith.constant 0 : i32
        %dma_start3A_742 = tpu.memref_slice %arg15[%run_scoped3A_63, %dma_start3A_741] : memref<16x128xi32, #tpu.memory_space<vmem>> -> memref<1x128xi32, #tpu.memory_space<vmem>>
        %dma_start3A_743 = tpu.memref_squeeze %dma_start3A_742 : memref<1x128xi32, #tpu.memory_space<vmem>> -> memref<128xi32, #tpu.memory_space<vmem>>
        %dma_start3A_744 = tpu.memref_slice %arg3[%add3A_62] : memref<32768xi32, #tpu.memory_space<hbm>> -> memref<128xi32, #tpu.memory_space<hbm>>
        tpu.enqueue_dma source(%dma_start3A_744 : memref<128xi32, #tpu.memory_space<hbm>>) target(%dma_start3A_743 : memref<128xi32, #tpu.memory_space<vmem>>) target_semaphore(%run_scoped3A_736 : memref<!tpu.dma_semaphore, #tpu.memory_space<semaphore_mem>>)
        %dma_wait3A_745 = arith.constant 0 : i32
        %dma_wait3A_746 = tpu.memref_slice %arg15[%run_scoped3A_63, %dma_wait3A_745] : memref<16x128xi32, #tpu.memory_space<vmem>> -> memref<1x128xi32, #tpu.memory_space<vmem>>
        %dma_wait3A_747 = tpu.memref_squeeze %dma_wait3A_746 : memref<1x128xi32, #tpu.memory_space<vmem>> -> memref<128xi32, #tpu.memory_space<vmem>>
        %dma_wait3A_748 = tpu.memref_slice %arg3[%add3A_62] : memref<32768xi32, #tpu.memory_space<hbm>> -> memref<128xi32, #tpu.memory_space<hbm>>
        %dma_wait3A_749 = arith.constant 0 : i32
        %dma_wait3A_750 = tpu.memref_slice %arg15[%run_scoped3A_63, %dma_wait3A_749] : memref<16x128xi32, #tpu.memory_space<vmem>> -> memref<1x128xi32, #tpu.memory_space<vmem>>
        %dma_wait3A_751 = tpu.memref_squeeze %dma_wait3A_750 : memref<1x128xi32, #tpu.memory_space<vmem>> -> memref<128xi32, #tpu.memory_space<vmem>>
        %dma_wait3A_752 = tpu.memref_slice %arg3[%add3A_62] : memref<32768xi32, #tpu.memory_space<hbm>> -> memref<128xi32, #tpu.memory_space<hbm>>
        tpu.wait_dma2 semaphore(%run_scoped3A_736 : memref<!tpu.dma_semaphore, #tpu.memory_space<semaphore_mem>>) src(%dma_wait3A_752 : memref<128xi32, #tpu.memory_space<hbm>>) dst(%dma_wait3A_751 : memref<128xi32, #tpu.memory_space<vmem>>)
        tpu.yield
      }) : () -> ()
      %mul3A_64 = arith.constant 2048 : i32
      %mul3A_65 = arith.muli %arg1, %mul3A_64 : i32
      %add3A_66 = arith.constant 256 : i32
      %add3A_67 = arith.addi %mul3A_65, %add3A_66 : i32
      %run_scoped3A_68 = arith.constant 2 : i32
      "tpu.region"() ({
        %run_scoped3A_736 = tpu.sem_alloc : memref<!tpu.dma_semaphore, #tpu.memory_space<semaphore_mem>>
        %dma_start3A_737 = arith.constant 0 : i32
        %dma_start3A_738 = tpu.memref_slice %arg15[%run_scoped3A_68, %dma_start3A_737] : memref<16x128xi32, #tpu.memory_space<vmem>> -> memref<1x128xi32, #tpu.memory_space<vmem>>
        %dma_start3A_739 = tpu.memref_squeeze %dma_start3A_738 : memref<1x128xi32, #tpu.memory_space<vmem>> -> memref<128xi32, #tpu.memory_space<vmem>>
        %dma_start3A_740 = tpu.memref_slice %arg3[%add3A_67] : memref<32768xi32, #tpu.memory_space<hbm>> -> memref<128xi32, #tpu.memory_space<hbm>>
        %dma_start3A_741 = arith.constant 0 : i32
        %dma_start3A_742 = tpu.memref_slice %arg15[%run_scoped3A_68, %dma_start3A_741] : memref<16x128xi32, #tpu.memory_space<vmem>> -> memref<1x128xi32, #tpu.memory_space<vmem>>
        %dma_start3A_743 = tpu.memref_squeeze %dma_start3A_742 : memref<1x128xi32, #tpu.memory_space<vmem>> -> memref<128xi32, #tpu.memory_space<vmem>>
        %dma_start3A_744 = tpu.memref_slice %arg3[%add3A_67] : memref<32768xi32, #tpu.memory_space<hbm>> -> memref<128xi32, #tpu.memory_space<hbm>>
        tpu.enqueue_dma source(%dma_start3A_744 : memref<128xi32, #tpu.memory_space<hbm>>) target(%dma_start3A_743 : memref<128xi32, #tpu.memory_space<vmem>>) target_semaphore(%run_scoped3A_736 : memref<!tpu.dma_semaphore, #tpu.memory_space<semaphore_mem>>)
        %dma_wait3A_745 = arith.constant 0 : i32
        %dma_wait3A_746 = tpu.memref_slice %arg15[%run_scoped3A_68, %dma_wait3A_745] : memref<16x128xi32, #tpu.memory_space<vmem>> -> memref<1x128xi32, #tpu.memory_space<vmem>>
        %dma_wait3A_747 = tpu.memref_squeeze %dma_wait3A_746 : memref<1x128xi32, #tpu.memory_space<vmem>> -> memref<128xi32, #tpu.memory_space<vmem>>
        %dma_wait3A_748 = tpu.memref_slice %arg3[%add3A_67] : memref<32768xi32, #tpu.memory_space<hbm>> -> memref<128xi32, #tpu.memory_space<hbm>>
        %dma_wait3A_749 = arith.constant 0 : i32
        %dma_wait3A_750 = tpu.memref_slice %arg15[%run_scoped3A_68, %dma_wait3A_749] : memref<16x128xi32, #tpu.memory_space<vmem>> -> memref<1x128xi32, #tpu.memory_space<vmem>>
        %dma_wait3A_751 = tpu.memref_squeeze %dma_wait3A_750 : memref<1x128xi32, #tpu.memory_space<vmem>> -> memref<128xi32, #tpu.memory_space<vmem>>
        %dma_wait3A_752 = tpu.memref_slice %arg3[%add3A_67] : memref<32768xi32, #tpu.memory_space<hbm>> -> memref<128xi32, #tpu.memory_space<hbm>>
        tpu.wait_dma2 semaphore(%run_scoped3A_736 : memref<!tpu.dma_semaphore, #tpu.memory_space<semaphore_mem>>) src(%dma_wait3A_752 : memref<128xi32, #tpu.memory_space<hbm>>) dst(%dma_wait3A_751 : memref<128xi32, #tpu.memory_space<vmem>>)
        tpu.yield
      }) : () -> ()
      %mul3A_69 = arith.constant 2048 : i32
      %mul3A_70 = arith.muli %arg1, %mul3A_69 : i32
      %add3A_71 = arith.constant 384 : i32
      %add3A_72 = arith.addi %mul3A_70, %add3A_71 : i32
      %run_scoped3A_73 = arith.constant 3 : i32
      "tpu.region"() ({
        %run_scoped3A_736 = tpu.sem_alloc : memref<!tpu.dma_semaphore, #tpu.memory_space<semaphore_mem>>
        %dma_start3A_737 = arith.constant 0 : i32
        %dma_start3A_738 = tpu.memref_slice %arg15[%run_scoped3A_73, %dma_start3A_737] : memref<16x128xi32, #tpu.memory_space<vmem>> -> memref<1x128xi32, #tpu.memory_space<vmem>>
        %dma_start3A_739 = tpu.memref_squeeze %dma_start3A_738 : memref<1x128xi32, #tpu.memory_space<vmem>> -> memref<128xi32, #tpu.memory_space<vmem>>
        %dma_start3A_740 = tpu.memref_slice %arg3[%add3A_72] : memref<32768xi32, #tpu.memory_space<hbm>> -> memref<128xi32, #tpu.memory_space<hbm>>
        %dma_start3A_741 = arith.constant 0 : i32
        %dma_start3A_742 = tpu.memref_slice %arg15[%run_scoped3A_73, %dma_start3A_741] : memref<16x128xi32, #tpu.memory_space<vmem>> -> memref<1x128xi32, #tpu.memory_space<vmem>>
        %dma_start3A_743 = tpu.memref_squeeze %dma_start3A_742 : memref<1x128xi32, #tpu.memory_space<vmem>> -> memref<128xi32, #tpu.memory_space<vmem>>
        %dma_start3A_744 = tpu.memref_slice %arg3[%add3A_72] : memref<32768xi32, #tpu.memory_space<hbm>> -> memref<128xi32, #tpu.memory_space<hbm>>
        tpu.enqueue_dma source(%dma_start3A_744 : memref<128xi32, #tpu.memory_space<hbm>>) target(%dma_start3A_743 : memref<128xi32, #tpu.memory_space<vmem>>) target_semaphore(%run_scoped3A_736 : memref<!tpu.dma_semaphore, #tpu.memory_space<semaphore_mem>>)
        %dma_wait3A_745 = arith.constant 0 : i32
        %dma_wait3A_746 = tpu.memref_slice %arg15[%run_scoped3A_73, %dma_wait3A_745] : memref<16x128xi32, #tpu.memory_space<vmem>> -> memref<1x128xi32, #tpu.memory_space<vmem>>
        %dma_wait3A_747 = tpu.memref_squeeze %dma_wait3A_746 : memref<1x128xi32, #tpu.memory_space<vmem>> -> memref<128xi32, #tpu.memory_space<vmem>>
        %dma_wait3A_748 = tpu.memref_slice %arg3[%add3A_72] : memref<32768xi32, #tpu.memory_space<hbm>> -> memref<128xi32, #tpu.memory_space<hbm>>
        %dma_wait3A_749 = arith.constant 0 : i32
        %dma_wait3A_750 = tpu.memref_slice %arg15[%run_scoped3A_73, %dma_wait3A_749] : memref<16x128xi32, #tpu.memory_space<vmem>> -> memref<1x128xi32, #tpu.memory_space<vmem>>
        %dma_wait3A_751 = tpu.memref_squeeze %dma_wait3A_750 : memref<1x128xi32, #tpu.memory_space<vmem>> -> memref<128xi32, #tpu.memory_space<vmem>>
        %dma_wait3A_752 = tpu.memref_slice %arg3[%add3A_72] : memref<32768xi32, #tpu.memory_space<hbm>> -> memref<128xi32, #tpu.memory_space<hbm>>
        tpu.wait_dma2 semaphore(%run_scoped3A_736 : memref<!tpu.dma_semaphore, #tpu.memory_space<semaphore_mem>>) src(%dma_wait3A_752 : memref<128xi32, #tpu.memory_space<hbm>>) dst(%dma_wait3A_751 : memref<128xi32, #tpu.memory_space<vmem>>)
        tpu.yield
      }) : () -> ()
      %mul3A_74 = arith.constant 2048 : i32
      %mul3A_75 = arith.muli %arg1, %mul3A_74 : i32
      %add3A_76 = arith.constant 512 : i32
      %add3A_77 = arith.addi %mul3A_75, %add3A_76 : i32
      %run_scoped3A_78 = arith.constant 4 : i32
      "tpu.region"() ({
        %run_scoped3A_736 = tpu.sem_alloc : memref<!tpu.dma_semaphore, #tpu.memory_space<semaphore_mem>>
        %dma_start3A_737 = arith.constant 0 : i32
        %dma_start3A_738 = tpu.memref_slice %arg15[%run_scoped3A_78, %dma_start3A_737] : memref<16x128xi32, #tpu.memory_space<vmem>> -> memref<1x128xi32, #tpu.memory_space<vmem>>
        %dma_start3A_739 = tpu.memref_squeeze %dma_start3A_738 : memref<1x128xi32, #tpu.memory_space<vmem>> -> memref<128xi32, #tpu.memory_space<vmem>>
        %dma_start3A_740 = tpu.memref_slice %arg3[%add3A_77] : memref<32768xi32, #tpu.memory_space<hbm>> -> memref<128xi32, #tpu.memory_space<hbm>>
        %dma_start3A_741 = arith.constant 0 : i32
        %dma_start3A_742 = tpu.memref_slice %arg15[%run_scoped3A_78, %dma_start3A_741] : memref<16x128xi32, #tpu.memory_space<vmem>> -> memref<1x128xi32, #tpu.memory_space<vmem>>
        %dma_start3A_743 = tpu.memref_squeeze %dma_start3A_742 : memref<1x128xi32, #tpu.memory_space<vmem>> -> memref<128xi32, #tpu.memory_space<vmem>>
        %dma_start3A_744 = tpu.memref_slice %arg3[%add3A_77] : memref<32768xi32, #tpu.memory_space<hbm>> -> memref<128xi32, #tpu.memory_space<hbm>>
        tpu.enqueue_dma source(%dma_start3A_744 : memref<128xi32, #tpu.memory_space<hbm>>) target(%dma_start3A_743 : memref<128xi32, #tpu.memory_space<vmem>>) target_semaphore(%run_scoped3A_736 : memref<!tpu.dma_semaphore, #tpu.memory_space<semaphore_mem>>)
        %dma_wait3A_745 = arith.constant 0 : i32
        %dma_wait3A_746 = tpu.memref_slice %arg15[%run_scoped3A_78, %dma_wait3A_745] : memref<16x128xi32, #tpu.memory_space<vmem>> -> memref<1x128xi32, #tpu.memory_space<vmem>>
        %dma_wait3A_747 = tpu.memref_squeeze %dma_wait3A_746 : memref<1x128xi32, #tpu.memory_space<vmem>> -> memref<128xi32, #tpu.memory_space<vmem>>
        %dma_wait3A_748 = tpu.memref_slice %arg3[%add3A_77] : memref<32768xi32, #tpu.memory_space<hbm>> -> memref<128xi32, #tpu.memory_space<hbm>>
        %dma_wait3A_749 = arith.constant 0 : i32
        %dma_wait3A_750 = tpu.memref_slice %arg15[%run_scoped3A_78, %dma_wait3A_749] : memref<16x128xi32, #tpu.memory_space<vmem>> -> memref<1x128xi32, #tpu.memory_space<vmem>>
        %dma_wait3A_751 = tpu.memref_squeeze %dma_wait3A_750 : memref<1x128xi32, #tpu.memory_space<vmem>> -> memref<128xi32, #tpu.memory_space<vmem>>
        %dma_wait3A_752 = tpu.memref_slice %arg3[%add3A_77] : memref<32768xi32, #tpu.memory_space<hbm>> -> memref<128xi32, #tpu.memory_space<hbm>>
        tpu.wait_dma2 semaphore(%run_scoped3A_736 : memref<!tpu.dma_semaphore, #tpu.memory_space<semaphore_mem>>) src(%dma_wait3A_752 : memref<128xi32, #tpu.memory_space<hbm>>) dst(%dma_wait3A_751 : memref<128xi32, #tpu.memory_space<vmem>>)
        tpu.yield
      }) : () -> ()
      %mul3A_79 = arith.constant 2048 : i32
      %mul3A_80 = arith.muli %arg1, %mul3A_79 : i32
      %add3A_81 = arith.constant 640 : i32
      %add3A_82 = arith.addi %mul3A_80, %add3A_81 : i32
      %run_scoped3A_83 = arith.constant 5 : i32
      "tpu.region"() ({
        %run_scoped3A_736 = tpu.sem_alloc : memref<!tpu.dma_semaphore, #tpu.memory_space<semaphore_mem>>
        %dma_start3A_737 = arith.constant 0 : i32
        %dma_start3A_738 = tpu.memref_slice %arg15[%run_scoped3A_83, %dma_start3A_737] : memref<16x128xi32, #tpu.memory_space<vmem>> -> memref<1x128xi32, #tpu.memory_space<vmem>>
        %dma_start3A_739 = tpu.memref_squeeze %dma_start3A_738 : memref<1x128xi32, #tpu.memory_space<vmem>> -> memref<128xi32, #tpu.memory_space<vmem>>
        %dma_start3A_740 = tpu.memref_slice %arg3[%add3A_82] : memref<32768xi32, #tpu.memory_space<hbm>> -> memref<128xi32, #tpu.memory_space<hbm>>
        %dma_start3A_741 = arith.constant 0 : i32
        %dma_start3A_742 = tpu.memref_slice %arg15[%run_scoped3A_83, %dma_start3A_741] : memref<16x128xi32, #tpu.memory_space<vmem>> -> memref<1x128xi32, #tpu.memory_space<vmem>>
        %dma_start3A_743 = tpu.memref_squeeze %dma_start3A_742 : memref<1x128xi32, #tpu.memory_space<vmem>> -> memref<128xi32, #tpu.memory_space<vmem>>
        %dma_start3A_744 = tpu.memref_slice %arg3[%add3A_82] : memref<32768xi32, #tpu.memory_space<hbm>> -> memref<128xi32, #tpu.memory_space<hbm>>
        tpu.enqueue_dma source(%dma_start3A_744 : memref<128xi32, #tpu.memory_space<hbm>>) target(%dma_start3A_743 : memref<128xi32, #tpu.memory_space<vmem>>) target_semaphore(%run_scoped3A_736 : memref<!tpu.dma_semaphore, #tpu.memory_space<semaphore_mem>>)
        %dma_wait3A_745 = arith.constant 0 : i32
        %dma_wait3A_746 = tpu.memref_slice %arg15[%run_scoped3A_83, %dma_wait3A_745] : memref<16x128xi32, #tpu.memory_space<vmem>> -> memref<1x128xi32, #tpu.memory_space<vmem>>
        %dma_wait3A_747 = tpu.memref_squeeze %dma_wait3A_746 : memref<1x128xi32, #tpu.memory_space<vmem>> -> memref<128xi32, #tpu.memory_space<vmem>>
        %dma_wait3A_748 = tpu.memref_slice %arg3[%add3A_82] : memref<32768xi32, #tpu.memory_space<hbm>> -> memref<128xi32, #tpu.memory_space<hbm>>
        %dma_wait3A_749 = arith.constant 0 : i32
        %dma_wait3A_750 = tpu.memref_slice %arg15[%run_scoped3A_83, %dma_wait3A_749] : memref<16x128xi32, #tpu.memory_space<vmem>> -> memref<1x128xi32, #tpu.memory_space<vmem>>
        %dma_wait3A_751 = tpu.memref_squeeze %dma_wait3A_750 : memref<1x128xi32, #tpu.memory_space<vmem>> -> memref<128xi32, #tpu.memory_space<vmem>>
        %dma_wait3A_752 = tpu.memref_slice %arg3[%add3A_82] : memref<32768xi32, #tpu.memory_space<hbm>> -> memref<128xi32, #tpu.memory_space<hbm>>
        tpu.wait_dma2 semaphore(%run_scoped3A_736 : memref<!tpu.dma_semaphore, #tpu.memory_space<semaphore_mem>>) src(%dma_wait3A_752 : memref<128xi32, #tpu.memory_space<hbm>>) dst(%dma_wait3A_751 : memref<128xi32, #tpu.memory_space<vmem>>)
        tpu.yield
      }) : () -> ()
      %mul3A_84 = arith.constant 2048 : i32
      %mul3A_85 = arith.muli %arg1, %mul3A_84 : i32
      %add3A_86 = arith.constant 768 : i32
      %add3A_87 = arith.addi %mul3A_85, %add3A_86 : i32
      %run_scoped3A_88 = arith.constant 6 : i32
      "tpu.region"() ({
        %run_scoped3A_736 = tpu.sem_alloc : memref<!tpu.dma_semaphore, #tpu.memory_space<semaphore_mem>>
        %dma_start3A_737 = arith.constant 0 : i32
        %dma_start3A_738 = tpu.memref_slice %arg15[%run_scoped3A_88, %dma_start3A_737] : memref<16x128xi32, #tpu.memory_space<vmem>> -> memref<1x128xi32, #tpu.memory_space<vmem>>
        %dma_start3A_739 = tpu.memref_squeeze %dma_start3A_738 : memref<1x128xi32, #tpu.memory_space<vmem>> -> memref<128xi32, #tpu.memory_space<vmem>>
        %dma_start3A_740 = tpu.memref_slice %arg3[%add3A_87] : memref<32768xi32, #tpu.memory_space<hbm>> -> memref<128xi32, #tpu.memory_space<hbm>>
        %dma_start3A_741 = arith.constant 0 : i32
        %dma_start3A_742 = tpu.memref_slice %arg15[%run_scoped3A_88, %dma_start3A_741] : memref<16x128xi32, #tpu.memory_space<vmem>> -> memref<1x128xi32, #tpu.memory_space<vmem>>
        %dma_start3A_743 = tpu.memref_squeeze %dma_start3A_742 : memref<1x128xi32, #tpu.memory_space<vmem>> -> memref<128xi32, #tpu.memory_space<vmem>>
        %dma_start3A_744 = tpu.memref_slice %arg3[%add3A_87] : memref<32768xi32, #tpu.memory_space<hbm>> -> memref<128xi32, #tpu.memory_space<hbm>>
        tpu.enqueue_dma source(%dma_start3A_744 : memref<128xi32, #tpu.memory_space<hbm>>) target(%dma_start3A_743 : memref<128xi32, #tpu.memory_space<vmem>>) target_semaphore(%run_scoped3A_736 : memref<!tpu.dma_semaphore, #tpu.memory_space<semaphore_mem>>)
        %dma_wait3A_745 = arith.constant 0 : i32
        %dma_wait3A_746 = tpu.memref_slice %arg15[%run_scoped3A_88, %dma_wait3A_745] : memref<16x128xi32, #tpu.memory_space<vmem>> -> memref<1x128xi32, #tpu.memory_space<vmem>>
        %dma_wait3A_747 = tpu.memref_squeeze %dma_wait3A_746 : memref<1x128xi32, #tpu.memory_space<vmem>> -> memref<128xi32, #tpu.memory_space<vmem>>
        %dma_wait3A_748 = tpu.memref_slice %arg3[%add3A_87] : memref<32768xi32, #tpu.memory_space<hbm>> -> memref<128xi32, #tpu.memory_space<hbm>>
        %dma_wait3A_749 = arith.constant 0 : i32
        %dma_wait3A_750 = tpu.memref_slice %arg15[%run_scoped3A_88, %dma_wait3A_749] : memref<16x128xi32, #tpu.memory_space<vmem>> -> memref<1x128xi32, #tpu.memory_space<vmem>>
        %dma_wait3A_751 = tpu.memref_squeeze %dma_wait3A_750 : memref<1x128xi32, #tpu.memory_space<vmem>> -> memref<128xi32, #tpu.memory_space<vmem>>
        %dma_wait3A_752 = tpu.memref_slice %arg3[%add3A_87] : memref<32768xi32, #tpu.memory_space<hbm>> -> memref<128xi32, #tpu.memory_space<hbm>>
        tpu.wait_dma2 semaphore(%run_scoped3A_736 : memref<!tpu.dma_semaphore, #tpu.memory_space<semaphore_mem>>) src(%dma_wait3A_752 : memref<128xi32, #tpu.memory_space<hbm>>) dst(%dma_wait3A_751 : memref<128xi32, #tpu.memory_space<vmem>>)
        tpu.yield
      }) : () -> ()
      %mul3A_89 = arith.constant 2048 : i32
      %mul3A_90 = arith.muli %arg1, %mul3A_89 : i32
      %add3A_91 = arith.constant 896 : i32
      %add3A_92 = arith.addi %mul3A_90, %add3A_91 : i32
      %run_scoped3A_93 = arith.constant 7 : i32
      "tpu.region"() ({
        %run_scoped3A_736 = tpu.sem_alloc : memref<!tpu.dma_semaphore, #tpu.memory_space<semaphore_mem>>
        %dma_start3A_737 = arith.constant 0 : i32
        %dma_start3A_738 = tpu.memref_slice %arg15[%run_scoped3A_93, %dma_start3A_737] : memref<16x128xi32, #tpu.memory_space<vmem>> -> memref<1x128xi32, #tpu.memory_space<vmem>>
        %dma_start3A_739 = tpu.memref_squeeze %dma_start3A_738 : memref<1x128xi32, #tpu.memory_space<vmem>> -> memref<128xi32, #tpu.memory_space<vmem>>
        %dma_start3A_740 = tpu.memref_slice %arg3[%add3A_92] : memref<32768xi32, #tpu.memory_space<hbm>> -> memref<128xi32, #tpu.memory_space<hbm>>
        %dma_start3A_741 = arith.constant 0 : i32
        %dma_start3A_742 = tpu.memref_slice %arg15[%run_scoped3A_93, %dma_start3A_741] : memref<16x128xi32, #tpu.memory_space<vmem>> -> memref<1x128xi32, #tpu.memory_space<vmem>>
        %dma_start3A_743 = tpu.memref_squeeze %dma_start3A_742 : memref<1x128xi32, #tpu.memory_space<vmem>> -> memref<128xi32, #tpu.memory_space<vmem>>
        %dma_start3A_744 = tpu.memref_slice %arg3[%add3A_92] : memref<32768xi32, #tpu.memory_space<hbm>> -> memref<128xi32, #tpu.memory_space<hbm>>
        tpu.enqueue_dma source(%dma_start3A_744 : memref<128xi32, #tpu.memory_space<hbm>>) target(%dma_start3A_743 : memref<128xi32, #tpu.memory_space<vmem>>) target_semaphore(%run_scoped3A_736 : memref<!tpu.dma_semaphore, #tpu.memory_space<semaphore_mem>>)
        %dma_wait3A_745 = arith.constant 0 : i32
        %dma_wait3A_746 = tpu.memref_slice %arg15[%run_scoped3A_93, %dma_wait3A_745] : memref<16x128xi32, #tpu.memory_space<vmem>> -> memref<1x128xi32, #tpu.memory_space<vmem>>
        %dma_wait3A_747 = tpu.memref_squeeze %dma_wait3A_746 : memref<1x128xi32, #tpu.memory_space<vmem>> -> memref<128xi32, #tpu.memory_space<vmem>>
        %dma_wait3A_748 = tpu.memref_slice %arg3[%add3A_92] : memref<32768xi32, #tpu.memory_space<hbm>> -> memref<128xi32, #tpu.memory_space<hbm>>
        %dma_wait3A_749 = arith.constant 0 : i32
        %dma_wait3A_750 = tpu.memref_slice %arg15[%run_scoped3A_93, %dma_wait3A_749] : memref<16x128xi32, #tpu.memory_space<vmem>> -> memref<1x128xi32, #tpu.memory_space<vmem>>
        %dma_wait3A_751 = tpu.memref_squeeze %dma_wait3A_750 : memref<1x128xi32, #tpu.memory_space<vmem>> -> memref<128xi32, #tpu.memory_space<vmem>>
        %dma_wait3A_752 = tpu.memref_slice %arg3[%add3A_92] : memref<32768xi32, #tpu.memory_space<hbm>> -> memref<128xi32, #tpu.memory_space<hbm>>
        tpu.wait_dma2 semaphore(%run_scoped3A_736 : memref<!tpu.dma_semaphore, #tpu.memory_space<semaphore_mem>>) src(%dma_wait3A_752 : memref<128xi32, #tpu.memory_space<hbm>>) dst(%dma_wait3A_751 : memref<128xi32, #tpu.memory_space<vmem>>)
        tpu.yield
      }) : () -> ()
      %mul3A_94 = arith.constant 2048 : i32
      %mul3A_95 = arith.muli %arg1, %mul3A_94 : i32
      %add3A_96 = arith.constant 1024 : i32
      %add3A_97 = arith.addi %mul3A_95, %add3A_96 : i32
      %run_scoped3A_98 = arith.constant 8 : i32
      "tpu.region"() ({
        %run_scoped3A_736 = tpu.sem_alloc : memref<!tpu.dma_semaphore, #tpu.memory_space<semaphore_mem>>
        %dma_start3A_737 = arith.constant 0 : i32
        %dma_start3A_738 = tpu.memref_slice %arg15[%run_scoped3A_98, %dma_start3A_737] : memref<16x128xi32, #tpu.memory_space<vmem>> -> memref<1x128xi32, #tpu.memory_space<vmem>>
        %dma_start3A_739 = tpu.memref_squeeze %dma_start3A_738 : memref<1x128xi32, #tpu.memory_space<vmem>> -> memref<128xi32, #tpu.memory_space<vmem>>
        %dma_start3A_740 = tpu.memref_slice %arg3[%add3A_97] : memref<32768xi32, #tpu.memory_space<hbm>> -> memref<128xi32, #tpu.memory_space<hbm>>
        %dma_start3A_741 = arith.constant 0 : i32
        %dma_start3A_742 = tpu.memref_slice %arg15[%run_scoped3A_98, %dma_start3A_741] : memref<16x128xi32, #tpu.memory_space<vmem>> -> memref<1x128xi32, #tpu.memory_space<vmem>>
        %dma_start3A_743 = tpu.memref_squeeze %dma_start3A_742 : memref<1x128xi32, #tpu.memory_space<vmem>> -> memref<128xi32, #tpu.memory_space<vmem>>
        %dma_start3A_744 = tpu.memref_slice %arg3[%add3A_97] : memref<32768xi32, #tpu.memory_space<hbm>> -> memref<128xi32, #tpu.memory_space<hbm>>
        tpu.enqueue_dma source(%dma_start3A_744 : memref<128xi32, #tpu.memory_space<hbm>>) target(%dma_start3A_743 : memref<128xi32, #tpu.memory_space<vmem>>) target_semaphore(%run_scoped3A_736 : memref<!tpu.dma_semaphore, #tpu.memory_space<semaphore_mem>>)
        %dma_wait3A_745 = arith.constant 0 : i32
        %dma_wait3A_746 = tpu.memref_slice %arg15[%run_scoped3A_98, %dma_wait3A_745] : memref<16x128xi32, #tpu.memory_space<vmem>> -> memref<1x128xi32, #tpu.memory_space<vmem>>
        %dma_wait3A_747 = tpu.memref_squeeze %dma_wait3A_746 : memref<1x128xi32, #tpu.memory_space<vmem>> -> memref<128xi32, #tpu.memory_space<vmem>>
        %dma_wait3A_748 = tpu.memref_slice %arg3[%add3A_97] : memref<32768xi32, #tpu.memory_space<hbm>> -> memref<128xi32, #tpu.memory_space<hbm>>
        %dma_wait3A_749 = arith.constant 0 : i32
        %dma_wait3A_750 = tpu.memref_slice %arg15[%run_scoped3A_98, %dma_wait3A_749] : memref<16x128xi32, #tpu.memory_space<vmem>> -> memref<1x128xi32, #tpu.memory_space<vmem>>
        %dma_wait3A_751 = tpu.memref_squeeze %dma_wait3A_750 : memref<1x128xi32, #tpu.memory_space<vmem>> -> memref<128xi32, #tpu.memory_space<vmem>>
        %dma_wait3A_752 = tpu.memref_slice %arg3[%add3A_97] : memref<32768xi32, #tpu.memory_space<hbm>> -> memref<128xi32, #tpu.memory_space<hbm>>
        tpu.wait_dma2 semaphore(%run_scoped3A_736 : memref<!tpu.dma_semaphore, #tpu.memory_space<semaphore_mem>>) src(%dma_wait3A_752 : memref<128xi32, #tpu.memory_space<hbm>>) dst(%dma_wait3A_751 : memref<128xi32, #tpu.memory_space<vmem>>)
        tpu.yield
      }) : () -> ()
      %mul3A_99 = arith.constant 2048 : i32
      %mul3A_100 = arith.muli %arg1, %mul3A_99 : i32
      %add3A_101 = arith.constant 1152 : i32
      %add3A_102 = arith.addi %mul3A_100, %add3A_101 : i32
      %run_scoped3A_103 = arith.constant 9 : i32
      "tpu.region"() ({
        %run_scoped3A_736 = tpu.sem_alloc : memref<!tpu.dma_semaphore, #tpu.memory_space<semaphore_mem>>
        %dma_start3A_737 = arith.constant 0 : i32
        %dma_start3A_738 = tpu.memref_slice %arg15[%run_scoped3A_103, %dma_start3A_737] : memref<16x128xi32, #tpu.memory_space<vmem>> -> memref<1x128xi32, #tpu.memory_space<vmem>>
        %dma_start3A_739 = tpu.memref_squeeze %dma_start3A_738 : memref<1x128xi32, #tpu.memory_space<vmem>> -> memref<128xi32, #tpu.memory_space<vmem>>
        %dma_start3A_740 = tpu.memref_slice %arg3[%add3A_102] : memref<32768xi32, #tpu.memory_space<hbm>> -> memref<128xi32, #tpu.memory_space<hbm>>
        %dma_start3A_741 = arith.constant 0 : i32
        %dma_start3A_742 = tpu.memref_slice %arg15[%run_scoped3A_103, %dma_start3A_741] : memref<16x128xi32, #tpu.memory_space<vmem>> -> memref<1x128xi32, #tpu.memory_space<vmem>>
        %dma_start3A_743 = tpu.memref_squeeze %dma_start3A_742 : memref<1x128xi32, #tpu.memory_space<vmem>> -> memref<128xi32, #tpu.memory_space<vmem>>
        %dma_start3A_744 = tpu.memref_slice %arg3[%add3A_102] : memref<32768xi32, #tpu.memory_space<hbm>> -> memref<128xi32, #tpu.memory_space<hbm>>
        tpu.enqueue_dma source(%dma_start3A_744 : memref<128xi32, #tpu.memory_space<hbm>>) target(%dma_start3A_743 : memref<128xi32, #tpu.memory_space<vmem>>) target_semaphore(%run_scoped3A_736 : memref<!tpu.dma_semaphore, #tpu.memory_space<semaphore_mem>>)
        %dma_wait3A_745 = arith.constant 0 : i32
        %dma_wait3A_746 = tpu.memref_slice %arg15[%run_scoped3A_103, %dma_wait3A_745] : memref<16x128xi32, #tpu.memory_space<vmem>> -> memref<1x128xi32, #tpu.memory_space<vmem>>
        %dma_wait3A_747 = tpu.memref_squeeze %dma_wait3A_746 : memref<1x128xi32, #tpu.memory_space<vmem>> -> memref<128xi32, #tpu.memory_space<vmem>>
        %dma_wait3A_748 = tpu.memref_slice %arg3[%add3A_102] : memref<32768xi32, #tpu.memory_space<hbm>> -> memref<128xi32, #tpu.memory_space<hbm>>
        %dma_wait3A_749 = arith.constant 0 : i32
        %dma_wait3A_750 = tpu.memref_slice %arg15[%run_scoped3A_103, %dma_wait3A_749] : memref<16x128xi32, #tpu.memory_space<vmem>> -> memref<1x128xi32, #tpu.memory_space<vmem>>
        %dma_wait3A_751 = tpu.memref_squeeze %dma_wait3A_750 : memref<1x128xi32, #tpu.memory_space<vmem>> -> memref<128xi32, #tpu.memory_space<vmem>>
        %dma_wait3A_752 = tpu.memref_slice %arg3[%add3A_102] : memref<32768xi32, #tpu.memory_space<hbm>> -> memref<128xi32, #tpu.memory_space<hbm>>
        tpu.wait_dma2 semaphore(%run_scoped3A_736 : memref<!tpu.dma_semaphore, #tpu.memory_space<semaphore_mem>>) src(%dma_wait3A_752 : memref<128xi32, #tpu.memory_space<hbm>>) dst(%dma_wait3A_751 : memref<128xi32, #tpu.memory_space<vmem>>)
        tpu.yield
      }) : () -> ()
      %mul3A_104 = arith.constant 2048 : i32
      %mul3A_105 = arith.muli %arg1, %mul3A_104 : i32
      %add3A_106 = arith.constant 1280 : i32
      %add3A_107 = arith.addi %mul3A_105, %add3A_106 : i32
      %run_scoped3A_108 = arith.constant 10 : i32
      "tpu.region"() ({
        %run_scoped3A_736 = tpu.sem_alloc : memref<!tpu.dma_semaphore, #tpu.memory_space<semaphore_mem>>
        %dma_start3A_737 = arith.constant 0 : i32
        %dma_start3A_738 = tpu.memref_slice %arg15[%run_scoped3A_108, %dma_start3A_737] : memref<16x128xi32, #tpu.memory_space<vmem>> -> memref<1x128xi32, #tpu.memory_space<vmem>>
        %dma_start3A_739 = tpu.memref_squeeze %dma_start3A_738 : memref<1x128xi32, #tpu.memory_space<vmem>> -> memref<128xi32, #tpu.memory_space<vmem>>
        %dma_start3A_740 = tpu.memref_slice %arg3[%add3A_107] : memref<32768xi32, #tpu.memory_space<hbm>> -> memref<128xi32, #tpu.memory_space<hbm>>
        %dma_start3A_741 = arith.constant 0 : i32
        %dma_start3A_742 = tpu.memref_slice %arg15[%run_scoped3A_108, %dma_start3A_741] : memref<16x128xi32, #tpu.memory_space<vmem>> -> memref<1x128xi32, #tpu.memory_space<vmem>>
        %dma_start3A_743 = tpu.memref_squeeze %dma_start3A_742 : memref<1x128xi32, #tpu.memory_space<vmem>> -> memref<128xi32, #tpu.memory_space<vmem>>
        %dma_start3A_744 = tpu.memref_slice %arg3[%add3A_107] : memref<32768xi32, #tpu.memory_space<hbm>> -> memref<128xi32, #tpu.memory_space<hbm>>
        tpu.enqueue_dma source(%dma_start3A_744 : memref<128xi32, #tpu.memory_space<hbm>>) target(%dma_start3A_743 : memref<128xi32, #tpu.memory_space<vmem>>) target_semaphore(%run_scoped3A_736 : memref<!tpu.dma_semaphore, #tpu.memory_space<semaphore_mem>>)
        %dma_wait3A_745 = arith.constant 0 : i32
        %dma_wait3A_746 = tpu.memref_slice %arg15[%run_scoped3A_108, %dma_wait3A_745] : memref<16x128xi32, #tpu.memory_space<vmem>> -> memref<1x128xi32, #tpu.memory_space<vmem>>
        %dma_wait3A_747 = tpu.memref_squeeze %dma_wait3A_746 : memref<1x128xi32, #tpu.memory_space<vmem>> -> memref<128xi32, #tpu.memory_space<vmem>>
        %dma_wait3A_748 = tpu.memref_slice %arg3[%add3A_107] : memref<32768xi32, #tpu.memory_space<hbm>> -> memref<128xi32, #tpu.memory_space<hbm>>
        %dma_wait3A_749 = arith.constant 0 : i32
        %dma_wait3A_750 = tpu.memref_slice %arg15[%run_scoped3A_108, %dma_wait3A_749] : memref<16x128xi32, #tpu.memory_space<vmem>> -> memref<1x128xi32, #tpu.memory_space<vmem>>
        %dma_wait3A_751 = tpu.memref_squeeze %dma_wait3A_750 : memref<1x128xi32, #tpu.memory_space<vmem>> -> memref<128xi32, #tpu.memory_space<vmem>>
        %dma_wait3A_752 = tpu.memref_slice %arg3[%add3A_107] : memref<32768xi32, #tpu.memory_space<hbm>> -> memref<128xi32, #tpu.memory_space<hbm>>
        tpu.wait_dma2 semaphore(%run_scoped3A_736 : memref<!tpu.dma_semaphore, #tpu.memory_space<semaphore_mem>>) src(%dma_wait3A_752 : memref<128xi32, #tpu.memory_space<hbm>>) dst(%dma_wait3A_751 : memref<128xi32, #tpu.memory_space<vmem>>)
        tpu.yield
      }) : () -> ()
      %mul3A_109 = arith.constant 2048 : i32
      %mul3A_110 = arith.muli %arg1, %mul3A_109 : i32
      %add3A_111 = arith.constant 1408 : i32
      %add3A_112 = arith.addi %mul3A_110, %add3A_111 : i32
      %run_scoped3A_113 = arith.constant 11 : i32
      "tpu.region"() ({
        %run_scoped3A_736 = tpu.sem_alloc : memref<!tpu.dma_semaphore, #tpu.memory_space<semaphore_mem>>
        %dma_start3A_737 = arith.constant 0 : i32
        %dma_start3A_738 = tpu.memref_slice %arg15[%run_scoped3A_113, %dma_start3A_737] : memref<16x128xi32, #tpu.memory_space<vmem>> -> memref<1x128xi32, #tpu.memory_space<vmem>>
        %dma_start3A_739 = tpu.memref_squeeze %dma_start3A_738 : memref<1x128xi32, #tpu.memory_space<vmem>> -> memref<128xi32, #tpu.memory_space<vmem>>
        %dma_start3A_740 = tpu.memref_slice %arg3[%add3A_112] : memref<32768xi32, #tpu.memory_space<hbm>> -> memref<128xi32, #tpu.memory_space<hbm>>
        %dma_start3A_741 = arith.constant 0 : i32
        %dma_start3A_742 = tpu.memref_slice %arg15[%run_scoped3A_113, %dma_start3A_741] : memref<16x128xi32, #tpu.memory_space<vmem>> -> memref<1x128xi32, #tpu.memory_space<vmem>>
        %dma_start3A_743 = tpu.memref_squeeze %dma_start3A_742 : memref<1x128xi32, #tpu.memory_space<vmem>> -> memref<128xi32, #tpu.memory_space<vmem>>
        %dma_start3A_744 = tpu.memref_slice %arg3[%add3A_112] : memref<32768xi32, #tpu.memory_space<hbm>> -> memref<128xi32, #tpu.memory_space<hbm>>
        tpu.enqueue_dma source(%dma_start3A_744 : memref<128xi32, #tpu.memory_space<hbm>>) target(%dma_start3A_743 : memref<128xi32, #tpu.memory_space<vmem>>) target_semaphore(%run_scoped3A_736 : memref<!tpu.dma_semaphore, #tpu.memory_space<semaphore_mem>>)
        %dma_wait3A_745 = arith.constant 0 : i32
        %dma_wait3A_746 = tpu.memref_slice %arg15[%run_scoped3A_113, %dma_wait3A_745] : memref<16x128xi32, #tpu.memory_space<vmem>> -> memref<1x128xi32, #tpu.memory_space<vmem>>
        %dma_wait3A_747 = tpu.memref_squeeze %dma_wait3A_746 : memref<1x128xi32, #tpu.memory_space<vmem>> -> memref<128xi32, #tpu.memory_space<vmem>>
        %dma_wait3A_748 = tpu.memref_slice %arg3[%add3A_112] : memref<32768xi32, #tpu.memory_space<hbm>> -> memref<128xi32, #tpu.memory_space<hbm>>
        %dma_wait3A_749 = arith.constant 0 : i32
        %dma_wait3A_750 = tpu.memref_slice %arg15[%run_scoped3A_113, %dma_wait3A_749] : memref<16x128xi32, #tpu.memory_space<vmem>> -> memref<1x128xi32, #tpu.memory_space<vmem>>
        %dma_wait3A_751 = tpu.memref_squeeze %dma_wait3A_750 : memref<1x128xi32, #tpu.memory_space<vmem>> -> memref<128xi32, #tpu.memory_space<vmem>>
        %dma_wait3A_752 = tpu.memref_slice %arg3[%add3A_112] : memref<32768xi32, #tpu.memory_space<hbm>> -> memref<128xi32, #tpu.memory_space<hbm>>
        tpu.wait_dma2 semaphore(%run_scoped3A_736 : memref<!tpu.dma_semaphore, #tpu.memory_space<semaphore_mem>>) src(%dma_wait3A_752 : memref<128xi32, #tpu.memory_space<hbm>>) dst(%dma_wait3A_751 : memref<128xi32, #tpu.memory_space<vmem>>)
        tpu.yield
      }) : () -> ()
      %mul3A_114 = arith.constant 2048 : i32
      %mul3A_115 = arith.muli %arg1, %mul3A_114 : i32
      %add3A_116 = arith.constant 1536 : i32
      %add3A_117 = arith.addi %mul3A_115, %add3A_116 : i32
      %run_scoped3A_118 = arith.constant 12 : i32
      "tpu.region"() ({
        %run_scoped3A_736 = tpu.sem_alloc : memref<!tpu.dma_semaphore, #tpu.memory_space<semaphore_mem>>
        %dma_start3A_737 = arith.constant 0 : i32
        %dma_start3A_738 = tpu.memref_slice %arg15[%run_scoped3A_118, %dma_start3A_737] : memref<16x128xi32, #tpu.memory_space<vmem>> -> memref<1x128xi32, #tpu.memory_space<vmem>>
        %dma_start3A_739 = tpu.memref_squeeze %dma_start3A_738 : memref<1x128xi32, #tpu.memory_space<vmem>> -> memref<128xi32, #tpu.memory_space<vmem>>
        %dma_start3A_740 = tpu.memref_slice %arg3[%add3A_117] : memref<32768xi32, #tpu.memory_space<hbm>> -> memref<128xi32, #tpu.memory_space<hbm>>
        %dma_start3A_741 = arith.constant 0 : i32
        %dma_start3A_742 = tpu.memref_slice %arg15[%run_scoped3A_118, %dma_start3A_741] : memref<16x128xi32, #tpu.memory_space<vmem>> -> memref<1x128xi32, #tpu.memory_space<vmem>>
        %dma_start3A_743 = tpu.memref_squeeze %dma_start3A_742 : memref<1x128xi32, #tpu.memory_space<vmem>> -> memref<128xi32, #tpu.memory_space<vmem>>
        %dma_start3A_744 = tpu.memref_slice %arg3[%add3A_117] : memref<32768xi32, #tpu.memory_space<hbm>> -> memref<128xi32, #tpu.memory_space<hbm>>
        tpu.enqueue_dma source(%dma_start3A_744 : memref<128xi32, #tpu.memory_space<hbm>>) target(%dma_start3A_743 : memref<128xi32, #tpu.memory_space<vmem>>) target_semaphore(%run_scoped3A_736 : memref<!tpu.dma_semaphore, #tpu.memory_space<semaphore_mem>>)
        %dma_wait3A_745 = arith.constant 0 : i32
        %dma_wait3A_746 = tpu.memref_slice %arg15[%run_scoped3A_118, %dma_wait3A_745] : memref<16x128xi32, #tpu.memory_space<vmem>> -> memref<1x128xi32, #tpu.memory_space<vmem>>
        %dma_wait3A_747 = tpu.memref_squeeze %dma_wait3A_746 : memref<1x128xi32, #tpu.memory_space<vmem>> -> memref<128xi32, #tpu.memory_space<vmem>>
        %dma_wait3A_748 = tpu.memref_slice %arg3[%add3A_117] : memref<32768xi32, #tpu.memory_space<hbm>> -> memref<128xi32, #tpu.memory_space<hbm>>
        %dma_wait3A_749 = arith.constant 0 : i32
        %dma_wait3A_750 = tpu.memref_slice %arg15[%run_scoped3A_118, %dma_wait3A_749] : memref<16x128xi32, #tpu.memory_space<vmem>> -> memref<1x128xi32, #tpu.memory_space<vmem>>
        %dma_wait3A_751 = tpu.memref_squeeze %dma_wait3A_750 : memref<1x128xi32, #tpu.memory_space<vmem>> -> memref<128xi32, #tpu.memory_space<vmem>>
        %dma_wait3A_752 = tpu.memref_slice %arg3[%add3A_117] : memref<32768xi32, #tpu.memory_space<hbm>> -> memref<128xi32, #tpu.memory_space<hbm>>
        tpu.wait_dma2 semaphore(%run_scoped3A_736 : memref<!tpu.dma_semaphore, #tpu.memory_space<semaphore_mem>>) src(%dma_wait3A_752 : memref<128xi32, #tpu.memory_space<hbm>>) dst(%dma_wait3A_751 : memref<128xi32, #tpu.memory_space<vmem>>)
        tpu.yield
      }) : () -> ()
      %mul3A_119 = arith.constant 2048 : i32
      %mul3A_120 = arith.muli %arg1, %mul3A_119 : i32
      %add3A_121 = arith.constant 1664 : i32
      %add3A_122 = arith.addi %mul3A_120, %add3A_121 : i32
      %run_scoped3A_123 = arith.constant 13 : i32
      "tpu.region"() ({
        %run_scoped3A_736 = tpu.sem_alloc : memref<!tpu.dma_semaphore, #tpu.memory_space<semaphore_mem>>
        %dma_start3A_737 = arith.constant 0 : i32
        %dma_start3A_738 = tpu.memref_slice %arg15[%run_scoped3A_123, %dma_start3A_737] : memref<16x128xi32, #tpu.memory_space<vmem>> -> memref<1x128xi32, #tpu.memory_space<vmem>>
        %dma_start3A_739 = tpu.memref_squeeze %dma_start3A_738 : memref<1x128xi32, #tpu.memory_space<vmem>> -> memref<128xi32, #tpu.memory_space<vmem>>
        %dma_start3A_740 = tpu.memref_slice %arg3[%add3A_122] : memref<32768xi32, #tpu.memory_space<hbm>> -> memref<128xi32, #tpu.memory_space<hbm>>
        %dma_start3A_741 = arith.constant 0 : i32
        %dma_start3A_742 = tpu.memref_slice %arg15[%run_scoped3A_123, %dma_start3A_741] : memref<16x128xi32, #tpu.memory_space<vmem>> -> memref<1x128xi32, #tpu.memory_space<vmem>>
        %dma_start3A_743 = tpu.memref_squeeze %dma_start3A_742 : memref<1x128xi32, #tpu.memory_space<vmem>> -> memref<128xi32, #tpu.memory_space<vmem>>
        %dma_start3A_744 = tpu.memref_slice %arg3[%add3A_122] : memref<32768xi32, #tpu.memory_space<hbm>> -> memref<128xi32, #tpu.memory_space<hbm>>
        tpu.enqueue_dma source(%dma_start3A_744 : memref<128xi32, #tpu.memory_space<hbm>>) target(%dma_start3A_743 : memref<128xi32, #tpu.memory_space<vmem>>) target_semaphore(%run_scoped3A_736 : memref<!tpu.dma_semaphore, #tpu.memory_space<semaphore_mem>>)
        %dma_wait3A_745 = arith.constant 0 : i32
        %dma_wait3A_746 = tpu.memref_slice %arg15[%run_scoped3A_123, %dma_wait3A_745] : memref<16x128xi32, #tpu.memory_space<vmem>> -> memref<1x128xi32, #tpu.memory_space<vmem>>
        %dma_wait3A_747 = tpu.memref_squeeze %dma_wait3A_746 : memref<1x128xi32, #tpu.memory_space<vmem>> -> memref<128xi32, #tpu.memory_space<vmem>>
        %dma_wait3A_748 = tpu.memref_slice %arg3[%add3A_122] : memref<32768xi32, #tpu.memory_space<hbm>> -> memref<128xi32, #tpu.memory_space<hbm>>
        %dma_wait3A_749 = arith.constant 0 : i32
        %dma_wait3A_750 = tpu.memref_slice %arg15[%run_scoped3A_123, %dma_wait3A_749] : memref<16x128xi32, #tpu.memory_space<vmem>> -> memref<1x128xi32, #tpu.memory_space<vmem>>
        %dma_wait3A_751 = tpu.memref_squeeze %dma_wait3A_750 : memref<1x128xi32, #tpu.memory_space<vmem>> -> memref<128xi32, #tpu.memory_space<vmem>>
        %dma_wait3A_752 = tpu.memref_slice %arg3[%add3A_122] : memref<32768xi32, #tpu.memory_space<hbm>> -> memref<128xi32, #tpu.memory_space<hbm>>
        tpu.wait_dma2 semaphore(%run_scoped3A_736 : memref<!tpu.dma_semaphore, #tpu.memory_space<semaphore_mem>>) src(%dma_wait3A_752 : memref<128xi32, #tpu.memory_space<hbm>>) dst(%dma_wait3A_751 : memref<128xi32, #tpu.memory_space<vmem>>)
        tpu.yield
      }) : () -> ()
      %mul3A_124 = arith.constant 2048 : i32
      %mul3A_125 = arith.muli %arg1, %mul3A_124 : i32
      %add3A_126 = arith.constant 1792 : i32
      %add3A_127 = arith.addi %mul3A_125, %add3A_126 : i32
      %run_scoped3A_128 = arith.constant 14 : i32
      "tpu.region"() ({
        %run_scoped3A_736 = tpu.sem_alloc : memref<!tpu.dma_semaphore, #tpu.memory_space<semaphore_mem>>
        %dma_start3A_737 = arith.constant 0 : i32
        %dma_start3A_738 = tpu.memref_slice %arg15[%run_scoped3A_128, %dma_start3A_737] : memref<16x128xi32, #tpu.memory_space<vmem>> -> memref<1x128xi32, #tpu.memory_space<vmem>>
        %dma_start3A_739 = tpu.memref_squeeze %dma_start3A_738 : memref<1x128xi32, #tpu.memory_space<vmem>> -> memref<128xi32, #tpu.memory_space<vmem>>
        %dma_start3A_740 = tpu.memref_slice %arg3[%add3A_127] : memref<32768xi32, #tpu.memory_space<hbm>> -> memref<128xi32, #tpu.memory_space<hbm>>
        %dma_start3A_741 = arith.constant 0 : i32
        %dma_start3A_742 = tpu.memref_slice %arg15[%run_scoped3A_128, %dma_start3A_741] : memref<16x128xi32, #tpu.memory_space<vmem>> -> memref<1x128xi32, #tpu.memory_space<vmem>>
        %dma_start3A_743 = tpu.memref_squeeze %dma_start3A_742 : memref<1x128xi32, #tpu.memory_space<vmem>> -> memref<128xi32, #tpu.memory_space<vmem>>
        %dma_start3A_744 = tpu.memref_slice %arg3[%add3A_127] : memref<32768xi32, #tpu.memory_space<hbm>> -> memref<128xi32, #tpu.memory_space<hbm>>
        tpu.enqueue_dma source(%dma_start3A_744 : memref<128xi32, #tpu.memory_space<hbm>>) target(%dma_start3A_743 : memref<128xi32, #tpu.memory_space<vmem>>) target_semaphore(%run_scoped3A_736 : memref<!tpu.dma_semaphore, #tpu.memory_space<semaphore_mem>>)
        %dma_wait3A_745 = arith.constant 0 : i32
        %dma_wait3A_746 = tpu.memref_slice %arg15[%run_scoped3A_128, %dma_wait3A_745] : memref<16x128xi32, #tpu.memory_space<vmem>> -> memref<1x128xi32, #tpu.memory_space<vmem>>
        %dma_wait3A_747 = tpu.memref_squeeze %dma_wait3A_746 : memref<1x128xi32, #tpu.memory_space<vmem>> -> memref<128xi32, #tpu.memory_space<vmem>>
        %dma_wait3A_748 = tpu.memref_slice %arg3[%add3A_127] : memref<32768xi32, #tpu.memory_space<hbm>> -> memref<128xi32, #tpu.memory_space<hbm>>
        %dma_wait3A_749 = arith.constant 0 : i32
        %dma_wait3A_750 = tpu.memref_slice %arg15[%run_scoped3A_128, %dma_wait3A_749] : memref<16x128xi32, #tpu.memory_space<vmem>> -> memref<1x128xi32, #tpu.memory_space<vmem>>
        %dma_wait3A_751 = tpu.memref_squeeze %dma_wait3A_750 : memref<1x128xi32, #tpu.memory_space<vmem>> -> memref<128xi32, #tpu.memory_space<vmem>>
        %dma_wait3A_752 = tpu.memref_slice %arg3[%add3A_127] : memref<32768xi32, #tpu.memory_space<hbm>> -> memref<128xi32, #tpu.memory_space<hbm>>
        tpu.wait_dma2 semaphore(%run_scoped3A_736 : memref<!tpu.dma_semaphore, #tpu.memory_space<semaphore_mem>>) src(%dma_wait3A_752 : memref<128xi32, #tpu.memory_space<hbm>>) dst(%dma_wait3A_751 : memref<128xi32, #tpu.memory_space<vmem>>)
        tpu.yield
      }) : () -> ()
      %mul3A_129 = arith.constant 2048 : i32
      %mul3A_130 = arith.muli %arg1, %mul3A_129 : i32
      %add3A_131 = arith.constant 1920 : i32
      %add3A_132 = arith.addi %mul3A_130, %add3A_131 : i32
      %run_scoped3A_133 = arith.constant 15 : i32
      "tpu.region"() ({
        %run_scoped3A_736 = tpu.sem_alloc : memref<!tpu.dma_semaphore, #tpu.memory_space<semaphore_mem>>
        %dma_start3A_737 = arith.constant 0 : i32
        %dma_start3A_738 = tpu.memref_slice %arg15[%run_scoped3A_133, %dma_start3A_737] : memref<16x128xi32, #tpu.memory_space<vmem>> -> memref<1x128xi32, #tpu.memory_space<vmem>>
        %dma_start3A_739 = tpu.memref_squeeze %dma_start3A_738 : memref<1x128xi32, #tpu.memory_space<vmem>> -> memref<128xi32, #tpu.memory_space<vmem>>
        %dma_start3A_740 = tpu.memref_slice %arg3[%add3A_132] : memref<32768xi32, #tpu.memory_space<hbm>> -> memref<128xi32, #tpu.memory_space<hbm>>
        %dma_start3A_741 = arith.constant 0 : i32
        %dma_start3A_742 = tpu.memref_slice %arg15[%run_scoped3A_133, %dma_start3A_741] : memref<16x128xi32, #tpu.memory_space<vmem>> -> memref<1x128xi32, #tpu.memory_space<vmem>>
        %dma_start3A_743 = tpu.memref_squeeze %dma_start3A_742 : memref<1x128xi32, #tpu.memory_space<vmem>> -> memref<128xi32, #tpu.memory_space<vmem>>
        %dma_start3A_744 = tpu.memref_slice %arg3[%add3A_132] : memref<32768xi32, #tpu.memory_space<hbm>> -> memref<128xi32, #tpu.memory_space<hbm>>
        tpu.enqueue_dma source(%dma_start3A_744 : memref<128xi32, #tpu.memory_space<hbm>>) target(%dma_start3A_743 : memref<128xi32, #tpu.memory_space<vmem>>) target_semaphore(%run_scoped3A_736 : memref<!tpu.dma_semaphore, #tpu.memory_space<semaphore_mem>>)
        %dma_wait3A_745 = arith.constant 0 : i32
        %dma_wait3A_746 = tpu.memref_slice %arg15[%run_scoped3A_133, %dma_wait3A_745] : memref<16x128xi32, #tpu.memory_space<vmem>> -> memref<1x128xi32, #tpu.memory_space<vmem>>
        %dma_wait3A_747 = tpu.memref_squeeze %dma_wait3A_746 : memref<1x128xi32, #tpu.memory_space<vmem>> -> memref<128xi32, #tpu.memory_space<vmem>>
        %dma_wait3A_748 = tpu.memref_slice %arg3[%add3A_132] : memref<32768xi32, #tpu.memory_space<hbm>> -> memref<128xi32, #tpu.memory_space<hbm>>
        %dma_wait3A_749 = arith.constant 0 : i32
        %dma_wait3A_750 = tpu.memref_slice %arg15[%run_scoped3A_133, %dma_wait3A_749] : memref<16x128xi32, #tpu.memory_space<vmem>> -> memref<1x128xi32, #tpu.memory_space<vmem>>
        %dma_wait3A_751 = tpu.memref_squeeze %dma_wait3A_750 : memref<1x128xi32, #tpu.memory_space<vmem>> -> memref<128xi32, #tpu.memory_space<vmem>>
        %dma_wait3A_752 = tpu.memref_slice %arg3[%add3A_132] : memref<32768xi32, #tpu.memory_space<hbm>> -> memref<128xi32, #tpu.memory_space<hbm>>
        tpu.wait_dma2 semaphore(%run_scoped3A_736 : memref<!tpu.dma_semaphore, #tpu.memory_space<semaphore_mem>>) src(%dma_wait3A_752 : memref<128xi32, #tpu.memory_space<hbm>>) dst(%dma_wait3A_751 : memref<128xi32, #tpu.memory_space<vmem>>)
        tpu.yield
      }) : () -> ()
      %scan3A_134 = arith.constant 0 : i32
      %scan3A_135 = arith.constant 0 : i32
      %scan3A_136 = arith.constant 16 : i32
      %scan3A_137 = arith.addi %scan3A_135, %scan3A_136 : i32
      %scan3A_138 = arith.constant 1 : i32
      scf.for %scan3A_736 = %scan3A_135 to %scan3A_137 step %scan3A_138  : i32 {
        %get3A_737 = arith.index_cast %scan3A_736 : i32 to index
        %get3A_738 = arith.constant 0 : index
        %get3A_739 = tpu.vector_load %arg15[%get3A_737, %get3A_738] {strides = array<i32>} : memref<16x128xi32, #tpu.memory_space<vmem>>, vector<16xi32>,
        %broadcast_in_dim3A = arith.constant true
        %broadcast_in_dim3A_740 = vector.broadcast %broadcast_in_dim3A : i1 to vector<16xi1>
        %unique3A, %unique3A_741 = tpu.scan_count mask(%broadcast_in_dim3A_740 : vector<16xi1>) value(%get3A_739 : vector<16xi32>) : vector<16xi1>, vector<16xi32>
        %shift_right_arithmetic3A = arith.constant 7 : i32
        %shift_right_arithmetic3A_742 = vector.broadcast %shift_right_arithmetic3A : i32 to vector<16xi32>
        %shift_right_arithmetic3A_743 = arith.shrsi %get3A_739, %shift_right_arithmetic3A_742 : vector<16xi32>
        %and3A = arith.constant 127 : i32
        %and3A_744 = vector.broadcast %and3A : i32 to vector<16xi32>
        %and3A_745 = arith.andi %get3A_739, %and3A_744 : vector<16xi32>
        tpu.vector_store_idx %arg16[%shift_right_arithmetic3A_743, %and3A_745], %unique3A_741 masked %unique3A {add = true} : memref<16x128xi32, #tpu.memory_space<vmem>>[vector<16xi32>, vector<16xi32>], vector<16xi32>, vector<16xi1>
        %get3A_746 = arith.index_cast %scan3A_736 : i32 to index
        %get3A_747 = arith.constant 16 : index
        %get3A_748 = tpu.vector_load %arg15[%get3A_746, %get3A_747] {strides = array<i32>} : memref<16x128xi32, #tpu.memory_space<vmem>>, vector<16xi32>,
        %broadcast_in_dim3A_749 = arith.constant true
        %broadcast_in_dim3A_750 = vector.broadcast %broadcast_in_dim3A_749 : i1 to vector<16xi1>
        %unique3A_751, %unique3A_752 = tpu.scan_count mask(%broadcast_in_dim3A_750 : vector<16xi1>) value(%get3A_748 : vector<16xi32>) : vector<16xi1>, vector<16xi32>
        %shift_right_arithmetic3A_753 = arith.constant 7 : i32
        %shift_right_arithmetic3A_754 = vector.broadcast %shift_right_arithmetic3A_753 : i32 to vector<16xi32>
        %shift_right_arithmetic3A_755 = arith.shrsi %get3A_748, %shift_right_arithmetic3A_754 : vector<16xi32>
        %and3A_756 = arith.constant 127 : i32
        %and3A_757 = vector.broadcast %and3A_756 : i32 to vector<16xi32>
        %and3A_758 = arith.andi %get3A_748, %and3A_757 : vector<16xi32>
        tpu.vector_store_idx %arg16[%shift_right_arithmetic3A_755, %and3A_758], %unique3A_752 masked %unique3A_751 {add = true} : memref<16x128xi32, #tpu.memory_space<vmem>>[vector<16xi32>, vector<16xi32>], vector<16xi32>, vector<16xi1>
        %get3A_759 = arith.index_cast %scan3A_736 : i32 to index
        %get3A_760 = arith.constant 32 : index
        %get3A_761 = tpu.vector_load %arg15[%get3A_759, %get3A_760] {strides = array<i32>} : memref<16x128xi32, #tpu.memory_space<vmem>>, vector<16xi32>,
        %broadcast_in_dim3A_762 = arith.constant true
        %broadcast_in_dim3A_763 = vector.broadcast %broadcast_in_dim3A_762 : i1 to vector<16xi1>
        %unique3A_764, %unique3A_765 = tpu.scan_count mask(%broadcast_in_dim3A_763 : vector<16xi1>) value(%get3A_761 : vector<16xi32>) : vector<16xi1>, vector<16xi32>
        %shift_right_arithmetic3A_766 = arith.constant 7 : i32
        %shift_right_arithmetic3A_767 = vector.broadcast %shift_right_arithmetic3A_766 : i32 to vector<16xi32>
        %shift_right_arithmetic3A_768 = arith.shrsi %get3A_761, %shift_right_arithmetic3A_767 : vector<16xi32>
        %and3A_769 = arith.constant 127 : i32
        %and3A_770 = vector.broadcast %and3A_769 : i32 to vector<16xi32>
        %and3A_771 = arith.andi %get3A_761, %and3A_770 : vector<16xi32>
        tpu.vector_store_idx %arg16[%shift_right_arithmetic3A_768, %and3A_771], %unique3A_765 masked %unique3A_764 {add = true} : memref<16x128xi32, #tpu.memory_space<vmem>>[vector<16xi32>, vector<16xi32>], vector<16xi32>, vector<16xi1>
        %get3A_772 = arith.index_cast %scan3A_736 : i32 to index
        %get3A_773 = arith.constant 48 : index
        %get3A_774 = tpu.vector_load %arg15[%get3A_772, %get3A_773] {strides = array<i32>} : memref<16x128xi32, #tpu.memory_space<vmem>>, vector<16xi32>,
        %broadcast_in_dim3A_775 = arith.constant true
        %broadcast_in_dim3A_776 = vector.broadcast %broadcast_in_dim3A_775 : i1 to vector<16xi1>
        %unique3A_777, %unique3A_778 = tpu.scan_count mask(%broadcast_in_dim3A_776 : vector<16xi1>) value(%get3A_774 : vector<16xi32>) : vector<16xi1>, vector<16xi32>
        %shift_right_arithmetic3A_779 = arith.constant 7 : i32
        %shift_right_arithmetic3A_780 = vector.broadcast %shift_right_arithmetic3A_779 : i32 to vector<16xi32>
        %shift_right_arithmetic3A_781 = arith.shrsi %get3A_774, %shift_right_arithmetic3A_780 : vector<16xi32>
        %and3A_782 = arith.constant 127 : i32
        %and3A_783 = vector.broadcast %and3A_782 : i32 to vector<16xi32>
        %and3A_784 = arith.andi %get3A_774, %and3A_783 : vector<16xi32>
        tpu.vector_store_idx %arg16[%shift_right_arithmetic3A_781, %and3A_784], %unique3A_778 masked %unique3A_777 {add = true} : memref<16x128xi32, #tpu.memory_space<vmem>>[vector<16xi32>, vector<16xi32>], vector<16xi32>, vector<16xi1>
        %get3A_785 = arith.index_cast %scan3A_736 : i32 to index
        %get3A_786 = arith.constant 64 : index
        %get3A_787 = tpu.vector_load %arg15[%get3A_785, %get3A_786] {strides = array<i32>} : memref<16x128xi32, #tpu.memory_space<vmem>>, vector<16xi32>,
        %broadcast_in_dim3A_788 = arith.constant true
        %broadcast_in_dim3A_789 = vector.broadcast %broadcast_in_dim3A_788 : i1 to vector<16xi1>
        %unique3A_790, %unique3A_791 = tpu.scan_count mask(%broadcast_in_dim3A_789 : vector<16xi1>) value(%get3A_787 : vector<16xi32>) : vector<16xi1>, vector<16xi32>
        %shift_right_arithmetic3A_792 = arith.constant 7 : i32
        %shift_right_arithmetic3A_793 = vector.broadcast %shift_right_arithmetic3A_792 : i32 to vector<16xi32>
        %shift_right_arithmetic3A_794 = arith.shrsi %get3A_787, %shift_right_arithmetic3A_793 : vector<16xi32>
        %and3A_795 = arith.constant 127 : i32
        %and3A_796 = vector.broadcast %and3A_795 : i32 to vector<16xi32>
        %and3A_797 = arith.andi %get3A_787, %and3A_796 : vector<16xi32>
        tpu.vector_store_idx %arg16[%shift_right_arithmetic3A_794, %and3A_797], %unique3A_791 masked %unique3A_790 {add = true} : memref<16x128xi32, #tpu.memory_space<vmem>>[vector<16xi32>, vector<16xi32>], vector<16xi32>, vector<16xi1>
        %get3A_798 = arith.index_cast %scan3A_736 : i32 to index
        %get3A_799 = arith.constant 80 : index
        %get3A_800 = tpu.vector_load %arg15[%get3A_798, %get3A_799] {strides = array<i32>} : memref<16x128xi32, #tpu.memory_space<vmem>>, vector<16xi32>,
        %broadcast_in_dim3A_801 = arith.constant true
        %broadcast_in_dim3A_802 = vector.broadcast %broadcast_in_dim3A_801 : i1 to vector<16xi1>
        %unique3A_803, %unique3A_804 = tpu.scan_count mask(%broadcast_in_dim3A_802 : vector<16xi1>) value(%get3A_800 : vector<16xi32>) : vector<16xi1>, vector<16xi32>
        %shift_right_arithmetic3A_805 = arith.constant 7 : i32
        %shift_right_arithmetic3A_806 = vector.broadcast %shift_right_arithmetic3A_805 : i32 to vector<16xi32>
        %shift_right_arithmetic3A_807 = arith.shrsi %get3A_800, %shift_right_arithmetic3A_806 : vector<16xi32>
        %and3A_808 = arith.constant 127 : i32
        %and3A_809 = vector.broadcast %and3A_808 : i32 to vector<16xi32>
        %and3A_810 = arith.andi %get3A_800, %and3A_809 : vector<16xi32>
        tpu.vector_store_idx %arg16[%shift_right_arithmetic3A_807, %and3A_810], %unique3A_804 masked %unique3A_803 {add = true} : memref<16x128xi32, #tpu.memory_space<vmem>>[vector<16xi32>, vector<16xi32>], vector<16xi32>, vector<16xi1>
        %get3A_811 = arith.index_cast %scan3A_736 : i32 to index
        %get3A_812 = arith.constant 96 : index
        %get3A_813 = tpu.vector_load %arg15[%get3A_811, %get3A_812] {strides = array<i32>} : memref<16x128xi32, #tpu.memory_space<vmem>>, vector<16xi32>,
        %broadcast_in_dim3A_814 = arith.constant true
        %broadcast_in_dim3A_815 = vector.broadcast %broadcast_in_dim3A_814 : i1 to vector<16xi1>
        %unique3A_816, %unique3A_817 = tpu.scan_count mask(%broadcast_in_dim3A_815 : vector<16xi1>) value(%get3A_813 : vector<16xi32>) : vector<16xi1>, vector<16xi32>
        %shift_right_arithmetic3A_818 = arith.constant 7 : i32
        %shift_right_arithmetic3A_819 = vector.broadcast %shift_right_arithmetic3A_818 : i32 to vector<16xi32>
        %shift_right_arithmetic3A_820 = arith.shrsi %get3A_813, %shift_right_arithmetic3A_819 : vector<16xi32>
        %and3A_821 = arith.constant 127 : i32
        %and3A_822 = vector.broadcast %and3A_821 : i32 to vector<16xi32>
        %and3A_823 = arith.andi %get3A_813, %and3A_822 : vector<16xi32>
        tpu.vector_store_idx %arg16[%shift_right_arithmetic3A_820, %and3A_823], %unique3A_817 masked %unique3A_816 {add = true} : memref<16x128xi32, #tpu.memory_space<vmem>>[vector<16xi32>, vector<16xi32>], vector<16xi32>, vector<16xi1>
        %get3A_824 = arith.index_cast %scan3A_736 : i32 to index
        %get3A_825 = arith.constant 112 : index
        %get3A_826 = tpu.vector_load %arg15[%get3A_824, %get3A_825] {strides = array<i32>} : memref<16x128xi32, #tpu.memory_space<vmem>>, vector<16xi32>,
        %broadcast_in_dim3A_827 = arith.constant true
        %broadcast_in_dim3A_828 = vector.broadcast %broadcast_in_dim3A_827 : i1 to vector<16xi1>
        %unique3A_829, %unique3A_830 = tpu.scan_count mask(%broadcast_in_dim3A_828 : vector<16xi1>) value(%get3A_826 : vector<16xi32>) : vector<16xi1>, vector<16xi32>
        %shift_right_arithmetic3A_831 = arith.constant 7 : i32
        %shift_right_arithmetic3A_832 = vector.broadcast %shift_right_arithmetic3A_831 : i32 to vector<16xi32>
        %shift_right_arithmetic3A_833 = arith.shrsi %get3A_826, %shift_right_arithmetic3A_832 : vector<16xi32>
        %and3A_834 = arith.constant 127 : i32
        %and3A_835 = vector.broadcast %and3A_834 : i32 to vector<16xi32>
        %and3A_836 = arith.andi %get3A_826, %and3A_835 : vector<16xi32>
        tpu.vector_store_idx %arg16[%shift_right_arithmetic3A_833, %and3A_836], %unique3A_830 masked %unique3A_829 {add = true} : memref<16x128xi32, #tpu.memory_space<vmem>>[vector<16xi32>, vector<16xi32>], vector<16xi32>, vector<16xi1>
      }
      %scan3A_139 = arith.constant 16 : i32
      %swap3A = arith.constant 0 : index
      %swap3A_140 = tpu.vector_load %arg19[%swap3A] {strides = array<i32>} : memref<16xi32, #tpu.memory_space<vmem>>, vector<16xi32>,
      tpu.vector_store %arg19[%swap3A], %iota3A {strides = array<i32>} : memref<16xi32, #tpu.memory_space<vmem>>, vector<16xi32>,
      %barrier3A = arith.constant 0 : index
      tpu.barrier barrier_id(%barrier3A)
      "tpu.region"() ({
        %run_scoped3A_736 = tpu.sem_alloc : memref<!tpu.dma_semaphore, #tpu.memory_space<semaphore_mem>>
        %dma_start3A_737 = arith.constant 0 : i32
        %dma_start3A_738 = arith.constant 0 : i32
        %dma_start3A_739 = tpu.memref_slice %arg24[%dma_start3A_737, %dma_start3A_738] : memref<16x128xi32, #tpu.memory_space<vmem_shared>> -> memref<16x128xi32, #tpu.memory_space<vmem_shared>>
        tpu.enqueue_indirect_dma source(%arg16 : memref<16x128xi32, #tpu.memory_space<vmem>>) target(%dma_start3A_739 : memref<16x128xi32, #tpu.memory_space<vmem_shared>>) offsets(%arg19 : memref<16xi32, #tpu.memory_space<vmem>>) semaphore(%run_scoped3A_736 : memref<!tpu.dma_semaphore, #tpu.memory_space<semaphore_mem>>) {add = true}
        %dma_wait3A_740 = arith.constant 0 : i32
        %dma_wait3A_741 = arith.constant 0 : i32
        %dma_wait3A_742 = tpu.memref_slice %arg24[%dma_wait3A_740, %dma_wait3A_741] : memref<16x128xi32, #tpu.memory_space<vmem_shared>> -> memref<16x128xi32, #tpu.memory_space<vmem_shared>>
        tpu.wait_indirect_dma semaphore(%run_scoped3A_736 : memref<!tpu.dma_semaphore, #tpu.memory_space<semaphore_mem>>) src(%arg16 : memref<16x128xi32, #tpu.memory_space<vmem>>) dst(%dma_wait3A_742 : memref<16x128xi32, #tpu.memory_space<vmem_shared>>)
        tpu.yield
      }) : () -> ()
      %mul3A_141 = arith.constant 2048 : i32
      %mul3A_142 = arith.muli %arg1, %mul3A_141 : i32
      %dma_start3A = arith.constant 0 : i32
      %dma_start3A_143 = tpu.memref_slice %arg2[%mul3A_142, %dma_start3A] : memref<32768x128xf32, #tpu.memory_space<hbm>> -> memref<128x128xf32, #tpu.memory_space<hbm>>
      %dma_start3A_144 = arith.constant 0 : i32
      %dma_start3A_145 = tpu.memref_slice %arg2[%mul3A_142, %dma_start3A_144] : memref<32768x128xf32, #tpu.memory_space<hbm>> -> memref<128x128xf32, #tpu.memory_space<hbm>>
      tpu.enqueue_dma source(%dma_start3A_145 : memref<128x128xf32, #tpu.memory_space<hbm>>) target(%arg13 : memref<128x128xf32, #tpu.memory_space<vmem>>) target_semaphore(%arg20 : memref<!tpu.dma_semaphore, #tpu.memory_space<semaphore_mem>>)
      %add3A_146 = arith.constant 128 : i32
      %add3A_147 = arith.addi %mul3A_142, %add3A_146 : i32
      %dma_start3A_148 = arith.constant 0 : i32
      %dma_start3A_149 = tpu.memref_slice %arg2[%add3A_147, %dma_start3A_148] : memref<32768x128xf32, #tpu.memory_space<hbm>> -> memref<128x128xf32, #tpu.memory_space<hbm>>
      %dma_start3A_150 = arith.constant 0 : i32
      %dma_start3A_151 = tpu.memref_slice %arg2[%add3A_147, %dma_start3A_150] : memref<32768x128xf32, #tpu.memory_space<hbm>> -> memref<128x128xf32, #tpu.memory_space<hbm>>
      tpu.enqueue_dma source(%dma_start3A_151 : memref<128x128xf32, #tpu.memory_space<hbm>>) target(%arg14 : memref<128x128xf32, #tpu.memory_space<vmem>>) target_semaphore(%arg21 : memref<!tpu.dma_semaphore, #tpu.memory_space<semaphore_mem>>)
      %dma_wait3A = arith.constant 0 : i32
      %dma_wait3A_152 = tpu.memref_slice %arg2[%mul3A_142, %dma_wait3A] : memref<32768x128xf32, #tpu.memory_space<hbm>> -> memref<128x128xf32, #tpu.memory_space<hbm>>
      %dma_wait3A_153 = arith.constant 0 : i32
      %dma_wait3A_154 = tpu.memref_slice %arg2[%mul3A_142, %dma_wait3A_153] : memref<32768x128xf32, #tpu.memory_space<hbm>> -> memref<128x128xf32, #tpu.memory_space<hbm>>
      tpu.wait_dma2 semaphore(%arg20 : memref<!tpu.dma_semaphore, #tpu.memory_space<semaphore_mem>>) src(%dma_wait3A_154 : memref<128x128xf32, #tpu.memory_space<hbm>>) dst(%arg13 : memref<128x128xf32, #tpu.memory_space<vmem>>)
      %dma_start3A_155 = arith.constant 0 : i32
      %dma_start3A_156 = arith.constant 0 : i32
      %dma_start3A_157 = tpu.memref_slice %arg15[%dma_start3A_155, %dma_start3A_156] : memref<16x128xi32, #tpu.memory_space<vmem>> -> memref<1x128xi32, #tpu.memory_space<vmem>>
      %dma_start3A_158 = tpu.memref_squeeze %dma_start3A_157 : memref<1x128xi32, #tpu.memory_space<vmem>> -> memref<128xi32, #tpu.memory_space<vmem>>
      %dma_start3A_159 = arith.constant 0 : i32
      %dma_start3A_160 = arith.constant 0 : i32
      %dma_start3A_161 = tpu.memref_slice %arg23[%dma_start3A_159, %dma_start3A_160] : memref<2048x128xf32, #tpu.memory_space<vmem_shared>> -> memref<2048x128xf32, #tpu.memory_space<vmem_shared>>
      tpu.enqueue_indirect_dma source(%arg13 : memref<128x128xf32, #tpu.memory_space<vmem>>) target(%dma_start3A_161 : memref<2048x128xf32, #tpu.memory_space<vmem_shared>>) offsets(%dma_start3A_158 : memref<128xi32, #tpu.memory_space<vmem>>) semaphore(%arg22 : memref<!tpu.dma_semaphore, #tpu.memory_space<semaphore_mem>>) {add = true}
      %dma_wait3A_162 = arith.constant 0 : i32
      %dma_wait3A_163 = arith.constant 0 : i32
      %dma_wait3A_164 = tpu.memref_slice %arg15[%dma_wait3A_162, %dma_wait3A_163] : memref<16x128xi32, #tpu.memory_space<vmem>> -> memref<1x128xi32, #tpu.memory_space<vmem>>
      %dma_wait3A_165 = tpu.memref_squeeze %dma_wait3A_164 : memref<1x128xi32, #tpu.memory_space<vmem>> -> memref<128xi32, #tpu.memory_space<vmem>>
      %dma_wait3A_166 = arith.constant 0 : i32
      %dma_wait3A_167 = arith.constant 0 : i32
      %dma_wait3A_168 = tpu.memref_slice %arg23[%dma_wait3A_166, %dma_wait3A_167] : memref<2048x128xf32, #tpu.memory_space<vmem_shared>> -> memref<2048x128xf32, #tpu.memory_space<vmem_shared>>
      tpu.wait_indirect_dma semaphore(%arg22 : memref<!tpu.dma_semaphore, #tpu.memory_space<semaphore_mem>>) src(%arg13 : memref<128x128xf32, #tpu.memory_space<vmem>>) dst(%dma_wait3A_168 : memref<2048x128xf32, #tpu.memory_space<vmem_shared>>)
      %add3A_169 = arith.constant 256 : i32
      %add3A_170 = arith.addi %mul3A_142, %add3A_169 : i32
      %dma_start3A_171 = arith.constant 0 : i32
      %dma_start3A_172 = tpu.memref_slice %arg2[%add3A_170, %dma_start3A_171] : memref<32768x128xf32, #tpu.memory_space<hbm>> -> memref<128x128xf32, #tpu.memory_space<hbm>>
      %dma_start3A_173 = arith.constant 0 : i32
      %dma_start3A_174 = tpu.memref_slice %arg2[%add3A_170, %dma_start3A_173] : memref<32768x128xf32, #tpu.memory_space<hbm>> -> memref<128x128xf32, #tpu.memory_space<hbm>>
      tpu.enqueue_dma source(%dma_start3A_174 : memref<128x128xf32, #tpu.memory_space<hbm>>) target(%arg13 : memref<128x128xf32, #tpu.memory_space<vmem>>) target_semaphore(%arg20 : memref<!tpu.dma_semaphore, #tpu.memory_space<semaphore_mem>>)
      %dma_wait3A_175 = arith.constant 0 : i32
      %dma_wait3A_176 = tpu.memref_slice %arg2[%add3A_147, %dma_wait3A_175] : memref<32768x128xf32, #tpu.memory_space<hbm>> -> memref<128x128xf32, #tpu.memory_space<hbm>>
      %dma_wait3A_177 = arith.constant 0 : i32
      %dma_wait3A_178 = tpu.memref_slice %arg2[%add3A_147, %dma_wait3A_177] : memref<32768x128xf32, #tpu.memory_space<hbm>> -> memref<128x128xf32, #tpu.memory_space<hbm>>
      tpu.wait_dma2 semaphore(%arg21 : memref<!tpu.dma_semaphore, #tpu.memory_space<semaphore_mem>>) src(%dma_wait3A_178 : memref<128x128xf32, #tpu.memory_space<hbm>>) dst(%arg14 : memref<128x128xf32, #tpu.memory_space<vmem>>)
      %dma_start3A_179 = arith.constant 1 : i32
      %dma_start3A_180 = arith.constant 0 : i32
      %dma_start3A_181 = tpu.memref_slice %arg15[%dma_start3A_179, %dma_start3A_180] : memref<16x128xi32, #tpu.memory_space<vmem>> -> memref<1x128xi32, #tpu.memory_space<vmem>>
      %dma_start3A_182 = tpu.memref_squeeze %dma_start3A_181 : memref<1x128xi32, #tpu.memory_space<vmem>> -> memref<128xi32, #tpu.memory_space<vmem>>
      %dma_start3A_183 = arith.constant 0 : i32
      %dma_start3A_184 = arith.constant 0 : i32
      %dma_start3A_185 = tpu.memref_slice %arg23[%dma_start3A_183, %dma_start3A_184] : memref<2048x128xf32, #tpu.memory_space<vmem_shared>> -> memref<2048x128xf32, #tpu.memory_space<vmem_shared>>
      tpu.enqueue_indirect_dma source(%arg14 : memref<128x128xf32, #tpu.memory_space<vmem>>) target(%dma_start3A_185 : memref<2048x128xf32, #tpu.memory_space<vmem_shared>>) offsets(%dma_start3A_182 : memref<128xi32, #tpu.memory_space<vmem>>) semaphore(%arg22 : memref<!tpu.dma_semaphore, #tpu.memory_space<semaphore_mem>>) {add = true}
      %dma_wait3A_186 = arith.constant 1 : i32
      %dma_wait3A_187 = arith.constant 0 : i32
      %dma_wait3A_188 = tpu.memref_slice %arg15[%dma_wait3A_186, %dma_wait3A_187] : memref<16x128xi32, #tpu.memory_space<vmem>> -> memref<1x128xi32, #tpu.memory_space<vmem>>
      %dma_wait3A_189 = tpu.memref_squeeze %dma_wait3A_188 : memref<1x128xi32, #tpu.memory_space<vmem>> -> memref<128xi32, #tpu.memory_space<vmem>>
      %dma_wait3A_190 = arith.constant 0 : i32
      %dma_wait3A_191 = arith.constant 0 : i32
      %dma_wait3A_192 = tpu.memref_slice %arg23[%dma_wait3A_190, %dma_wait3A_191] : memref<2048x128xf32, #tpu.memory_space<vmem_shared>> -> memref<2048x128xf32, #tpu.memory_space<vmem_shared>>
      tpu.wait_indirect_dma semaphore(%arg22 : memref<!tpu.dma_semaphore, #tpu.memory_space<semaphore_mem>>) src(%arg14 : memref<128x128xf32, #tpu.memory_space<vmem>>) dst(%dma_wait3A_192 : memref<2048x128xf32, #tpu.memory_space<vmem_shared>>)
      %add3A_193 = arith.constant 384 : i32
      %add3A_194 = arith.addi %mul3A_142, %add3A_193 : i32
      %dma_start3A_195 = arith.constant 0 : i32
      %dma_start3A_196 = tpu.memref_slice %arg2[%add3A_194, %dma_start3A_195] : memref<32768x128xf32, #tpu.memory_space<hbm>> -> memref<128x128xf32, #tpu.memory_space<hbm>>
      %dma_start3A_197 = arith.constant 0 : i32
      %dma_start3A_198 = tpu.memref_slice %arg2[%add3A_194, %dma_start3A_197] : memref<32768x128xf32, #tpu.memory_space<hbm>> -> memref<128x128xf32, #tpu.memory_space<hbm>>
      tpu.enqueue_dma source(%dma_start3A_198 : memref<128x128xf32, #tpu.memory_space<hbm>>) target(%arg14 : memref<128x128xf32, #tpu.memory_space<vmem>>) target_semaphore(%arg21 : memref<!tpu.dma_semaphore, #tpu.memory_space<semaphore_mem>>)
      %dma_wait3A_199 = arith.constant 0 : i32
      %dma_wait3A_200 = tpu.memref_slice %arg2[%add3A_170, %dma_wait3A_199] : memref<32768x128xf32, #tpu.memory_space<hbm>> -> memref<128x128xf32, #tpu.memory_space<hbm>>
      %dma_wait3A_201 = arith.constant 0 : i32
      %dma_wait3A_202 = tpu.memref_slice %arg2[%add3A_170, %dma_wait3A_201] : memref<32768x128xf32, #tpu.memory_space<hbm>> -> memref<128x128xf32, #tpu.memory_space<hbm>>
      tpu.wait_dma2 semaphore(%arg20 : memref<!tpu.dma_semaphore, #tpu.memory_space<semaphore_mem>>) src(%dma_wait3A_202 : memref<128x128xf32, #tpu.memory_space<hbm>>) dst(%arg13 : memref<128x128xf32, #tpu.memory_space<vmem>>)
      %dma_start3A_203 = arith.constant 2 : i32
      %dma_start3A_204 = arith.constant 0 : i32
      %dma_start3A_205 = tpu.memref_slice %arg15[%dma_start3A_203, %dma_start3A_204] : memref<16x128xi32, #tpu.memory_space<vmem>> -> memref<1x128xi32, #tpu.memory_space<vmem>>
      %dma_start3A_206 = tpu.memref_squeeze %dma_start3A_205 : memref<1x128xi32, #tpu.memory_space<vmem>> -> memref<128xi32, #tpu.memory_space<vmem>>
      %dma_start3A_207 = arith.constant 0 : i32
      %dma_start3A_208 = arith.constant 0 : i32
      %dma_start3A_209 = tpu.memref_slice %arg23[%dma_start3A_207, %dma_start3A_208] : memref<2048x128xf32, #tpu.memory_space<vmem_shared>> -> memref<2048x128xf32, #tpu.memory_space<vmem_shared>>
      tpu.enqueue_indirect_dma source(%arg13 : memref<128x128xf32, #tpu.memory_space<vmem>>) target(%dma_start3A_209 : memref<2048x128xf32, #tpu.memory_space<vmem_shared>>) offsets(%dma_start3A_206 : memref<128xi32, #tpu.memory_space<vmem>>) semaphore(%arg22 : memref<!tpu.dma_semaphore, #tpu.memory_space<semaphore_mem>>) {add = true}
      %dma_wait3A_210 = arith.constant 2 : i32
      %dma_wait3A_211 = arith.constant 0 : i32
      %dma_wait3A_212 = tpu.memref_slice %arg15[%dma_wait3A_210, %dma_wait3A_211] : memref<16x128xi32, #tpu.memory_space<vmem>> -> memref<1x128xi32, #tpu.memory_space<vmem>>
      %dma_wait3A_213 = tpu.memref_squeeze %dma_wait3A_212 : memref<1x128xi32, #tpu.memory_space<vmem>> -> memref<128xi32, #tpu.memory_space<vmem>>
      %dma_wait3A_214 = arith.constant 0 : i32
      %dma_wait3A_215 = arith.constant 0 : i32
      %dma_wait3A_216 = tpu.memref_slice %arg23[%dma_wait3A_214, %dma_wait3A_215] : memref<2048x128xf32, #tpu.memory_space<vmem_shared>> -> memref<2048x128xf32, #tpu.memory_space<vmem_shared>>
      tpu.wait_indirect_dma semaphore(%arg22 : memref<!tpu.dma_semaphore, #tpu.memory_space<semaphore_mem>>) src(%arg13 : memref<128x128xf32, #tpu.memory_space<vmem>>) dst(%dma_wait3A_216 : memref<2048x128xf32, #tpu.memory_space<vmem_shared>>)
      %add3A_217 = arith.constant 512 : i32
      %add3A_218 = arith.addi %mul3A_142, %add3A_217 : i32
      %dma_start3A_219 = arith.constant 0 : i32
      %dma_start3A_220 = tpu.memref_slice %arg2[%add3A_218, %dma_start3A_219] : memref<32768x128xf32, #tpu.memory_space<hbm>> -> memref<128x128xf32, #tpu.memory_space<hbm>>
      %dma_start3A_221 = arith.constant 0 : i32
      %dma_start3A_222 = tpu.memref_slice %arg2[%add3A_218, %dma_start3A_221] : memref<32768x128xf32, #tpu.memory_space<hbm>> -> memref<128x128xf32, #tpu.memory_space<hbm>>
      tpu.enqueue_dma source(%dma_start3A_222 : memref<128x128xf32, #tpu.memory_space<hbm>>) target(%arg13 : memref<128x128xf32, #tpu.memory_space<vmem>>) target_semaphore(%arg20 : memref<!tpu.dma_semaphore, #tpu.memory_space<semaphore_mem>>)
      %dma_wait3A_223 = arith.constant 0 : i32
      %dma_wait3A_224 = tpu.memref_slice %arg2[%add3A_194, %dma_wait3A_223] : memref<32768x128xf32, #tpu.memory_space<hbm>> -> memref<128x128xf32, #tpu.memory_space<hbm>>
      %dma_wait3A_225 = arith.constant 0 : i32
      %dma_wait3A_226 = tpu.memref_slice %arg2[%add3A_194, %dma_wait3A_225] : memref<32768x128xf32, #tpu.memory_space<hbm>> -> memref<128x128xf32, #tpu.memory_space<hbm>>
      tpu.wait_dma2 semaphore(%arg21 : memref<!tpu.dma_semaphore, #tpu.memory_space<semaphore_mem>>) src(%dma_wait3A_226 : memref<128x128xf32, #tpu.memory_space<hbm>>) dst(%arg14 : memref<128x128xf32, #tpu.memory_space<vmem>>)
      %dma_start3A_227 = arith.constant 3 : i32
      %dma_start3A_228 = arith.constant 0 : i32
      %dma_start3A_229 = tpu.memref_slice %arg15[%dma_start3A_227, %dma_start3A_228] : memref<16x128xi32, #tpu.memory_space<vmem>> -> memref<1x128xi32, #tpu.memory_space<vmem>>
      %dma_start3A_230 = tpu.memref_squeeze %dma_start3A_229 : memref<1x128xi32, #tpu.memory_space<vmem>> -> memref<128xi32, #tpu.memory_space<vmem>>
      %dma_start3A_231 = arith.constant 0 : i32
      %dma_start3A_232 = arith.constant 0 : i32
      %dma_start3A_233 = tpu.memref_slice %arg23[%dma_start3A_231, %dma_start3A_232] : memref<2048x128xf32, #tpu.memory_space<vmem_shared>> -> memref<2048x128xf32, #tpu.memory_space<vmem_shared>>
      tpu.enqueue_indirect_dma source(%arg14 : memref<128x128xf32, #tpu.memory_space<vmem>>) target(%dma_start3A_233 : memref<2048x128xf32, #tpu.memory_space<vmem_shared>>) offsets(%dma_start3A_230 : memref<128xi32, #tpu.memory_space<vmem>>) semaphore(%arg22 : memref<!tpu.dma_semaphore, #tpu.memory_space<semaphore_mem>>) {add = true}
      %dma_wait3A_234 = arith.constant 3 : i32
      %dma_wait3A_235 = arith.constant 0 : i32
      %dma_wait3A_236 = tpu.memref_slice %arg15[%dma_wait3A_234, %dma_wait3A_235] : memref<16x128xi32, #tpu.memory_space<vmem>> -> memref<1x128xi32, #tpu.memory_space<vmem>>
      %dma_wait3A_237 = tpu.memref_squeeze %dma_wait3A_236 : memref<1x128xi32, #tpu.memory_space<vmem>> -> memref<128xi32, #tpu.memory_space<vmem>>
      %dma_wait3A_238 = arith.constant 0 : i32
      %dma_wait3A_239 = arith.constant 0 : i32
      %dma_wait3A_240 = tpu.memref_slice %arg23[%dma_wait3A_238, %dma_wait3A_239] : memref<2048x128xf32, #tpu.memory_space<vmem_shared>> -> memref<2048x128xf32, #tpu.memory_space<vmem_shared>>
      tpu.wait_indirect_dma semaphore(%arg22 : memref<!tpu.dma_semaphore, #tpu.memory_space<semaphore_mem>>) src(%arg14 : memref<128x128xf32, #tpu.memory_space<vmem>>) dst(%dma_wait3A_240 : memref<2048x128xf32, #tpu.memory_space<vmem_shared>>)
      %add3A_241 = arith.constant 640 : i32
      %add3A_242 = arith.addi %mul3A_142, %add3A_241 : i32
      %dma_start3A_243 = arith.constant 0 : i32
      %dma_start3A_244 = tpu.memref_slice %arg2[%add3A_242, %dma_start3A_243] : memref<32768x128xf32, #tpu.memory_space<hbm>> -> memref<128x128xf32, #tpu.memory_space<hbm>>
      %dma_start3A_245 = arith.constant 0 : i32
      %dma_start3A_246 = tpu.memref_slice %arg2[%add3A_242, %dma_start3A_245] : memref<32768x128xf32, #tpu.memory_space<hbm>> -> memref<128x128xf32, #tpu.memory_space<hbm>>
      tpu.enqueue_dma source(%dma_start3A_246 : memref<128x128xf32, #tpu.memory_space<hbm>>) target(%arg14 : memref<128x128xf32, #tpu.memory_space<vmem>>) target_semaphore(%arg21 : memref<!tpu.dma_semaphore, #tpu.memory_space<semaphore_mem>>)
      %dma_wait3A_247 = arith.constant 0 : i32
      %dma_wait3A_248 = tpu.memref_slice %arg2[%add3A_218, %dma_wait3A_247] : memref<32768x128xf32, #tpu.memory_space<hbm>> -> memref<128x128xf32, #tpu.memory_space<hbm>>
      %dma_wait3A_249 = arith.constant 0 : i32
      %dma_wait3A_250 = tpu.memref_slice %arg2[%add3A_218, %dma_wait3A_249] : memref<32768x128xf32, #tpu.memory_space<hbm>> -> memref<128x128xf32, #tpu.memory_space<hbm>>
      tpu.wait_dma2 semaphore(%arg20 : memref<!tpu.dma_semaphore, #tpu.memory_space<semaphore_mem>>) src(%dma_wait3A_250 : memref<128x128xf32, #tpu.memory_space<hbm>>) dst(%arg13 : memref<128x128xf32, #tpu.memory_space<vmem>>)
      %dma_start3A_251 = arith.constant 4 : i32
      %dma_start3A_252 = arith.constant 0 : i32
      %dma_start3A_253 = tpu.memref_slice %arg15[%dma_start3A_251, %dma_start3A_252] : memref<16x128xi32, #tpu.memory_space<vmem>> -> memref<1x128xi32, #tpu.memory_space<vmem>>
      %dma_start3A_254 = tpu.memref_squeeze %dma_start3A_253 : memref<1x128xi32, #tpu.memory_space<vmem>> -> memref<128xi32, #tpu.memory_space<vmem>>
      %dma_start3A_255 = arith.constant 0 : i32
      %dma_start3A_256 = arith.constant 0 : i32
      %dma_start3A_257 = tpu.memref_slice %arg23[%dma_start3A_255, %dma_start3A_256] : memref<2048x128xf32, #tpu.memory_space<vmem_shared>> -> memref<2048x128xf32, #tpu.memory_space<vmem_shared>>
      tpu.enqueue_indirect_dma source(%arg13 : memref<128x128xf32, #tpu.memory_space<vmem>>) target(%dma_start3A_257 : memref<2048x128xf32, #tpu.memory_space<vmem_shared>>) offsets(%dma_start3A_254 : memref<128xi32, #tpu.memory_space<vmem>>) semaphore(%arg22 : memref<!tpu.dma_semaphore, #tpu.memory_space<semaphore_mem>>) {add = true}
      %dma_wait3A_258 = arith.constant 4 : i32
      %dma_wait3A_259 = arith.constant 0 : i32
      %dma_wait3A_260 = tpu.memref_slice %arg15[%dma_wait3A_258, %dma_wait3A_259] : memref<16x128xi32, #tpu.memory_space<vmem>> -> memref<1x128xi32, #tpu.memory_space<vmem>>
      %dma_wait3A_261 = tpu.memref_squeeze %dma_wait3A_260 : memref<1x128xi32, #tpu.memory_space<vmem>> -> memref<128xi32, #tpu.memory_space<vmem>>
      %dma_wait3A_262 = arith.constant 0 : i32
      %dma_wait3A_263 = arith.constant 0 : i32
      %dma_wait3A_264 = tpu.memref_slice %arg23[%dma_wait3A_262, %dma_wait3A_263] : memref<2048x128xf32, #tpu.memory_space<vmem_shared>> -> memref<2048x128xf32, #tpu.memory_space<vmem_shared>>
      tpu.wait_indirect_dma semaphore(%arg22 : memref<!tpu.dma_semaphore, #tpu.memory_space<semaphore_mem>>) src(%arg13 : memref<128x128xf32, #tpu.memory_space<vmem>>) dst(%dma_wait3A_264 : memref<2048x128xf32, #tpu.memory_space<vmem_shared>>)
      %add3A_265 = arith.constant 768 : i32
      %add3A_266 = arith.addi %mul3A_142, %add3A_265 : i32
      %dma_start3A_267 = arith.constant 0 : i32
      %dma_start3A_268 = tpu.memref_slice %arg2[%add3A_266, %dma_start3A_267] : memref<32768x128xf32, #tpu.memory_space<hbm>> -> memref<128x128xf32, #tpu.memory_space<hbm>>
      %dma_start3A_269 = arith.constant 0 : i32
      %dma_start3A_270 = tpu.memref_slice %arg2[%add3A_266, %dma_start3A_269] : memref<32768x128xf32, #tpu.memory_space<hbm>> -> memref<128x128xf32, #tpu.memory_space<hbm>>
      tpu.enqueue_dma source(%dma_start3A_270 : memref<128x128xf32, #tpu.memory_space<hbm>>) target(%arg13 : memref<128x128xf32, #tpu.memory_space<vmem>>) target_semaphore(%arg20 : memref<!tpu.dma_semaphore, #tpu.memory_space<semaphore_mem>>)
      %dma_wait3A_271 = arith.constant 0 : i32
      %dma_wait3A_272 = tpu.memref_slice %arg2[%add3A_242, %dma_wait3A_271] : memref<32768x128xf32, #tpu.memory_space<hbm>> -> memref<128x128xf32, #tpu.memory_space<hbm>>
      %dma_wait3A_273 = arith.constant 0 : i32
      %dma_wait3A_274 = tpu.memref_slice %arg2[%add3A_242, %dma_wait3A_273] : memref<32768x128xf32, #tpu.memory_space<hbm>> -> memref<128x128xf32, #tpu.memory_space<hbm>>
      tpu.wait_dma2 semaphore(%arg21 : memref<!tpu.dma_semaphore, #tpu.memory_space<semaphore_mem>>) src(%dma_wait3A_274 : memref<128x128xf32, #tpu.memory_space<hbm>>) dst(%arg14 : memref<128x128xf32, #tpu.memory_space<vmem>>)
      %dma_start3A_275 = arith.constant 5 : i32
      %dma_start3A_276 = arith.constant 0 : i32
      %dma_start3A_277 = tpu.memref_slice %arg15[%dma_start3A_275, %dma_start3A_276] : memref<16x128xi32, #tpu.memory_space<vmem>> -> memref<1x128xi32, #tpu.memory_space<vmem>>
      %dma_start3A_278 = tpu.memref_squeeze %dma_start3A_277 : memref<1x128xi32, #tpu.memory_space<vmem>> -> memref<128xi32, #tpu.memory_space<vmem>>
      %dma_start3A_279 = arith.constant 0 : i32
      %dma_start3A_280 = arith.constant 0 : i32
      %dma_start3A_281 = tpu.memref_slice %arg23[%dma_start3A_279, %dma_start3A_280] : memref<2048x128xf32, #tpu.memory_space<vmem_shared>> -> memref<2048x128xf32, #tpu.memory_space<vmem_shared>>
      tpu.enqueue_indirect_dma source(%arg14 : memref<128x128xf32, #tpu.memory_space<vmem>>) target(%dma_start3A_281 : memref<2048x128xf32, #tpu.memory_space<vmem_shared>>) offsets(%dma_start3A_278 : memref<128xi32, #tpu.memory_space<vmem>>) semaphore(%arg22 : memref<!tpu.dma_semaphore, #tpu.memory_space<semaphore_mem>>) {add = true}
      %dma_wait3A_282 = arith.constant 5 : i32
      %dma_wait3A_283 = arith.constant 0 : i32
      %dma_wait3A_284 = tpu.memref_slice %arg15[%dma_wait3A_282, %dma_wait3A_283] : memref<16x128xi32, #tpu.memory_space<vmem>> -> memref<1x128xi32, #tpu.memory_space<vmem>>
      %dma_wait3A_285 = tpu.memref_squeeze %dma_wait3A_284 : memref<1x128xi32, #tpu.memory_space<vmem>> -> memref<128xi32, #tpu.memory_space<vmem>>
      %dma_wait3A_286 = arith.constant 0 : i32
      %dma_wait3A_287 = arith.constant 0 : i32
      %dma_wait3A_288 = tpu.memref_slice %arg23[%dma_wait3A_286, %dma_wait3A_287] : memref<2048x128xf32, #tpu.memory_space<vmem_shared>> -> memref<2048x128xf32, #tpu.memory_space<vmem_shared>>
      tpu.wait_indirect_dma semaphore(%arg22 : memref<!tpu.dma_semaphore, #tpu.memory_space<semaphore_mem>>) src(%arg14 : memref<128x128xf32, #tpu.memory_space<vmem>>) dst(%dma_wait3A_288 : memref<2048x128xf32, #tpu.memory_space<vmem_shared>>)
      %add3A_289 = arith.constant 896 : i32
      %add3A_290 = arith.addi %mul3A_142, %add3A_289 : i32
      %dma_start3A_291 = arith.constant 0 : i32
      %dma_start3A_292 = tpu.memref_slice %arg2[%add3A_290, %dma_start3A_291] : memref<32768x128xf32, #tpu.memory_space<hbm>> -> memref<128x128xf32, #tpu.memory_space<hbm>>
      %dma_start3A_293 = arith.constant 0 : i32
      %dma_start3A_294 = tpu.memref_slice %arg2[%add3A_290, %dma_start3A_293] : memref<32768x128xf32, #tpu.memory_space<hbm>> -> memref<128x128xf32, #tpu.memory_space<hbm>>
      tpu.enqueue_dma source(%dma_start3A_294 : memref<128x128xf32, #tpu.memory_space<hbm>>) target(%arg14 : memref<128x128xf32, #tpu.memory_space<vmem>>) target_semaphore(%arg21 : memref<!tpu.dma_semaphore, #tpu.memory_space<semaphore_mem>>)
      %dma_wait3A_295 = arith.constant 0 : i32
      %dma_wait3A_296 = tpu.memref_slice %arg2[%add3A_266, %dma_wait3A_295] : memref<32768x128xf32, #tpu.memory_space<hbm>> -> memref<128x128xf32, #tpu.memory_space<hbm>>
      %dma_wait3A_297 = arith.constant 0 : i32
      %dma_wait3A_298 = tpu.memref_slice %arg2[%add3A_266, %dma_wait3A_297] : memref<32768x128xf32, #tpu.memory_space<hbm>> -> memref<128x128xf32, #tpu.memory_space<hbm>>
      tpu.wait_dma2 semaphore(%arg20 : memref<!tpu.dma_semaphore, #tpu.memory_space<semaphore_mem>>) src(%dma_wait3A_298 : memref<128x128xf32, #tpu.memory_space<hbm>>) dst(%arg13 : memref<128x128xf32, #tpu.memory_space<vmem>>)
      %dma_start3A_299 = arith.constant 6 : i32
      %dma_start3A_300 = arith.constant 0 : i32
      %dma_start3A_301 = tpu.memref_slice %arg15[%dma_start3A_299, %dma_start3A_300] : memref<16x128xi32, #tpu.memory_space<vmem>> -> memref<1x128xi32, #tpu.memory_space<vmem>>
      %dma_start3A_302 = tpu.memref_squeeze %dma_start3A_301 : memref<1x128xi32, #tpu.memory_space<vmem>> -> memref<128xi32, #tpu.memory_space<vmem>>
      %dma_start3A_303 = arith.constant 0 : i32
      %dma_start3A_304 = arith.constant 0 : i32
      %dma_start3A_305 = tpu.memref_slice %arg23[%dma_start3A_303, %dma_start3A_304] : memref<2048x128xf32, #tpu.memory_space<vmem_shared>> -> memref<2048x128xf32, #tpu.memory_space<vmem_shared>>
      tpu.enqueue_indirect_dma source(%arg13 : memref<128x128xf32, #tpu.memory_space<vmem>>) target(%dma_start3A_305 : memref<2048x128xf32, #tpu.memory_space<vmem_shared>>) offsets(%dma_start3A_302 : memref<128xi32, #tpu.memory_space<vmem>>) semaphore(%arg22 : memref<!tpu.dma_semaphore, #tpu.memory_space<semaphore_mem>>) {add = true}
      %dma_wait3A_306 = arith.constant 6 : i32
      %dma_wait3A_307 = arith.constant 0 : i32
      %dma_wait3A_308 = tpu.memref_slice %arg15[%dma_wait3A_306, %dma_wait3A_307] : memref<16x128xi32, #tpu.memory_space<vmem>> -> memref<1x128xi32, #tpu.memory_space<vmem>>
      %dma_wait3A_309 = tpu.memref_squeeze %dma_wait3A_308 : memref<1x128xi32, #tpu.memory_space<vmem>> -> memref<128xi32, #tpu.memory_space<vmem>>
      %dma_wait3A_310 = arith.constant 0 : i32
      %dma_wait3A_311 = arith.constant 0 : i32
      %dma_wait3A_312 = tpu.memref_slice %arg23[%dma_wait3A_310, %dma_wait3A_311] : memref<2048x128xf32, #tpu.memory_space<vmem_shared>> -> memref<2048x128xf32, #tpu.memory_space<vmem_shared>>
      tpu.wait_indirect_dma semaphore(%arg22 : memref<!tpu.dma_semaphore, #tpu.memory_space<semaphore_mem>>) src(%arg13 : memref<128x128xf32, #tpu.memory_space<vmem>>) dst(%dma_wait3A_312 : memref<2048x128xf32, #tpu.memory_space<vmem_shared>>)
      %add3A_313 = arith.constant 1024 : i32
      %add3A_314 = arith.addi %mul3A_142, %add3A_313 : i32
      %dma_start3A_315 = arith.constant 0 : i32
      %dma_start3A_316 = tpu.memref_slice %arg2[%add3A_314, %dma_start3A_315] : memref<32768x128xf32, #tpu.memory_space<hbm>> -> memref<128x128xf32, #tpu.memory_space<hbm>>
      %dma_start3A_317 = arith.constant 0 : i32
      %dma_start3A_318 = tpu.memref_slice %arg2[%add3A_314, %dma_start3A_317] : memref<32768x128xf32, #tpu.memory_space<hbm>> -> memref<128x128xf32, #tpu.memory_space<hbm>>
      tpu.enqueue_dma source(%dma_start3A_318 : memref<128x128xf32, #tpu.memory_space<hbm>>) target(%arg13 : memref<128x128xf32, #tpu.memory_space<vmem>>) target_semaphore(%arg20 : memref<!tpu.dma_semaphore, #tpu.memory_space<semaphore_mem>>)
      %dma_wait3A_319 = arith.constant 0 : i32
      %dma_wait3A_320 = tpu.memref_slice %arg2[%add3A_290, %dma_wait3A_319] : memref<32768x128xf32, #tpu.memory_space<hbm>> -> memref<128x128xf32, #tpu.memory_space<hbm>>
      %dma_wait3A_321 = arith.constant 0 : i32
      %dma_wait3A_322 = tpu.memref_slice %arg2[%add3A_290, %dma_wait3A_321] : memref<32768x128xf32, #tpu.memory_space<hbm>> -> memref<128x128xf32, #tpu.memory_space<hbm>>
      tpu.wait_dma2 semaphore(%arg21 : memref<!tpu.dma_semaphore, #tpu.memory_space<semaphore_mem>>) src(%dma_wait3A_322 : memref<128x128xf32, #tpu.memory_space<hbm>>) dst(%arg14 : memref<128x128xf32, #tpu.memory_space<vmem>>)
      %dma_start3A_323 = arith.constant 7 : i32
      %dma_start3A_324 = arith.constant 0 : i32
      %dma_start3A_325 = tpu.memref_slice %arg15[%dma_start3A_323, %dma_start3A_324] : memref<16x128xi32, #tpu.memory_space<vmem>> -> memref<1x128xi32, #tpu.memory_space<vmem>>
      %dma_start3A_326 = tpu.memref_squeeze %dma_start3A_325 : memref<1x128xi32, #tpu.memory_space<vmem>> -> memref<128xi32, #tpu.memory_space<vmem>>
      %dma_start3A_327 = arith.constant 0 : i32
      %dma_start3A_328 = arith.constant 0 : i32
      %dma_start3A_329 = tpu.memref_slice %arg23[%dma_start3A_327, %dma_start3A_328] : memref<2048x128xf32, #tpu.memory_space<vmem_shared>> -> memref<2048x128xf32, #tpu.memory_space<vmem_shared>>
      tpu.enqueue_indirect_dma source(%arg14 : memref<128x128xf32, #tpu.memory_space<vmem>>) target(%dma_start3A_329 : memref<2048x128xf32, #tpu.memory_space<vmem_shared>>) offsets(%dma_start3A_326 : memref<128xi32, #tpu.memory_space<vmem>>) semaphore(%arg22 : memref<!tpu.dma_semaphore, #tpu.memory_space<semaphore_mem>>) {add = true}
      %dma_wait3A_330 = arith.constant 7 : i32
      %dma_wait3A_331 = arith.constant 0 : i32
      %dma_wait3A_332 = tpu.memref_slice %arg15[%dma_wait3A_330, %dma_wait3A_331] : memref<16x128xi32, #tpu.memory_space<vmem>> -> memref<1x128xi32, #tpu.memory_space<vmem>>
      %dma_wait3A_333 = tpu.memref_squeeze %dma_wait3A_332 : memref<1x128xi32, #tpu.memory_space<vmem>> -> memref<128xi32, #tpu.memory_space<vmem>>
      %dma_wait3A_334 = arith.constant 0 : i32
      %dma_wait3A_335 = arith.constant 0 : i32
      %dma_wait3A_336 = tpu.memref_slice %arg23[%dma_wait3A_334, %dma_wait3A_335] : memref<2048x128xf32, #tpu.memory_space<vmem_shared>> -> memref<2048x128xf32, #tpu.memory_space<vmem_shared>>
      tpu.wait_indirect_dma semaphore(%arg22 : memref<!tpu.dma_semaphore, #tpu.memory_space<semaphore_mem>>) src(%arg14 : memref<128x128xf32, #tpu.memory_space<vmem>>) dst(%dma_wait3A_336 : memref<2048x128xf32, #tpu.memory_space<vmem_shared>>)
      %add3A_337 = arith.constant 1152 : i32
      %add3A_338 = arith.addi %mul3A_142, %add3A_337 : i32
      %dma_start3A_339 = arith.constant 0 : i32
      %dma_start3A_340 = tpu.memref_slice %arg2[%add3A_338, %dma_start3A_339] : memref<32768x128xf32, #tpu.memory_space<hbm>> -> memref<128x128xf32, #tpu.memory_space<hbm>>
      %dma_start3A_341 = arith.constant 0 : i32
      %dma_start3A_342 = tpu.memref_slice %arg2[%add3A_338, %dma_start3A_341] : memref<32768x128xf32, #tpu.memory_space<hbm>> -> memref<128x128xf32, #tpu.memory_space<hbm>>
      tpu.enqueue_dma source(%dma_start3A_342 : memref<128x128xf32, #tpu.memory_space<hbm>>) target(%arg14 : memref<128x128xf32, #tpu.memory_space<vmem>>) target_semaphore(%arg21 : memref<!tpu.dma_semaphore, #tpu.memory_space<semaphore_mem>>)
      %dma_wait3A_343 = arith.constant 0 : i32
      %dma_wait3A_344 = tpu.memref_slice %arg2[%add3A_314, %dma_wait3A_343] : memref<32768x128xf32, #tpu.memory_space<hbm>> -> memref<128x128xf32, #tpu.memory_space<hbm>>
      %dma_wait3A_345 = arith.constant 0 : i32
      %dma_wait3A_346 = tpu.memref_slice %arg2[%add3A_314, %dma_wait3A_345] : memref<32768x128xf32, #tpu.memory_space<hbm>> -> memref<128x128xf32, #tpu.memory_space<hbm>>
      tpu.wait_dma2 semaphore(%arg20 : memref<!tpu.dma_semaphore, #tpu.memory_space<semaphore_mem>>) src(%dma_wait3A_346 : memref<128x128xf32, #tpu.memory_space<hbm>>) dst(%arg13 : memref<128x128xf32, #tpu.memory_space<vmem>>)
      %dma_start3A_347 = arith.constant 8 : i32
      %dma_start3A_348 = arith.constant 0 : i32
      %dma_start3A_349 = tpu.memref_slice %arg15[%dma_start3A_347, %dma_start3A_348] : memref<16x128xi32, #tpu.memory_space<vmem>> -> memref<1x128xi32, #tpu.memory_space<vmem>>
      %dma_start3A_350 = tpu.memref_squeeze %dma_start3A_349 : memref<1x128xi32, #tpu.memory_space<vmem>> -> memref<128xi32, #tpu.memory_space<vmem>>
      %dma_start3A_351 = arith.constant 0 : i32
      %dma_start3A_352 = arith.constant 0 : i32
      %dma_start3A_353 = tpu.memref_slice %arg23[%dma_start3A_351, %dma_start3A_352] : memref<2048x128xf32, #tpu.memory_space<vmem_shared>> -> memref<2048x128xf32, #tpu.memory_space<vmem_shared>>
      tpu.enqueue_indirect_dma source(%arg13 : memref<128x128xf32, #tpu.memory_space<vmem>>) target(%dma_start3A_353 : memref<2048x128xf32, #tpu.memory_space<vmem_shared>>) offsets(%dma_start3A_350 : memref<128xi32, #tpu.memory_space<vmem>>) semaphore(%arg22 : memref<!tpu.dma_semaphore, #tpu.memory_space<semaphore_mem>>) {add = true}
      %dma_wait3A_354 = arith.constant 8 : i32
      %dma_wait3A_355 = arith.constant 0 : i32
      %dma_wait3A_356 = tpu.memref_slice %arg15[%dma_wait3A_354, %dma_wait3A_355] : memref<16x128xi32, #tpu.memory_space<vmem>> -> memref<1x128xi32, #tpu.memory_space<vmem>>
      %dma_wait3A_357 = tpu.memref_squeeze %dma_wait3A_356 : memref<1x128xi32, #tpu.memory_space<vmem>> -> memref<128xi32, #tpu.memory_space<vmem>>
      %dma_wait3A_358 = arith.constant 0 : i32
      %dma_wait3A_359 = arith.constant 0 : i32
      %dma_wait3A_360 = tpu.memref_slice %arg23[%dma_wait3A_358, %dma_wait3A_359] : memref<2048x128xf32, #tpu.memory_space<vmem_shared>> -> memref<2048x128xf32, #tpu.memory_space<vmem_shared>>
      tpu.wait_indirect_dma semaphore(%arg22 : memref<!tpu.dma_semaphore, #tpu.memory_space<semaphore_mem>>) src(%arg13 : memref<128x128xf32, #tpu.memory_space<vmem>>) dst(%dma_wait3A_360 : memref<2048x128xf32, #tpu.memory_space<vmem_shared>>)
      %add3A_361 = arith.constant 1280 : i32
      %add3A_362 = arith.addi %mul3A_142, %add3A_361 : i32
      %dma_start3A_363 = arith.constant 0 : i32
      %dma_start3A_364 = tpu.memref_slice %arg2[%add3A_362, %dma_start3A_363] : memref<32768x128xf32, #tpu.memory_space<hbm>> -> memref<128x128xf32, #tpu.memory_space<hbm>>
      %dma_start3A_365 = arith.constant 0 : i32
      %dma_start3A_366 = tpu.memref_slice %arg2[%add3A_362, %dma_start3A_365] : memref<32768x128xf32, #tpu.memory_space<hbm>> -> memref<128x128xf32, #tpu.memory_space<hbm>>
      tpu.enqueue_dma source(%dma_start3A_366 : memref<128x128xf32, #tpu.memory_space<hbm>>) target(%arg13 : memref<128x128xf32, #tpu.memory_space<vmem>>) target_semaphore(%arg20 : memref<!tpu.dma_semaphore, #tpu.memory_space<semaphore_mem>>)
      %dma_wait3A_367 = arith.constant 0 : i32
      %dma_wait3A_368 = tpu.memref_slice %arg2[%add3A_338, %dma_wait3A_367] : memref<32768x128xf32, #tpu.memory_space<hbm>> -> memref<128x128xf32, #tpu.memory_space<hbm>>
      %dma_wait3A_369 = arith.constant 0 : i32
      %dma_wait3A_370 = tpu.memref_slice %arg2[%add3A_338, %dma_wait3A_369] : memref<32768x128xf32, #tpu.memory_space<hbm>> -> memref<128x128xf32, #tpu.memory_space<hbm>>
      tpu.wait_dma2 semaphore(%arg21 : memref<!tpu.dma_semaphore, #tpu.memory_space<semaphore_mem>>) src(%dma_wait3A_370 : memref<128x128xf32, #tpu.memory_space<hbm>>) dst(%arg14 : memref<128x128xf32, #tpu.memory_space<vmem>>)
      %dma_start3A_371 = arith.constant 9 : i32
      %dma_start3A_372 = arith.constant 0 : i32
      %dma_start3A_373 = tpu.memref_slice %arg15[%dma_start3A_371, %dma_start3A_372] : memref<16x128xi32, #tpu.memory_space<vmem>> -> memref<1x128xi32, #tpu.memory_space<vmem>>
      %dma_start3A_374 = tpu.memref_squeeze %dma_start3A_373 : memref<1x128xi32, #tpu.memory_space<vmem>> -> memref<128xi32, #tpu.memory_space<vmem>>
      %dma_start3A_375 = arith.constant 0 : i32
      %dma_start3A_376 = arith.constant 0 : i32
      %dma_start3A_377 = tpu.memref_slice %arg23[%dma_start3A_375, %dma_start3A_376] : memref<2048x128xf32, #tpu.memory_space<vmem_shared>> -> memref<2048x128xf32, #tpu.memory_space<vmem_shared>>
      tpu.enqueue_indirect_dma source(%arg14 : memref<128x128xf32, #tpu.memory_space<vmem>>) target(%dma_start3A_377 : memref<2048x128xf32, #tpu.memory_space<vmem_shared>>) offsets(%dma_start3A_374 : memref<128xi32, #tpu.memory_space<vmem>>) semaphore(%arg22 : memref<!tpu.dma_semaphore, #tpu.memory_space<semaphore_mem>>) {add = true}
      %dma_wait3A_378 = arith.constant 9 : i32
      %dma_wait3A_379 = arith.constant 0 : i32
      %dma_wait3A_380 = tpu.memref_slice %arg15[%dma_wait3A_378, %dma_wait3A_379] : memref<16x128xi32, #tpu.memory_space<vmem>> -> memref<1x128xi32, #tpu.memory_space<vmem>>
      %dma_wait3A_381 = tpu.memref_squeeze %dma_wait3A_380 : memref<1x128xi32, #tpu.memory_space<vmem>> -> memref<128xi32, #tpu.memory_space<vmem>>
      %dma_wait3A_382 = arith.constant 0 : i32
      %dma_wait3A_383 = arith.constant 0 : i32
      %dma_wait3A_384 = tpu.memref_slice %arg23[%dma_wait3A_382, %dma_wait3A_383] : memref<2048x128xf32, #tpu.memory_space<vmem_shared>> -> memref<2048x128xf32, #tpu.memory_space<vmem_shared>>
      tpu.wait_indirect_dma semaphore(%arg22 : memref<!tpu.dma_semaphore, #tpu.memory_space<semaphore_mem>>) src(%arg14 : memref<128x128xf32, #tpu.memory_space<vmem>>) dst(%dma_wait3A_384 : memref<2048x128xf32, #tpu.memory_space<vmem_shared>>)
      %add3A_385 = arith.constant 1408 : i32
      %add3A_386 = arith.addi %mul3A_142, %add3A_385 : i32
      %dma_start3A_387 = arith.constant 0 : i32
      %dma_start3A_388 = tpu.memref_slice %arg2[%add3A_386, %dma_start3A_387] : memref<32768x128xf32, #tpu.memory_space<hbm>> -> memref<128x128xf32, #tpu.memory_space<hbm>>
      %dma_start3A_389 = arith.constant 0 : i32
      %dma_start3A_390 = tpu.memref_slice %arg2[%add3A_386, %dma_start3A_389] : memref<32768x128xf32, #tpu.memory_space<hbm>> -> memref<128x128xf32, #tpu.memory_space<hbm>>
      tpu.enqueue_dma source(%dma_start3A_390 : memref<128x128xf32, #tpu.memory_space<hbm>>) target(%arg14 : memref<128x128xf32, #tpu.memory_space<vmem>>) target_semaphore(%arg21 : memref<!tpu.dma_semaphore, #tpu.memory_space<semaphore_mem>>)
      %dma_wait3A_391 = arith.constant 0 : i32
      %dma_wait3A_392 = tpu.memref_slice %arg2[%add3A_362, %dma_wait3A_391] : memref<32768x128xf32, #tpu.memory_space<hbm>> -> memref<128x128xf32, #tpu.memory_space<hbm>>
      %dma_wait3A_393 = arith.constant 0 : i32
      %dma_wait3A_394 = tpu.memref_slice %arg2[%add3A_362, %dma_wait3A_393] : memref<32768x128xf32, #tpu.memory_space<hbm>> -> memref<128x128xf32, #tpu.memory_space<hbm>>
      tpu.wait_dma2 semaphore(%arg20 : memref<!tpu.dma_semaphore, #tpu.memory_space<semaphore_mem>>) src(%dma_wait3A_394 : memref<128x128xf32, #tpu.memory_space<hbm>>) dst(%arg13 : memref<128x128xf32, #tpu.memory_space<vmem>>)
      %dma_start3A_395 = arith.constant 10 : i32
      %dma_start3A_396 = arith.constant 0 : i32
      %dma_start3A_397 = tpu.memref_slice %arg15[%dma_start3A_395, %dma_start3A_396] : memref<16x128xi32, #tpu.memory_space<vmem>> -> memref<1x128xi32, #tpu.memory_space<vmem>>
      %dma_start3A_398 = tpu.memref_squeeze %dma_start3A_397 : memref<1x128xi32, #tpu.memory_space<vmem>> -> memref<128xi32, #tpu.memory_space<vmem>>
      %dma_start3A_399 = arith.constant 0 : i32
      %dma_start3A_400 = arith.constant 0 : i32
      %dma_start3A_401 = tpu.memref_slice %arg23[%dma_start3A_399, %dma_start3A_400] : memref<2048x128xf32, #tpu.memory_space<vmem_shared>> -> memref<2048x128xf32, #tpu.memory_space<vmem_shared>>
      tpu.enqueue_indirect_dma source(%arg13 : memref<128x128xf32, #tpu.memory_space<vmem>>) target(%dma_start3A_401 : memref<2048x128xf32, #tpu.memory_space<vmem_shared>>) offsets(%dma_start3A_398 : memref<128xi32, #tpu.memory_space<vmem>>) semaphore(%arg22 : memref<!tpu.dma_semaphore, #tpu.memory_space<semaphore_mem>>) {add = true}
      %dma_wait3A_402 = arith.constant 10 : i32
      %dma_wait3A_403 = arith.constant 0 : i32
      %dma_wait3A_404 = tpu.memref_slice %arg15[%dma_wait3A_402, %dma_wait3A_403] : memref<16x128xi32, #tpu.memory_space<vmem>> -> memref<1x128xi32, #tpu.memory_space<vmem>>
      %dma_wait3A_405 = tpu.memref_squeeze %dma_wait3A_404 : memref<1x128xi32, #tpu.memory_space<vmem>> -> memref<128xi32, #tpu.memory_space<vmem>>
      %dma_wait3A_406 = arith.constant 0 : i32
      %dma_wait3A_407 = arith.constant 0 : i32
      %dma_wait3A_408 = tpu.memref_slice %arg23[%dma_wait3A_406, %dma_wait3A_407] : memref<2048x128xf32, #tpu.memory_space<vmem_shared>> -> memref<2048x128xf32, #tpu.memory_space<vmem_shared>>
      tpu.wait_indirect_dma semaphore(%arg22 : memref<!tpu.dma_semaphore, #tpu.memory_space<semaphore_mem>>) src(%arg13 : memref<128x128xf32, #tpu.memory_space<vmem>>) dst(%dma_wait3A_408 : memref<2048x128xf32, #tpu.memory_space<vmem_shared>>)
      %add3A_409 = arith.constant 1536 : i32
      %add3A_410 = arith.addi %mul3A_142, %add3A_409 : i32
      %dma_start3A_411 = arith.constant 0 : i32
      %dma_start3A_412 = tpu.memref_slice %arg2[%add3A_410, %dma_start3A_411] : memref<32768x128xf32, #tpu.memory_space<hbm>> -> memref<128x128xf32, #tpu.memory_space<hbm>>
      %dma_start3A_413 = arith.constant 0 : i32
      %dma_start3A_414 = tpu.memref_slice %arg2[%add3A_410, %dma_start3A_413] : memref<32768x128xf32, #tpu.memory_space<hbm>> -> memref<128x128xf32, #tpu.memory_space<hbm>>
      tpu.enqueue_dma source(%dma_start3A_414 : memref<128x128xf32, #tpu.memory_space<hbm>>) target(%arg13 : memref<128x128xf32, #tpu.memory_space<vmem>>) target_semaphore(%arg20 : memref<!tpu.dma_semaphore, #tpu.memory_space<semaphore_mem>>)
      %dma_wait3A_415 = arith.constant 0 : i32
      %dma_wait3A_416 = tpu.memref_slice %arg2[%add3A_386, %dma_wait3A_415] : memref<32768x128xf32, #tpu.memory_space<hbm>> -> memref<128x128xf32, #tpu.memory_space<hbm>>
      %dma_wait3A_417 = arith.constant 0 : i32
      %dma_wait3A_418 = tpu.memref_slice %arg2[%add3A_386, %dma_wait3A_417] : memref<32768x128xf32, #tpu.memory_space<hbm>> -> memref<128x128xf32, #tpu.memory_space<hbm>>
      tpu.wait_dma2 semaphore(%arg21 : memref<!tpu.dma_semaphore, #tpu.memory_space<semaphore_mem>>) src(%dma_wait3A_418 : memref<128x128xf32, #tpu.memory_space<hbm>>) dst(%arg14 : memref<128x128xf32, #tpu.memory_space<vmem>>)
      %dma_start3A_419 = arith.constant 11 : i32
      %dma_start3A_420 = arith.constant 0 : i32
      %dma_start3A_421 = tpu.memref_slice %arg15[%dma_start3A_419, %dma_start3A_420] : memref<16x128xi32, #tpu.memory_space<vmem>> -> memref<1x128xi32, #tpu.memory_space<vmem>>
      %dma_start3A_422 = tpu.memref_squeeze %dma_start3A_421 : memref<1x128xi32, #tpu.memory_space<vmem>> -> memref<128xi32, #tpu.memory_space<vmem>>
      %dma_start3A_423 = arith.constant 0 : i32
      %dma_start3A_424 = arith.constant 0 : i32
      %dma_start3A_425 = tpu.memref_slice %arg23[%dma_start3A_423, %dma_start3A_424] : memref<2048x128xf32, #tpu.memory_space<vmem_shared>> -> memref<2048x128xf32, #tpu.memory_space<vmem_shared>>
      tpu.enqueue_indirect_dma source(%arg14 : memref<128x128xf32, #tpu.memory_space<vmem>>) target(%dma_start3A_425 : memref<2048x128xf32, #tpu.memory_space<vmem_shared>>) offsets(%dma_start3A_422 : memref<128xi32, #tpu.memory_space<vmem>>) semaphore(%arg22 : memref<!tpu.dma_semaphore, #tpu.memory_space<semaphore_mem>>) {add = true}
      %dma_wait3A_426 = arith.constant 11 : i32
      %dma_wait3A_427 = arith.constant 0 : i32
      %dma_wait3A_428 = tpu.memref_slice %arg15[%dma_wait3A_426, %dma_wait3A_427] : memref<16x128xi32, #tpu.memory_space<vmem>> -> memref<1x128xi32, #tpu.memory_space<vmem>>
      %dma_wait3A_429 = tpu.memref_squeeze %dma_wait3A_428 : memref<1x128xi32, #tpu.memory_space<vmem>> -> memref<128xi32, #tpu.memory_space<vmem>>
      %dma_wait3A_430 = arith.constant 0 : i32
      %dma_wait3A_431 = arith.constant 0 : i32
      %dma_wait3A_432 = tpu.memref_slice %arg23[%dma_wait3A_430, %dma_wait3A_431] : memref<2048x128xf32, #tpu.memory_space<vmem_shared>> -> memref<2048x128xf32, #tpu.memory_space<vmem_shared>>
      tpu.wait_indirect_dma semaphore(%arg22 : memref<!tpu.dma_semaphore, #tpu.memory_space<semaphore_mem>>) src(%arg14 : memref<128x128xf32, #tpu.memory_space<vmem>>) dst(%dma_wait3A_432 : memref<2048x128xf32, #tpu.memory_space<vmem_shared>>)
      %add3A_433 = arith.constant 1664 : i32
      %add3A_434 = arith.addi %mul3A_142, %add3A_433 : i32
      %dma_start3A_435 = arith.constant 0 : i32
      %dma_start3A_436 = tpu.memref_slice %arg2[%add3A_434, %dma_start3A_435] : memref<32768x128xf32, #tpu.memory_space<hbm>> -> memref<128x128xf32, #tpu.memory_space<hbm>>
      %dma_start3A_437 = arith.constant 0 : i32
      %dma_start3A_438 = tpu.memref_slice %arg2[%add3A_434, %dma_start3A_437] : memref<32768x128xf32, #tpu.memory_space<hbm>> -> memref<128x128xf32, #tpu.memory_space<hbm>>
      tpu.enqueue_dma source(%dma_start3A_438 : memref<128x128xf32, #tpu.memory_space<hbm>>) target(%arg14 : memref<128x128xf32, #tpu.memory_space<vmem>>) target_semaphore(%arg21 : memref<!tpu.dma_semaphore, #tpu.memory_space<semaphore_mem>>)
      %dma_wait3A_439 = arith.constant 0 : i32
      %dma_wait3A_440 = tpu.memref_slice %arg2[%add3A_410, %dma_wait3A_439] : memref<32768x128xf32, #tpu.memory_space<hbm>> -> memref<128x128xf32, #tpu.memory_space<hbm>>
      %dma_wait3A_441 = arith.constant 0 : i32
      %dma_wait3A_442 = tpu.memref_slice %arg2[%add3A_410, %dma_wait3A_441] : memref<32768x128xf32, #tpu.memory_space<hbm>> -> memref<128x128xf32, #tpu.memory_space<hbm>>
      tpu.wait_dma2 semaphore(%arg20 : memref<!tpu.dma_semaphore, #tpu.memory_space<semaphore_mem>>) src(%dma_wait3A_442 : memref<128x128xf32, #tpu.memory_space<hbm>>) dst(%arg13 : memref<128x128xf32, #tpu.memory_space<vmem>>)
      %dma_start3A_443 = arith.constant 12 : i32
      %dma_start3A_444 = arith.constant 0 : i32
      %dma_start3A_445 = tpu.memref_slice %arg15[%dma_start3A_443, %dma_start3A_444] : memref<16x128xi32, #tpu.memory_space<vmem>> -> memref<1x128xi32, #tpu.memory_space<vmem>>
      %dma_start3A_446 = tpu.memref_squeeze %dma_start3A_445 : memref<1x128xi32, #tpu.memory_space<vmem>> -> memref<128xi32, #tpu.memory_space<vmem>>
      %dma_start3A_447 = arith.constant 0 : i32
      %dma_start3A_448 = arith.constant 0 : i32
      %dma_start3A_449 = tpu.memref_slice %arg23[%dma_start3A_447, %dma_start3A_448] : memref<2048x128xf32, #tpu.memory_space<vmem_shared>> -> memref<2048x128xf32, #tpu.memory_space<vmem_shared>>
      tpu.enqueue_indirect_dma source(%arg13 : memref<128x128xf32, #tpu.memory_space<vmem>>) target(%dma_start3A_449 : memref<2048x128xf32, #tpu.memory_space<vmem_shared>>) offsets(%dma_start3A_446 : memref<128xi32, #tpu.memory_space<vmem>>) semaphore(%arg22 : memref<!tpu.dma_semaphore, #tpu.memory_space<semaphore_mem>>) {add = true}
      %dma_wait3A_450 = arith.constant 12 : i32
      %dma_wait3A_451 = arith.constant 0 : i32
      %dma_wait3A_452 = tpu.memref_slice %arg15[%dma_wait3A_450, %dma_wait3A_451] : memref<16x128xi32, #tpu.memory_space<vmem>> -> memref<1x128xi32, #tpu.memory_space<vmem>>
      %dma_wait3A_453 = tpu.memref_squeeze %dma_wait3A_452 : memref<1x128xi32, #tpu.memory_space<vmem>> -> memref<128xi32, #tpu.memory_space<vmem>>
      %dma_wait3A_454 = arith.constant 0 : i32
      %dma_wait3A_455 = arith.constant 0 : i32
      %dma_wait3A_456 = tpu.memref_slice %arg23[%dma_wait3A_454, %dma_wait3A_455] : memref<2048x128xf32, #tpu.memory_space<vmem_shared>> -> memref<2048x128xf32, #tpu.memory_space<vmem_shared>>
      tpu.wait_indirect_dma semaphore(%arg22 : memref<!tpu.dma_semaphore, #tpu.memory_space<semaphore_mem>>) src(%arg13 : memref<128x128xf32, #tpu.memory_space<vmem>>) dst(%dma_wait3A_456 : memref<2048x128xf32, #tpu.memory_space<vmem_shared>>)
      %add3A_457 = arith.constant 1792 : i32
      %add3A_458 = arith.addi %mul3A_142, %add3A_457 : i32
      %dma_start3A_459 = arith.constant 0 : i32
      %dma_start3A_460 = tpu.memref_slice %arg2[%add3A_458, %dma_start3A_459] : memref<32768x128xf32, #tpu.memory_space<hbm>> -> memref<128x128xf32, #tpu.memory_space<hbm>>
      %dma_start3A_461 = arith.constant 0 : i32
      %dma_start3A_462 = tpu.memref_slice %arg2[%add3A_458, %dma_start3A_461] : memref<32768x128xf32, #tpu.memory_space<hbm>> -> memref<128x128xf32, #tpu.memory_space<hbm>>
      tpu.enqueue_dma source(%dma_start3A_462 : memref<128x128xf32, #tpu.memory_space<hbm>>) target(%arg13 : memref<128x128xf32, #tpu.memory_space<vmem>>) target_semaphore(%arg20 : memref<!tpu.dma_semaphore, #tpu.memory_space<semaphore_mem>>)
      %dma_wait3A_463 = arith.constant 0 : i32
      %dma_wait3A_464 = tpu.memref_slice %arg2[%add3A_434, %dma_wait3A_463] : memref<32768x128xf32, #tpu.memory_space<hbm>> -> memref<128x128xf32, #tpu.memory_space<hbm>>
      %dma_wait3A_465 = arith.constant 0 : i32
      %dma_wait3A_466 = tpu.memref_slice %arg2[%add3A_434, %dma_wait3A_465] : memref<32768x128xf32, #tpu.memory_space<hbm>> -> memref<128x128xf32, #tpu.memory_space<hbm>>
      tpu.wait_dma2 semaphore(%arg21 : memref<!tpu.dma_semaphore, #tpu.memory_space<semaphore_mem>>) src(%dma_wait3A_466 : memref<128x128xf32, #tpu.memory_space<hbm>>) dst(%arg14 : memref<128x128xf32, #tpu.memory_space<vmem>>)
      %dma_start3A_467 = arith.constant 13 : i32
      %dma_start3A_468 = arith.constant 0 : i32
      %dma_start3A_469 = tpu.memref_slice %arg15[%dma_start3A_467, %dma_start3A_468] : memref<16x128xi32, #tpu.memory_space<vmem>> -> memref<1x128xi32, #tpu.memory_space<vmem>>
      %dma_start3A_470 = tpu.memref_squeeze %dma_start3A_469 : memref<1x128xi32, #tpu.memory_space<vmem>> -> memref<128xi32, #tpu.memory_space<vmem>>
      %dma_start3A_471 = arith.constant 0 : i32
      %dma_start3A_472 = arith.constant 0 : i32
      %dma_start3A_473 = tpu.memref_slice %arg23[%dma_start3A_471, %dma_start3A_472] : memref<2048x128xf32, #tpu.memory_space<vmem_shared>> -> memref<2048x128xf32, #tpu.memory_space<vmem_shared>>
      tpu.enqueue_indirect_dma source(%arg14 : memref<128x128xf32, #tpu.memory_space<vmem>>) target(%dma_start3A_473 : memref<2048x128xf32, #tpu.memory_space<vmem_shared>>) offsets(%dma_start3A_470 : memref<128xi32, #tpu.memory_space<vmem>>) semaphore(%arg22 : memref<!tpu.dma_semaphore, #tpu.memory_space<semaphore_mem>>) {add = true}
      %dma_wait3A_474 = arith.constant 13 : i32
      %dma_wait3A_475 = arith.constant 0 : i32
      %dma_wait3A_476 = tpu.memref_slice %arg15[%dma_wait3A_474, %dma_wait3A_475] : memref<16x128xi32, #tpu.memory_space<vmem>> -> memref<1x128xi32, #tpu.memory_space<vmem>>
      %dma_wait3A_477 = tpu.memref_squeeze %dma_wait3A_476 : memref<1x128xi32, #tpu.memory_space<vmem>> -> memref<128xi32, #tpu.memory_space<vmem>>
      %dma_wait3A_478 = arith.constant 0 : i32
      %dma_wait3A_479 = arith.constant 0 : i32
      %dma_wait3A_480 = tpu.memref_slice %arg23[%dma_wait3A_478, %dma_wait3A_479] : memref<2048x128xf32, #tpu.memory_space<vmem_shared>> -> memref<2048x128xf32, #tpu.memory_space<vmem_shared>>
      tpu.wait_indirect_dma semaphore(%arg22 : memref<!tpu.dma_semaphore, #tpu.memory_space<semaphore_mem>>) src(%arg14 : memref<128x128xf32, #tpu.memory_space<vmem>>) dst(%dma_wait3A_480 : memref<2048x128xf32, #tpu.memory_space<vmem_shared>>)
      %add3A_481 = arith.constant 1920 : i32
      %add3A_482 = arith.addi %mul3A_142, %add3A_481 : i32
      %dma_start3A_483 = arith.constant 0 : i32
      %dma_start3A_484 = tpu.memref_slice %arg2[%add3A_482, %dma_start3A_483] : memref<32768x128xf32, #tpu.memory_space<hbm>> -> memref<128x128xf32, #tpu.memory_space<hbm>>
      %dma_start3A_485 = arith.constant 0 : i32
      %dma_start3A_486 = tpu.memref_slice %arg2[%add3A_482, %dma_start3A_485] : memref<32768x128xf32, #tpu.memory_space<hbm>> -> memref<128x128xf32, #tpu.memory_space<hbm>>
      tpu.enqueue_dma source(%dma_start3A_486 : memref<128x128xf32, #tpu.memory_space<hbm>>) target(%arg14 : memref<128x128xf32, #tpu.memory_space<vmem>>) target_semaphore(%arg21 : memref<!tpu.dma_semaphore, #tpu.memory_space<semaphore_mem>>)
      %dma_wait3A_487 = arith.constant 0 : i32
      %dma_wait3A_488 = tpu.memref_slice %arg2[%add3A_458, %dma_wait3A_487] : memref<32768x128xf32, #tpu.memory_space<hbm>> -> memref<128x128xf32, #tpu.memory_space<hbm>>
      %dma_wait3A_489 = arith.constant 0 : i32
      %dma_wait3A_490 = tpu.memref_slice %arg2[%add3A_458, %dma_wait3A_489] : memref<32768x128xf32, #tpu.memory_space<hbm>> -> memref<128x128xf32, #tpu.memory_space<hbm>>
      tpu.wait_dma2 semaphore(%arg20 : memref<!tpu.dma_semaphore, #tpu.memory_space<semaphore_mem>>) src(%dma_wait3A_490 : memref<128x128xf32, #tpu.memory_space<hbm>>) dst(%arg13 : memref<128x128xf32, #tpu.memory_space<vmem>>)
      %dma_start3A_491 = arith.constant 14 : i32
      %dma_start3A_492 = arith.constant 0 : i32
      %dma_start3A_493 = tpu.memref_slice %arg15[%dma_start3A_491, %dma_start3A_492] : memref<16x128xi32, #tpu.memory_space<vmem>> -> memref<1x128xi32, #tpu.memory_space<vmem>>
      %dma_start3A_494 = tpu.memref_squeeze %dma_start3A_493 : memref<1x128xi32, #tpu.memory_space<vmem>> -> memref<128xi32, #tpu.memory_space<vmem>>
      %dma_start3A_495 = arith.constant 0 : i32
      %dma_start3A_496 = arith.constant 0 : i32
      %dma_start3A_497 = tpu.memref_slice %arg23[%dma_start3A_495, %dma_start3A_496] : memref<2048x128xf32, #tpu.memory_space<vmem_shared>> -> memref<2048x128xf32, #tpu.memory_space<vmem_shared>>
      tpu.enqueue_indirect_dma source(%arg13 : memref<128x128xf32, #tpu.memory_space<vmem>>) target(%dma_start3A_497 : memref<2048x128xf32, #tpu.memory_space<vmem_shared>>) offsets(%dma_start3A_494 : memref<128xi32, #tpu.memory_space<vmem>>) semaphore(%arg22 : memref<!tpu.dma_semaphore, #tpu.memory_space<semaphore_mem>>) {add = true}
      %dma_wait3A_498 = arith.constant 0 : i32
      %dma_wait3A_499 = tpu.memref_slice %arg2[%add3A_482, %dma_wait3A_498] : memref<32768x128xf32, #tpu.memory_space<hbm>> -> memref<128x128xf32, #tpu.memory_space<hbm>>
      %dma_wait3A_500 = arith.constant 0 : i32
      %dma_wait3A_501 = tpu.memref_slice %arg2[%add3A_482, %dma_wait3A_500] : memref<32768x128xf32, #tpu.memory_space<hbm>> -> memref<128x128xf32, #tpu.memory_space<hbm>>
      tpu.wait_dma2 semaphore(%arg21 : memref<!tpu.dma_semaphore, #tpu.memory_space<semaphore_mem>>) src(%dma_wait3A_501 : memref<128x128xf32, #tpu.memory_space<hbm>>) dst(%arg14 : memref<128x128xf32, #tpu.memory_space<vmem>>)
      %dma_start3A_502 = arith.constant 15 : i32
      %dma_start3A_503 = arith.constant 0 : i32
      %dma_start3A_504 = tpu.memref_slice %arg15[%dma_start3A_502, %dma_start3A_503] : memref<16x128xi32, #tpu.memory_space<vmem>> -> memref<1x128xi32, #tpu.memory_space<vmem>>
      %dma_start3A_505 = tpu.memref_squeeze %dma_start3A_504 : memref<1x128xi32, #tpu.memory_space<vmem>> -> memref<128xi32, #tpu.memory_space<vmem>>
      %dma_start3A_506 = arith.constant 0 : i32
      %dma_start3A_507 = arith.constant 0 : i32
      %dma_start3A_508 = tpu.memref_slice %arg23[%dma_start3A_506, %dma_start3A_507] : memref<2048x128xf32, #tpu.memory_space<vmem_shared>> -> memref<2048x128xf32, #tpu.memory_space<vmem_shared>>
      tpu.enqueue_indirect_dma source(%arg14 : memref<128x128xf32, #tpu.memory_space<vmem>>) target(%dma_start3A_508 : memref<2048x128xf32, #tpu.memory_space<vmem_shared>>) offsets(%dma_start3A_505 : memref<128xi32, #tpu.memory_space<vmem>>) semaphore(%arg22 : memref<!tpu.dma_semaphore, #tpu.memory_space<semaphore_mem>>) {add = true}
      %dma_wait3A_509 = arith.constant 14 : i32
      %dma_wait3A_510 = arith.constant 0 : i32
      %dma_wait3A_511 = tpu.memref_slice %arg15[%dma_wait3A_509, %dma_wait3A_510] : memref<16x128xi32, #tpu.memory_space<vmem>> -> memref<1x128xi32, #tpu.memory_space<vmem>>
      %dma_wait3A_512 = tpu.memref_squeeze %dma_wait3A_511 : memref<1x128xi32, #tpu.memory_space<vmem>> -> memref<128xi32, #tpu.memory_space<vmem>>
      %dma_wait3A_513 = arith.constant 0 : i32
      %dma_wait3A_514 = arith.constant 0 : i32
      %dma_wait3A_515 = tpu.memref_slice %arg23[%dma_wait3A_513, %dma_wait3A_514] : memref<2048x128xf32, #tpu.memory_space<vmem_shared>> -> memref<2048x128xf32, #tpu.memory_space<vmem_shared>>
      tpu.wait_indirect_dma semaphore(%arg22 : memref<!tpu.dma_semaphore, #tpu.memory_space<semaphore_mem>>) src(%arg13 : memref<128x128xf32, #tpu.memory_space<vmem>>) dst(%dma_wait3A_515 : memref<2048x128xf32, #tpu.memory_space<vmem_shared>>)
      %dma_wait3A_516 = arith.constant 15 : i32
      %dma_wait3A_517 = arith.constant 0 : i32
      %dma_wait3A_518 = tpu.memref_slice %arg15[%dma_wait3A_516, %dma_wait3A_517] : memref<16x128xi32, #tpu.memory_space<vmem>> -> memref<1x128xi32, #tpu.memory_space<vmem>>
      %dma_wait3A_519 = tpu.memref_squeeze %dma_wait3A_518 : memref<1x128xi32, #tpu.memory_space<vmem>> -> memref<128xi32, #tpu.memory_space<vmem>>
      %dma_wait3A_520 = arith.constant 0 : i32
      %dma_wait3A_521 = arith.constant 0 : i32
      %dma_wait3A_522 = tpu.memref_slice %arg23[%dma_wait3A_520, %dma_wait3A_521] : memref<2048x128xf32, #tpu.memory_space<vmem_shared>> -> memref<2048x128xf32, #tpu.memory_space<vmem_shared>>
      tpu.wait_indirect_dma semaphore(%arg22 : memref<!tpu.dma_semaphore, #tpu.memory_space<semaphore_mem>>) src(%arg14 : memref<128x128xf32, #tpu.memory_space<vmem>>) dst(%dma_wait3A_522 : memref<2048x128xf32, #tpu.memory_space<vmem_shared>>)
      %barrier3A_523 = arith.constant 0 : index
      tpu.barrier barrier_id(%barrier3A_523)
      "tpu.region"() ({
        %run_scoped3A_736 = tpu.sem_alloc : memref<!tpu.dma_semaphore, #tpu.memory_space<semaphore_mem>>
        tpu.enqueue_dma source(%arg24 : memref<16x128xi32, #tpu.memory_space<vmem_shared>>) target(%arg15 : memref<16x128xi32, #tpu.memory_space<vmem>>) target_semaphore(%run_scoped3A_736 : memref<!tpu.dma_semaphore, #tpu.memory_space<semaphore_mem>>)
        tpu.wait_dma2 semaphore(%run_scoped3A_736 : memref<!tpu.dma_semaphore, #tpu.memory_space<semaphore_mem>>) src(%arg24 : memref<16x128xi32, #tpu.memory_space<vmem_shared>>) dst(%arg15 : memref<16x128xi32, #tpu.memory_space<vmem>>)
        tpu.yield
      }) : () -> ()
      "tpu.region"() ({
        %run_scoped3A_736 = tpu.sem_alloc : memref<!tpu.dma_semaphore, #tpu.memory_space<semaphore_mem>>
        %dma_start3A_737 = arith.constant 0 : i32
        %dma_start3A_738 = tpu.memref_slice %arg23[%mul3A_0, %dma_start3A_737] : memref<2048x128xf32, #tpu.memory_space<vmem_shared>> -> memref<128x128xf32, #tpu.memory_space<vmem_shared>>
        %dma_start3A_739 = arith.constant 0 : i32
        %dma_start3A_740 = tpu.memref_slice %arg23[%mul3A_0, %dma_start3A_739] : memref<2048x128xf32, #tpu.memory_space<vmem_shared>> -> memref<128x128xf32, #tpu.memory_space<vmem_shared>>
        tpu.enqueue_dma source(%dma_start3A_740 : memref<128x128xf32, #tpu.memory_space<vmem_shared>>) target(%arg13 : memref<128x128xf32, #tpu.memory_space<vmem>>) target_semaphore(%run_scoped3A_736 : memref<!tpu.dma_semaphore, #tpu.memory_space<semaphore_mem>>)
        %dma_wait3A_741 = arith.constant 0 : i32
        %dma_wait3A_742 = tpu.memref_slice %arg23[%mul3A_0, %dma_wait3A_741] : memref<2048x128xf32, #tpu.memory_space<vmem_shared>> -> memref<128x128xf32, #tpu.memory_space<vmem_shared>>
        %dma_wait3A_743 = arith.constant 0 : i32
        %dma_wait3A_744 = tpu.memref_slice %arg23[%mul3A_0, %dma_wait3A_743] : memref<2048x128xf32, #tpu.memory_space<vmem_shared>> -> memref<128x128xf32, #tpu.memory_space<vmem_shared>>
        tpu.wait_dma2 semaphore(%run_scoped3A_736 : memref<!tpu.dma_semaphore, #tpu.memory_space<semaphore_mem>>) src(%dma_wait3A_744 : memref<128x128xf32, #tpu.memory_space<vmem_shared>>) dst(%arg13 : memref<128x128xf32, #tpu.memory_space<vmem>>)
        tpu.yield
      }) : () -> ()
      %get3A = arith.index_cast %arg1 : i32 to index
      %get3A_524 = arith.constant 0 : index
      %get3A_525 = tpu.vector_load %arg15[%get3A, %get3A_524] {strides = array<i32>} : memref<16x128xi32, #tpu.memory_space<vmem>>, vector<16xi32>,
      %max3A = arith.constant 1 : i32
      %max3A_526 = vector.broadcast %max3A : i32 to vector<16xi32>
      %max3A_527 = arith.maxsi %get3A_525, %max3A_526 : vector<16xi32>
      %convert_element_type3A_528 = arith.sitofp %max3A_527 : vector<16xi32> to vector<16xf32>
      %div3A = arith.constant 1.000000e+00 : f32
      %div3A_529 = vector.broadcast %div3A : f32 to vector<16xf32>
      %div3A_530 = arith.divf %div3A_529, %convert_element_type3A_528 : vector<16xf32>
      %swap3A_531 = arith.constant 0 : index
      %swap3A_532 = tpu.vector_load %arg18[%swap3A_531] {strides = array<i32>} : memref<128xf32, #tpu.memory_space<vmem>>, vector<16xf32>,
      tpu.vector_store %arg18[%swap3A_531], %div3A_530 {strides = array<i32>} : memref<128xf32, #tpu.memory_space<vmem>>, vector<16xf32>,
      %get3A_533 = arith.index_cast %arg1 : i32 to index
      %get3A_534 = arith.constant 16 : index
      %get3A_535 = tpu.vector_load %arg15[%get3A_533, %get3A_534] {strides = array<i32>} : memref<16x128xi32, #tpu.memory_space<vmem>>, vector<16xi32>,
      %max3A_536 = arith.constant 1 : i32
      %max3A_537 = vector.broadcast %max3A_536 : i32 to vector<16xi32>
      %max3A_538 = arith.maxsi %get3A_535, %max3A_537 : vector<16xi32>
      %convert_element_type3A_539 = arith.sitofp %max3A_538 : vector<16xi32> to vector<16xf32>
      %div3A_540 = arith.constant 1.000000e+00 : f32
      %div3A_541 = vector.broadcast %div3A_540 : f32 to vector<16xf32>
      %div3A_542 = arith.divf %div3A_541, %convert_element_type3A_539 : vector<16xf32>
      %swap3A_543 = arith.constant 16 : index
      %swap3A_544 = tpu.vector_load %arg18[%swap3A_543] {strides = array<i32>} : memref<128xf32, #tpu.memory_space<vmem>>, vector<16xf32>,
      tpu.vector_store %arg18[%swap3A_543], %div3A_542 {strides = array<i32>} : memref<128xf32, #tpu.memory_space<vmem>>, vector<16xf32>,
      %get3A_545 = arith.index_cast %arg1 : i32 to index
      %get3A_546 = arith.constant 32 : index
      %get3A_547 = tpu.vector_load %arg15[%get3A_545, %get3A_546] {strides = array<i32>} : memref<16x128xi32, #tpu.memory_space<vmem>>, vector<16xi32>,
      %max3A_548 = arith.constant 1 : i32
      %max3A_549 = vector.broadcast %max3A_548 : i32 to vector<16xi32>
      %max3A_550 = arith.maxsi %get3A_547, %max3A_549 : vector<16xi32>
      %convert_element_type3A_551 = arith.sitofp %max3A_550 : vector<16xi32> to vector<16xf32>
      %div3A_552 = arith.constant 1.000000e+00 : f32
      %div3A_553 = vector.broadcast %div3A_552 : f32 to vector<16xf32>
      %div3A_554 = arith.divf %div3A_553, %convert_element_type3A_551 : vector<16xf32>
      %swap3A_555 = arith.constant 32 : index
      %swap3A_556 = tpu.vector_load %arg18[%swap3A_555] {strides = array<i32>} : memref<128xf32, #tpu.memory_space<vmem>>, vector<16xf32>,
      tpu.vector_store %arg18[%swap3A_555], %div3A_554 {strides = array<i32>} : memref<128xf32, #tpu.memory_space<vmem>>, vector<16xf32>,
      %get3A_557 = arith.index_cast %arg1 : i32 to index
      %get3A_558 = arith.constant 48 : index
      %get3A_559 = tpu.vector_load %arg15[%get3A_557, %get3A_558] {strides = array<i32>} : memref<16x128xi32, #tpu.memory_space<vmem>>, vector<16xi32>,
      %max3A_560 = arith.constant 1 : i32
      %max3A_561 = vector.broadcast %max3A_560 : i32 to vector<16xi32>
      %max3A_562 = arith.maxsi %get3A_559, %max3A_561 : vector<16xi32>
      %convert_element_type3A_563 = arith.sitofp %max3A_562 : vector<16xi32> to vector<16xf32>
      %div3A_564 = arith.constant 1.000000e+00 : f32
      %div3A_565 = vector.broadcast %div3A_564 : f32 to vector<16xf32>
      %div3A_566 = arith.divf %div3A_565, %convert_element_type3A_563 : vector<16xf32>
      %swap3A_567 = arith.constant 48 : index
      %swap3A_568 = tpu.vector_load %arg18[%swap3A_567] {strides = array<i32>} : memref<128xf32, #tpu.memory_space<vmem>>, vector<16xf32>,
      tpu.vector_store %arg18[%swap3A_567], %div3A_566 {strides = array<i32>} : memref<128xf32, #tpu.memory_space<vmem>>, vector<16xf32>,
      %get3A_569 = arith.index_cast %arg1 : i32 to index
      %get3A_570 = arith.constant 64 : index
      %get3A_571 = tpu.vector_load %arg15[%get3A_569, %get3A_570] {strides = array<i32>} : memref<16x128xi32, #tpu.memory_space<vmem>>, vector<16xi32>,
      %max3A_572 = arith.constant 1 : i32
      %max3A_573 = vector.broadcast %max3A_572 : i32 to vector<16xi32>
      %max3A_574 = arith.maxsi %get3A_571, %max3A_573 : vector<16xi32>
      %convert_element_type3A_575 = arith.sitofp %max3A_574 : vector<16xi32> to vector<16xf32>
      %div3A_576 = arith.constant 1.000000e+00 : f32
      %div3A_577 = vector.broadcast %div3A_576 : f32 to vector<16xf32>
      %div3A_578 = arith.divf %div3A_577, %convert_element_type3A_575 : vector<16xf32>
      %swap3A_579 = arith.constant 64 : index
      %swap3A_580 = tpu.vector_load %arg18[%swap3A_579] {strides = array<i32>} : memref<128xf32, #tpu.memory_space<vmem>>, vector<16xf32>,
      tpu.vector_store %arg18[%swap3A_579], %div3A_578 {strides = array<i32>} : memref<128xf32, #tpu.memory_space<vmem>>, vector<16xf32>,
      %get3A_581 = arith.index_cast %arg1 : i32 to index
      %get3A_582 = arith.constant 80 : index
      %get3A_583 = tpu.vector_load %arg15[%get3A_581, %get3A_582] {strides = array<i32>} : memref<16x128xi32, #tpu.memory_space<vmem>>, vector<16xi32>,
      %max3A_584 = arith.constant 1 : i32
      %max3A_585 = vector.broadcast %max3A_584 : i32 to vector<16xi32>
      %max3A_586 = arith.maxsi %get3A_583, %max3A_585 : vector<16xi32>
      %convert_element_type3A_587 = arith.sitofp %max3A_586 : vector<16xi32> to vector<16xf32>
      %div3A_588 = arith.constant 1.000000e+00 : f32
      %div3A_589 = vector.broadcast %div3A_588 : f32 to vector<16xf32>
      %div3A_590 = arith.divf %div3A_589, %convert_element_type3A_587 : vector<16xf32>
      %swap3A_591 = arith.constant 80 : index
      %swap3A_592 = tpu.vector_load %arg18[%swap3A_591] {strides = array<i32>} : memref<128xf32, #tpu.memory_space<vmem>>, vector<16xf32>,
      tpu.vector_store %arg18[%swap3A_591], %div3A_590 {strides = array<i32>} : memref<128xf32, #tpu.memory_space<vmem>>, vector<16xf32>,
      %get3A_593 = arith.index_cast %arg1 : i32 to index
      %get3A_594 = arith.constant 96 : index
      %get3A_595 = tpu.vector_load %arg15[%get3A_593, %get3A_594] {strides = array<i32>} : memref<16x128xi32, #tpu.memory_space<vmem>>, vector<16xi32>,
      %max3A_596 = arith.constant 1 : i32
      %max3A_597 = vector.broadcast %max3A_596 : i32 to vector<16xi32>
      %max3A_598 = arith.maxsi %get3A_595, %max3A_597 : vector<16xi32>
      %convert_element_type3A_599 = arith.sitofp %max3A_598 : vector<16xi32> to vector<16xf32>
      %div3A_600 = arith.constant 1.000000e+00 : f32
      %div3A_601 = vector.broadcast %div3A_600 : f32 to vector<16xf32>
      %div3A_602 = arith.divf %div3A_601, %convert_element_type3A_599 : vector<16xf32>
      %swap3A_603 = arith.constant 96 : index
      %swap3A_604 = tpu.vector_load %arg18[%swap3A_603] {strides = array<i32>} : memref<128xf32, #tpu.memory_space<vmem>>, vector<16xf32>,
      tpu.vector_store %arg18[%swap3A_603], %div3A_602 {strides = array<i32>} : memref<128xf32, #tpu.memory_space<vmem>>, vector<16xf32>,
      %get3A_605 = arith.index_cast %arg1 : i32 to index
      %get3A_606 = arith.constant 112 : index
      %get3A_607 = tpu.vector_load %arg15[%get3A_605, %get3A_606] {strides = array<i32>} : memref<16x128xi32, #tpu.memory_space<vmem>>, vector<16xi32>,
      %max3A_608 = arith.constant 1 : i32
      %max3A_609 = vector.broadcast %max3A_608 : i32 to vector<16xi32>
      %max3A_610 = arith.maxsi %get3A_607, %max3A_609 : vector<16xi32>
      %convert_element_type3A_611 = arith.sitofp %max3A_610 : vector<16xi32> to vector<16xf32>
      %div3A_612 = arith.constant 1.000000e+00 : f32
      %div3A_613 = vector.broadcast %div3A_612 : f32 to vector<16xf32>
      %div3A_614 = arith.divf %div3A_613, %convert_element_type3A_611 : vector<16xf32>
      %swap3A_615 = arith.constant 112 : index
      %swap3A_616 = tpu.vector_load %arg18[%swap3A_615] {strides = array<i32>} : memref<128xf32, #tpu.memory_space<vmem>>, vector<16xf32>,
      tpu.vector_store %arg18[%swap3A_615], %div3A_614 {strides = array<i32>} : memref<128xf32, #tpu.memory_space<vmem>>, vector<16xf32>,
      %scan3A_617 = arith.constant 0 : i32
      %scan3A_618 = arith.constant 0 : i32
      %scan3A_619 = arith.constant 128 : i32
      %scan3A_620 = arith.addi %scan3A_618, %scan3A_619 : i32
      %scan3A_621 = arith.constant 1 : i32
      scf.for %scan3A_736 = %scan3A_618 to %scan3A_620 step %scan3A_621  : i32 {
        %broadcast_in_dim3A = vector.broadcast %scan3A_736 : i32 to vector<16xi32>
        %gather3A = tpu.vector_load_idx %arg18[%broadcast_in_dim3A] : memref<128xf32, #tpu.memory_space<vmem>>[vector<16xi32>], vector<16xf32>,
        %get3A_737 = arith.index_cast %scan3A_736 : i32 to index
        %get3A_738 = arith.constant 0 : index
        %get3A_739 = tpu.vector_load %arg13[%get3A_737, %get3A_738] {strides = array<i32>} : memref<128x128xf32, #tpu.memory_space<vmem>>, vector<16xf32>,
        %mul3A_740 = arith.mulf %get3A_739, %gather3A : vector<16xf32>
        %swap3A_741 = arith.index_cast %scan3A_736 : i32 to index
        %swap3A_742 = arith.constant 0 : index
        %swap3A_743 = tpu.vector_load %arg13[%swap3A_741, %swap3A_742] {strides = array<i32>} : memref<128x128xf32, #tpu.memory_space<vmem>>, vector<16xf32>,
        tpu.vector_store %arg13[%swap3A_741, %swap3A_742], %mul3A_740 {strides = array<i32>} : memref<128x128xf32, #tpu.memory_space<vmem>>, vector<16xf32>,
        %get3A_744 = arith.index_cast %scan3A_736 : i32 to index
        %get3A_745 = arith.constant 16 : index
        %get3A_746 = tpu.vector_load %arg13[%get3A_744, %get3A_745] {strides = array<i32>} : memref<128x128xf32, #tpu.memory_space<vmem>>, vector<16xf32>,
        %mul3A_747 = arith.mulf %get3A_746, %gather3A : vector<16xf32>
        %swap3A_748 = arith.index_cast %scan3A_736 : i32 to index
        %swap3A_749 = arith.constant 16 : index
        %swap3A_750 = tpu.vector_load %arg13[%swap3A_748, %swap3A_749] {strides = array<i32>} : memref<128x128xf32, #tpu.memory_space<vmem>>, vector<16xf32>,
        tpu.vector_store %arg13[%swap3A_748, %swap3A_749], %mul3A_747 {strides = array<i32>} : memref<128x128xf32, #tpu.memory_space<vmem>>, vector<16xf32>,
        %get3A_751 = arith.index_cast %scan3A_736 : i32 to index
        %get3A_752 = arith.constant 32 : index
        %get3A_753 = tpu.vector_load %arg13[%get3A_751, %get3A_752] {strides = array<i32>} : memref<128x128xf32, #tpu.memory_space<vmem>>, vector<16xf32>,
        %mul3A_754 = arith.mulf %get3A_753, %gather3A : vector<16xf32>
        %swap3A_755 = arith.index_cast %scan3A_736 : i32 to index
        %swap3A_756 = arith.constant 32 : index
        %swap3A_757 = tpu.vector_load %arg13[%swap3A_755, %swap3A_756] {strides = array<i32>} : memref<128x128xf32, #tpu.memory_space<vmem>>, vector<16xf32>,
        tpu.vector_store %arg13[%swap3A_755, %swap3A_756], %mul3A_754 {strides = array<i32>} : memref<128x128xf32, #tpu.memory_space<vmem>>, vector<16xf32>,
        %get3A_758 = arith.index_cast %scan3A_736 : i32 to index
        %get3A_759 = arith.constant 48 : index
        %get3A_760 = tpu.vector_load %arg13[%get3A_758, %get3A_759] {strides = array<i32>} : memref<128x128xf32, #tpu.memory_space<vmem>>, vector<16xf32>,
        %mul3A_761 = arith.mulf %get3A_760, %gather3A : vector<16xf32>
        %swap3A_762 = arith.index_cast %scan3A_736 : i32 to index
        %swap3A_763 = arith.constant 48 : index
        %swap3A_764 = tpu.vector_load %arg13[%swap3A_762, %swap3A_763] {strides = array<i32>} : memref<128x128xf32, #tpu.memory_space<vmem>>, vector<16xf32>,
        tpu.vector_store %arg13[%swap3A_762, %swap3A_763], %mul3A_761 {strides = array<i32>} : memref<128x128xf32, #tpu.memory_space<vmem>>, vector<16xf32>,
        %get3A_765 = arith.index_cast %scan3A_736 : i32 to index
        %get3A_766 = arith.constant 64 : index
        %get3A_767 = tpu.vector_load %arg13[%get3A_765, %get3A_766] {strides = array<i32>} : memref<128x128xf32, #tpu.memory_space<vmem>>, vector<16xf32>,
        %mul3A_768 = arith.mulf %get3A_767, %gather3A : vector<16xf32>
        %swap3A_769 = arith.index_cast %scan3A_736 : i32 to index
        %swap3A_770 = arith.constant 64 : index
        %swap3A_771 = tpu.vector_load %arg13[%swap3A_769, %swap3A_770] {strides = array<i32>} : memref<128x128xf32, #tpu.memory_space<vmem>>, vector<16xf32>,
        tpu.vector_store %arg13[%swap3A_769, %swap3A_770], %mul3A_768 {strides = array<i32>} : memref<128x128xf32, #tpu.memory_space<vmem>>, vector<16xf32>,
        %get3A_772 = arith.index_cast %scan3A_736 : i32 to index
        %get3A_773 = arith.constant 80 : index
        %get3A_774 = tpu.vector_load %arg13[%get3A_772, %get3A_773] {strides = array<i32>} : memref<128x128xf32, #tpu.memory_space<vmem>>, vector<16xf32>,
        %mul3A_775 = arith.mulf %get3A_774, %gather3A : vector<16xf32>
        %swap3A_776 = arith.index_cast %scan3A_736 : i32 to index
        %swap3A_777 = arith.constant 80 : index
        %swap3A_778 = tpu.vector_load %arg13[%swap3A_776, %swap3A_777] {strides = array<i32>} : memref<128x128xf32, #tpu.memory_space<vmem>>, vector<16xf32>,
        tpu.vector_store %arg13[%swap3A_776, %swap3A_777], %mul3A_775 {strides = array<i32>} : memref<128x128xf32, #tpu.memory_space<vmem>>, vector<16xf32>,
        %get3A_779 = arith.index_cast %scan3A_736 : i32 to index
        %get3A_780 = arith.constant 96 : index
        %get3A_781 = tpu.vector_load %arg13[%get3A_779, %get3A_780] {strides = array<i32>} : memref<128x128xf32, #tpu.memory_space<vmem>>, vector<16xf32>,
        %mul3A_782 = arith.mulf %get3A_781, %gather3A : vector<16xf32>
        %swap3A_783 = arith.index_cast %scan3A_736 : i32 to index
        %swap3A_784 = arith.constant 96 : index
        %swap3A_785 = tpu.vector_load %arg13[%swap3A_783, %swap3A_784] {strides = array<i32>} : memref<128x128xf32, #tpu.memory_space<vmem>>, vector<16xf32>,
        tpu.vector_store %arg13[%swap3A_783, %swap3A_784], %mul3A_782 {strides = array<i32>} : memref<128x128xf32, #tpu.memory_space<vmem>>, vector<16xf32>,
        %get3A_786 = arith.index_cast %scan3A_736 : i32 to index
        %get3A_787 = arith.constant 112 : index
        %get3A_788 = tpu.vector_load %arg13[%get3A_786, %get3A_787] {strides = array<i32>} : memref<128x128xf32, #tpu.memory_space<vmem>>, vector<16xf32>,
        %mul3A_789 = arith.mulf %get3A_788, %gather3A : vector<16xf32>
        %swap3A_790 = arith.index_cast %scan3A_736 : i32 to index
        %swap3A_791 = arith.constant 112 : index
        %swap3A_792 = tpu.vector_load %arg13[%swap3A_790, %swap3A_791] {strides = array<i32>} : memref<128x128xf32, #tpu.memory_space<vmem>>, vector<16xf32>,
        tpu.vector_store %arg13[%swap3A_790, %swap3A_791], %mul3A_789 {strides = array<i32>} : memref<128x128xf32, #tpu.memory_space<vmem>>, vector<16xf32>,
      }
      %scan3A_622 = arith.constant 128 : i32
      %add3A_623 = arith.constant 0 : i32
      %add3A_624 = arith.addi %mul3A_0, %add3A_623 : i32
      %add3A_625 = vector.broadcast %add3A_624 : i32 to vector<16xi32>
      %add3A_626 = arith.addi %add3A_625, %iota3A : vector<16xi32>
      %mul3A_627 = arith.constant 11 : i32
      %mul3A_628 = vector.broadcast %mul3A_627 : i32 to vector<16xi32>
      %mul3A_629 = arith.muli %add3A_626, %mul3A_628 : vector<16xi32>
      %add3A_630 = arith.constant 10 : i32
      %add3A_631 = vector.broadcast %add3A_630 : i32 to vector<16xi32>
      %add3A_632 = arith.addi %mul3A_629, %add3A_631 : vector<16xi32>
      %swap3A_633 = arith.constant 0 : i32
      %swap3A_634 = arith.index_cast %swap3A_633 : i32 to index
      %swap3A_635 = arith.constant 0 : index
      %swap3A_636 = tpu.vector_load %arg11[%swap3A_634, %swap3A_635] {strides = array<i32>} : memref<10x128xi32, #tpu.memory_space<vmem>>, vector<16xi32>,
      tpu.vector_store %arg11[%swap3A_634, %swap3A_635], %add3A_632 {strides = array<i32>} : memref<10x128xi32, #tpu.memory_space<vmem>>, vector<16xi32>,
      %add3A_637 = arith.constant 16 : i32
      %add3A_638 = arith.addi %mul3A_0, %add3A_637 : i32
      %add3A_639 = vector.broadcast %add3A_638 : i32 to vector<16xi32>
      %add3A_640 = arith.addi %add3A_639, %iota3A : vector<16xi32>
      %mul3A_641 = arith.constant 11 : i32
      %mul3A_642 = vector.broadcast %mul3A_641 : i32 to vector<16xi32>
      %mul3A_643 = arith.muli %add3A_640, %mul3A_642 : vector<16xi32>
      %add3A_644 = arith.constant 10 : i32
      %add3A_645 = vector.broadcast %add3A_644 : i32 to vector<16xi32>
      %add3A_646 = arith.addi %mul3A_643, %add3A_645 : vector<16xi32>
      %swap3A_647 = arith.constant 0 : i32
      %swap3A_648 = arith.index_cast %swap3A_647 : i32 to index
      %swap3A_649 = arith.constant 16 : index
      %swap3A_650 = tpu.vector_load %arg11[%swap3A_648, %swap3A_649] {strides = array<i32>} : memref<10x128xi32, #tpu.memory_space<vmem>>, vector<16xi32>,
      tpu.vector_store %arg11[%swap3A_648, %swap3A_649], %add3A_646 {strides = array<i32>} : memref<10x128xi32, #tpu.memory_space<vmem>>, vector<16xi32>,
      %add3A_651 = arith.constant 32 : i32
      %add3A_652 = arith.addi %mul3A_0, %add3A_651 : i32
      %add3A_653 = vector.broadcast %add3A_652 : i32 to vector<16xi32>
      %add3A_654 = arith.addi %add3A_653, %iota3A : vector<16xi32>
      %mul3A_655 = arith.constant 11 : i32
      %mul3A_656 = vector.broadcast %mul3A_655 : i32 to vector<16xi32>
      %mul3A_657 = arith.muli %add3A_654, %mul3A_656 : vector<16xi32>
      %add3A_658 = arith.constant 10 : i32
      %add3A_659 = vector.broadcast %add3A_658 : i32 to vector<16xi32>
      %add3A_660 = arith.addi %mul3A_657, %add3A_659 : vector<16xi32>
      %swap3A_661 = arith.constant 0 : i32
      %swap3A_662 = arith.index_cast %swap3A_661 : i32 to index
      %swap3A_663 = arith.constant 32 : index
      %swap3A_664 = tpu.vector_load %arg11[%swap3A_662, %swap3A_663] {strides = array<i32>} : memref<10x128xi32, #tpu.memory_space<vmem>>, vector<16xi32>,
      tpu.vector_store %arg11[%swap3A_662, %swap3A_663], %add3A_660 {strides = array<i32>} : memref<10x128xi32, #tpu.memory_space<vmem>>, vector<16xi32>,
      %add3A_665 = arith.constant 48 : i32
      %add3A_666 = arith.addi %mul3A_0, %add3A_665 : i32
      %add3A_667 = vector.broadcast %add3A_666 : i32 to vector<16xi32>
      %add3A_668 = arith.addi %add3A_667, %iota3A : vector<16xi32>
      %mul3A_669 = arith.constant 11 : i32
      %mul3A_670 = vector.broadcast %mul3A_669 : i32 to vector<16xi32>
      %mul3A_671 = arith.muli %add3A_668, %mul3A_670 : vector<16xi32>
      %add3A_672 = arith.constant 10 : i32
      %add3A_673 = vector.broadcast %add3A_672 : i32 to vector<16xi32>
      %add3A_674 = arith.addi %mul3A_671, %add3A_673 : vector<16xi32>
      %swap3A_675 = arith.constant 0 : i32
      %swap3A_676 = arith.index_cast %swap3A_675 : i32 to index
      %swap3A_677 = arith.constant 48 : index
      %swap3A_678 = tpu.vector_load %arg11[%swap3A_676, %swap3A_677] {strides = array<i32>} : memref<10x128xi32, #tpu.memory_space<vmem>>, vector<16xi32>,
      tpu.vector_store %arg11[%swap3A_676, %swap3A_677], %add3A_674 {strides = array<i32>} : memref<10x128xi32, #tpu.memory_space<vmem>>, vector<16xi32>,
      %add3A_679 = arith.constant 64 : i32
      %add3A_680 = arith.addi %mul3A_0, %add3A_679 : i32
      %add3A_681 = vector.broadcast %add3A_680 : i32 to vector<16xi32>
      %add3A_682 = arith.addi %add3A_681, %iota3A : vector<16xi32>
      %mul3A_683 = arith.constant 11 : i32
      %mul3A_684 = vector.broadcast %mul3A_683 : i32 to vector<16xi32>
      %mul3A_685 = arith.muli %add3A_682, %mul3A_684 : vector<16xi32>
      %add3A_686 = arith.constant 10 : i32
      %add3A_687 = vector.broadcast %add3A_686 : i32 to vector<16xi32>
      %add3A_688 = arith.addi %mul3A_685, %add3A_687 : vector<16xi32>
      %swap3A_689 = arith.constant 0 : i32
      %swap3A_690 = arith.index_cast %swap3A_689 : i32 to index
      %swap3A_691 = arith.constant 64 : index
      %swap3A_692 = tpu.vector_load %arg11[%swap3A_690, %swap3A_691] {strides = array<i32>} : memref<10x128xi32, #tpu.memory_space<vmem>>, vector<16xi32>,
      tpu.vector_store %arg11[%swap3A_690, %swap3A_691], %add3A_688 {strides = array<i32>} : memref<10x128xi32, #tpu.memory_space<vmem>>, vector<16xi32>,
      %add3A_693 = arith.constant 80 : i32
      %add3A_694 = arith.addi %mul3A_0, %add3A_693 : i32
      %add3A_695 = vector.broadcast %add3A_694 : i32 to vector<16xi32>
      %add3A_696 = arith.addi %add3A_695, %iota3A : vector<16xi32>
      %mul3A_697 = arith.constant 11 : i32
      %mul3A_698 = vector.broadcast %mul3A_697 : i32 to vector<16xi32>
      %mul3A_699 = arith.muli %add3A_696, %mul3A_698 : vector<16xi32>
      %add3A_700 = arith.constant 10 : i32
      %add3A_701 = vector.broadcast %add3A_700 : i32 to vector<16xi32>
      %add3A_702 = arith.addi %mul3A_699, %add3A_701 : vector<16xi32>
      %swap3A_703 = arith.constant 0 : i32
      %swap3A_704 = arith.index_cast %swap3A_703 : i32 to index
      %swap3A_705 = arith.constant 80 : index
      %swap3A_706 = tpu.vector_load %arg11[%swap3A_704, %swap3A_705] {strides = array<i32>} : memref<10x128xi32, #tpu.memory_space<vmem>>, vector<16xi32>,
      tpu.vector_store %arg11[%swap3A_704, %swap3A_705], %add3A_702 {strides = array<i32>} : memref<10x128xi32, #tpu.memory_space<vmem>>, vector<16xi32>,
      %add3A_707 = arith.constant 96 : i32
      %add3A_708 = arith.addi %mul3A_0, %add3A_707 : i32
      %add3A_709 = vector.broadcast %add3A_708 : i32 to vector<16xi32>
      %add3A_710 = arith.addi %add3A_709, %iota3A : vector<16xi32>
      %mul3A_711 = arith.constant 11 : i32
      %mul3A_712 = vector.broadcast %mul3A_711 : i32 to vector<16xi32>
      %mul3A_713 = arith.muli %add3A_710, %mul3A_712 : vector<16xi32>
      %add3A_714 = arith.constant 10 : i32
      %add3A_715 = vector.broadcast %add3A_714 : i32 to vector<16xi32>
      %add3A_716 = arith.addi %mul3A_713, %add3A_715 : vector<16xi32>
      %swap3A_717 = arith.constant 0 : i32
      %swap3A_718 = arith.index_cast %swap3A_717 : i32 to index
      %swap3A_719 = arith.constant 96 : index
      %swap3A_720 = tpu.vector_load %arg11[%swap3A_718, %swap3A_719] {strides = array<i32>} : memref<10x128xi32, #tpu.memory_space<vmem>>, vector<16xi32>,
      tpu.vector_store %arg11[%swap3A_718, %swap3A_719], %add3A_716 {strides = array<i32>} : memref<10x128xi32, #tpu.memory_space<vmem>>, vector<16xi32>,
      %add3A_721 = arith.constant 112 : i32
      %add3A_722 = arith.addi %mul3A_0, %add3A_721 : i32
      %add3A_723 = vector.broadcast %add3A_722 : i32 to vector<16xi32>
      %add3A_724 = arith.addi %add3A_723, %iota3A : vector<16xi32>
      %mul3A_725 = arith.constant 11 : i32
      %mul3A_726 = vector.broadcast %mul3A_725 : i32 to vector<16xi32>
      %mul3A_727 = arith.muli %add3A_724, %mul3A_726 : vector<16xi32>
      %add3A_728 = arith.constant 10 : i32
      %add3A_729 = vector.broadcast %add3A_728 : i32 to vector<16xi32>
      %add3A_730 = arith.addi %mul3A_727, %add3A_729 : vector<16xi32>
      %swap3A_731 = arith.constant 0 : i32
      %swap3A_732 = arith.index_cast %swap3A_731 : i32 to index
      %swap3A_733 = arith.constant 112 : index
      %swap3A_734 = tpu.vector_load %arg11[%swap3A_732, %swap3A_733] {strides = array<i32>} : memref<10x128xi32, #tpu.memory_space<vmem>>, vector<16xi32>,
      tpu.vector_store %arg11[%swap3A_732, %swap3A_733], %add3A_730 {strides = array<i32>} : memref<10x128xi32, #tpu.memory_space<vmem>>, vector<16xi32>,
      %run_scoped3A_735 = arith.constant 0 : i32
      "tpu.region"() ({
        %run_scoped3A_736 = tpu.sem_alloc : memref<!tpu.dma_semaphore, #tpu.memory_space<semaphore_mem>>
        %dma_start3A_737 = arith.constant 0 : i32
        %dma_start3A_738 = tpu.memref_slice %arg11[%run_scoped3A_735, %dma_start3A_737] : memref<10x128xi32, #tpu.memory_space<vmem>> -> memref<1x128xi32, #tpu.memory_space<vmem>>
        %dma_start3A_739 = tpu.memref_squeeze %dma_start3A_738 : memref<1x128xi32, #tpu.memory_space<vmem>> -> memref<128xi32, #tpu.memory_space<vmem>>
        %dma_start3A_740 = arith.constant 0 : i32
        %dma_start3A_741 = arith.constant 0 : i32
        %dma_start3A_742 = tpu.memref_slice %arg5[%dma_start3A_740, %dma_start3A_741] : memref<22528x128xf32, #tpu.memory_space<hbm>> -> memref<22528x128xf32, #tpu.memory_space<hbm>>
        tpu.enqueue_indirect_dma source(%arg13 : memref<128x128xf32, #tpu.memory_space<vmem>>) target(%dma_start3A_742 : memref<22528x128xf32, #tpu.memory_space<hbm>>) offsets(%dma_start3A_739 : memref<128xi32, #tpu.memory_space<vmem>>) semaphore(%run_scoped3A_736 : memref<!tpu.dma_semaphore, #tpu.memory_space<semaphore_mem>>)
        %dma_wait3A_743 = arith.constant 0 : i32
        %dma_wait3A_744 = tpu.memref_slice %arg11[%run_scoped3A_735, %dma_wait3A_743] : memref<10x128xi32, #tpu.memory_space<vmem>> -> memref<1x128xi32, #tpu.memory_space<vmem>>
        %dma_wait3A_745 = tpu.memref_squeeze %dma_wait3A_744 : memref<1x128xi32, #tpu.memory_space<vmem>> -> memref<128xi32, #tpu.memory_space<vmem>>
        %dma_wait3A_746 = arith.constant 0 : i32
        %dma_wait3A_747 = arith.constant 0 : i32
        %dma_wait3A_748 = tpu.memref_slice %arg5[%dma_wait3A_746, %dma_wait3A_747] : memref<22528x128xf32, #tpu.memory_space<hbm>> -> memref<22528x128xf32, #tpu.memory_space<hbm>>
        tpu.wait_indirect_dma semaphore(%run_scoped3A_736 : memref<!tpu.dma_semaphore, #tpu.memory_space<semaphore_mem>>) src(%arg13 : memref<128x128xf32, #tpu.memory_space<vmem>>) dst(%dma_wait3A_748 : memref<22528x128xf32, #tpu.memory_space<hbm>>)
        tpu.yield
      }) : () -> ()
    } else {
    }
    return
  }
}

</mosaic_0001>

<sc_bundles>
// kernel: kernel.3.cloned.1.call-start
scs
__scs_entry_jumppad:
0x0: {  	(pc) =	sbr.rel $0x88, $3  }
0x1: {  	(tag) =	ssettag $0x0;
	lr =	simm.s32 $0x1  }
0x2: {  	[smem:$0x3F9F] =	sst lr;
	_ =	strace $0xD0000000  }
0x3: {  	_ = 	snop  }
0x4: {  	_ = 	snop  }
0x5: {  	_ = 	snop  }
0x6: {  	_ = 	snop  }
0x7: {  	_ = 	snop  }
__scs_overlays_trampoline_lowered:
0x8: {  	[smem:$0x3FAE] =	sst s0  }
0x9: {  	[smem:$0x3FAF] =	sst s1  }
0xa: {  	[smem:$0x3FB0] =	sst s2  }
0xb: {  	[smem:$0x3FB1] =	sst s3  }
0xc: {  	[smem:$0x3FB2] =	sst s4  }
0xd: {  	[smem:$0x3FB3] =	sst s5  }
0xe: {  	[smem:$0x3FB4] =	sst s6  }
0xf: {  	[smem:$0x3FB5] =	sst s7  }
0x10: {  	[smem:$0x3FB6] =	sst s8  }
0x11: {  	[smem:$0x3FB7] =	sst s9;
	s0 =	simm.s32 @!p0 $0x0  }
0x12: {  	s1 =	sld [smem:$0x3F9D];
	s0 =	simm.s32 @p0 $0x1  }
0x13: {  	[smem:$0x3FB8] =	sst s0;
	s0 =	simm.s32 @!p1 $0x0  }
0x14: {  	s2 =	sld [smem:$0x3F9C];
	s0 =	simm.s32 @p1 $0x1  }
0x15: {  	[smem:$0x3FB9] =	sst s0;
	s0 =	simm.s32 @!p2 $0x0  }
0x16: {  	s3 =	sld [smem:$0x3FDB];
	s0 =	simm.s32 @p2 $0x1  }
0x17: {  	s4 =	simm.s32 $0x1BF5;
	[smem:$0x3FBB] =	sst s0  }
0x18: {  	s0 =	sld [smem:$0x3F9E];
	_ =	swait.ge [sflag:s4], $0x0  }
0x19: {  	s7 =	sld [smem:$0x3F9F]  }
0x1a: {  	s8 =	sadd.s32 $0xFFFFE003, lr  }
0x1b: {  	s9 =	sadd.s32 $0xFFFFFEF7, lr;
	s5 =	simm.s32 $0xFFFFFFFF;
	p2 =	slt.u32 s8, $0xFFFFF086  }
0x1c: {  	p1 =	slt.u32 s9, $0xF7A;
	s5 =	simm.s32 @!p2 $0x0  }
0x1d: {  	s5 =	simm.s32 @p1 $0x1;
	p0 =	seq.s32 s7, s2  }
0x1e: {  	s7 =	smul.u32 @!p0 $0xF7A, s2;
	p2 =	seq.s32 @!p0 s5, $0x0  }
0x1f: {  	s9 =	smul.u32 $0xF7A, s1;
	s8 =	simm.s32 @!p0 $0x1BF5;
	p2 =	por !p2, p0  }
0x20: {  	[sflag:s8] =	ssyncset.s32 @!p0 $0xFFFFF086;
	s6 =	sadd.s32 @!p0 s3, s7;
	s7 =	simm.s32 @!p0 $0x108  }
0x21: {  	s3 =	sadd.s32 s3, s9;
	s6 =	sadd.s32 @!p0 $0x88, s6;
	s7 =	simm.s32 @p2 $0x1082  }
0x22: {  	[simem:s7], [sflag:s8] =	dma.local @!p0 [hbm:s6], $0xF7A  }
0x23: {  	s9 =	sor.u32 $0xD0000000, s2;
	s6 =	simm.s32 $0x108;
	_ =	swait.ge @!p0 [sflag:s8], $0x0  }
0x24: {  	s3 =	sadd.s32 $0x88, s3;
	s6 =	simm.s32 @!p1 $0x1082;
	[sflag:s4] =	ssyncset.s32 $0xFFFFF086  }
0x25: {  	[simem:s6], [sflag:s4] =	dma.local [hbm:s3], $0xF7A  }
0x26: {  	[smem:$0x3F9F] =	sst s1;
	(tag) =	ssettag s2;
	_ =	strace s9  }
0x27: {  	s1 =	sld [smem:$0x3FAF]  }
0x28: {  	s2 =	sld [smem:$0x3FB0]  }
0x29: {  	s4 =	sld [smem:$0x3FB2]  }
0x2a: {  	p0 =	seq.s32 s5, $0x0;
	s5 =	sld [smem:$0x3FB3]  }
0x2b: {  	s6 =	sld [smem:$0x3FB4]  }
0x2c: {  	s7 =	sld [smem:$0x3FB5]  }
0x2d: {  	s3 =	simm.s32 $0x108;
	s8 =	sld [smem:$0x3FB6]  }
0x2e: {  	s3 =	simm.s32 @!p0 $0x1082;
	s9 =	sld [smem:$0x3FB7]  }
0x2f: {  	lr =	sadd.s32 s0, s3;
	s0 =	sld [smem:$0x3FAE]  }
0x30: {  	s3 =	sld [smem:$0x3FB1]  }
0x31: {  	[smem:$0x3FBA] =	sst s10  }
0x32: {  	s10 =	sld [smem:$0x3FB8];
	_ =	sdelay $0x3  }
0x33: {  	p0 =	seq.s32 s10, $0x1;
	s10 =	sld [smem:$0x3FBA];
	_ =	sdelay $0x3  }
0x34: {  	[smem:$0x3FBA] =	sst s10  }
0x35: {  	s10 =	sld [smem:$0x3FB9];
	_ =	sdelay $0x3  }
0x36: {  	p1 =	seq.s32 s10, $0x1;
	s10 =	sld [smem:$0x3FBA];
	_ =	sdelay $0x3  }
0x37: {  	[smem:$0x3FBA] =	sst s10  }
0x38: {  	s10 =	sld [smem:$0x3FBB]  }
0x39: {  	_ = 	snop;
	(pc) =	sbr.ind lr, $3  }
0x3a: {  	_ = 	snop  }
0x3b: {  	_ = 	snop  }
0x3c: {  	p2 =	seq.s32 s10, $0x1;
	s10 =	sld [smem:$0x3FBA]  }
0x3d: {  	_ =	shalt  }
0x3e: {  	_ =	shalt  }
0x3f: {  	_ =	shalt  }
0x40: {  	_ =	shalt  }
0x41: {  	_ =	shalt  }
0x42: {  	_ =	shalt  }
0x43: {  	_ =	shalt  }
0x44: {  	_ =	shalt  }
0x45: {  	_ =	shalt  }
0x46: {  	_ =	shalt  }
0x47: {  	_ =	shalt  }
0x48: {  	_ =	shalt  }
0x49: {  	_ =	shalt  }
0x4a: {  	_ =	shalt  }
0x4b: {  	_ =	shalt  }
0x4c: {  	_ =	shalt  }
0x4d: {  	_ =	shalt  }
0x4e: {  	_ =	shalt  }
0x4f: {  	_ =	shalt  }
0x50: {  	_ =	shalt  }
0x51: {  	_ =	shalt  }
0x52: {  	_ =	shalt  }
0x53: {  	_ =	shalt  }
0x54: {  	_ =	shalt  }
0x55: {  	_ =	shalt  }
0x56: {  	_ =	shalt  }
0x57: {  	_ =	shalt  }
0x58: {  	_ =	shalt  }
0x59: {  	_ =	shalt  }
0x5a: {  	_ =	shalt  }
0x5b: {  	_ =	shalt  }
0x5c: {  	_ =	shalt  }
0x5d: {  	_ =	shalt  }
0x5e: {  	_ =	shalt  }
0x5f: {  	_ =	shalt  }
0x60: {  	_ =	shalt  }
0x61: {  	_ =	shalt  }
0x62: {  	_ =	shalt  }
0x63: {  	_ =	shalt  }
0x64: {  	_ =	shalt  }
0x65: {  	_ =	shalt  }
0x66: {  	_ =	shalt  }
0x67: {  	_ =	shalt  }
0x68: {  	_ =	shalt  }
0x69: {  	_ =	shalt  }
0x6a: {  	_ =	shalt  }
0x6b: {  	_ =	shalt  }
0x6c: {  	_ =	shalt  }
0x6d: {  	_ =	shalt  }
0x6e: {  	_ =	shalt  }
0x6f: {  	_ =	shalt  }
0x70: {  	_ =	shalt  }
0x71: {  	_ =	shalt  }
0x72: {  	_ =	shalt  }
0x73: {  	_ =	shalt  }
0x74: {  	_ =	shalt  }
0x75: {  	_ =	shalt  }
0x76: {  	_ =	shalt  }
0x77: {  	_ =	shalt  }
0x78: {  	_ =	shalt  }
0x79: {  	_ =	shalt  }
0x7a: {  	_ =	shalt  }
0x7b: {  	_ =	shalt  }
0x7c: {  	_ =	shalt  }
0x7d: {  	_ =	shalt  }
0x7e: {  	_ =	shalt  }
0x7f: {  	_ =	shalt  }
0x80: {  	_ =	shalt  }
0x81: {  	_ =	shalt  }
0x82: {  	_ =	shalt  }
0x83: {  	_ =	shalt  }
0x84: {  	_ =	shalt  }
0x85: {  	_ =	shalt  }
0x86: {  	_ =	shalt  }
0x87: {  	_ =	shalt  }
.Lfunc_end0:
.L_simem_size_0:
called_computation_lowered:
.L_overlay_start_0:
0x88: {  	s2 =	sld [smem:$0x3FD9]  }
0x89: {  	s3 =	sld [smem:$0x3FFE];
	_ =	sdelay $0x1  }
0x8a: {  	s1 =	srdreg.scid  }
0x8b: {  	s0 =	sand.u32 $0x1, s1  }
0x8c: {  	s17 =	sshll.u32 s0, $0xA;
	s2 =	sadd.s32 s3, s2  }
0x8d: {  	s2 =	sadd.s32 s2, s17  }
0x8e: {  	[smem:$0x3FC6] =	sst s2  }
0x8f: {  	_ = 	snop  }
0x90: {  	s2 =	sld [smem:$0x3FC9]  }
0x91: {  	s18 =	sld [smem:$0x3FC8]  }
0x92: {  	s4 =	sld [smem:$0x3FD0];
	(tm) =	ssettm $0x1  }
0x93: {  	s5 =	sld [smem:$0x3FFB];
	_ =	sdelay $0x3  }
0x94: {  	_ =	strace s5  }
0x95: {  	s5 =	sld [smem:$0x3FFC];
	_ =	sdelay $0x3  }
0x96: {  	_ =	strace s5  }
0x97: {  	s5 =	sld [smem:$0x3FFD];
	_ =	sdelay $0x3  }
0x98: {  	_ =	strace s5  }
0x99: {  	_ =	strace $0x8FFFFFFF  }
0x9a: {  	s19 =	sld [smem:$0x3FDB];
	_ =	sdelay $0x1  }
0x9b: {  	s6 =	simm.s32 $_scs_section_size  }
0x9c: {  	s7 =	simm.s32 $_size__tile_overlayer_lowered;
	s8 =	simm.s32 $_tile_overlayer_lowered  }
0x9d: {  	s22 =	simm.s32 $0x1BFF;
	s21 =	sshll.u32 s8, $0x1;
	s5 =	sadd.s32 s6, s19  }
0x9e: {  	s9 =	simm.s32 $0x0;
	s20 =	sshll.u32 s7, $0x1;
	s7 =	sadd.s32 s21, s5  }
0x9f: {  	[timem:s9], [sflag:s22] =	dma.local [hbm:s7], s20  }
0xa0: {  	_ =	swait.ge [sflag:s22], s20  }
0xa1: {  	s6 =	ssub.s32 $0x0, s20;
	[sflag:s22] =	ssyncset.done $0x0  }
0xa2: {  	[sflag:s22] =	ssyncadd.s32 s6;
	_ =	sdelay $0x1  }
0xa3: {  	s23 =	simm.s32 $0x1B8B  }
0xa4: {  	_ =	swait.ge [sflag:s23], $0x1  }
0xa5: {  	[sflag:s23] =	ssyncset.done $0x0  }
0xa6: {  	s25 =	simm.s32 $0x1B8E;
	s24 =	sld [smem:$0x3FFE];
	[sflag:s23] =	ssyncadd.s32 $0xFFFFFFFF  }
0xa7: {  	s26 =	simm.s32 $execute0_lowered;
	[smem:$0x3FD2] =	sst s25  }
0xa8: {  	s7 =	sshll.u32 s26, $0x1;
	_ =	strace $0x80000046;
	[dreg:$0x1] =	wrdreg $0xFFFFFFFF  }
0xa9: {  	s28 =	simm.s32 $_size_execute0_lowered;
	s5 =	sadd.s32 s5, s7;
	[dreg:$0x0] =	wrdreg $0x0  }
0xaa: {  	s7 =	sshll.u32 s28, $0x1;
	[dreg:$0x2] =	wrdreg s5  }
0xab: {  	[dreg:$0x3] =	wrdreg s7  }
0xac: {  	[dreg:$0x4] =	wrdreg $0xC0  }
0xad: {  	_ =	task [dreg:s9], $0x5FFFF  }
0xae: {  	[dreg:$0x1] =	wrdreg $0xFFFFFFFF  }
0xaf: {  	[dreg:$0x0] =	wrdreg $0x60  }
0xb0: {  	[dreg:$0x2] =	wrdreg s2  }
0xb1: {  	[dreg:$0x3] =	wrdreg s18  }
0xb2: {  	[dreg:$0x4] =	wrdreg s24  }
0xb3: {  	[dreg:$0x5] =	wrdreg s4  }
0xb4: {  	[dreg:$0x6] =	wrdreg $0x136000  }
0xb5: {  	[dreg:$0x7] =	wrdreg $0x176000  }
0xb6: {  	[dreg:$0x8] =	wrdreg $0x9  }
0xb7: {  	_ =	task.clear_ibuf [dreg:s9], $0x9FFFF;
	_ =	strace $0x90000046  }
0xb8: {  	s29 =	simm.s32 $0x9;
	_ =	strace $0x80000048  }
0xb9: {  	_ =	swait.ge [sflag:s29], $0x1  }
0xba: {  	[sflag:s29] =	ssyncadd.s32 $0xFFFFFFFF  }
0xbb: {  	_ =	strace $0x90000048  }
0xbc: {  	_ =	sfence  }
0xbd: {  	s30 =	sld [smem:$0x0];
	_ =	sdelay $0x2  }
0xbe: {  	s31 =	sshll.u32 s1, $0xD;
	s1 =	sshrl.u32 s1, $0x2  }
0xbf: {  	s3 =	sand.u32 $0x4000, s31;
	s1 =	sadd.s32 s1, s30  }
0xc0: {  	s0 =	sor.u32 s3, s0;
	s1 =	sshll.u32 s1, $0x11  }
0xc1: {  	s0 =	sor.u32 s1, s0  }
0xc2: {  	s0 =	sadd.s32 $0x8F2B, s0  }
0xc3: {  	[sflag:s0] =	ssyncadd.remote.s32 $0x1  }
0xc4: {  	_ =	sfence.sel $0xFFFF  }
0xc5: {  	[dreg:$0x0] =	wrdreg $0xFFFFFFFF;
	(pc) =	sbr.abs _section_cstart, $3  }
0xc6: {  	[dreg:$0x1] =	wrdreg $0xFFFFFFFF  }
0xc7: {  	_ =	task.clear_ibuf [dreg:s9], $0x2FFFF;
	_ =	strace $0x9FFFFFFF  }
0xc8: {  	(tm) =	ssettm $0x7FFFFFFF  }
0xc9: {  	_ =	shalt  }
tec
execute0_lowered:
.L_overlay_start_1:
0x0: {  	(tag) =	ssettag $0x1  }
0x1: {  	s19 =	rddreg [dreg:$0x0]  }
0x2: {  	s20 =	rddreg [dreg:$0x1]  }
0x3: {  	s0 =	rddreg [dreg:$0x2]  }
0x4: {  	s21 =	rddreg [dreg:$0x3]  }
0x5: {  	s6 =	rddreg [dreg:$0x4]  }
0x6: {  	s22 =	rddreg [dreg:$0x5];
	s23 =	simm.s32 $0x0;
	s2 =	srdreg.scid  }
0x7: {  	s1 =	stileid.u32;
	[smem:$0x7FF] =	sst s23  }
0x8: {  	s2 =	sand.u32 $0x1, s2;
	s3 =	sshll.u32 s1, $0x8;
	s24 =	sshll.u32 s1, $0x7  }
0x9: {  	_ =	strace $0x80000047;
	s12 =	sor.u32 $0x60, s24;
	[dreg:$0x8] =	wrdreg s24  }
0xa: {  	s17 =	sshll.u32 s1, $0xE;
	s13 =	sor.u32 $0x70, s24;
	[dreg:$0x14] =	wrdreg s12  }
0xb: {  	s5 =	sadd.s32 s3, s0;
	s3 =	sadd.s32 s20, s3;
	[dreg:$0x15] =	wrdreg s13  }
0xc: {  	p1 =	sne.s32 s1, $0x0;
	s25 =	sor.u32 $0x10, s24;
	[dreg:$0x19] =	wrdreg s3  }
0xd: {  	s4 =	ssub.s32 $0x2, s2;
	s28 =	sor.u32 $0x20, s24;
	[dreg:$0x9] =	wrdreg s25  }
0xe: {  	p0 =	seq.s32 s2, $0x1;
	s29 =	sor.u32 $0x30, s24;
	[dreg:$0xd] =	wrdreg s28  }
0xf: {  	s26 =	sadd.s32 s17, s6;
	s30 =	sor.u32 $0x40, s24;
	[dreg:$0xe] =	wrdreg s29  }
0x10: {  	s31 =	sor.u32 $0x50, s24;
	s15 =	sshrl.u32 s4, $0x1;
	[dreg:$0xf] =	wrdreg s30  }
0x11: {  	s16 =	sadd.s32 $0xC00, s5;
	s18 =	sshll.u32 s25, $0x7;
	[dreg:$0x13] =	wrdreg s31  }
0x12: {  	s7 =	sshll.u32 s28, $0x7;
	s8 =	sshll.u32 s29, $0x7;
	[dreg:$0xb] =	wrdreg s26  }
0x13: {  	s9 =	sshll.u32 s30, $0x7;
	s11 =	sshll.u32 s31, $0x7;
	[dreg:$0xa] =	wrdreg s16  }
0x14: {  	s14 =	sshll.u32 s12, $0x7;
	v2 =	vmov s25;
	s5 =	sadd.s32 s18, s6;
	s25 =	rddreg [dreg:$0x15]  }
0x15: {  	v8 =	vmov s30;
	s30 =	simm.s32 $0x1;
	s2 =	sadd.s32 s7, s6;
	[dreg:$0xc] =	wrdreg s5  }
0x16: {  	v9 =	vmov s31;
	s31 =	simm.s32 $0x80;
	s10 =	sadd.s32 s9, s6;
	[dreg:$0x10] =	wrdreg s2  }
0x17: {  	s0 =	ssub.s32 s4, s15;
	s2 =	sadd.s32 s8, s6;
	[dreg:$0x12] =	wrdreg s10  }
0x18: {  	s15 =	sshll.u32 s13, $0x7;
	[dreg:$0x11] =	wrdreg s2;
	s2 =	sadd.s32 s11, s6  }
0x19: {  	s16 =	sadd.s32 s15, s6;
	[dreg:$0x16] =	wrdreg s2;
	s2 =	sadd.s32 s14, s6  }
0x1a: {  	v12 =	vmov s25;
	s25 =	simm.s32 $0x12900;
	[dreg:$0x17] =	wrdreg s2;
	s2 =	sshll.u32 s1, $0xB  }
0x1b: {  	[dreg:$0x18] =	wrdreg s16;
	s1 =	sshll.u32 s1, $0xF;
	s3 =	sor.u32 $0x80, s2  }
0x1c: {  	s4 =	sor.u32 $0x100, s2;
	s7 =	sor.u32 $0x180, s2;
	s17 =	sshrl.u32 s3, $0x3  }
0x1d: {  	s10 =	sor.u32 $0x300, s2;
	s18 =	sshrl.u32 s4, $0x3;
	s5 =	sadd.s32 s20, s17  }
0x1e: {  	s8 =	sshrl.u32 s7, $0x3;
	s6 =	sadd.s32 s20, s18;
	[dreg:$0x1a] =	wrdreg s5  }
0x1f: {  	[dreg:$0x1b] =	wrdreg s6;
	s5 =	sadd.s32 s20, s8;
	s6 =	sor.u32 $0x280, s2  }
0x20: {  	[dreg:$0x1c] =	wrdreg s5;
	s5 =	sor.u32 $0x200, s2;
	s9 =	sshrl.u32 s6, $0x3  }
0x21: {  	s13 =	sor.u32 $0x480, s2;
	s8 =	sshrl.u32 s5, $0x3;
	s9 =	sadd.s32 s20, s9  }
0x22: {  	s11 =	sshrl.u32 s10, $0x3;
	s8 =	sadd.s32 s20, s8;
	[dreg:$0x1e] =	wrdreg s9  }
0x23: {  	s9 =	sor.u32 $0x400, s2;
	[dreg:$0x1d] =	wrdreg s8;
	s8 =	sadd.s32 s20, s11  }
0x24: {  	s12 =	sshrl.u32 s9, $0x3;
	[dreg:$0x1f] =	wrdreg s8;
	s8 =	sor.u32 $0x380, s2  }
0x25: {  	s16 =	sor.u32 $0x600, s2;
	s12 =	sadd.s32 s20, s12;
	s11 =	sshrl.u32 s8, $0x3  }
0x26: {  	s14 =	sshrl.u32 s13, $0x3;
	[smem:$0x7DC] =	sst s12;
	s11 =	sadd.s32 s20, s11  }
0x27: {  	s12 =	sor.u32 $0x580, s2;
	[smem:$0x7DB] =	sst s11;
	s11 =	sadd.s32 s20, s14  }
0x28: {  	s15 =	sshrl.u32 s12, $0x3;
	[smem:$0x7DD] =	sst s11;
	s11 =	sor.u32 $0x500, s2  }
0x29: {  	s1 =	sadd.s32 s19, s1;
	s15 =	sadd.s32 s20, s15;
	s14 =	sshrl.u32 s11, $0x3  }
0x2a: {  	s17 =	sshrl.u32 s16, $0x3;
	[smem:$0x7DF] =	sst s15;
	s14 =	sadd.s32 s20, s14  }
0x2b: {  	s15 =	sor.u32 $0x700, s2;
	[smem:$0x7DE] =	sst s14;
	s14 =	sadd.s32 s20, s17  }
0x2c: {  	v0 =	vmov s24;
	s18 =	sshrl.u32 s15, $0x3;
	[smem:$0x7E0] =	sst s14;
	s14 =	sor.u32 $0x680, s2  }
0x2d: {  	v3 =	vmul.u32 $0xB, v0;
	[smem:$0x7E4] =	sst s1;
	s18 =	sadd.s32 s20, s18;
	s17 =	sshrl.u32 s14, $0x3  }
0x2e: {  	[smem:$0x7E2] =	sst s18;
	s2 =	sor.u32 $0x780, s2;
	s17 =	sadd.s32 s20, s17  }
0x2f: {  	v5 =	vbroadcast v3, $0x0;
	v3 =	vmov s28;
	s28 =	simm.s32 $0xA100;
	s18 =	sshrl.u32 s2, $0x3;
	[smem:$0x7E1] =	sst s17  }
0x30: {  	v1 =	vlaneseq.u32;
	s17 =	sadd.s32 s20, s18;
	s18 =	sshll.u32 s4, $0x4;
	s4 =	sshll.u32 s5, $0x4  }
0x31: {  	v4 =	vmul.u32 $0xB, v1;
	v2 =	vmul.u32 $0xB, v2;
	s5 =	sshll.u32 s6, $0x4;
	[smem:$0x7E3] =	sst s17;
	s17 =	sshll.u32 s3, $0x4  }
0x32: {  	s20 =	sadd.s32 s19, s18;
	s3 =	sshll.u32 s7, $0x4;
	s6 =	sadd.s32 s19, s5  }
0x33: {  	v11 =	vadd.s32 $0xA, v4;
	v6 =	vbroadcast v2, $0x0;
	v7 =	vmul.u32 $0xB, v3;
	s7 =	sshll.u32 s10, $0x4;
	s10 =	sshll.u32 s8, $0x4;
	[smem:$0x7E6] =	sst s20  }
0x34: {  	v4 =	vadd.s32 v11, v5;
	s8 =	sshll.u32 s15, $0x4;
	s15 =	sadd.s32 $0x1C00, s26;
	[smem:$0x7E9] =	sst s6  }
0x35: {  	v5 =	vadd.s32 v11, v6;
	v6 =	vbroadcast v7, $0x0;
	v7 =	vmov s29;
	s29 =	simm.s32 $0xE100;
	s1 =	sadd.s32 s19, s17;
	[smem:$0x7F7] =	sst s15  }
0x36: {  	s17 =	sshll.u32 s9, $0x4;
	s9 =	sadd.s32 s19, s8;
	[smem:$0x7E5] =	sst s1  }
0x37: {  	s20 =	sshll.u32 s13, $0x4;
	s13 =	sadd.s32 $0xC00, s26;
	[smem:$0x7F2] =	sst s9  }
0x38: {  	s6 =	sshll.u32 s16, $0x4;
	s16 =	sadd.s32 $0x2400, s26;
	[smem:$0x7F5] =	sst s13  }
0x39: {  	s8 =	simm.s32 $0x12200;
	s1 =	sadd.s32 s19, s3;
	[smem:$0x7F8] =	sst s16  }
0x3a: {  	v3 =	vor.u32 s24, v1;
	s3 =	sshll.u32 s11, $0x4;
	s11 =	sadd.s32 $0x80, s24;
	s24 =	rddreg [dreg:$0x14]  }
0x3b: {  	s15 =	simm.s32 $0x12580;
	s18 =	sadd.s32 s19, s17;
	[smem:$0x7E7] =	sst s1  }
0x3c: {  	s17 =	sadd.s32 $0x2C00, s26;
	s9 =	simm.s32 $0x12280;
	[smem:$0x7EC] =	sst s18  }
0x3d: {  	s13 =	simm.s32 $0x12480;
	s1 =	sadd.s32 s19, s4;
	[smem:$0x7F9] =	sst s17  }
0x3e: {  	s4 =	sshll.u32 s12, $0x4;
	s12 =	sadd.s32 $0x400, s26;
	[smem:$0x7E8] =	sst s1  }
0x3f: {  	s16 =	simm.s32 $0x12600;
	s18 =	sadd.s32 $0x3400, s26;
	[smem:$0x7F4] =	sst s12  }
0x40: {  	v2 =	vmov s11;
	s11 =	simm.s32 $0x12380;
	s1 =	sadd.s32 s19, s7;
	[smem:$0x7FA] =	sst s18  }
0x41: {  	v13 =	vimm.s32 $0x0;
	s17 =	simm.s32 $0x12680;
	s5 =	sadd.s32 s19, s4;
	[smem:$0x7EA] =	sst s1  }
0x42: {  	vm3 =	vcmask $0xB08;
	vm4 =	vcmask $0xF0C;
	vm5 =	vcmask $0x1310;
	s7 =	sshll.u32 s14, $0x4;
	s14 =	sadd.s32 $0x1400, s26;
	[smem:$0x7EF] =	sst s5  }
0x43: {  	vm6 =	vcmask $0x1714;
	vm7 =	vcmask $0x1B18;
	v10 =	vmov s24;
	s24 =	simm.s32 $0x12880;
	s4 =	smax.u32 s0, $0x1;
	[smem:$0x7F6] =	sst s14  }
0x44: {  	vm8 =	vcmask $0x1F1C;
	vm9 =	vcmask $0x2320;
	vm10 =	vcmask $0x2724;
	s12 =	simm.s32 $0x12400;
	s1 =	sadd.s32 s19, s10;
	[smem:$0x7FD] =	sst s4  }
0x45: {  	vm11 =	vcmask $0x2B28;
	vm12 =	vcmask $0x2F2C;
	vm13 =	vcmask $0x3330;
	s18 =	simm.s32 $0x12700;
	[smem:$0x7EB] =	sst s1;
	s1 =	sadd.s32 s19, s20  }
0x46: {  	vm14 =	vcmask $0x3734;
	v15 =	vmul.u32 $0xFFFFFFFF, v1;
	v8 =	vmul.u32 $0xB, v8;
	s10 =	sshll.u32 s2, $0x4;
	s20 =	sadd.s32 $0x400, s22;
	[smem:$0x7ED] =	sst s1  }
0x47: {  	v14 =	vmul.u32 $0x10, v1;
	v9 =	vmul.u32 $0xB, v9;
	v7 =	vmul.u32 $0xB, v7;
	s5 =	simm.s32 $0x4;
	s1 =	sadd.s32 s19, s3;
	[smem:$0x7FC] =	sst s20  }
.Ltmp0:
0x48: {  	v12 =	vmul.u32 $0xB, v12;
	v8 =	vbroadcast v8, $0x0;
	v10 =	vmul.u32 $0xB, v10;
	[smem:$0x7EE] =	sst s1;
	s1 =	sadd.s32 s19, s6;
	(pc) =	sbr.rel .LBB2_1-.Ltmp0, $4  }
0x49: {  	v15 =	vadd.s32 $0xF, v15;
	v9 =	vbroadcast v9, $0x0;
	v7 =	vbroadcast v7, $0x0;
	s14 =	simm.s32 $0x12500;
	[smem:$0x7F0] =	sst s1;
	s1 =	sadd.s32 s19, s7  }
0x4a: {  	v12 =	vbroadcast v12, $0x0;
	v8 =	vadd.s32 v11, v8;
	v10 =	vbroadcast v10, $0x0;
	s20 =	simm.s32 $0x12800;
	[smem:$0x7F1] =	sst s1;
	s1 =	sadd.s32 s19, s10  }
0x4b: {  	v9 =	vadd.s32 v11, v9;
	v6 =	vadd.s32 v11, v6;
	v7 =	vadd.s32 v11, v7;
	s6 =	simm.s32 $0x12100;
	s19 =	sadd.s32 $0x3C00, s26;
	[smem:$0x7F3] =	sst s1  }
0x4c: {  	v10 =	vadd.s32 v11, v10;
	v11 =	vadd.s32 v11, v12;
	v12 =	vimm.f32 $0.0e+00;
	s10 =	simm.s32 $0x12300;
	[smem:$0x7FB] =	sst s19;
	s19 =	simm.s32 $0x12780  }
.LBB2_8:
0x4d: {  	[tilespmem:s0+$0x30] =	vst v24  }
0x4e: {  	[tilespmem:s0+$0xFFFFFFC0] =	vst v22  }
0x4f: {  	v16 =	vmul.f32 v16, v17;
	[tilespmem:s0+$0x10] =	vst v23  }
0x50: {  	v20 =	vmul.f32 v20, v17;
	[tilespmem:s0+$0xFFFFFFE0] =	vst v21  }
0x51: {  	v18 =	vmul.f32 v18, v17;
	[tilespmem:s0+$0xFFFFFFF0] =	vst v16  }
0x52: {  	v16 =	vmul.f32 v19, v17;
	[tilespmem:s0+$0x0] =	vst v20  }
0x53: {  	[tilespmem:s0+$0x20] =	vst v18  }
0x54: {  	[tilespmem:s0+$0xFFFFFFD0] =	vst v16  }
0x55: {  	[tilespmem:$0x9880] =	vst v4  }
0x56: {  	[tilespmem:$0x9890] =	vst v5  }
0x57: {  	[tilespmem:$0x98A0] =	vst v6  }
0x58: {  	[tilespmem:$0x98B0] =	vst v7  }
0x59: {  	[tilespmem:$0x98C0] =	vst v8  }
0x5a: {  	[tilespmem:$0x98D0] =	vst v9  }
0x5b: {  	[tilespmem:$0x98E0] =	vst v10  }
0x5c: {  	s7 =	simm.s32 $0x9880;
	[tilespmem:$0x98F0] =	vst v11  }
0x5d: {  	[hbm4b:s21+s31] =	stream.indirect.scatter [tilespmem:s28], [sflag:$0x4], $0x80, s7, s31, $0xb8;
	[tilespmem:$0x17680] =	vst v63  }
.LBB2_16:
0x5e: {  	s23 =	sadd.s32 $0x1, s23  }
0x5f: {  	p2 =	sne.s32 s23, s4  }
.Ltmp1:
0x60: {  	_ = 	snop;
	(pc) =	sbr.rel @!p2 .LBB2_17-.Ltmp1, $4  }
0x61: {  	_ = 	snop  }
0x62: {  	_ =	swait.ge [sflag:s5], $0x4000  }
0x63: {  	[sflag:s5] =	ssyncset.done $0x0  }
0x64: {  	[sflag:s5] =	ssyncadd.s32 $0xFFFFC000  }
.LBB2_1:
.Ltmp2:
0x65: {  	(pc) =	sbr.rel @!p0 .LBB2_9-.Ltmp2, $1  }
0x66: {  	_ =	sdelay $0x3  }
0x67: {  	[tilespmem:$0x13100] =	vst v12  }
0x68: {  	[tilespmem:$0x13110] =	vst v12  }
0x69: {  	[tilespmem:$0x13120] =	vst v12  }
0x6a: {  	[tilespmem:$0x13130] =	vst v12  }
0x6b: {  	[tilespmem:$0x13140] =	vst v12  }
0x6c: {  	[tilespmem:$0x13150] =	vst v12  }
0x6d: {  	[tilespmem:$0x13160] =	vst v12  }
0x6e: {  	[tilespmem:$0x13170] =	vst v12  }
0x6f: {  	[tilespmem:$0x13180] =	vst v12  }
0x70: {  	[tilespmem:$0x13190] =	vst v12  }
0x71: {  	[tilespmem:$0x131A0] =	vst v12  }
0x72: {  	[tilespmem:$0x131B0] =	vst v12  }
0x73: {  	[tilespmem:$0x131C0] =	vst v12  }
0x74: {  	[tilespmem:$0x131D0] =	vst v12  }
0x75: {  	[tilespmem:$0x131E0] =	vst v12  }
0x76: {  	[tilespmem:$0x131F0] =	vst v12  }
0x77: {  	[tilespmem:$0x13200] =	vst v12  }
0x78: {  	[tilespmem:$0x13210] =	vst v12  }
0x79: {  	[tilespmem:$0x13220] =	vst v12  }
0x7a: {  	[tilespmem:$0x13230] =	vst v12  }
0x7b: {  	[tilespmem:$0x13240] =	vst v12  }
0x7c: {  	[tilespmem:$0x13250] =	vst v12  }
0x7d: {  	[tilespmem:$0x13260] =	vst v12  }
0x7e: {  	[tilespmem:$0x13270] =	vst v12  }
0x7f: {  	[tilespmem:$0x13280] =	vst v12  }
0x80: {  	[tilespmem:$0x13290] =	vst v12  }
0x81: {  	[tilespmem:$0x132A0] =	vst v12  }
0x82: {  	[tilespmem:$0x132B0] =	vst v12  }
0x83: {  	[tilespmem:$0x132C0] =	vst v12  }
0x84: {  	[tilespmem:$0x132D0] =	vst v12  }
0x85: {  	[tilespmem:$0x132E0] =	vst v12  }
0x86: {  	[tilespmem:$0x132F0] =	vst v12  }
0x87: {  	[tilespmem:$0x13300] =	vst v12  }
0x88: {  	[tilespmem:$0x13310] =	vst v12  }
0x89: {  	[tilespmem:$0x13320] =	vst v12  }
0x8a: {  	[tilespmem:$0x13330] =	vst v12  }
0x8b: {  	[tilespmem:$0x13340] =	vst v12  }
0x8c: {  	[tilespmem:$0x13350] =	vst v12  }
0x8d: {  	[tilespmem:$0x13360] =	vst v12  }
0x8e: {  	[tilespmem:$0x13370] =	vst v12  }
0x8f: {  	[tilespmem:$0x13380] =	vst v12  }
0x90: {  	[tilespmem:$0x13390] =	vst v12  }
0x91: {  	[tilespmem:$0x133A0] =	vst v12  }
0x92: {  	[tilespmem:$0x133B0] =	vst v12  }
0x93: {  	[tilespmem:$0x133C0] =	vst v12  }
0x94: {  	[tilespmem:$0x133D0] =	vst v12  }
0x95: {  	[tilespmem:$0x133E0] =	vst v12  }
0x96: {  	[tilespmem:$0x133F0] =	vst v12  }
0x97: {  	[tilespmem:$0x13400] =	vst v12  }
0x98: {  	[tilespmem:$0x13410] =	vst v12  }
0x99: {  	[tilespmem:$0x13420] =	vst v12  }
0x9a: {  	[tilespmem:$0x13430] =	vst v12  }
0x9b: {  	[tilespmem:$0x13440] =	vst v12  }
0x9c: {  	[tilespmem:$0x13450] =	vst v12  }
0x9d: {  	[tilespmem:$0x13460] =	vst v12  }
0x9e: {  	[tilespmem:$0x13470] =	vst v12  }
0x9f: {  	[tilespmem:$0x13480] =	vst v12  }
0xa0: {  	[tilespmem:$0x13490] =	vst v12  }
0xa1: {  	[tilespmem:$0x134A0] =	vst v12  }
0xa2: {  	[tilespmem:$0x134B0] =	vst v12  }
0xa3: {  	[tilespmem:$0x134C0] =	vst v12  }
0xa4: {  	[tilespmem:$0x134D0] =	vst v12  }
0xa5: {  	[tilespmem:$0x134E0] =	vst v12  }
0xa6: {  	[tilespmem:$0x134F0] =	vst v12;
	s0 =	simm.s32 $0x0;
	s1 =	simm.s32 $0x200  }
.LBB2_3:
0xa7: {  	p2 =	sne.s32 s1, $0x1E00;
	[tilespmem:s0+$0x12970] =	vst v13  }
0xa8: {  	[tilespmem:s0+$0x12900] =	vst v13  }
0xa9: {  	[tilespmem:s0+$0x12910] =	vst v13  }
.Ltmp3:
0xaa: {  	[tilespmem:s0+$0x12920] =	vst v13;
	(pc) =	sbr.rel @p2 .LBB2_3-.Ltmp3, $4  }
0xab: {  	[tilespmem:s0+$0x12930] =	vst v13  }
0xac: {  	[tilespmem:s0+$0x12940] =	vst v13  }
0xad: {  	[tilespmem:s0+$0x12950] =	vst v13  }
0xae: {  	[tilespmem:s0+$0x12960] =	vst v13;
	s0 =	sshra.s32 s1, $0x2;
	s1 =	sadd.s32 $0x200, s1  }
0xaf: {  	[tilespmem:s0+$0x12970] =	vst v13  }
0xb0: {  	[tilespmem:s0+$0x12900] =	vst v13  }
0xb1: {  	[tilespmem:s0+$0x12910] =	vst v13  }
0xb2: {  	[tilespmem:s0+$0x12920] =	vst v13  }
0xb3: {  	[tilespmem:s0+$0x12930] =	vst v13  }
0xb4: {  	[tilespmem:s0+$0x12940] =	vst v13  }
0xb5: {  	[tilespmem:s0+$0x12950] =	vst v13  }
0xb6: {  	[tilespmem:s0+$0x12960] =	vst v13;
	s1 =	simm.s32 $0x13100  }
0xb7: {  	[spmem:s26] =	stream.linear.scatter [tilespmem:s1], [sflag:$0x4], $0x400, $0x38;
	[tilespmem:$0x17680] =	vst v63  }
0xb8: {  	_ =	swait.ge [sflag:s5], $0x400  }
0xb9: {  	s2 =	sld [smem:$0x7F4]  }
0xba: {  	[sflag:s5] =	ssyncset.done $0x0  }
0xbb: {  	[sflag:s5] =	ssyncadd.s32 $0xFFFFFC00  }
0xbc: {  	[spmem:s2] =	stream.linear.scatter [tilespmem:s1], [sflag:$0x4], $0x400, $0x38;
	[tilespmem:$0x17680] =	vst v63  }
0xbd: {  	_ =	swait.ge [sflag:s5], $0x400  }
0xbe: {  	[sflag:s5] =	ssyncset.done $0x0  }
0xbf: {  	s3 =	rddreg [dreg:$0xc];
	[sflag:s5] =	ssyncadd.s32 $0xFFFFFC00  }
0xc0: {  	[spmem:s3] =	stream.linear.scatter [tilespmem:s1], [sflag:$0x4], $0x400, $0x38;
	[tilespmem:$0x17680] =	vst v63  }
0xc1: {  	_ =	swait.ge [sflag:s5], $0x400  }
0xc2: {  	s7 =	sld [smem:$0x7F5]  }
0xc3: {  	[sflag:s5] =	ssyncset.done $0x0  }
0xc4: {  	[sflag:s5] =	ssyncadd.s32 $0xFFFFFC00  }
0xc5: {  	[spmem:s7] =	stream.linear.scatter [tilespmem:s1], [sflag:$0x4], $0x400, $0x38;
	[tilespmem:$0x17680] =	vst v63  }
0xc6: {  	_ =	swait.ge [sflag:s5], $0x400  }
0xc7: {  	[sflag:s5] =	ssyncset.done $0x0  }
0xc8: {  	s2 =	rddreg [dreg:$0x10];
	[sflag:s5] =	ssyncadd.s32 $0xFFFFFC00  }
0xc9: {  	[spmem:s2] =	stream.linear.scatter [tilespmem:s1], [sflag:$0x4], $0x400, $0x38;
	[tilespmem:$0x17680] =	vst v63  }
0xca: {  	_ =	swait.ge [sflag:s5], $0x400  }
0xcb: {  	s3 =	sld [smem:$0x7F6]  }
0xcc: {  	[sflag:s5] =	ssyncset.done $0x0  }
0xcd: {  	[sflag:s5] =	ssyncadd.s32 $0xFFFFFC00  }
0xce: {  	[spmem:s3] =	stream.linear.scatter [tilespmem:s1], [sflag:$0x4], $0x400, $0x38;
	[tilespmem:$0x17680] =	vst v63  }
0xcf: {  	_ =	swait.ge [sflag:s5], $0x400  }
0xd0: {  	[sflag:s5] =	ssyncset.done $0x0  }
0xd1: {  	s7 =	rddreg [dreg:$0x11];
	[sflag:s5] =	ssyncadd.s32 $0xFFFFFC00  }
0xd2: {  	[spmem:s7] =	stream.linear.scatter [tilespmem:s1], [sflag:$0x4], $0x400, $0x38;
	[tilespmem:$0x17680] =	vst v63  }
0xd3: {  	_ =	swait.ge [sflag:s5], $0x400  }
0xd4: {  	s2 =	sld [smem:$0x7F7]  }
0xd5: {  	[sflag:s5] =	ssyncset.done $0x0  }
0xd6: {  	[sflag:s5] =	ssyncadd.s32 $0xFFFFFC00  }
0xd7: {  	[spmem:s2] =	stream.linear.scatter [tilespmem:s1], [sflag:$0x4], $0x400, $0x38;
	[tilespmem:$0x17680] =	vst v63  }
0xd8: {  	_ =	swait.ge [sflag:s5], $0x400  }
0xd9: {  	[sflag:s5] =	ssyncset.done $0x0  }
0xda: {  	s3 =	rddreg [dreg:$0x12];
	[sflag:s5] =	ssyncadd.s32 $0xFFFFFC00  }
0xdb: {  	[spmem:s3] =	stream.linear.scatter [tilespmem:s1], [sflag:$0x4], $0x400, $0x38;
	[tilespmem:$0x17680] =	vst v63  }
0xdc: {  	_ =	swait.ge [sflag:s5], $0x400  }
0xdd: {  	s7 =	sld [smem:$0x7F8]  }
0xde: {  	[sflag:s5] =	ssyncset.done $0x0  }
0xdf: {  	[sflag:s5] =	ssyncadd.s32 $0xFFFFFC00  }
0xe0: {  	[spmem:s7] =	stream.linear.scatter [tilespmem:s1], [sflag:$0x4], $0x400, $0x38;
	[tilespmem:$0x17680] =	vst v63  }
0xe1: {  	_ =	swait.ge [sflag:s5], $0x400  }
0xe2: {  	[sflag:s5] =	ssyncset.done $0x0  }
0xe3: {  	s2 =	rddreg [dreg:$0x16];
	[sflag:s5] =	ssyncadd.s32 $0xFFFFFC00  }
0xe4: {  	[spmem:s2] =	stream.linear.scatter [tilespmem:s1], [sflag:$0x4], $0x400, $0x38;
	[tilespmem:$0x17680] =	vst v63  }
0xe5: {  	_ =	swait.ge [sflag:s5], $0x400  }
0xe6: {  	s3 =	sld [smem:$0x7F9]  }
0xe7: {  	[sflag:s5] =	ssyncset.done $0x0  }
0xe8: {  	[sflag:s5] =	ssyncadd.s32 $0xFFFFFC00  }
0xe9: {  	[spmem:s3] =	stream.linear.scatter [tilespmem:s1], [sflag:$0x4], $0x400, $0x38;
	[tilespmem:$0x17680] =	vst v63  }
0xea: {  	_ =	swait.ge [sflag:s5], $0x400  }
0xeb: {  	[sflag:s5] =	ssyncset.done $0x0  }
0xec: {  	s7 =	rddreg [dreg:$0x17];
	[sflag:s5] =	ssyncadd.s32 $0xFFFFFC00  }
0xed: {  	[spmem:s7] =	stream.linear.scatter [tilespmem:s1], [sflag:$0x4], $0x400, $0x38;
	[tilespmem:$0x17680] =	vst v63  }
0xee: {  	_ =	swait.ge [sflag:s5], $0x400  }
0xef: {  	s2 =	sld [smem:$0x7FA]  }
0xf0: {  	[sflag:s5] =	ssyncset.done $0x0  }
0xf1: {  	[sflag:s5] =	ssyncadd.s32 $0xFFFFFC00  }
0xf2: {  	[spmem:s2] =	stream.linear.scatter [tilespmem:s1], [sflag:$0x4], $0x400, $0x38;
	[tilespmem:$0x17680] =	vst v63  }
0xf3: {  	_ =	swait.ge [sflag:s5], $0x400  }
0xf4: {  	[sflag:s5] =	ssyncset.done $0x0  }
0xf5: {  	s3 =	rddreg [dreg:$0x18];
	[sflag:s5] =	ssyncadd.s32 $0xFFFFFC00  }
0xf6: {  	[spmem:s3] =	stream.linear.scatter [tilespmem:s1], [sflag:$0x4], $0x400, $0x38;
	[tilespmem:$0x17680] =	vst v63  }
0xf7: {  	_ =	swait.ge [sflag:s5], $0x400  }
0xf8: {  	s7 =	sld [smem:$0x7FB]  }
0xf9: {  	[sflag:s5] =	ssyncset.done $0x0  }
0xfa: {  	[sflag:s5] =	ssyncadd.s32 $0xFFFFFC00  }
0xfb: {  	[spmem:s7] =	stream.linear.scatter [tilespmem:s1], [sflag:$0x4], $0x400, $0x38;
	[tilespmem:$0x17680] =	vst v63  }
0xfc: {  	_ =	swait.ge [sflag:s5], $0x400  }
0xfd: {  	[sflag:s5] =	ssyncset.done $0x0  }
0xfe: {  	s0 =	simm.s32 @!p1 $0x12900;
	s1 =	simm.s32 @!p1 $0x4;
	[sflag:s5] =	ssyncadd.s32 $0xFFFFFC00  }
0xff: {  	[spmem:s22] =	stream.linear.scatter @!p1 [tilespmem:s0], [sflag:$0x4], $0x400, $0x38;
	[tilespmem:$0x17680] =	vst v63  }
0x100: {  	_ =	swait.ge @!p1 [sflag:s1], $0x400  }
0x101: {  	s2 =	sld [smem:$0x7FC]  }
0x102: {  	[sflag:s1] =	ssyncset.done @!p1 $0x0  }
0x103: {  	[sflag:s1] =	ssyncadd.s32 @!p1 $0xFFFFFC00  }
0x104: {  	[spmem:s2] =	stream.linear.scatter @!p1 [tilespmem:s0], [sflag:$0x4], $0x400, $0x38;
	[tilespmem:$0x17680] =	vst v63  }
0x105: {  	_ =	swait.ge @!p1 [sflag:s1], $0x400  }
0x106: {  	[sflag:s1] =	ssyncset.done @!p1 $0x0  }
0x107: {  	s0 =	simm.s32 $0x0;
	s2 =	rddreg [dreg:$0x19];
	[sflag:s1] =	ssyncadd.s32 @!p1 $0xFFFFFC00  }
0x108: {  	[tilespmem:s6], [sflag:$0x4] =	stream.linear.gather [hbm4b:s2+s0], $0x80, $0x38;
	[tilespmem:$0x17680] =	vst v63  }
0x109: {  	_ =	swait.ge [sflag:s5], $0x80  }
0x10a: {  	[sflag:s5] =	ssyncset.done $0x0  }
0x10b: {  	s7 =	simm.s32 $0x12180;
	s3 =	rddreg [dreg:$0x1a];
	[sflag:s5] =	ssyncadd.s32 $0xFFFFFF80  }
0x10c: {  	[tilespmem:s7], [sflag:$0x4] =	stream.linear.gather [hbm4b:s3+s0], $0x80, $0x38;
	[tilespmem:$0x17680] =	vst v63  }
0x10d: {  	_ =	swait.ge [sflag:s5], $0x80  }
0x10e: {  	[sflag:s5] =	ssyncset.done $0x0  }
0x10f: {  	s3 =	rddreg [dreg:$0x1b];
	[sflag:s5] =	ssyncadd.s32 $0xFFFFFF80  }
0x110: {  	[tilespmem:s8], [sflag:$0x4] =	stream.linear.gather [hbm4b:s3+s0], $0x80, $0x38;
	[tilespmem:$0x17680] =	vst v63  }
0x111: {  	_ =	swait.ge [sflag:s5], $0x80  }
0x112: {  	[sflag:s5] =	ssyncset.done $0x0  }
0x113: {  	s7 =	rddreg [dreg:$0x1c];
	[sflag:s5] =	ssyncadd.s32 $0xFFFFFF80  }
0x114: {  	[tilespmem:s9], [sflag:$0x4] =	stream.linear.gather [hbm4b:s7+s0], $0x80, $0x38;
	[tilespmem:$0x17680] =	vst v63  }
0x115: {  	_ =	swait.ge [sflag:s5], $0x80  }
0x116: {  	[sflag:s5] =	ssyncset.done $0x0  }
0x117: {  	s2 =	rddreg [dreg:$0x1d];
	[sflag:s5] =	ssyncadd.s32 $0xFFFFFF80  }
0x118: {  	[tilespmem:s10], [sflag:$0x4] =	stream.linear.gather [hbm4b:s2+s0], $0x80, $0x38;
	[tilespmem:$0x17680] =	vst v63  }
0x119: {  	_ =	swait.ge [sflag:s5], $0x80  }
0x11a: {  	[sflag:s5] =	ssyncset.done $0x0  }
0x11b: {  	s3 =	rddreg [dreg:$0x1e];
	[sflag:s5] =	ssyncadd.s32 $0xFFFFFF80  }
0x11c: {  	[tilespmem:s11], [sflag:$0x4] =	stream.linear.gather [hbm4b:s3+s0], $0x80, $0x38;
	[tilespmem:$0x17680] =	vst v63  }
0x11d: {  	_ =	swait.ge [sflag:s5], $0x80  }
0x11e: {  	[sflag:s5] =	ssyncset.done $0x0  }
0x11f: {  	s7 =	rddreg [dreg:$0x1f];
	[sflag:s5] =	ssyncadd.s32 $0xFFFFFF80  }
0x120: {  	[tilespmem:s12], [sflag:$0x4] =	stream.linear.gather [hbm4b:s7+s0], $0x80, $0x38;
	[tilespmem:$0x17680] =	vst v63  }
0x121: {  	_ =	swait.ge [sflag:s5], $0x80  }
0x122: {  	s2 =	sld [smem:$0x7DB]  }
0x123: {  	[sflag:s5] =	ssyncset.done $0x0  }
0x124: {  	[sflag:s5] =	ssyncadd.s32 $0xFFFFFF80  }
0x125: {  	[tilespmem:s13], [sflag:$0x4] =	stream.linear.gather [hbm4b:s2+s0], $0x80, $0x38;
	[tilespmem:$0x17680] =	vst v63  }
0x126: {  	_ =	swait.ge [sflag:s5], $0x80  }
0x127: {  	s3 =	sld [smem:$0x7DC]  }
0x128: {  	[sflag:s5] =	ssyncset.done $0x0  }
0x129: {  	[sflag:s5] =	ssyncadd.s32 $0xFFFFFF80  }
0x12a: {  	[tilespmem:s14], [sflag:$0x4] =	stream.linear.gather [hbm4b:s3+s0], $0x80, $0x38;
	[tilespmem:$0x17680] =	vst v63  }
0x12b: {  	_ =	swait.ge [sflag:s5], $0x80  }
0x12c: {  	s7 =	sld [smem:$0x7DD]  }
0x12d: {  	[sflag:s5] =	ssyncset.done $0x0  }
0x12e: {  	[sflag:s5] =	ssyncadd.s32 $0xFFFFFF80  }
0x12f: {  	[tilespmem:s15], [sflag:$0x4] =	stream.linear.gather [hbm4b:s7+s0], $0x80, $0x38;
	[tilespmem:$0x17680] =	vst v63  }
0x130: {  	_ =	swait.ge [sflag:s5], $0x80  }
0x131: {  	s2 =	sld [smem:$0x7DE]  }
0x132: {  	[sflag:s5] =	ssyncset.done $0x0  }
0x133: {  	[sflag:s5] =	ssyncadd.s32 $0xFFFFFF80  }
0x134: {  	[tilespmem:s16], [sflag:$0x4] =	stream.linear.gather [hbm4b:s2+s0], $0x80, $0x38;
	[tilespmem:$0x17680] =	vst v63  }
0x135: {  	_ =	swait.ge [sflag:s5], $0x80  }
0x136: {  	s3 =	sld [smem:$0x7DF]  }
0x137: {  	[sflag:s5] =	ssyncset.done $0x0  }
0x138: {  	[sflag:s5] =	ssyncadd.s32 $0xFFFFFF80  }
0x139: {  	[tilespmem:s17], [sflag:$0x4] =	stream.linear.gather [hbm4b:s3+s0], $0x80, $0x38;
	[tilespmem:$0x17680] =	vst v63  }
0x13a: {  	_ =	swait.ge [sflag:s5], $0x80  }
0x13b: {  	s7 =	sld [smem:$0x7E0]  }
0x13c: {  	[sflag:s5] =	ssyncset.done $0x0  }
0x13d: {  	[sflag:s5] =	ssyncadd.s32 $0xFFFFFF80  }
0x13e: {  	[tilespmem:s18], [sflag:$0x4] =	stream.linear.gather [hbm4b:s7+s0], $0x80, $0x38;
	[tilespmem:$0x17680] =	vst v63  }
0x13f: {  	_ =	swait.ge [sflag:s5], $0x80  }
0x140: {  	s2 =	sld [smem:$0x7E1]  }
0x141: {  	[sflag:s5] =	ssyncset.done $0x0  }
0x142: {  	[sflag:s5] =	ssyncadd.s32 $0xFFFFFF80  }
0x143: {  	[tilespmem:s19], [sflag:$0x4] =	stream.linear.gather [hbm4b:s2+s0], $0x80, $0x38;
	[tilespmem:$0x17680] =	vst v63  }
0x144: {  	_ =	swait.ge [sflag:s5], $0x80  }
0x145: {  	s3 =	sld [smem:$0x7E2]  }
0x146: {  	[sflag:s5] =	ssyncset.done $0x0  }
0x147: {  	[sflag:s5] =	ssyncadd.s32 $0xFFFFFF80  }
0x148: {  	[tilespmem:s20], [sflag:$0x4] =	stream.linear.gather [hbm4b:s3+s0], $0x80, $0x38;
	[tilespmem:$0x17680] =	vst v63  }
0x149: {  	_ =	swait.ge [sflag:s5], $0x80  }
0x14a: {  	s7 =	sld [smem:$0x7E3]  }
0x14b: {  	[sflag:s5] =	ssyncset.done $0x0  }
0x14c: {  	[sflag:s5] =	ssyncadd.s32 $0xFFFFFF80  }
0x14d: {  	[tilespmem:s24], [sflag:$0x4] =	stream.linear.gather [hbm4b:s7+s0], $0x80, $0x38;
	[tilespmem:$0x17680] =	vst v63  }
0x14e: {  	_ =	swait.ge [sflag:s5], $0x80  }
0x14f: {  	[sflag:s5] =	ssyncset.done $0x0  }
0x150: {  	[sflag:s5] =	ssyncadd.s32 $0xFFFFFF80  }
.LBB2_5:
0x151: {  	s1 =	sshra.s32 s0, $0x2  }
0x152: {  	v16 =	vld [tilespmem:s1+$0x12100];
	_ =	sdelay $0x4  }
0x153: {  	(xrf1) =	vunique.msk.u32 $0xffff, v16;
	_ =	sdelay $0xd  }
0x154: {  	_, v17, vm0 =	vpop (xrf1);
	_ =	sdelay $0x5  }
0x155: {  	[tilespmem:v16+s25+$0x0] =	vst.idx.add.s32.msk vm0, v17  }
0x156: {  	v16 =	vld [tilespmem:s1+$0x12110];
	_ =	sdelay $0x4  }
0x157: {  	(xrf1) =	vunique.msk.u32 $0xffff, v16;
	_ =	sdelay $0xd  }
0x158: {  	_, v17, vm0 =	vpop (xrf1);
	_ =	sdelay $0x5  }
0x159: {  	[tilespmem:v16+s25+$0x0] =	vst.idx.add.s32.msk vm0, v17  }
0x15a: {  	v16 =	vld [tilespmem:s1+$0x12120];
	_ =	sdelay $0x4  }
0x15b: {  	(xrf1) =	vunique.msk.u32 $0xffff, v16;
	_ =	sdelay $0xd  }
0x15c: {  	_, v17, vm0 =	vpop (xrf1);
	_ =	sdelay $0x5  }
0x15d: {  	[tilespmem:v16+s25+$0x0] =	vst.idx.add.s32.msk vm0, v17  }
0x15e: {  	v16 =	vld [tilespmem:s1+$0x12130];
	_ =	sdelay $0x4  }
0x15f: {  	(xrf1) =	vunique.msk.u32 $0xffff, v16;
	_ =	sdelay $0xd  }
0x160: {  	_, v17, vm0 =	vpop (xrf1);
	_ =	sdelay $0x5  }
0x161: {  	[tilespmem:v16+s25+$0x0] =	vst.idx.add.s32.msk vm0, v17  }
0x162: {  	v16 =	vld [tilespmem:s1+$0x12140];
	_ =	sdelay $0x4  }
0x163: {  	(xrf1) =	vunique.msk.u32 $0xffff, v16;
	_ =	sdelay $0xd  }
0x164: {  	_, v17, vm0 =	vpop (xrf1);
	_ =	sdelay $0x5  }
0x165: {  	[tilespmem:v16+s25+$0x0] =	vst.idx.add.s32.msk vm0, v17  }
0x166: {  	v16 =	vld [tilespmem:s1+$0x12150];
	_ =	sdelay $0x4  }
0x167: {  	(xrf1) =	vunique.msk.u32 $0xffff, v16;
	_ =	sdelay $0xd  }
0x168: {  	_, v17, vm0 =	vpop (xrf1);
	_ =	sdelay $0x5  }
0x169: {  	[tilespmem:v16+s25+$0x0] =	vst.idx.add.s32.msk vm0, v17  }
0x16a: {  	v16 =	vld [tilespmem:s1+$0x12160];
	_ =	sdelay $0x4  }
0x16b: {  	(xrf1) =	vunique.msk.u32 $0xffff, v16;
	_ =	sdelay $0xd  }
0x16c: {  	_, v17, vm0 =	vpop (xrf1);
	_ =	sdelay $0x5  }
0x16d: {  	[tilespmem:v16+s25+$0x0] =	vst.idx.add.s32.msk vm0, v17  }
0x16e: {  	v16 =	vld [tilespmem:s1+$0x12170];
	_ =	sdelay $0x4  }
0x16f: {  	(xrf1) =	vunique.msk.u32 $0xffff, v16;
	_ =	sdelay $0xd  }
0x170: {  	_, v17, vm0 =	vpop (xrf1)  }
0x171: {  	p2 =	sne.s32 s0, $0x1E00  }
.Ltmp4:
0x172: {  	_ = 	snop;
	(pc) =	sbr.rel @p2 .LBB2_5-.Ltmp4, $2  }
0x173: {  	_ =	sdelay $0x2  }
0x174: {  	s0 =	sadd.s32 $0x200, s0;
	[tilespmem:v16+s25+$0x0] =	vst.idx.add.s32.msk vm0, v17  }
0x175: {  	[tilespmem:$0x13580] =	vst v1  }
0x176: {  	s0 =	simm.s32 $0x10;
	s1 =	simm.s32 $0x13580;
	[bflag:$0x0] =	sbarrier.arrive $0xFFFF  }
0x177: {  	[spmem:s22] =	stream.indirect.scatter.add.s32 [tilespmem:s25], [sflag:$0x4], $0x80, s1, s0, $0xb8;
	[tilespmem:$0x17680] =	vst v63  }
0x178: {  	_ =	swait.ge [sflag:s5], $0x800  }
0x179: {  	s7 =	sld [smem:$0x7E4]  }
0x17a: {  	[sflag:s5] =	ssyncset.done $0x0  }
0x17b: {  	s0 =	simm.s32 $0x0;
	s2 =	sld [smem:$0x7E5];
	[sflag:s5] =	ssyncadd.s32 $0xFFFFF800  }
0x17c: {  	[tilespmem:s28], [sflag:$0x1] =	stream.linear.gather [hbm4b:s7+s0], $0x4000, $0x38;
	[tilespmem:$0x17680] =	vst v63  }
0x17d: {  	_ = 	snop  }
0x17e: {  	[tilespmem:s29], [sflag:$0x2] =	stream.linear.gather [hbm4b:s2+s0], $0x4000, $0x38;
	[tilespmem:$0x17680] =	vst v63  }
0x17f: {  	_ =	swait.ge [sflag:s30], $0x4000  }
0x180: {  	[sflag:s30] =	ssyncset.done $0x0  }
0x181: {  	[sflag:s30] =	ssyncadd.s32 $0xFFFFC000  }
0x182: {  	s3 =	simm.s32 $0x3;
	s1 =	rddreg [dreg:$0x4]  }
0x183: {  	[spmem:s1] =	stream.indirect.scatter.add.f32 [tilespmem:s28], [sflag:$0x3], $0x80, s6, s31, $0xb8;
	[tilespmem:$0x17680] =	vst v63  }
0x184: {  	_ =	swait.ge [sflag:s3], $0x4000  }
0x185: {  	s2 =	sld [smem:$0x7E6]  }
0x186: {  	[sflag:s3] =	ssyncset.done $0x0  }
0x187: {  	s7 =	simm.s32 $0x2;
	[sflag:s3] =	ssyncadd.s32 $0xFFFFC000  }
0x188: {  	[tilespmem:s28], [sflag:$0x1] =	stream.linear.gather [hbm4b:s2+s0], $0x4000, $0x38;
	[tilespmem:$0x17680] =	vst v63  }
0x189: {  	_ =	swait.ge [sflag:s7], $0x4000  }
0x18a: {  	[sflag:s7] =	ssyncset.done $0x0  }
0x18b: {  	s2 =	simm.s32 $0x12180;
	[sflag:s7] =	ssyncadd.s32 $0xFFFFC000  }
0x18c: {  	[spmem:s1] =	stream.indirect.scatter.add.f32 [tilespmem:s29], [sflag:$0x3], $0x80, s2, s31, $0xb8;
	[tilespmem:$0x17680] =	vst v63  }
0x18d: {  	_ =	swait.ge [sflag:s3], $0x4000  }
0x18e: {  	s2 =	sld [smem:$0x7E7]  }
0x18f: {  	[sflag:s3] =	ssyncset.done $0x0  }
0x190: {  	[sflag:s3] =	ssyncadd.s32 $0xFFFFC000  }
0x191: {  	[tilespmem:s29], [sflag:$0x2] =	stream.linear.gather [hbm4b:s2+s0], $0x4000, $0x38;
	[tilespmem:$0x17680] =	vst v63  }
0x192: {  	_ =	swait.ge [sflag:s30], $0x4000  }
0x193: {  	[sflag:s30] =	ssyncset.done $0x0  }
0x194: {  	[sflag:s30] =	ssyncadd.s32 $0xFFFFC000  }
0x195: {  	[spmem:s1] =	stream.indirect.scatter.add.f32 [tilespmem:s28], [sflag:$0x3], $0x80, s8, s31, $0xb8;
	[tilespmem:$0x17680] =	vst v63  }
0x196: {  	_ =	swait.ge [sflag:s3], $0x4000  }
0x197: {  	s2 =	sld [smem:$0x7E8]  }
0x198: {  	[sflag:s3] =	ssyncset.done $0x0  }
0x199: {  	[sflag:s3] =	ssyncadd.s32 $0xFFFFC000  }
0x19a: {  	[tilespmem:s28], [sflag:$0x1] =	stream.linear.gather [hbm4b:s2+s0], $0x4000, $0x38;
	[tilespmem:$0x17680] =	vst v63  }
0x19b: {  	_ =	swait.ge [sflag:s7], $0x4000  }
0x19c: {  	[sflag:s7] =	ssyncset.done $0x0  }
0x19d: {  	[sflag:s7] =	ssyncadd.s32 $0xFFFFC000  }
0x19e: {  	[spmem:s1] =	stream.indirect.scatter.add.f32 [tilespmem:s29], [sflag:$0x3], $0x80, s9, s31, $0xb8;
	[tilespmem:$0x17680] =	vst v63  }
0x19f: {  	_ =	swait.ge [sflag:s3], $0x4000  }
0x1a0: {  	s2 =	sld [smem:$0x7E9]  }
0x1a1: {  	[sflag:s3] =	ssyncset.done $0x0  }
0x1a2: {  	[sflag:s3] =	ssyncadd.s32 $0xFFFFC000  }
0x1a3: {  	[tilespmem:s29], [sflag:$0x2] =	stream.linear.gather [hbm4b:s2+s0], $0x4000, $0x38;
	[tilespmem:$0x17680] =	vst v63  }
0x1a4: {  	_ =	swait.ge [sflag:s30], $0x4000  }
0x1a5: {  	[sflag:s30] =	ssyncset.done $0x0  }
0x1a6: {  	[sflag:s30] =	ssyncadd.s32 $0xFFFFC000  }
0x1a7: {  	[spmem:s1] =	stream.indirect.scatter.add.f32 [tilespmem:s28], [sflag:$0x3], $0x80, s10, s31, $0xb8;
	[tilespmem:$0x17680] =	vst v63  }
0x1a8: {  	_ =	swait.ge [sflag:s3], $0x4000  }
0x1a9: {  	s2 =	sld [smem:$0x7EA]  }
0x1aa: {  	[sflag:s3] =	ssyncset.done $0x0  }
0x1ab: {  	[sflag:s3] =	ssyncadd.s32 $0xFFFFC000  }
0x1ac: {  	[tilespmem:s28], [sflag:$0x1] =	stream.linear.gather [hbm4b:s2+s0], $0x4000, $0x38;
	[tilespmem:$0x17680] =	vst v63  }
0x1ad: {  	_ =	swait.ge [sflag:s7], $0x4000  }
0x1ae: {  	[sflag:s7] =	ssyncset.done $0x0  }
0x1af: {  	[sflag:s7] =	ssyncadd.s32 $0xFFFFC000  }
0x1b0: {  	[spmem:s1] =	stream.indirect.scatter.add.f32 [tilespmem:s29], [sflag:$0x3], $0x80, s11, s31, $0xb8;
	[tilespmem:$0x17680] =	vst v63  }
0x1b1: {  	_ =	swait.ge [sflag:s3], $0x4000  }
0x1b2: {  	s2 =	sld [smem:$0x7EB]  }
0x1b3: {  	[sflag:s3] =	ssyncset.done $0x0  }
0x1b4: {  	[sflag:s3] =	ssyncadd.s32 $0xFFFFC000  }
0x1b5: {  	[tilespmem:s29], [sflag:$0x2] =	stream.linear.gather [hbm4b:s2+s0], $0x4000, $0x38;
	[tilespmem:$0x17680] =	vst v63  }
0x1b6: {  	_ =	swait.ge [sflag:s30], $0x4000  }
0x1b7: {  	[sflag:s30] =	ssyncset.done $0x0  }
0x1b8: {  	[sflag:s30] =	ssyncadd.s32 $0xFFFFC000  }
0x1b9: {  	[spmem:s1] =	stream.indirect.scatter.add.f32 [tilespmem:s28], [sflag:$0x3], $0x80, s12, s31, $0xb8;
	[tilespmem:$0x17680] =	vst v63  }
0x1ba: {  	_ =	swait.ge [sflag:s3], $0x4000  }
0x1bb: {  	s2 =	sld [smem:$0x7EC]  }
0x1bc: {  	[sflag:s3] =	ssyncset.done $0x0  }
0x1bd: {  	[sflag:s3] =	ssyncadd.s32 $0xFFFFC000  }
0x1be: {  	[tilespmem:s28], [sflag:$0x1] =	stream.linear.gather [hbm4b:s2+s0], $0x4000, $0x38;
	[tilespmem:$0x17680] =	vst v63  }
0x1bf: {  	_ =	swait.ge [sflag:s7], $0x4000  }
0x1c0: {  	[sflag:s7] =	ssyncset.done $0x0  }
0x1c1: {  	[sflag:s7] =	ssyncadd.s32 $0xFFFFC000  }
0x1c2: {  	[spmem:s1] =	stream.indirect.scatter.add.f32 [tilespmem:s29], [sflag:$0x3], $0x80, s13, s31, $0xb8;
	[tilespmem:$0x17680] =	vst v63  }
0x1c3: {  	_ =	swait.ge [sflag:s3], $0x4000  }
0x1c4: {  	s2 =	sld [smem:$0x7ED]  }
0x1c5: {  	[sflag:s3] =	ssyncset.done $0x0  }
0x1c6: {  	[sflag:s3] =	ssyncadd.s32 $0xFFFFC000  }
0x1c7: {  	[tilespmem:s29], [sflag:$0x2] =	stream.linear.gather [hbm4b:s2+s0], $0x4000, $0x38;
	[tilespmem:$0x17680] =	vst v63  }
0x1c8: {  	_ =	swait.ge [sflag:s30], $0x4000  }
0x1c9: {  	[sflag:s30] =	ssyncset.done $0x0  }
0x1ca: {  	[sflag:s30] =	ssyncadd.s32 $0xFFFFC000  }
0x1cb: {  	[spmem:s1] =	stream.indirect.scatter.add.f32 [tilespmem:s28], [sflag:$0x3], $0x80, s14, s31, $0xb8;
	[tilespmem:$0x17680] =	vst v63  }
0x1cc: {  	_ =	swait.ge [sflag:s3], $0x4000  }
0x1cd: {  	s2 =	sld [smem:$0x7EE]  }
0x1ce: {  	[sflag:s3] =	ssyncset.done $0x0  }
0x1cf: {  	[sflag:s3] =	ssyncadd.s32 $0xFFFFC000  }
0x1d0: {  	[tilespmem:s28], [sflag:$0x1] =	stream.linear.gather [hbm4b:s2+s0], $0x4000, $0x38;
	[tilespmem:$0x17680] =	vst v63  }
0x1d1: {  	_ =	swait.ge [sflag:s7], $0x4000  }
0x1d2: {  	[sflag:s7] =	ssyncset.done $0x0  }
0x1d3: {  	[sflag:s7] =	ssyncadd.s32 $0xFFFFC000  }
0x1d4: {  	[spmem:s1] =	stream.indirect.scatter.add.f32 [tilespmem:s29], [sflag:$0x3], $0x80, s15, s31, $0xb8;
	[tilespmem:$0x17680] =	vst v63  }
0x1d5: {  	_ =	swait.ge [sflag:s3], $0x4000  }
0x1d6: {  	s2 =	sld [smem:$0x7EF]  }
0x1d7: {  	[sflag:s3] =	ssyncset.done $0x0  }
0x1d8: {  	[sflag:s3] =	ssyncadd.s32 $0xFFFFC000  }
0x1d9: {  	[tilespmem:s29], [sflag:$0x2] =	stream.linear.gather [hbm4b:s2+s0], $0x4000, $0x38;
	[tilespmem:$0x17680] =	vst v63  }
0x1da: {  	_ =	swait.ge [sflag:s30], $0x4000  }
0x1db: {  	[sflag:s30] =	ssyncset.done $0x0  }
0x1dc: {  	[sflag:s30] =	ssyncadd.s32 $0xFFFFC000  }
0x1dd: {  	[spmem:s1] =	stream.indirect.scatter.add.f32 [tilespmem:s28], [sflag:$0x3], $0x80, s16, s31, $0xb8;
	[tilespmem:$0x17680] =	vst v63  }
0x1de: {  	_ =	swait.ge [sflag:s3], $0x4000  }
0x1df: {  	s2 =	sld [smem:$0x7F0]  }
0x1e0: {  	[sflag:s3] =	ssyncset.done $0x0  }
0x1e1: {  	[sflag:s3] =	ssyncadd.s32 $0xFFFFC000  }
0x1e2: {  	[tilespmem:s28], [sflag:$0x1] =	stream.linear.gather [hbm4b:s2+s0], $0x4000, $0x38;
	[tilespmem:$0x17680] =	vst v63  }
0x1e3: {  	_ =	swait.ge [sflag:s7], $0x4000  }
0x1e4: {  	[sflag:s7] =	ssyncset.done $0x0  }
0x1e5: {  	[sflag:s7] =	ssyncadd.s32 $0xFFFFC000  }
0x1e6: {  	[spmem:s1] =	stream.indirect.scatter.add.f32 [tilespmem:s29], [sflag:$0x3], $0x80, s17, s31, $0xb8;
	[tilespmem:$0x17680] =	vst v63  }
0x1e7: {  	_ =	swait.ge [sflag:s3], $0x4000  }
0x1e8: {  	s2 =	sld [smem:$0x7F1]  }
0x1e9: {  	[sflag:s3] =	ssyncset.done $0x0  }
0x1ea: {  	[sflag:s3] =	ssyncadd.s32 $0xFFFFC000  }
0x1eb: {  	[tilespmem:s29], [sflag:$0x2] =	stream.linear.gather [hbm4b:s2+s0], $0x4000, $0x38;
	[tilespmem:$0x17680] =	vst v63  }
0x1ec: {  	_ =	swait.ge [sflag:s30], $0x4000  }
0x1ed: {  	[sflag:s30] =	ssyncset.done $0x0  }
0x1ee: {  	[sflag:s30] =	ssyncadd.s32 $0xFFFFC000  }
0x1ef: {  	[spmem:s1] =	stream.indirect.scatter.add.f32 [tilespmem:s28], [sflag:$0x3], $0x80, s18, s31, $0xb8;
	[tilespmem:$0x17680] =	vst v63  }
0x1f0: {  	_ =	swait.ge [sflag:s3], $0x4000  }
0x1f1: {  	s2 =	sld [smem:$0x7F2]  }
0x1f2: {  	[sflag:s3] =	ssyncset.done $0x0  }
0x1f3: {  	[sflag:s3] =	ssyncadd.s32 $0xFFFFC000  }
0x1f4: {  	[tilespmem:s28], [sflag:$0x1] =	stream.linear.gather [hbm4b:s2+s0], $0x4000, $0x38;
	[tilespmem:$0x17680] =	vst v63  }
0x1f5: {  	_ =	swait.ge [sflag:s7], $0x4000  }
0x1f6: {  	[sflag:s7] =	ssyncset.done $0x0  }
0x1f7: {  	[sflag:s7] =	ssyncadd.s32 $0xFFFFC000  }
0x1f8: {  	[spmem:s1] =	stream.indirect.scatter.add.f32 [tilespmem:s29], [sflag:$0x3], $0x80, s19, s31, $0xb8;
	[tilespmem:$0x17680] =	vst v63  }
0x1f9: {  	_ =	swait.ge [sflag:s3], $0x4000  }
0x1fa: {  	s2 =	sld [smem:$0x7F3]  }
0x1fb: {  	[sflag:s3] =	ssyncset.done $0x0  }
0x1fc: {  	[sflag:s3] =	ssyncadd.s32 $0xFFFFC000  }
0x1fd: {  	[tilespmem:s29], [sflag:$0x2] =	stream.linear.gather [hbm4b:s2+s0], $0x4000, $0x38;
	[tilespmem:$0x17680] =	vst v63  }
0x1fe: {  	_ =	swait.ge [sflag:s30], $0x4000  }
0x1ff: {  	[sflag:s30] =	ssyncset.done $0x0  }
0x200: {  	[sflag:s30] =	ssyncadd.s32 $0xFFFFC000  }
0x201: {  	[spmem:s1] =	stream.indirect.scatter.add.f32 [tilespmem:s28], [sflag:$0x3], $0x80, s20, s31, $0xb8;
	[tilespmem:$0x17680] =	vst v63  }
0x202: {  	_ =	swait.ge [sflag:s7], $0x4000  }
0x203: {  	[sflag:s7] =	ssyncset.done $0x0  }
0x204: {  	[sflag:s7] =	ssyncadd.s32 $0xFFFFC000  }
0x205: {  	[spmem:s1] =	stream.indirect.scatter.add.f32 [tilespmem:s29], [sflag:$0x3], $0x80, s24, s31, $0xb8;
	[tilespmem:$0x17680] =	vst v63  }
0x206: {  	_ =	swait.ge [sflag:s3], $0x4000  }
0x207: {  	[sflag:s3] =	ssyncset.done $0x0  }
0x208: {  	[sflag:s3] =	ssyncadd.s32 $0xFFFFC000  }
0x209: {  	_ =	swait.ge [sflag:s3], $0x4000  }
0x20a: {  	[sflag:s3] =	ssyncset.done $0x0  }
0x20b: {  	[sflag:s3] =	ssyncadd.s32 $0xFFFFC000  }
0x20c: {  	[bflag:$0x0] =	sbarrier.arrive $0xFFFF  }
0x20d: {  	[tilespmem:s6], [sflag:$0x4] =	stream.linear.gather [spmem:s22], $0x800, $0x38;
	[tilespmem:$0x17680] =	vst v63  }
0x20e: {  	_ =	swait.ge [sflag:s5], $0x800  }
0x20f: {  	[sflag:s5] =	ssyncset.done $0x0  }
0x210: {  	[sflag:s5] =	ssyncadd.s32 $0xFFFFF800  }
0x211: {  	[tilespmem:s28], [sflag:$0x4] =	stream.linear.gather [spmem:s26], $0x4000, $0x38;
	[tilespmem:$0x17680] =	vst v63  }
0x212: {  	_ =	swait.ge [sflag:s5], $0x4000  }
0x213: {  	[sflag:s5] =	ssyncset.done $0x0  }
0x214: {  	s3 =	rddreg [dreg:$0x8];
	[sflag:s5] =	ssyncadd.s32 $0xFFFFC000  }
0x215: {  	v16 =	vld [tilespmem:s3+$0x12100];
	_ =	sdelay $0x4  }
0x216: {  	vm0 =	vgt.s32 v16, $0x1  }
0x217: {  	v16 =	vnsel vm0, $0x1, v16  }
0x218: {  	v16 =	vcvt.s32.f32 v16;
	_ =	sdelay $0x1  }
0x219: {  	(erf) = vrcp.f32 v16;
	_ =	sdelay $0x8  }
0x21a: {  	v16 =	vpop (erf)  }
0x21b: {  	s7 =	rddreg [dreg:$0x9];
	[tilespmem:$0x13500] =	vst v16  }
0x21c: {  	v16 =	vld [tilespmem:s7+$0x12100];
	_ =	sdelay $0x4  }
0x21d: {  	vm0 =	vgt.s32 v16, $0x1  }
0x21e: {  	v16 =	vnsel vm0, $0x1, v16  }
0x21f: {  	v16 =	vcvt.s32.f32 v16;
	_ =	sdelay $0x1  }
0x220: {  	(erf) = vrcp.f32 v16;
	_ =	sdelay $0x8  }
0x221: {  	v16 =	vpop (erf)  }
0x222: {  	s2 =	rddreg [dreg:$0xd];
	[tilespmem:$0x13510] =	vst v16  }
0x223: {  	v16 =	vld [tilespmem:s2+$0x12100];
	_ =	sdelay $0x4  }
0x224: {  	vm0 =	vgt.s32 v16, $0x1  }
0x225: {  	v16 =	vnsel vm0, $0x1, v16  }
0x226: {  	v16 =	vcvt.s32.f32 v16;
	_ =	sdelay $0x1  }
0x227: {  	(erf) = vrcp.f32 v16;
	_ =	sdelay $0x8  }
0x228: {  	v16 =	vpop (erf)  }
0x229: {  	s3 =	rddreg [dreg:$0xe];
	[tilespmem:$0x13520] =	vst v16  }
0x22a: {  	v16 =	vld [tilespmem:s3+$0x12100];
	_ =	sdelay $0x4  }
0x22b: {  	vm0 =	vgt.s32 v16, $0x1  }
0x22c: {  	v16 =	vnsel vm0, $0x1, v16  }
0x22d: {  	v16 =	vcvt.s32.f32 v16;
	_ =	sdelay $0x1  }
0x22e: {  	(erf) = vrcp.f32 v16;
	_ =	sdelay $0x8  }
0x22f: {  	v16 =	vpop (erf)  }
0x230: {  	s7 =	rddreg [dreg:$0xf];
	[tilespmem:$0x13530] =	vst v16  }
0x231: {  	v16 =	vld [tilespmem:s7+$0x12100];
	_ =	sdelay $0x4  }
0x232: {  	vm0 =	vgt.s32 v16, $0x1  }
0x233: {  	v16 =	vnsel vm0, $0x1, v16  }
0x234: {  	v16 =	vcvt.s32.f32 v16;
	_ =	sdelay $0x1  }
0x235: {  	(erf) = vrcp.f32 v16;
	_ =	sdelay $0x8  }
0x236: {  	v16 =	vpop (erf)  }
0x237: {  	s2 =	rddreg [dreg:$0x13];
	[tilespmem:$0x13540] =	vst v16  }
0x238: {  	v16 =	vld [tilespmem:s2+$0x12100];
	_ =	sdelay $0x4  }
0x239: {  	vm0 =	vgt.s32 v16, $0x1  }
0x23a: {  	v16 =	vnsel vm0, $0x1, v16  }
0x23b: {  	v16 =	vcvt.s32.f32 v16;
	_ =	sdelay $0x1  }
0x23c: {  	(erf) = vrcp.f32 v16;
	_ =	sdelay $0x8  }
0x23d: {  	v16 =	vpop (erf)  }
0x23e: {  	s3 =	rddreg [dreg:$0x14];
	[tilespmem:$0x13550] =	vst v16  }
0x23f: {  	v16 =	vld [tilespmem:s3+$0x12100];
	_ =	sdelay $0x4  }
0x240: {  	vm0 =	vgt.s32 v16, $0x1  }
0x241: {  	v16 =	vnsel vm0, $0x1, v16  }
0x242: {  	v16 =	vcvt.s32.f32 v16;
	_ =	sdelay $0x1  }
0x243: {  	(erf) = vrcp.f32 v16;
	_ =	sdelay $0x8  }
0x244: {  	v16 =	vpop (erf)  }
0x245: {  	s7 =	rddreg [dreg:$0x15];
	[tilespmem:$0x13560] =	vst v16  }
0x246: {  	v16 =	vld [tilespmem:s7+$0x12100];
	_ =	sdelay $0x4  }
0x247: {  	vm0 =	vgt.s32 v16, $0x1  }
0x248: {  	v16 =	vnsel vm0, $0x1, v16  }
0x249: {  	v16 =	vcvt.s32.f32 v16;
	_ =	sdelay $0x1  }
0x24a: {  	(erf) = vrcp.f32 v16;
	_ =	sdelay $0x8  }
0x24b: {  	v17 =	vmov s0;
	v16 =	vpop (erf)  }
0x24c: {  	s0 =	simm.s32 $0xA140;
	[tilespmem:$0x13570] =	vst v16  }
0x24d: {  	v20 =	vld [tilespmem:s0+$0x30]  }
0x24e: {  	v23 =	vld [tilespmem:s0+$0x10]  }
0x24f: {  	s7 =	simm.s32 $0x13500;
	v21 =	vld [tilespmem:s0+$0xFFFFFFC0]  }
0x250: {  	v17 =	vld.idx.msk [tilespmem:v17+s7+$0x0], $0xffff  }
0x251: {  	v25 =	vld [tilespmem:s0+$0xFFFFFFE0]  }
0x252: {  	v16 =	vld [tilespmem:s0+$0xFFFFFFF0]  }
0x253: {  	v18 =	vld [tilespmem:s0+$0x20]  }
0x254: {  	v19 =	vld [tilespmem:s0+$0xFFFFFFD0]  }
0x255: {  	v24 =	vmul.f32 v20, v17;
	v20 =	vld [tilespmem:s0+$0x0]  }
0x256: {  	v22 =	vmul.f32 v21, v17  }
0x257: {  	s1 =	simm.s32 $0x1;
	s2 =	simm.s32 $0xA140;
	v21 =	vmul.f32 v25, v17;
	v23 =	vmul.f32 v23, v17  }
.LBB2_7:
0x258: {  	p2 =	sne.s32 s1, $0x7F  }
0x259: {  	v19 =	vmul.f32 v19, v17;
	v18 =	vmul.f32 v18, v17;
	[tilespmem:s0+$0x30] =	vst v24;
	s2 =	sadd.s32 $0x80, s2;
	s3 =	smov.u32 s1;
	s1 =	sadd.s32 $0x1, s1  }
0x25a: {  	[tilespmem:s0+$0xFFFFFFC0] =	vst v22;
	v22 =	vmul.f32 v16, v17;
	v17 =	vmul.f32 v20, v17  }
0x25b: {  	[tilespmem:s0+$0x10] =	vst v23  }
0x25c: {  	v20 =	vmov s3;
	[tilespmem:s0+$0xFFFFFFE0] =	vst v21  }
0x25d: {  	v16 =	vld [tilespmem:s2+$0xFFFFFFF0];
	[tilespmem:s0+$0xFFFFFFF0] =	vst v22  }
0x25e: {  	v21 =	vld [tilespmem:s2+$0x30];
	[tilespmem:s0+$0x0] =	vst v17  }
0x25f: {  	v23 =	vld [tilespmem:s2+$0x10];
	[tilespmem:s0+$0x20] =	vst v18  }
0x260: {  	v22 =	vld [tilespmem:s2+$0xFFFFFFC0];
	[tilespmem:s0+$0xFFFFFFD0] =	vst v19;
	s0 =	smov.u32 s2  }
0x261: {  	v17 =	vld.idx.msk [tilespmem:v20+s7+$0x0], $0xffff  }
0x262: {  	v25 =	vld [tilespmem:s2+$0xFFFFFFE0]  }
0x263: {  	v18 =	vld [tilespmem:s2+$0x20]  }
.Ltmp5:
0x264: {  	v19 =	vld [tilespmem:s2+$0xFFFFFFD0];
	(pc) =	sbr.rel @p2 .LBB2_7-.Ltmp5, $3  }
0x265: {  	v20 =	vld [tilespmem:s2+$0x0];
	_ =	sdelay $0x1  }
0x266: {  	v22 =	vmul.f32 v22, v17;
	v24 =	vmul.f32 v21, v17  }
0x267: {  	v23 =	vmul.f32 v23, v17;
	v21 =	vmul.f32 v25, v17  }
.Ltmp6:
0x268: {  	_ = 	snop;
	(pc) =	sbr.rel .LBB2_8-.Ltmp6, $1  }
0x269: {  	_ =	sdelay $0x3  }
.LBB2_9:
0x26a: {  	s0 =	simm.s32 $0x0;
	s1 =	rddreg [dreg:$0x1]  }
0x26b: {  	[tilespmem:s0], [sflag:$0x4] =	stream.linear.gather [hbm4b:s1+s0], $0x8000, $0x38;
	[tilespmem:$0x17680] =	vst v63  }
0x26c: {  	_ =	swait.ge [sflag:s5], $0x8000  }
0x26d: {  	[sflag:s5] =	ssyncset.done $0x0  }
0x26e: {  	s2 =	simm.s32 $0x8880;
	s31 =	rddreg [dreg:$0xa];
	[sflag:s5] =	ssyncadd.s32 $0xFFFF8000  }
0x26f: {  	[tilespmem:s2], [sflag:$0x4] =	stream.linear.gather [hbm4b:s31+s0], $0x800, $0x38;
	[tilespmem:$0x17680] =	vst v63  }
0x270: {  	_ =	swait.ge [sflag:s5], $0x800  }
0x271: {  	[sflag:s5] =	ssyncset.done $0x0  }
0x272: {  	[sflag:s5] =	ssyncadd.s32 $0xFFFFF800  }
0x273: {  	[tilespmem:$0x8800] =	vst v13  }
0x274: {  	[tilespmem:$0x8810] =	vst v13  }
0x275: {  	[tilespmem:$0x8820] =	vst v13  }
0x276: {  	[tilespmem:$0x8830] =	vst v13  }
0x277: {  	[tilespmem:$0x8840] =	vst v13  }
0x278: {  	[tilespmem:$0x8850] =	vst v13  }
0x279: {  	[tilespmem:$0x8860] =	vst v13  }
0x27a: {  	[tilespmem:$0x8870] =	vst v13  }
0x27b: {  	v17 =	vld [tilespmem:s0+$0x0];
	_ =	sdelay $0x4  }
0x27c: {  	v16 =	vsub.s32 v17, v0  }
0x27d: {  	vm0 =	vlt.u32 v16, $0x80  }
0x27e: {  	(xrf1) =	vunique.msk.u32 vm0, v17;
	_ =	sdelay $0x5  }
0x27f: {  	v20 =	vand.u32 $0x7F, v17;
	_ =	sdelay $0x3  }
0x280: {  	s3 =	simm.s32 $0x8800  }
0x281: {  	v18 =	vld.idx.msk [tilespmem:v20+s3+$0x0], $0xffff;
	_ =	sdelay $0x2  }
0x282: {  	v21 =	vimm.s32 $0xFFFFFFFF;
	v22 =	vimm.s32 $0x7FFFFFFF;
	_, v19, vm15 =	vpop (xrf1)  }
0x283: {  	v23 =	vshll.u32 v17, $0xF;
	v16 =	vor.u32 s0, v1;
	vm2 =	vmand vm0, vm15  }
0x284: {  	v24 =	vadd.s32 v18, v19;
	v18 =	vadd.s32 v16, v23;
	vm15 =	vlt.s32 v17, v2  }
0x285: {  	v19 =	vadd.s32 $0xFFFFFFFF, v24;
	v23 =	vsel vm15, $0x7FFFFFFF, v18;
	vm15 =	vgt.s32 v21, v18  }
0x286: {  	vm1 =	vgt.s32 v19, $0x0;
	v17 =	vsel vm15, v21, v18;
	vm15 =	vlt.s32 v22, v23  }
0x287: {  	v18 =	vnsel vm1, $0x0, v19;
	vm1 =	vlt.s32 v19, $0xA;
	v19 =	vshll.u32 v20, $0x4  }
0x288: {  	v63 =	vmin.u32 v18, $0xF;
	v18 =	vsel vm15, v22, v23;
	vm15 =	vmand vm0, vm1  }
0x289: {  	v19 =	vor.u32 v19, v63  }
0x28a: {  	s13 =	simm.s32 $0x8000;
	s1 =	simm.s32 $0x10;
	[tilespmem:v20+s3+$0x0] =	vst.idx.msk vm2, v24  }
.LBB2_10:
0x28b: {  	_ =	sdelay $0x1  }
0x28c: {  	p2 =	sne.s32 s1, $0x7FF0  }
0x28d: {  	[tilespmem:v19+s13+$0x0] =	vst.idx.msk vm15, v16;
	s0 =	sadd.s32 $0x10, s0;
	s2 =	smov.u32 s1;
	s1 =	sadd.s32 $0x10, s1  }
0x28e: {  	v19 =	vld [tilespmem:s0+$0x0];
	_ =	sdelay $0x4  }
0x28f: {  	v16 =	vor.u32 s2, v1;
	v20 =	vsub.s32 v19, v0;
	v21 =	vshll.u32 v19, $0xF  }
0x290: {  	vm0 =	vlt.s32 v19, v2;
	vm15 =	vlt.u32 v20, $0x80;
	v20 =	vadd.s32 v16, v21  }
0x291: {  	v21 =	vsel vm0, $0x7FFFFFFF, v20;
	vm0 =	vgt.s32 v17, v20;
	(xrf1) =	vunique.msk.u32 vm15, v19  }
0x292: {  	vm1 =	vlt.s32 v18, v21;
	v17 =	vsel vm0, v17, v20  }
0x293: {  	v18 =	vsel vm1, v18, v21;
	_ =	sdelay $0x1  }
0x294: {  	v20 =	vand.u32 $0x7F, v19;
	_ =	sdelay $0x4  }
0x295: {  	v19 =	vld.idx.msk [tilespmem:v20+s3+$0x0], $0xffff;
	_ =	sdelay $0x4  }
0x296: {  	_, v21, vm0 =	vpop (xrf1)  }
0x297: {  	v21 =	vadd.s32 v19, v21;
	vm0 =	vmand vm15, vm0  }
0x298: {  	v19 =	vadd.s32 $0xFFFFFFFF, v21  }
.Ltmp7:
0x299: {  	vm1 =	vlt.s32 v19, $0xA;
	vm2 =	vgt.s32 v19, $0x0;
	(pc) =	sbr.rel @p2 .LBB2_10-.Ltmp7, $4  }
0x29a: {  	vm15 =	vmand vm15, vm1;
	v19 =	vnsel vm2, $0x0, v19  }
0x29b: {  	v22 =	vshll.u32 v20, $0x4;
	v19 =	vmin.u32 v19, $0xF  }
0x29c: {  	v19 =	vor.u32 v22, v19  }
0x29d: {  	[tilespmem:v20+s3+$0x0] =	vst.idx.msk vm0, v21  }
0x29e: {  	s0 =	simm.s32 $0x70  }
0x29f: {  	v20 =	vmov s0  }
0x2a0: {  	v17 =	vxor.u32 $0x80000000, v17;
	v20 =	vshll.u32 v20, $0x4  }
0x2a1: {  	(xrf0) =	vmax.scan.msk.u32 $0xffff, v17;
	v17 =	vxor.u32 $0x80000000, v18;
	v20 =	vor.u32 v14, v20  }
0x2a2: {  	(xrf0) =	vmin.scan.msk.u32 $0xffff, v17;
	_ =	sdelay $0x1  }
0x2a3: {  	[tilespmem:v19+s13+$0x0] =	vst.idx.msk vm15, v16;
	s1 =	simm.s32 $0x8870  }
0x2a4: {  	v17 =	vld [tilespmem:s1+$0x0]  }
0x2a5: {  	v16 =	vld.idx.msk [tilespmem:v20+s13+$0x0], $0xffff  }
0x2a6: {  	v18, _, _ =	vpop (xrf0)  }
0x2a7: {  	(v2sf) =	vpush v18, $0xF;
	v18, _, _ =	vpop (xrf0)  }
0x2a8: {  	(v2sf) =	vpush v18, $0xF;
	v18 =	vor.u32 s0, v3  }
0x2a9: {  	v18 =	vshll.u32 v18, $0xF  }
0x2aa: {  	vm0 =	vgt.s32 v17, $0x0;
	v16 =	vadd.s32 v18, v16  }
0x2ab: {  	v16 =	vnsel vm0, $0x7FFFFFFF, v16  }
0x2ac: {  	v17 =	vperm.xlane v16, v15;
	v16 =	vxor.u32 $0x80000000, v16  }
0x2ad: {  	(xrf0) =	vmin.scan.msk.u32 $0xffff, v16  }
0x2ae: {  	v16 =	vsub.s32 $0x80000000, v17  }
0x2af: {  	(xrf0) =	vmax.scan.msk.u32 $0xffff, v16;
	_ =	sdelay $0x3  }
0x2b0: {  	v16, _, _ =	vpop (xrf0)  }
0x2b1: {  	(v2sf) =	vpush v16, $0xF  }
0x2b2: {  	v16, _, _ =	vpop (xrf0)  }
0x2b3: {  	s29 =	spop (v2sf);
	v16 =	vxor.u32 $0x80000000, v16  }
0x2b4: {  	s2 =	simm.s32 $0x60;
	s30 =	spop (v2sf);
	v16 =	vperm.xlane v16, v15  }
0x2b5: {  	v18 =	vmov s2;
	s1 =	sxor.u32 $0x80000000, s30  }
0x2b6: {  	v18 =	vshll.u32 v18, $0x4;
	v17 =	vmov s1;
	v16 =	vsub.s32 $0x0, v16  }
0x2b7: {  	v18 =	vor.u32 v14, v18;
	vm0 =	vlt.s32 v16, v17  }
0x2b8: {  	s0 =	sand.u32 $0x7FFF, s29;
	v19 =	vsel vm0, v16, v17  }
0x2b9: {  	v16 =	vmov s0;
	vm0 =	veq.s32 v19, $0x7FFFFFFF;
	v19 =	vand.u32 $0x7FFF, v19  }
0x2ba: {  	s0 =	simm.s32 $0xA0F0;
	v19 =	vsel vm0, v16, v19  }
0x2bb: {  	[tilespmem:s0+$0x0] =	vst v19  }
0x2bc: {  	s1 =	simm.s32 $0x8860;
	v18 =	vld.idx.msk [tilespmem:v18+s13+$0x0], $0xffff  }
0x2bd: {  	v19 =	vld [tilespmem:s1+$0x0];
	_ =	sdelay $0x2  }
0x2be: {  	v20 =	vor.u32 s2, v3;
	s31 =	spop (v2sf)  }
0x2bf: {  	v20 =	vshll.u32 v20, $0xF;
	s3 =	sxor.u32 $0x80000000, s31  }
0x2c0: {  	[dreg:$0x7] =	wrdreg s23;
	s2 =	simm.s32 $0x50;
	vm0 =	vgt.s32 v19, $0x0;
	v18 =	vadd.s32 v20, v18;
	vm15 =	vlt.s32 v17, s3  }
.LBB2_12:
0x2c1: {  	p2 =	sne.s32 s2, $0x0  }
0x2c2: {  	v18 =	vnsel vm0, $0x7FFFFFFF, v18;
	v17 =	vnsel vm15, s3, v17;
	s0 =	sadd.s32 $0xFFFFFFF0, s0;
	s3 =	smov.u32 s2;
	s2 =	sadd.s32 $0xFFFFFFF0, s2  }
0x2c3: {  	v19 =	vperm.xlane v18, v15;
	v18 =	vxor.u32 $0x80000000, v18  }
0x2c4: {  	(xrf0) =	vmin.scan.msk.u32 $0xffff, v18  }
0x2c5: {  	v18 =	vsub.s32 $0x80000000, v19  }
0x2c6: {  	(xrf0) =	vmax.scan.msk.u32 $0xffff, v18;
	_ =	sdelay $0x3  }
0x2c7: {  	v18, _, _ =	vpop (xrf0)  }
0x2c8: {  	(v2sf) =	vpush v18, $0xF  }
0x2c9: {  	v18, _, _ =	vpop (xrf0)  }
0x2ca: {  	v18 =	vxor.u32 $0x80000000, v18  }
0x2cb: {  	v18 =	vperm.xlane v18, v15  }
0x2cc: {  	v19 =	vmov s3  }
0x2cd: {  	v19 =	vshll.u32 v19, $0x4;
	v18 =	vsub.s32 $0x0, v18  }
0x2ce: {  	v19 =	vor.u32 v14, v19;
	vm0 =	vlt.s32 v18, v17  }
0x2cf: {  	v18 =	vsel vm0, v18, v17  }
0x2d0: {  	vm0 =	veq.s32 v18, $0x7FFFFFFF;
	v18 =	vand.u32 $0x7FFF, v18  }
0x2d1: {  	v18 =	vsel vm0, v16, v18  }
0x2d2: {  	[tilespmem:s0+$0x0] =	vst v18  }
0x2d3: {  	s1 =	sadd.s32 $0xFFFFFFF0, s1;
	v18 =	vld.idx.msk [tilespmem:v19+s13+$0x0], $0xffff  }
0x2d4: {  	v19 =	vld [tilespmem:s1+$0x0]  }
.Ltmp8:
0x2d5: {  	(pc) =	sbr.rel @p2 .LBB2_12-.Ltmp8, $4  }
0x2d6: {  	_ = 	snop  }
0x2d7: {  	v20 =	vor.u32 s3, v3;
	s3 =	spop (v2sf)  }
0x2d8: {  	v20 =	vshll.u32 v20, $0xF;
	s3 =	sxor.u32 $0x80000000, s3  }
0x2d9: {  	v18 =	vadd.s32 v20, v18;
	vm0 =	vgt.s32 v19, $0x0;
	vm15 =	vlt.s32 v17, s3  }
0x2da: {  	v18 =	vnsel vm0, $0x7FFFFFFF, v18  }
0x2db: {  	v19 =	vxor.u32 $0x80000000, v18  }
0x2dc: {  	(xrf0) =	vmin.scan.msk.u32 $0xffff, v19;
	_ =	sdelay $0x4  }
0x2dd: {  	v18 =	vperm.xlane v18, v15  }
0x2de: {  	v19, _, _ =	vpop (xrf0)  }
0x2df: {  	v18 =	vsub.s32 $0x80000000, v18;
	(v2sf) =	vpush v19, $0xF  }
0x2e0: {  	(xrf0) =	vmax.scan.msk.u32 $0xffff, v18;
	_ =	sdelay $0x5  }
0x2e1: {  	v18, _, _ =	vpop (xrf0)  }
0x2e2: {  	v18 =	vxor.u32 $0x80000000, v18  }
0x2e3: {  	v18 =	vperm.xlane v18, v15;
	_ =	sdelay $0x1  }
0x2e4: {  	v17 =	vnsel vm15, s3, v17;
	v18 =	vsub.s32 $0x0, v18  }
0x2e5: {  	vm0 =	vlt.s32 v18, v17  }
0x2e6: {  	v17 =	vsel vm0, v18, v17  }
0x2e7: {  	s0 =	sadd.s32 $0xFFFFFFF0, s0;
	s28 =	simm.s32 $0x0;
	vm0 =	veq.s32 v17, $0x7FFFFFFF;
	v17 =	vand.u32 $0x7FFF, v17  }
0x2e8: {  	s14 =	simm.s32 $0xA080;
	s10 =	simm.s32 $0x9B00;
	v16 =	vsel vm0, v16, v17;
	s1 =	spop (v2sf)  }
0x2e9: {  	s29 =	simm.s32 $0x9300;
	vm1 =	vcmask $0x3B38;
	vm2 =	vcmask $0x300;
	[tilespmem:s0+$0x0] =	vst v16;
	s0 =	simm.s32 $0x8800;
	s1 =	simm.s32 $0x8880  }
.LBB2_14:
0x2ea: {  	v18 =	vld [tilespmem:s0+$0x0];
	_ =	sdelay $0x2  }
0x2eb: {  	v16 =	vld [tilespmem:s1+$0x0];
	_ =	sdelay $0x1  }
0x2ec: {  	vm0 =	vgt.s32 v18, $0x1  }
0x2ed: {  	v17 =	vnsel vm0, $0x1, v18  }
0x2ee: {  	(v2sf) =	vpush v17, $0x0  }
0x2ef: {  	(v2sf) =	vpush v16, $0x0;
	_ =	sdelay $0x1  }
0x2f0: {  	(v2sf) =	vpush v17, $0xF;
	_ =	sdelay $0x1  }
0x2f1: {  	(v2sf) =	vpush v16, $0xF  }
0x2f2: {  	(v2sf) =	vpush v17, $0x1  }
0x2f3: {  	(v2sf) =	vpush v16, $0x1;
	_ =	sdelay $0x1  }
0x2f4: {  	(v2sf) =	vpush v17, $0x2  }
0x2f5: {  	(v2sf) =	vpush v16, $0x2;
	_ =	sdelay $0x1  }
0x2f6: {  	(v2sf) =	vpush v17, $0x3  }
0x2f7: {  	(v2sf) =	vpush v16, $0x3;
	_ =	sdelay $0x1  }
0x2f8: {  	s30 =	spop (v2sf)  }
0x2f9: {  	[smem:$0x7D8] =	sst s0;
	s31 =	sshra.s32 s30, $0x1F;
	s2 =	spop (v2sf)  }
0x2fa: {  	[smem:$0x7D7] =	sst s1;
	s0 =	sxor.u32 s31, s30;
	s3 =	sshra.s32 s2, $0x1F  }
0x2fb: {  	s5 =	ssub.s32 s0, s31;
	s1 =	sxor.u32 s3, s2;
	s2 =	spop (v2sf)  }
0x2fc: {  	(v2sf) =	vpush v17, $0x4;
	[smem:$0x7D2] =	sst s5;
	s0 =	ssub.s32 s1, s3;
	s6 =	sshra.s32 s2, $0x1F  }
0x2fd: {  	(v2sf) =	vpush v16, $0x4;
	s4 =	spop (v2sf);
	(drf) =	srem.u32 s0, s5;
	s7 =	sxor.u32 s6, s2  }
0x2fe: {  	s1 =	sshra.s32 s4, $0x1F;
	s9 =	spop (v2sf);
	s6 =	ssub.s32 s7, s6  }
0x2ff: {  	(v2sf) =	vpush v17, $0x5;
	s8 =	sxor.u32 s1, s4;
	s11 =	sshra.s32 s9, $0x1F;
	s12 =	spop (v2sf)  }
0x300: {  	[smem:$0x7D3] =	sst s6;
	s0 =	ssub.s32 s8, s1;
	s15 =	sxor.u32 s11, s9  }
0x301: {  	s17 =	spop (v2sf);
	(drf) =	srem.u32 s0, s6;
	s6 =	sshra.s32 s12, $0x1F  }
0x302: {  	s7 =	ssub.s32 s15, s11;
	s18 =	sshra.s32 s17, $0x1F;
	s19 =	spop (v2sf)  }
0x303: {  	[smem:$0x7C9] =	sst s7;
	s16 =	sxor.u32 s6, s12;
	s20 =	sxor.u32 s18, s17  }
0x304: {  	(v2sf) =	vpush v16, $0x5;
	s21 =	spop (v2sf);
	s22 =	sshra.s32 s19, $0x1F;
	s0 =	ssub.s32 s16, s6  }
0x305: {  	(v2sf) =	vpush v17, $0x6;
	s9 =	ssub.s32 s20, s18;
	s23 =	spop (v2sf);
	s5 =	sxor.u32 s22, s19  }
0x306: {  	(v2sf) =	vpush v16, $0x6;
	s8 =	sshra.s32 s21, $0x1F;
	(drf) =	srem.u32 s0, s7;
	s2 =	sshra.s32 s23, $0x1F  }
0x307: {  	s5 =	ssub.s32 s5, s22;
	s7 =	sxor.u32 s8, s21;
	s4 =	sxor.u32 s2, s23  }
0x308: {  	(v2sf) =	vpush v17, $0x7;
	(drf) =	srem.u32 s5, s9;
	s24 =	ssub.s32 s7, s8;
	s4 =	ssub.s32 s4, s2  }
0x309: {  	(drf) =	srem.u32 s4, s24  }
0x30a: {  	(v2sf) =	vpush v16, $0x7;
	[smem:$0x7D4] =	sst s9;
	s25 =	spop (drf)  }
0x30b: {  	(v2sf) =	vpush v17, $0x8;
	[smem:$0x7CC] =	sst s24;
	s4 =	sxor.u32 s3, s25;
	s15 =	spop (v2sf)  }
0x30c: {  	s16 =	ssub.s32 s4, s3;
	s17 =	spop (v2sf);
	s18 =	sshra.s32 s15, $0x1F  }
0x30d: {  	(v2sf) =	vpush v16, $0x8;
	s26 =	spop (drf);
	s21 =	sshra.s32 s17, $0x1F;
	s19 =	sxor.u32 s18, s15  }
0x30e: {  	s5 =	sxor.u32 s1, s26;
	s0 =	sxor.u32 s21, s17;
	s20 =	spop (v2sf)  }
0x30f: {  	(v2sf) =	vpush v17, $0x9;
	s24 =	ssub.s32 s5, s1;
	s5 =	ssub.s32 s19, s18;
	s0 =	ssub.s32 s0, s21  }
0x310: {  	s26 =	sshra.s32 s20, $0x1F;
	s30 =	spop (drf);
	(drf) =	srem.u32 s0, s5  }
0x311: {  	(v2sf) =	vpush v16, $0x9;
	s31 =	spop (drf);
	s11 =	sxor.u32 s6, s30;
	s30 =	sxor.u32 s26, s20  }
0x312: {  	(v2sf) =	vpush v17, $0xA;
	s12 =	sxor.u32 s22, s31;
	s25 =	ssub.s32 s11, s6;
	s9 =	spop (drf)  }
0x313: {  	s4 =	ssub.s32 s30, s26;
	s23 =	ssub.s32 s12, s22;
	s22 =	spop (v2sf)  }
0x314: {  	s3 =	sxor.u32 s2, s9;
	s9 =	sshra.s32 s22, $0x1F;
	s31 =	spop (v2sf)  }
0x315: {  	(v2sf) =	vpush v16, $0xA;
	[smem:$0x7CE] =	sst s4;
	s1 =	sxor.u32 s9, s22;
	s7 =	spop (v2sf)  }
0x316: {  	(v2sf) =	vpush v17, $0xB;
	s8 =	sshra.s32 s31, $0x1F;
	s2 =	ssub.s32 s3, s2;
	s1 =	ssub.s32 s1, s9  }
0x317: {  	(v2sf) =	vpush v16, $0xB;
	s15 =	sshra.s32 s7, $0x1F;
	s11 =	sxor.u32 s8, s31;
	s12 =	spop (v2sf)  }
0x318: {  	(drf) =	srem.u32 s1, s4;
	s1 =	sxor.u32 s15, s7;
	s7 =	ssub.s32 s11, s8  }
0x319: {  	(v2sf) =	vpush v17, $0xC;
	s18 =	spop (v2sf);
	s19 =	sshra.s32 s12, $0x1F;
	s17 =	ssub.s32 s1, s15  }
0x31a: {  	(v2sf) =	vpush v16, $0xC;
	s1 =	sshra.s32 s18, $0x1F;
	s6 =	sxor.u32 s19, s12;
	s11 =	spop (v2sf)  }
0x31b: {  	(drf) =	srem.u32 s17, s7;
	s4 =	sxor.u32 s1, s18;
	s6 =	ssub.s32 s6, s19  }
0x31c: {  	(v2sf) =	vpush v17, $0xD;
	s22 =	spop (v2sf);
	s26 =	sshra.s32 s11, $0x1F;
	[smem:$0x7CF] =	sst s6  }
0x31d: {  	(v2sf) =	vpush v16, $0xD;
	s20 =	ssub.s32 s4, s1;
	s8 =	sshra.s32 s22, $0x1F;
	s30 =	sxor.u32 s26, s11  }
0x31e: {  	s17 =	spop (v2sf);
	(drf) =	srem.u32 s20, s6;
	s11 =	ssub.s32 s30, s26  }
0x31f: {  	s4 =	sxor.u32 s8, s22;
	s12 =	sshra.s32 s17, $0x1F;
	[smem:$0x7C5] =	sst s11  }
0x320: {  	(v2sf) =	vpush v17, $0xE;
	s31 =	ssub.s32 s4, s8;
	s4 =	spop (v2sf);
	s17 =	sxor.u32 s12, s17  }
0x321: {  	(v2sf) =	vpush v16, $0xE;
	(drf) =	srem.u32 s31, s11;
	s30 =	sshra.s32 s4, $0x1F;
	s18 =	spop (v2sf)  }
0x322: {  	s19 =	ssub.s32 s17, s12;
	s20 =	sxor.u32 s30, s4;
	s31 =	sshra.s32 s18, $0x1F  }
0x323: {  	[smem:$0x7CB] =	sst s19;
	s0 =	ssub.s32 s20, s30;
	s4 =	sxor.u32 s31, s18  }
0x324: {  	(drf) =	srem.u32 s0, s19;
	s6 =	ssub.s32 s4, s31;
	s22 =	spop (v2sf)  }
0x325: {  	[smem:$0x7D0] =	sst s6;
	s26 =	sshra.s32 s22, $0x1F;
	s12 =	spop (v2sf)  }
0x326: {  	s3 =	sxor.u32 s26, s22;
	s17 =	sshra.s32 s12, $0x1F;
	s18 =	spop (v2sf)  }
0x327: {  	s11 =	ssub.s32 s3, s26;
	s3 =	sxor.u32 s17, s12;
	s0 =	sshra.s32 s18, $0x1F  }
0x328: {  	s19 =	spop (v2sf);
	(drf) =	srem.u32 s11, s6;
	s3 =	ssub.s32 s3, s17  }
0x329: {  	s20 =	sxor.u32 s0, s18;
	s22 =	spop (v2sf);
	[smem:$0x7C7] =	sst s3  }
0x32a: {  	s11 =	ssub.s32 s20, s0;
	s20 =	sshra.s32 s19, $0x1F;
	s31 =	sshra.s32 s22, $0x1F  }
0x32b: {  	s18 =	spop (v2sf);
	(drf) =	srem.u32 s11, s3;
	s4 =	sxor.u32 s20, s19  }
0x32c: {  	s6 =	sxor.u32 s31, s22;
	s3 =	spop (v2sf);
	s12 =	ssub.s32 s4, s20  }
0x32d: {  	s17 =	ssub.s32 s6, s31;
	s20 =	sshra.s32 s18, $0x1F;
	s22 =	sshra.s32 s3, $0x1F  }
0x32e: {  	[smem:$0x7C8] =	sst s12;
	(drf) =	srem.u32 s17, s12;
	s19 =	sxor.u32 s20, s18  }
0x32f: {  	s18 =	spop (v2sf);
	s6 =	sxor.u32 s22, s3;
	s4 =	ssub.s32 s19, s20  }
0x330: {  	s11 =	spop (v2sf);
	s19 =	ssub.s32 s6, s22;
	s17 =	sshra.s32 s18, $0x1F  }
0x331: {  	v16 =	vmov s24;
	[smem:$0x7C6] =	sst s4;
	s12 =	sshra.s32 s11, $0x1F;
	s3 =	sxor.u32 s17, s18  }
0x332: {  	vm0 =	vcmask $0x704;
	v16 =	vsel vm2, s16, v16;
	(drf) =	srem.u32 s19, s4;
	s4 =	sxor.u32 s12, s11;
	s6 =	ssub.s32 s3, s17  }
0x333: {  	v16 =	vsel vm0, s25, v16;
	s11 =	spop (drf);
	[smem:$0x7D5] =	sst s6;
	s18 =	ssub.s32 s4, s12  }
0x334: {  	v16 =	vsel vm3, s23, v16;
	s16 =	sxor.u32 s21, s11;
	s17 =	spop (drf);
	(drf) =	srem.u32 s18, s6  }
0x335: {  	v16 =	vsel vm4, s2, v16;
	s20 =	ssub.s32 s16, s21;
	s21 =	sxor.u32 s9, s17;
	s23 =	spop (drf)  }
0x336: {  	v16 =	vsel vm5, s20, v16;
	s24 =	ssub.s32 s21, s9;
	s25 =	sxor.u32 s15, s23;
	s3 =	spop (drf)  }
0x337: {  	v16 =	vsel vm6, s24, v16;
	s4 =	ssub.s32 s25, s15;
	s6 =	sxor.u32 s1, s3;
	s11 =	spop (drf)  }
0x338: {  	v16 =	vsel vm7, s4, v16;
	s1 =	ssub.s32 s6, s1;
	s16 =	sxor.u32 s8, s11;
	s17 =	spop (drf)  }
0x339: {  	v16 =	vsel vm8, s1, v16;
	s18 =	ssub.s32 s16, s8;
	s19 =	sxor.u32 s30, s17;
	s20 =	spop (drf)  }
0x33a: {  	v16 =	vsel vm9, s18, v16;
	s21 =	ssub.s32 s19, s30;
	s23 =	sxor.u32 s26, s20;
	s24 =	spop (drf)  }
0x33b: {  	v16 =	vsel vm10, s21, v16;
	s25 =	ssub.s32 s23, s26;
	s26 =	sxor.u32 s0, s24;
	s30 =	spop (drf)  }
0x33c: {  	v16 =	vsel vm11, s25, v16;
	s0 =	ssub.s32 s26, s0;
	s3 =	sxor.u32 s31, s30;
	s4 =	spop (drf)  }
0x33d: {  	v16 =	vsel vm12, s0, v16;
	s6 =	ssub.s32 s3, s31;
	s8 =	sxor.u32 s22, s4;
	s9 =	spop (drf)  }
0x33e: {  	v17 =	vmov s28;
	v16 =	vsel vm13, s6, v16;
	s11 =	ssub.s32 s8, s22;
	s15 =	sxor.u32 s12, s9  }
0x33f: {  	v17 =	vshll.u32 v17, $0x4;
	v16 =	vsel vm14, s11, v16;
	s16 =	ssub.s32 s15, s12  }
0x340: {  	v17 =	vor.u32 v14, v17;
	v16 =	vsel vm1, s16, v16  }
0x341: {  	v19 =	vadd.s32 v17, v16;
	_ =	sdelay $0x3  }
0x342: {  	v16 =	vld [tilespmem:s14+$0x0]  }
0x343: {  	v19 =	vld.idx.msk [tilespmem:v19+s13+$0x0], $0xffff;
	_ =	sdelay $0x3  }
0x344: {  	v46 =	vor.u32 s28, v3;
	vm15 =	veq.s32 v18, $0x0  }
0x345: {  	v18 =	vmul.u32 $0xB, v46;
	s17 =	sld [smem:$0x7D7];
	v19 =	vsel vm15, v16, v19  }
0x346: {  	[tilespmem:s29+$0xFFFFFD80] =	vst v19  }
0x347: {  	[tilespmem:s10+$0xFFFFFD80] =	vst v18  }
0x348: {  	v19 =	vld [tilespmem:s17+$0x10];
	_ =	sdelay $0x4  }
0x349: {  	(v2sf) =	vpush v19, $0x0;
	_ =	sdelay $0x1  }
0x34a: {  	(v2sf) =	vpush v19, $0xF  }
0x34b: {  	(v2sf) =	vpush v19, $0x1  }
0x34c: {  	(v2sf) =	vpush v19, $0x2  }
0x34d: {  	(v2sf) =	vpush v19, $0x3;
	_ =	sdelay $0x6  }
0x34e: {  	[smem:$0x7D1] =	sst s29;
	(v2sf) =	vpush v19, $0x4  }
0x34f: {  	s4 =	sld [smem:$0x7CC]  }
0x350: {  	s11 =	sld [smem:$0x7C9]  }
0x351: {  	s16 =	sld [smem:$0x7D3];
	s18 =	spop (v2sf)  }
0x352: {  	s29 =	sld [smem:$0x7D4];
	s19 =	sshra.s32 s18, $0x1F  }
0x353: {  	s17 =	sld [smem:$0x7D2];
	s20 =	spop (v2sf);
	s0 =	sxor.u32 s19, s18  }
0x354: {  	s8 =	sshra.s32 s20, $0x1F;
	s22 =	spop (v2sf);
	s0 =	ssub.s32 s0, s19  }
0x355: {  	s2 =	sxor.u32 s8, s20;
	s23 =	sshra.s32 s22, $0x1F;
	s24 =	spop (v2sf)  }
0x356: {  	(drf) =	srem.u32 s0, s17;
	s21 =	ssub.s32 s2, s8;
	s25 =	spop (v2sf);
	(v2sf) =	vpush v19, $0x5  }
0x357: {  	s2 =	sxor.u32 s23, s22;
	s12 =	sshra.s32 s24, $0x1F;
	(drf) =	srem.u32 s21, s16;
	(v2sf) =	vpush v19, $0x6  }
0x358: {  	s2 =	ssub.s32 s2, s23;
	s9 =	sxor.u32 s12, s24;
	s18 =	sshra.s32 s25, $0x1F;
	(v2sf) =	vpush v19, $0x7  }
0x359: {  	(drf) =	srem.u32 s2, s11;
	s26 =	ssub.s32 s9, s12;
	s30 =	sxor.u32 s18, s25  }
0x35a: {  	(drf) =	srem.u32 s26, s29;
	s31 =	ssub.s32 s30, s18;
	(v2sf) =	vpush v19, $0x8  }
0x35b: {  	(drf) =	srem.u32 s31, s4  }
0x35c: {  	(v2sf) =	vpush v19, $0x9  }
0x35d: {  	s24 =	spop (v2sf);
	(v2sf) =	vpush v19, $0xA  }
0x35e: {  	[smem:$0x7DA] =	sst s28;
	s0 =	sshra.s32 s24, $0x1F  }
0x35f: {  	[smem:$0x7D9] =	sst s14;
	s26 =	sxor.u32 s0, s24;
	(v2sf) =	vpush v19, $0xB  }
0x360: {  	s28 =	sld [smem:$0x7CB];
	s30 =	ssub.s32 s26, s0;
	s3 =	spop (drf)  }
0x361: {  	(drf) =	srem.u32 s30, s5;
	s6 =	spop (drf)  }
0x362: {  	s2 =	sxor.u32 s19, s3;
	s3 =	sld [smem:$0x7CE];
	s14 =	spop (drf)  }
0x363: {  	s1 =	ssub.s32 s2, s19;
	s19 =	sxor.u32 s8, s6;
	s20 =	spop (drf)  }
0x364: {  	s2 =	ssub.s32 s19, s8;
	s21 =	sxor.u32 s23, s14;
	s22 =	spop (drf)  }
0x365: {  	(v2sf) =	vpush v19, $0xC;
	s19 =	ssub.s32 s21, s23;
	s23 =	sxor.u32 s12, s20;
	s25 =	spop (v2sf)  }
0x366: {  	s9 =	ssub.s32 s23, s12;
	s8 =	sshra.s32 s25, $0x1F;
	s31 =	spop (v2sf)  }
0x367: {  	(v2sf) =	vpush v19, $0xD;
	s15 =	sxor.u32 s18, s22;
	s12 =	sxor.u32 s8, s25;
	s6 =	spop (v2sf)  }
0x368: {  	(v2sf) =	vpush v19, $0xE;
	s15 =	ssub.s32 s15, s18;
	s12 =	ssub.s32 s12, s8;
	s21 =	sshra.s32 s6, $0x1F  }
0x369: {  	s14 =	spop (v2sf);
	(drf) =	srem.u32 s12, s3;
	s12 =	sshra.s32 s31, $0x1F  }
0x36a: {  	s20 =	sxor.u32 s21, s6;
	s23 =	sshra.s32 s14, $0x1F;
	s6 =	sld [smem:$0x7CF]  }
0x36b: {  	s26 =	spop (v2sf);
	s18 =	sxor.u32 s12, s31;
	s20 =	ssub.s32 s20, s21  }
0x36c: {  	s24 =	sxor.u32 s23, s14;
	s14 =	sld [smem:$0x7C5];
	s30 =	spop (v2sf)  }
0x36d: {  	s18 =	ssub.s32 s18, s12;
	s25 =	ssub.s32 s24, s23;
	s24 =	sshra.s32 s30, $0x1F  }
0x36e: {  	s31 =	spop (v2sf);
	(drf) =	srem.u32 s18, s7;
	s18 =	sshra.s32 s26, $0x1F  }
0x36f: {  	(drf) =	srem.u32 s20, s6;
	s20 =	sxor.u32 s18, s26;
	s26 =	sshra.s32 s31, $0x1F  }
0x370: {  	s22 =	sxor.u32 s24, s30;
	s30 =	sxor.u32 s26, s31;
	s31 =	sld [smem:$0x7D0]  }
0x371: {  	(drf) =	srem.u32 s25, s14;
	s20 =	ssub.s32 s20, s18  }
0x372: {  	s22 =	ssub.s32 s22, s24;
	(drf) =	srem.u32 s20, s28  }
0x373: {  	(drf) =	srem.u32 s22, s31;
	s31 =	sld [smem:$0x7C7]  }
0x374: {  	v47 =	vmov s2;
	s25 =	ssub.s32 s30, s26;
	s30 =	spop (v2sf)  }
0x375: {  	v19 =	vsel vm2, s1, v47;
	s1 =	sld [smem:$0x7C8];
	s20 =	sshra.s32 s30, $0x1F  }
0x376: {  	s22 =	sxor.u32 s20, s30;
	(drf) =	srem.u32 s25, s31;
	s25 =	spop (v2sf)  }
0x377: {  	s2 =	ssub.s32 s22, s20;
	s30 =	sshra.s32 s25, $0x1F;
	s31 =	spop (v2sf)  }
0x378: {  	(drf) =	srem.u32 s2, s1;
	s22 =	sxor.u32 s30, s25;
	s25 =	sshra.s32 s31, $0x1F  }
0x379: {  	s2 =	ssub.s32 s22, s30;
	s22 =	sxor.u32 s25, s31;
	s31 =	sld [smem:$0x7C6]  }
0x37a: {  	v19 =	vsel vm0, s19, v19;
	s19 =	sld [smem:$0x7D5];
	_ =	sdelay $0x1  }
0x37b: {  	s22 =	ssub.s32 s22, s25;
	(drf) =	srem.u32 s2, s31;
	s31 =	spop (drf)  }
0x37c: {  	v19 =	vsel vm3, s9, v19;
	(drf) =	srem.u32 s22, s19;
	s22 =	sxor.u32 s0, s31;
	s31 =	spop (drf)  }
0x37d: {  	v19 =	vsel vm4, s15, v19;
	s0 =	ssub.s32 s22, s0;
	s9 =	sxor.u32 s8, s31;
	s15 =	spop (drf)  }
0x37e: {  	v19 =	vsel vm5, s0, v19;
	s19 =	ssub.s32 s9, s8;
	s22 =	sxor.u32 s12, s15;
	s31 =	spop (drf)  }
0x37f: {  	v19 =	vsel vm6, s19, v19;
	s8 =	ssub.s32 s22, s12;
	s9 =	sxor.u32 s21, s31;
	s12 =	spop (drf)  }
0x380: {  	v19 =	vsel vm7, s8, v19;
	s15 =	ssub.s32 s9, s21;
	s19 =	sxor.u32 s23, s12;
	s21 =	spop (drf)  }
0x381: {  	v19 =	vsel vm8, s15, v19;
	s22 =	ssub.s32 s19, s23;
	s23 =	sxor.u32 s18, s21;
	s31 =	spop (drf)  }
0x382: {  	v19 =	vsel vm9, s22, v19;
	s8 =	ssub.s32 s23, s18;
	s9 =	sxor.u32 s24, s31;
	s12 =	spop (drf)  }
0x383: {  	v19 =	vsel vm10, s8, v19;
	s15 =	ssub.s32 s9, s24;
	s18 =	sxor.u32 s26, s12;
	s19 =	spop (drf)  }
0x384: {  	v19 =	vsel vm11, s15, v19;
	s21 =	ssub.s32 s18, s26;
	s22 =	sxor.u32 s20, s19;
	s23 =	spop (drf)  }
0x385: {  	v19 =	vsel vm12, s21, v19;
	s24 =	ssub.s32 s22, s20;
	s26 =	sxor.u32 s30, s23;
	s31 =	spop (drf)  }
0x386: {  	v19 =	vsel vm13, s24, v19;
	s8 =	ssub.s32 s26, s30;
	s9 =	sxor.u32 s25, s31  }
0x387: {  	v19 =	vsel vm14, s8, v19;
	s12 =	ssub.s32 s9, s25  }
0x388: {  	v19 =	vsel vm1, s12, v19  }
0x389: {  	v19 =	vadd.s32 v17, v19;
	_ =	sdelay $0x4  }
0x38a: {  	v19 =	vld.idx.msk [tilespmem:v19+s13+$0x0], $0xffff;
	_ =	sdelay $0x2  }
0x38b: {  	s15 =	sld [smem:$0x7D1];
	_ =	sdelay $0x1  }
0x38c: {  	s18 =	sld [smem:$0x7D7];
	v19 =	vsel vm15, v16, v19  }
0x38d: {  	v48 =	vadd.s32 $0x1, v18;
	[tilespmem:s15+$0xFFFFFE00] =	vst v19  }
0x38e: {  	[tilespmem:s10+$0xFFFFFE00] =	vst v48  }
0x38f: {  	v19 =	vld [tilespmem:s18+$0x20];
	_ =	sdelay $0x4  }
0x390: {  	(v2sf) =	vpush v19, $0x0  }
0x391: {  	(v2sf) =	vpush v19, $0xF;
	_ =	sdelay $0x1  }
0x392: {  	(v2sf) =	vpush v19, $0x1  }
0x393: {  	(v2sf) =	vpush v19, $0x2  }
0x394: {  	(v2sf) =	vpush v19, $0x3;
	_ =	sdelay $0x1  }
0x395: {  	(v2sf) =	vpush v19, $0x4  }
0x396: {  	(v2sf) =	vpush v19, $0x5  }
0x397: {  	(v2sf) =	vpush v19, $0x6;
	_ =	sdelay $0x1  }
0x398: {  	(v2sf) =	vpush v19, $0x7;
	_ =	sdelay $0x1  }
0x399: {  	(v2sf) =	vpush v19, $0x8;
	_ =	sdelay $0x1  }
0x39a: {  	[smem:$0x7D6] =	sst s10;
	s19 =	spop (v2sf)  }
0x39b: {  	[smem:$0x7CD] =	sst s5;
	s25 =	sshra.s32 s19, $0x1F;
	s20 =	spop (v2sf);
	(v2sf) =	vpush v19, $0x9  }
0x39c: {  	[smem:$0x7CA] =	sst s7;
	s0 =	sxor.u32 s25, s19;
	s26 =	sshra.s32 s20, $0x1F  }
0x39d: {  	s22 =	spop (v2sf);
	s0 =	ssub.s32 s0, s25;
	s1 =	sxor.u32 s26, s20  }
0x39e: {  	s23 =	spop (v2sf);
	(drf) =	srem.u32 s0, s17;
	s21 =	ssub.s32 s1, s26  }
0x39f: {  	s0 =	sshra.s32 s22, $0x1F;
	s30 =	sshra.s32 s23, $0x1F;
	s24 =	spop (v2sf)  }
0x3a0: {  	(drf) =	srem.u32 s21, s16;
	s1 =	sxor.u32 s0, s22;
	s2 =	sxor.u32 s30, s23  }
0x3a1: {  	s12 =	spop (v2sf);
	s31 =	ssub.s32 s1, s0;
	s1 =	sshra.s32 s24, $0x1F  }
0x3a2: {  	s2 =	ssub.s32 s2, s30;
	s13 =	spop (v2sf);
	(drf) =	srem.u32 s31, s11  }
0x3a3: {  	(v2sf) =	vpush v19, $0xA;
	s8 =	sxor.u32 s1, s24;
	s9 =	sshra.s32 s13, $0x1F;
	s16 =	spop (v2sf)  }
0x3a4: {  	(v2sf) =	vpush v19, $0xB;
	(drf) =	srem.u32 s2, s29;
	s10 =	ssub.s32 s8, s1;
	s8 =	sshra.s32 s12, $0x1F  }
0x3a5: {  	s2 =	sxor.u32 s9, s13;
	s19 =	spop (v2sf);
	(drf) =	srem.u32 s10, s4  }
0x3a6: {  	(v2sf) =	vpush v19, $0xC;
	s15 =	sxor.u32 s8, s12;
	s2 =	ssub.s32 s2, s9;
	s21 =	sshra.s32 s19, $0x1F  }
0x3a7: {  	(v2sf) =	vpush v19, $0xD;
	s20 =	spop (v2sf);
	s12 =	ssub.s32 s15, s8;
	s15 =	sshra.s32 s16, $0x1F  }
0x3a8: {  	s23 =	sshra.s32 s20, $0x1F;
	(drf) =	srem.u32 s12, s5;
	s17 =	sxor.u32 s15, s16  }
0x3a9: {  	s12 =	sxor.u32 s21, s19;
	(drf) =	srem.u32 s2, s3;
	s18 =	ssub.s32 s17, s15  }
0x3aa: {  	s12 =	ssub.s32 s12, s21;
	s2 =	sxor.u32 s23, s20;
	s22 =	spop (v2sf);
	(v2sf) =	vpush v19, $0xE  }
0x3ab: {  	(drf) =	srem.u32 s18, s7;
	s2 =	ssub.s32 s2, s23;
	s4 =	spop (drf)  }
0x3ac: {  	(drf) =	srem.u32 s12, s6;
	s13 =	spop (drf);
	s12 =	sxor.u32 s25, s4  }
0x3ad: {  	s4 =	sld [smem:$0x7D0];
	(drf) =	srem.u32 s2, s14;
	s12 =	ssub.s32 s12, s25  }
0x3ae: {  	s2 =	sxor.u32 s26, s13;
	s14 =	spop (drf);
	s24 =	sshra.s32 s22, $0x1F  }
0x3af: {  	s2 =	ssub.s32 s2, s26;
	s17 =	spop (drf);
	s31 =	sxor.u32 s24, s22  }
0x3b0: {  	s20 =	spop (drf);
	s19 =	sxor.u32 s30, s17;
	s3 =	ssub.s32 s31, s24  }
0x3b1: {  	s19 =	ssub.s32 s19, s30;
	s30 =	sld [smem:$0x7C7];
	s22 =	spop (drf)  }
0x3b2: {  	s18 =	sxor.u32 s0, s14;
	(drf) =	srem.u32 s3, s28;
	s26 =	spop (v2sf)  }
0x3b3: {  	s3 =	ssub.s32 s18, s0;
	s18 =	sshra.s32 s26, $0x1F;
	s0 =	spop (v2sf)  }
0x3b4: {  	s31 =	spop (drf);
	s25 =	sxor.u32 s18, s26;
	s13 =	sshra.s32 s0, $0x1F  }
0x3b5: {  	s17 =	spop (v2sf);
	s25 =	ssub.s32 s25, s18;
	s26 =	sxor.u32 s13, s0  }
0x3b6: {  	s0 =	spop (v2sf);
	(drf) =	srem.u32 s25, s4;
	s25 =	sshra.s32 s17, $0x1F  }
0x3b7: {  	s14 =	ssub.s32 s26, s13;
	s26 =	sxor.u32 s25, s17;
	s17 =	sld [smem:$0x7C8]  }
0x3b8: {  	s16 =	smov.u32 s7;
	s5 =	spop (drf);
	s28 =	sshra.s32 s0, $0x1F  }
0x3b9: {  	v49 =	vmov s2;
	(drf) =	srem.u32 s14, s30;
	s4 =	ssub.s32 s26, s25;
	s29 =	spop (v2sf)  }
0x3ba: {  	v19 =	vsel vm2, s12, v49;
	(drf) =	srem.u32 s4, s17;
	s17 =	sld [smem:$0x7C6];
	s30 =	sshra.s32 s29, $0x1F  }
0x3bb: {  	v19 =	vsel vm0, s3, v19;
	s14 =	sxor.u32 s28, s0;
	s0 =	sxor.u32 s30, s29;
	s29 =	sld [smem:$0x7D5]  }
0x3bc: {  	v19 =	vsel vm3, s19, v19;
	s19 =	sxor.u32 s8, s22;
	s6 =	spop (drf);
	s26 =	ssub.s32 s14, s28  }
0x3bd: {  	s4 =	sxor.u32 s1, s20;
	(drf) =	srem.u32 s26, s17;
	s14 =	ssub.s32 s0, s30  }
0x3be: {  	s7 =	spop (drf);
	s0 =	ssub.s32 s4, s1;
	(drf) =	srem.u32 s14, s29  }
0x3bf: {  	s22 =	sxor.u32 s9, s31;
	s20 =	ssub.s32 s19, s8;
	v19 =	vsel vm4, s0, v19  }
0x3c0: {  	s31 =	sxor.u32 s15, s5;
	s26 =	ssub.s32 s22, s9;
	v19 =	vsel vm5, s20, v19  }
0x3c1: {  	s2 =	ssub.s32 s31, s15;
	s3 =	sxor.u32 s21, s6;
	v19 =	vsel vm6, s26, v19  }
0x3c2: {  	s5 =	sxor.u32 s23, s7;
	s10 =	spop (drf);
	s4 =	ssub.s32 s3, s21;
	v19 =	vsel vm7, s2, v19  }
0x3c3: {  	s6 =	ssub.s32 s5, s23;
	s7 =	sxor.u32 s24, s10;
	s8 =	spop (drf);
	v19 =	vsel vm8, s4, v19  }
0x3c4: {  	s9 =	ssub.s32 s7, s24;
	s10 =	sxor.u32 s18, s8;
	s12 =	spop (drf);
	v19 =	vsel vm9, s6, v19  }
0x3c5: {  	s15 =	sxor.u32 s13, s12;
	s14 =	ssub.s32 s10, s18;
	s18 =	spop (drf);
	v19 =	vsel vm10, s9, v19  }
0x3c6: {  	s19 =	ssub.s32 s15, s13;
	s20 =	sxor.u32 s25, s18;
	s21 =	spop (drf);
	v19 =	vsel vm11, s14, v19  }
0x3c7: {  	s22 =	ssub.s32 s20, s25;
	s23 =	sxor.u32 s28, s21;
	v19 =	vsel vm12, s19, v19;
	s24 =	spop (drf)  }
0x3c8: {  	s25 =	ssub.s32 s23, s28;
	v19 =	vsel vm13, s22, v19;
	s26 =	sxor.u32 s30, s24  }
0x3c9: {  	v19 =	vsel vm14, s25, v19;
	s31 =	ssub.s32 s26, s30  }
0x3ca: {  	v19 =	vsel vm1, s31, v19  }
0x3cb: {  	v19 =	vadd.s32 v17, v19;
	_ =	sdelay $0x3  }
0x3cc: {  	s1 =	simm.s32 $0x8000  }
0x3cd: {  	v19 =	vld.idx.msk [tilespmem:v19+s1+$0x0], $0xffff;
	_ =	sdelay $0x2  }
0x3ce: {  	s26 =	sld [smem:$0x7D1]  }
0x3cf: {  	s2 =	sld [smem:$0x7D6]  }
0x3d0: {  	s3 =	sld [smem:$0x7D7];
	v19 =	vsel vm15, v16, v19  }
0x3d1: {  	v50 =	vadd.s32 $0x2, v18;
	[tilespmem:s26+$0xFFFFFE80] =	vst v19  }
0x3d2: {  	[tilespmem:s2+$0xFFFFFE80] =	vst v50  }
0x3d3: {  	v19 =	vld [tilespmem:s3+$0x30];
	_ =	sdelay $0x4  }
0x3d4: {  	(v2sf) =	vpush v19, $0x0;
	_ =	sdelay $0x1  }
0x3d5: {  	(v2sf) =	vpush v19, $0xF  }
0x3d6: {  	(v2sf) =	vpush v19, $0x1  }
0x3d7: {  	(v2sf) =	vpush v19, $0x2;
	_ =	sdelay $0x1  }
0x3d8: {  	(v2sf) =	vpush v19, $0x3;
	_ =	sdelay $0x7  }
0x3d9: {  	s7 =	sld [smem:$0x7D2];
	(v2sf) =	vpush v19, $0x4  }
0x3da: {  	s10 =	sld [smem:$0x7D3];
	s4 =	spop (v2sf)  }
0x3db: {  	s14 =	sld [smem:$0x7D4];
	s5 =	sshra.s32 s4, $0x1F  }
0x3dc: {  	s25 =	sld [smem:$0x7CC];
	s8 =	spop (v2sf);
	s0 =	sxor.u32 s5, s4  }
0x3dd: {  	s9 =	sshra.s32 s8, $0x1F;
	s21 =	spop (v2sf);
	s0 =	ssub.s32 s0, s5  }
0x3de: {  	s2 =	sxor.u32 s9, s8;
	s22 =	sshra.s32 s21, $0x1F;
	s23 =	spop (v2sf)  }
0x3df: {  	(drf) =	srem.u32 s0, s7;
	s20 =	ssub.s32 s2, s9;
	s2 =	sxor.u32 s22, s21  }
0x3e0: {  	s24 =	sshra.s32 s23, $0x1F;
	s30 =	spop (v2sf);
	(v2sf) =	vpush v19, $0x5;
	(drf) =	srem.u32 s20, s10  }
0x3e1: {  	s2 =	ssub.s32 s2, s22;
	s4 =	sxor.u32 s24, s23;
	s31 =	sshra.s32 s30, $0x1F  }
0x3e2: {  	(drf) =	srem.u32 s2, s11;
	s4 =	ssub.s32 s4, s24;
	s6 =	sxor.u32 s31, s30  }
0x3e3: {  	(v2sf) =	vpush v19, $0x6;
	(drf) =	srem.u32 s4, s14;
	s8 =	ssub.s32 s6, s31  }
0x3e4: {  	(drf) =	srem.u32 s8, s25  }
0x3e5: {  	(v2sf) =	vpush v19, $0x7  }
0x3e6: {  	(v2sf) =	vpush v19, $0x8;
	_ =	sdelay $0x1  }
0x3e7: {  	s23 =	spop (v2sf)  }
0x3e8: {  	(v2sf) =	vpush v19, $0x9;
	s12 =	spop (drf)  }
0x3e9: {  	s0 =	sshra.s32 s23, $0x1F;
	(v2sf) =	vpush v19, $0xA;
	s13 =	spop (drf)  }
0x3ea: {  	s4 =	sxor.u32 s0, s23;
	(v2sf) =	vpush v19, $0xB;
	s2 =	sxor.u32 s5, s12;
	s15 =	spop (drf)  }
0x3eb: {  	s1 =	ssub.s32 s2, s5;
	s19 =	spop (drf);
	s20 =	sxor.u32 s22, s15  }
0x3ec: {  	s21 =	spop (drf);
	s3 =	ssub.s32 s20, s22;
	s22 =	sxor.u32 s24, s19  }
0x3ed: {  	(v2sf) =	vpush v19, $0xC;
	s18 =	sxor.u32 s9, s13;
	s5 =	ssub.s32 s22, s24;
	s6 =	sxor.u32 s31, s21  }
0x3ee: {  	s24 =	spop (v2sf);
	s6 =	ssub.s32 s6, s31;
	s31 =	sld [smem:$0x7CD]  }
0x3ef: {  	(v2sf) =	vpush v19, $0xD;
	s2 =	ssub.s32 s18, s9;
	s18 =	sld [smem:$0x7CE];
	s8 =	sshra.s32 s24, $0x1F  }
0x3f0: {  	s4 =	ssub.s32 s4, s0;
	s30 =	sxor.u32 s8, s24  }
0x3f1: {  	(v2sf) =	vpush v19, $0xE;
	s15 =	spop (v2sf);
	(drf) =	srem.u32 s4, s31;
	s13 =	ssub.s32 s30, s8  }
0x3f2: {  	s4 =	sshra.s32 s15, $0x1F;
	(drf) =	srem.u32 s13, s18  }
0x3f3: {  	s9 =	sxor.u32 s4, s15;
	s12 =	spop (v2sf)  }
0x3f4: {  	s9 =	ssub.s32 s9, s4;
	s24 =	sld [smem:$0x7C5];
	s19 =	spop (v2sf)  }
0x3f5: {  	s13 =	sshra.s32 s12, $0x1F;
	(drf) =	srem.u32 s9, s16;
	s16 =	sld [smem:$0x7CF]  }
0x3f6: {  	s28 =	sld [smem:$0x7CB];
	s12 =	sxor.u32 s13, s12;
	s18 =	sshra.s32 s19, $0x1F  }
0x3f7: {  	s23 =	spop (v2sf);
	s20 =	ssub.s32 s12, s13;
	s21 =	sxor.u32 s18, s19  }
0x3f8: {  	s9 =	sshra.s32 s23, $0x1F;
	s30 =	spop (v2sf);
	(drf) =	srem.u32 s20, s16  }
0x3f9: {  	s22 =	ssub.s32 s21, s18;
	s12 =	sxor.u32 s9, s23;
	s31 =	spop (v2sf)  }
0x3fa: {  	s19 =	sshra.s32 s30, $0x1F;
	(drf) =	srem.u32 s22, s24;
	s21 =	sshra.s32 s31, $0x1F  }
0x3fb: {  	s12 =	ssub.s32 s12, s9;
	s20 =	sxor.u32 s21, s31;
	s31 =	sld [smem:$0x7D0]  }
0x3fc: {  	s15 =	sxor.u32 s19, s30;
	s23 =	spop (v2sf);
	s30 =	sld [smem:$0x7C7]  }
0x3fd: {  	(drf) =	srem.u32 s12, s28;
	s15 =	ssub.s32 s15, s19;
	s12 =	sshra.s32 s23, $0x1F  }
0x3fe: {  	s24 =	spop (v2sf);
	s22 =	ssub.s32 s20, s21;
	(drf) =	srem.u32 s15, s31  }
0x3ff: {  	s15 =	sxor.u32 s12, s23;
	(drf) =	srem.u32 s22, s30;
	s22 =	sshra.s32 s24, $0x1F  }
0x400: {  	v51 =	vmov s2;
	s2 =	ssub.s32 s15, s12;
	s15 =	sxor.u32 s22, s24;
	s24 =	sld [smem:$0x7C8]  }
0x401: {  	s23 =	spop (v2sf)  }
0x402: {  	s20 =	sshra.s32 s23, $0x1F  }
0x403: {  	v19 =	vsel vm2, s1, v51;
	s15 =	ssub.s32 s15, s22;
	s23 =	sxor.u32 s20, s23;
	(drf) =	srem.u32 s2, s24  }
0x404: {  	v19 =	vsel vm0, s3, v19;
	s3 =	spop (drf);
	s2 =	ssub.s32 s23, s20;
	(drf) =	srem.u32 s15, s17  }
0x405: {  	v19 =	vsel vm3, s5, v19;
	s5 =	sxor.u32 s0, s3;
	s15 =	spop (drf);
	(drf) =	srem.u32 s2, s29  }
0x406: {  	v19 =	vsel vm4, s6, v19;
	s0 =	ssub.s32 s5, s0;
	s17 =	sxor.u32 s8, s15;
	s23 =	spop (drf)  }
0x407: {  	v19 =	vsel vm5, s0, v19;
	s1 =	ssub.s32 s17, s8;
	s2 =	sxor.u32 s4, s23;
	s3 =	spop (drf)  }
0x408: {  	v19 =	vsel vm6, s1, v19;
	s4 =	ssub.s32 s2, s4;
	s5 =	sxor.u32 s13, s3;
	s6 =	spop (drf)  }
0x409: {  	v19 =	vsel vm7, s4, v19;
	s8 =	ssub.s32 s5, s13;
	s13 =	sxor.u32 s18, s6;
	s15 =	spop (drf)  }
0x40a: {  	v19 =	vsel vm8, s8, v19;
	s17 =	ssub.s32 s13, s18;
	s18 =	sxor.u32 s9, s15;
	s23 =	spop (drf)  }
0x40b: {  	v19 =	vsel vm9, s17, v19;
	s1 =	ssub.s32 s18, s9;
	s2 =	sxor.u32 s19, s23;
	s3 =	spop (drf)  }
0x40c: {  	v19 =	vsel vm10, s1, v19;
	s4 =	ssub.s32 s2, s19;
	s5 =	sxor.u32 s21, s3;
	s6 =	spop (drf)  }
0x40d: {  	v19 =	vsel vm11, s4, v19;
	s8 =	ssub.s32 s5, s21;
	s9 =	sxor.u32 s12, s6;
	s13 =	spop (drf)  }
0x40e: {  	v19 =	vsel vm12, s8, v19;
	s15 =	ssub.s32 s9, s12;
	s17 =	sxor.u32 s22, s13;
	s18 =	spop (drf)  }
0x40f: {  	v19 =	vsel vm13, s15, v19;
	s19 =	ssub.s32 s17, s22;
	s21 =	sxor.u32 s20, s18  }
0x410: {  	v19 =	vsel vm14, s19, v19;
	s22 =	ssub.s32 s21, s20  }
0x411: {  	v19 =	vsel vm1, s22, v19  }
0x412: {  	v19 =	vadd.s32 v17, v19;
	_ =	sdelay $0x3  }
0x413: {  	s23 =	simm.s32 $0x8000  }
0x414: {  	v19 =	vld.idx.msk [tilespmem:v19+s23+$0x0], $0xffff;
	_ =	sdelay $0x4  }
0x415: {  	v19 =	vsel vm15, v16, v19  }
0x416: {  	s29 =	smov.u32 s26;
	[tilespmem:s26+$0xFFFFFF00] =	vst v19;
	s26 =	sld [smem:$0x7D6]  }
0x417: {  	s1 =	sld [smem:$0x7D7]  }
0x418: {  	v52 =	vadd.s32 $0x3, v18  }
0x419: {  	[tilespmem:s26+$0xFFFFFF00] =	vst v52  }
0x41a: {  	v19 =	vld [tilespmem:s1+$0x40];
	_ =	sdelay $0x4  }
0x41b: {  	(v2sf) =	vpush v19, $0x0  }
0x41c: {  	(v2sf) =	vpush v19, $0xF  }
0x41d: {  	(v2sf) =	vpush v19, $0x1;
	_ =	sdelay $0x1  }
0x41e: {  	(v2sf) =	vpush v19, $0x2  }
0x41f: {  	(v2sf) =	vpush v19, $0x3;
	_ =	sdelay $0x9  }
0x420: {  	s2 =	spop (v2sf)  }
0x421: {  	s3 =	sshra.s32 s2, $0x1F;
	s4 =	spop (v2sf)  }
0x422: {  	s0 =	sxor.u32 s3, s2;
	s5 =	sshra.s32 s4, $0x1F;
	s12 =	spop (v2sf)  }
0x423: {  	s0 =	ssub.s32 s0, s3;
	s2 =	sxor.u32 s5, s4;
	s13 =	sshra.s32 s12, $0x1F  }
0x424: {  	s15 =	spop (v2sf);
	(drf) =	srem.u32 s0, s7;
	s9 =	ssub.s32 s2, s5  }
0x425: {  	(v2sf) =	vpush v19, $0x4;
	s2 =	sxor.u32 s13, s12;
	s17 =	sshra.s32 s15, $0x1F;
	s18 =	spop (v2sf)  }
0x426: {  	(drf) =	srem.u32 s9, s10;
	s2 =	ssub.s32 s2, s13;
	s4 =	sxor.u32 s17, s15  }
0x427: {  	(v2sf) =	vpush v19, $0x5;
	s19 =	sshra.s32 s18, $0x1F;
	(drf) =	srem.u32 s2, s11;
	s20 =	ssub.s32 s4, s17  }
0x428: {  	(v2sf) =	vpush v19, $0x6;
	s21 =	sxor.u32 s19, s18;
	(drf) =	srem.u32 s20, s14  }
0x429: {  	s22 =	ssub.s32 s21, s19  }
0x42a: {  	(v2sf) =	vpush v19, $0x7;
	(drf) =	srem.u32 s22, s25  }
0x42b: {  	(v2sf) =	vpush v19, $0x8  }
0x42c: {  	(v2sf) =	vpush v19, $0x9;
	_ =	sdelay $0x1  }
0x42d: {  	s23 =	spop (drf)  }
0x42e: {  	(v2sf) =	vpush v19, $0xA;
	s25 =	spop (drf)  }
0x42f: {  	(v2sf) =	vpush v19, $0xB;
	s2 =	sxor.u32 s3, s23;
	s26 =	spop (drf)  }
0x430: {  	s1 =	ssub.s32 s2, s3;
	s7 =	sxor.u32 s5, s25;
	s8 =	spop (drf)  }
0x431: {  	(v2sf) =	vpush v19, $0xC;
	s2 =	ssub.s32 s7, s5;
	s10 =	sxor.u32 s13, s26;
	s7 =	sld [smem:$0x7CE]  }
0x432: {  	s11 =	spop (drf);
	s3 =	ssub.s32 s10, s13;
	s12 =	sxor.u32 s17, s8  }
0x433: {  	(v2sf) =	vpush v19, $0xD;
	s13 =	spop (v2sf);
	s10 =	sld [smem:$0x7CD];
	s5 =	ssub.s32 s12, s17  }
0x434: {  	s0 =	sshra.s32 s13, $0x1F;
	s6 =	sxor.u32 s19, s11;
	s11 =	sld [smem:$0x7CA]  }
0x435: {  	s14 =	spop (v2sf);
	(v2sf) =	vpush v19, $0xE;
	s4 =	sxor.u32 s0, s13;
	s6 =	ssub.s32 s6, s19  }
0x436: {  	s8 =	sshra.s32 s14, $0x1F;
	s4 =	ssub.s32 s4, s0;
	s18 =	spop (v2sf)  }
0x437: {  	s15 =	sxor.u32 s8, s14;
	(drf) =	srem.u32 s4, s10;
	s4 =	sshra.s32 s18, $0x1F  }
0x438: {  	s19 =	spop (v2sf);
	s17 =	ssub.s32 s15, s8;
	s9 =	sxor.u32 s4, s18  }
0x439: {  	s13 =	sshra.s32 s19, $0x1F;
	s20 =	spop (v2sf);
	(drf) =	srem.u32 s17, s7  }
0x43a: {  	s9 =	ssub.s32 s9, s4;
	s12 =	sxor.u32 s13, s19;
	s25 =	spop (v2sf)  }
0x43b: {  	s18 =	sshra.s32 s20, $0x1F;
	s17 =	sld [smem:$0x7C5];
	(drf) =	srem.u32 s9, s11  }
0x43c: {  	s21 =	ssub.s32 s12, s13;
	s22 =	sxor.u32 s18, s20;
	s9 =	sshra.s32 s25, $0x1F  }
0x43d: {  	s26 =	spop (v2sf);
	(drf) =	srem.u32 s21, s16;
	s23 =	ssub.s32 s22, s18  }
0x43e: {  	s12 =	sxor.u32 s9, s25;
	s19 =	sshra.s32 s26, $0x1F;
	s14 =	spop (v2sf)  }
0x43f: {  	(drf) =	srem.u32 s23, s17;
	s12 =	ssub.s32 s12, s9;
	s15 =	sxor.u32 s19, s26  }
0x440: {  	s21 =	sshra.s32 s14, $0x1F;
	s25 =	spop (v2sf);
	(drf) =	srem.u32 s12, s28  }
0x441: {  	s16 =	ssub.s32 s15, s19;
	s22 =	sxor.u32 s21, s14;
	s12 =	sshra.s32 s25, $0x1F  }
0x442: {  	s26 =	spop (v2sf);
	(drf) =	srem.u32 s16, s31;
	s23 =	ssub.s32 s22, s21  }
0x443: {  	s15 =	sxor.u32 s12, s25;
	s22 =	sshra.s32 s26, $0x1F;
	(drf) =	srem.u32 s23, s30  }
0x444: {  	s14 =	sxor.u32 s22, s26;
	s26 =	sld [smem:$0x7C6];
	s30 =	spop (v2sf)  }
0x445: {  	v53 =	vmov s2;
	s25 =	sld [smem:$0x7D5];
	s31 =	ssub.s32 s15, s12;
	s20 =	sshra.s32 s30, $0x1F  }
0x446: {  	v19 =	vsel vm2, s1, v53;
	(drf) =	srem.u32 s31, s24;
	s15 =	ssub.s32 s14, s22;
	s16 =	sxor.u32 s20, s30  }
0x447: {  	v19 =	vsel vm0, s3, v19;
	s24 =	spop (drf);
	(drf) =	srem.u32 s15, s26;
	s23 =	ssub.s32 s16, s20  }
0x448: {  	v19 =	vsel vm3, s5, v19;
	s31 =	spop (drf);
	s30 =	sxor.u32 s0, s24;
	(drf) =	srem.u32 s23, s25  }
0x449: {  	v19 =	vsel vm4, s6, v19;
	s3 =	sxor.u32 s8, s31;
	s5 =	spop (drf);
	s0 =	ssub.s32 s30, s0  }
0x44a: {  	s6 =	ssub.s32 s3, s8;
	s8 =	sxor.u32 s4, s5;
	s14 =	spop (drf);
	v19 =	vsel vm5, s0, v19  }
0x44b: {  	s15 =	ssub.s32 s8, s4;
	s16 =	sxor.u32 s13, s14;
	s23 =	spop (drf);
	v19 =	vsel vm6, s6, v19  }
0x44c: {  	s24 =	ssub.s32 s16, s13;
	s30 =	sxor.u32 s18, s23;
	s31 =	spop (drf);
	v19 =	vsel vm7, s15, v19  }
0x44d: {  	s3 =	ssub.s32 s30, s18;
	s4 =	sxor.u32 s9, s31;
	s5 =	spop (drf);
	v19 =	vsel vm8, s24, v19  }
0x44e: {  	s6 =	ssub.s32 s4, s9;
	s8 =	sxor.u32 s19, s5;
	s9 =	spop (drf);
	v19 =	vsel vm9, s3, v19  }
0x44f: {  	s13 =	ssub.s32 s8, s19;
	s14 =	sxor.u32 s21, s9;
	s15 =	spop (drf);
	v19 =	vsel vm10, s6, v19  }
0x450: {  	s16 =	ssub.s32 s14, s21;
	s18 =	sxor.u32 s12, s15;
	s19 =	spop (drf);
	v19 =	vsel vm11, s13, v19  }
0x451: {  	s21 =	ssub.s32 s18, s12;
	s23 =	sxor.u32 s22, s19;
	v19 =	vsel vm12, s16, v19;
	s24 =	spop (drf)  }
0x452: {  	s30 =	ssub.s32 s23, s22;
	v19 =	vsel vm13, s21, v19;
	s31 =	sxor.u32 s20, s24  }
0x453: {  	v19 =	vsel vm14, s30, v19;
	s2 =	ssub.s32 s31, s20  }
0x454: {  	v19 =	vsel vm1, s2, v19  }
0x455: {  	v19 =	vadd.s32 v17, v19;
	_ =	sdelay $0x3  }
0x456: {  	s3 =	simm.s32 $0x8000  }
0x457: {  	v19 =	vld.idx.msk [tilespmem:v19+s3+$0x0], $0xffff;
	_ =	sdelay $0x3  }
0x458: {  	s4 =	sld [smem:$0x7D6]  }
0x459: {  	s5 =	sld [smem:$0x7D7];
	v19 =	vsel vm15, v16, v19  }
0x45a: {  	v54 =	vadd.s32 $0x4, v18;
	[tilespmem:s29+$0xFFFFFF80] =	vst v19  }
0x45b: {  	[tilespmem:s4+$0xFFFFFF80] =	vst v54  }
0x45c: {  	v19 =	vld [tilespmem:s5+$0x50];
	_ =	sdelay $0x4  }
0x45d: {  	(v2sf) =	vpush v19, $0x0;
	_ =	sdelay $0x1  }
0x45e: {  	(v2sf) =	vpush v19, $0xF  }
0x45f: {  	(v2sf) =	vpush v19, $0x1  }
0x460: {  	(v2sf) =	vpush v19, $0x2;
	_ =	sdelay $0x1  }
0x461: {  	(v2sf) =	vpush v19, $0x3;
	_ =	sdelay $0x6  }
0x462: {  	s28 =	sld [smem:$0x7D2]  }
0x463: {  	s14 =	sld [smem:$0x7D3];
	(v2sf) =	vpush v19, $0x4  }
0x464: {  	s30 =	sld [smem:$0x7D4];
	s6 =	spop (v2sf)  }
0x465: {  	s24 =	sld [smem:$0x7CC];
	s8 =	sshra.s32 s6, $0x1F  }
0x466: {  	s31 =	sld [smem:$0x7C9];
	s9 =	spop (v2sf);
	s0 =	sxor.u32 s8, s6  }
0x467: {  	s3 =	sshra.s32 s9, $0x1F;
	s13 =	spop (v2sf);
	s0 =	ssub.s32 s0, s8  }
0x468: {  	s2 =	sxor.u32 s3, s9;
	s15 =	spop (v2sf);
	(drf) =	srem.u32 s0, s28  }
0x469: {  	s12 =	ssub.s32 s2, s3;
	s0 =	sshra.s32 s13, $0x1F;
	s5 =	sshra.s32 s15, $0x1F  }
0x46a: {  	s16 =	spop (v2sf);
	(v2sf) =	vpush v19, $0x5;
	(drf) =	srem.u32 s12, s14;
	s2 =	sxor.u32 s0, s13  }
0x46b: {  	s4 =	sxor.u32 s5, s15;
	s9 =	sshra.s32 s16, $0x1F;
	s2 =	ssub.s32 s2, s0  }
0x46c: {  	(v2sf) =	vpush v19, $0x6;
	s18 =	ssub.s32 s4, s5;
	s19 =	sxor.u32 s9, s16;
	(drf) =	srem.u32 s2, s31  }
0x46d: {  	s20 =	ssub.s32 s19, s9;
	(drf) =	srem.u32 s18, s30  }
0x46e: {  	(v2sf) =	vpush v19, $0x7;
	(drf) =	srem.u32 s20, s24  }
0x46f: {  	(v2sf) =	vpush v19, $0x8;
	_ =	sdelay $0x1  }
0x470: {  	(v2sf) =	vpush v19, $0x9  }
0x471: {  	s16 =	spop (v2sf)  }
0x472: {  	(v2sf) =	vpush v19, $0xA;
	s21 =	spop (drf)  }
0x473: {  	(v2sf) =	vpush v19, $0xB;
	s22 =	spop (drf)  }
0x474: {  	s2 =	sxor.u32 s8, s21;
	s23 =	spop (drf)  }
0x475: {  	s1 =	ssub.s32 s2, s8;
	s4 =	sxor.u32 s3, s22;
	s8 =	spop (drf)  }
0x476: {  	s2 =	ssub.s32 s4, s3;
	s12 =	sxor.u32 s0, s23;
	s13 =	spop (drf)  }
0x477: {  	s3 =	ssub.s32 s12, s0;
	s15 =	sxor.u32 s5, s8;
	s0 =	sshra.s32 s16, $0x1F  }
0x478: {  	s5 =	ssub.s32 s15, s5;
	s18 =	spop (v2sf);
	s6 =	sxor.u32 s9, s13  }
0x479: {  	s4 =	sxor.u32 s0, s16;
	s16 =	smov.u32 s10;
	s8 =	sshra.s32 s18, $0x1F  }
0x47a: {  	(v2sf) =	vpush v19, $0xC;
	s6 =	ssub.s32 s6, s9;
	s4 =	ssub.s32 s4, s0;
	s21 =	spop (v2sf)  }
0x47b: {  	(v2sf) =	vpush v19, $0xD;
	s19 =	sxor.u32 s8, s18;
	(drf) =	srem.u32 s4, s10;
	s4 =	sshra.s32 s21, $0x1F  }
0x47c: {  	(v2sf) =	vpush v19, $0xE;
	s22 =	spop (v2sf);
	s10 =	smov.u32 s11;
	s20 =	ssub.s32 s19, s8  }
0x47d: {  	s9 =	sxor.u32 s4, s21;
	s13 =	sshra.s32 s22, $0x1F;
	s23 =	spop (v2sf)  }
0x47e: {  	s19 =	sld [smem:$0x7CF];
	(drf) =	srem.u32 s20, s7;
	s9 =	ssub.s32 s9, s4  }
0x47f: {  	s12 =	sxor.u32 s13, s22;
	s18 =	sshra.s32 s23, $0x1F;
	s21 =	spop (v2sf)  }
0x480: {  	(drf) =	srem.u32 s9, s11;
	s12 =	ssub.s32 s12, s13;
	s15 =	sxor.u32 s18, s23  }
0x481: {  	s9 =	sshra.s32 s21, $0x1F;
	s22 =	spop (v2sf);
	s11 =	sld [smem:$0x7CB]  }
0x482: {  	(drf) =	srem.u32 s12, s19;
	s20 =	ssub.s32 s15, s18;
	s23 =	spop (v2sf)  }
0x483: {  	s12 =	sxor.u32 s9, s21;
	s19 =	sshra.s32 s22, $0x1F;
	s21 =	sshra.s32 s23, $0x1F  }
0x484: {  	s15 =	sxor.u32 s19, s22;
	s22 =	sxor.u32 s21, s23;
	s23 =	sld [smem:$0x7D0]  }
0x485: {  	(drf) =	srem.u32 s20, s17;
	s12 =	ssub.s32 s12, s9  }
0x486: {  	(drf) =	srem.u32 s12, s11;
	s15 =	ssub.s32 s15, s19  }
0x487: {  	(drf) =	srem.u32 s15, s23;
	s23 =	sld [smem:$0x7C7]  }
0x488: {  	v55 =	vmov s2  }
0x489: {  	v19 =	vsel vm2, s1, v55;
	s1 =	sld [smem:$0x7C8];
	s20 =	ssub.s32 s22, s21;
	s22 =	spop (v2sf)  }
0x48a: {  	s12 =	sshra.s32 s22, $0x1F;
	(drf) =	srem.u32 s20, s23;
	s20 =	spop (v2sf)  }
0x48b: {  	s15 =	sxor.u32 s12, s22;
	s22 =	sshra.s32 s20, $0x1F;
	s23 =	spop (v2sf)  }
0x48c: {  	s2 =	ssub.s32 s15, s12;
	s15 =	sxor.u32 s22, s20;
	s20 =	sshra.s32 s23, $0x1F  }
0x48d: {  	(drf) =	srem.u32 s2, s1;
	s15 =	ssub.s32 s15, s22;
	s23 =	sxor.u32 s20, s23  }
0x48e: {  	v19 =	vsel vm0, s3, v19;
	(drf) =	srem.u32 s15, s26;
	s15 =	ssub.s32 s23, s20;
	s23 =	spop (drf)  }
0x48f: {  	v19 =	vsel vm3, s5, v19;
	(drf) =	srem.u32 s15, s25;
	s2 =	sxor.u32 s0, s23;
	s3 =	spop (drf)  }
0x490: {  	v19 =	vsel vm4, s6, v19;
	s0 =	ssub.s32 s2, s0;
	s5 =	sxor.u32 s8, s3;
	s6 =	spop (drf)  }
0x491: {  	v19 =	vsel vm5, s0, v19;
	s8 =	ssub.s32 s5, s8;
	s15 =	sxor.u32 s4, s6;
	s23 =	spop (drf)  }
0x492: {  	v19 =	vsel vm6, s8, v19;
	s3 =	ssub.s32 s15, s4;
	s4 =	sxor.u32 s13, s23;
	s5 =	spop (drf)  }
0x493: {  	v19 =	vsel vm7, s3, v19;
	s6 =	ssub.s32 s4, s13;
	s8 =	sxor.u32 s18, s5;
	s13 =	spop (drf)  }
0x494: {  	v19 =	vsel vm8, s6, v19;
	s15 =	ssub.s32 s8, s18;
	s18 =	sxor.u32 s9, s13;
	s23 =	spop (drf)  }
0x495: {  	v19 =	vsel vm9, s15, v19;
	s3 =	ssub.s32 s18, s9;
	s4 =	sxor.u32 s19, s23;
	s5 =	spop (drf)  }
0x496: {  	v19 =	vsel vm10, s3, v19;
	s6 =	ssub.s32 s4, s19;
	s8 =	sxor.u32 s21, s5;
	s9 =	spop (drf)  }
0x497: {  	v19 =	vsel vm11, s6, v19;
	s13 =	ssub.s32 s8, s21;
	s15 =	sxor.u32 s12, s9;
	s18 =	spop (drf)  }
0x498: {  	v19 =	vsel vm12, s13, v19;
	s19 =	ssub.s32 s15, s12;
	s21 =	sxor.u32 s22, s18;
	s23 =	spop (drf)  }
0x499: {  	v19 =	vsel vm13, s19, v19;
	s1 =	ssub.s32 s21, s22;
	s3 =	sxor.u32 s20, s23  }
0x49a: {  	v19 =	vsel vm14, s1, v19;
	s4 =	ssub.s32 s3, s20  }
0x49b: {  	v19 =	vsel vm1, s4, v19  }
0x49c: {  	v19 =	vadd.s32 v17, v19;
	_ =	sdelay $0x3  }
0x49d: {  	s5 =	simm.s32 $0x8000  }
0x49e: {  	v19 =	vld.idx.msk [tilespmem:v19+s5+$0x0], $0xffff;
	_ =	sdelay $0x3  }
0x49f: {  	s6 =	sld [smem:$0x7D6]  }
0x4a0: {  	s8 =	sld [smem:$0x7D7];
	v19 =	vsel vm15, v16, v19  }
0x4a1: {  	v56 =	vadd.s32 $0x5, v18;
	[tilespmem:s29+$0x0] =	vst v19  }
0x4a2: {  	[tilespmem:s6+$0x0] =	vst v56  }
0x4a3: {  	v19 =	vld [tilespmem:s8+$0x60];
	_ =	sdelay $0x4  }
0x4a4: {  	(v2sf) =	vpush v19, $0x0  }
0x4a5: {  	(v2sf) =	vpush v19, $0xF  }
0x4a6: {  	(v2sf) =	vpush v19, $0x1;
	_ =	sdelay $0x1  }
0x4a7: {  	(v2sf) =	vpush v19, $0x2  }
0x4a8: {  	(v2sf) =	vpush v19, $0x3;
	_ =	sdelay $0x7  }
0x4a9: {  	(v2sf) =	vpush v19, $0x4;
	_ =	sdelay $0x1  }
0x4aa: {  	s9 =	spop (v2sf)  }
0x4ab: {  	s12 =	sshra.s32 s9, $0x1F;
	s13 =	spop (v2sf)  }
0x4ac: {  	s0 =	sxor.u32 s12, s9;
	s3 =	sshra.s32 s13, $0x1F;
	s18 =	spop (v2sf)  }
0x4ad: {  	s0 =	ssub.s32 s0, s12;
	s2 =	sxor.u32 s3, s13;
	s19 =	sshra.s32 s18, $0x1F  }
0x4ae: {  	s20 =	spop (v2sf);
	(drf) =	srem.u32 s0, s28;
	s15 =	ssub.s32 s2, s3  }
0x4af: {  	s2 =	sxor.u32 s19, s18;
	s5 =	sshra.s32 s20, $0x1F;
	s21 =	spop (v2sf);
	(v2sf) =	vpush v19, $0x5  }
0x4b0: {  	(drf) =	srem.u32 s15, s14;
	s2 =	ssub.s32 s2, s19;
	s4 =	sxor.u32 s5, s20;
	(v2sf) =	vpush v19, $0x6  }
0x4b1: {  	s9 =	sshra.s32 s21, $0x1F;
	(drf) =	srem.u32 s2, s31;
	s22 =	ssub.s32 s4, s5;
	(v2sf) =	vpush v19, $0x7  }
0x4b2: {  	s23 =	sxor.u32 s9, s21;
	(drf) =	srem.u32 s22, s30  }
0x4b3: {  	s31 =	ssub.s32 s23, s9;
	(v2sf) =	vpush v19, $0x8  }
0x4b4: {  	(drf) =	srem.u32 s31, s24  }
0x4b5: {  	(v2sf) =	vpush v19, $0x9;
	_ =	sdelay $0x1  }
0x4b6: {  	s20 =	spop (v2sf);
	(v2sf) =	vpush v19, $0xA  }
0x4b7: {  	s0 =	sshra.s32 s20, $0x1F;
	(v2sf) =	vpush v19, $0xB;
	s4 =	spop (drf)  }
0x4b8: {  	(v2sf) =	vpush v19, $0xC;
	s6 =	spop (drf);
	s2 =	sxor.u32 s12, s4;
	s4 =	sxor.u32 s0, s20  }
0x4b9: {  	s8 =	spop (drf);
	s1 =	ssub.s32 s2, s12;
	s12 =	sxor.u32 s3, s6  }
0x4ba: {  	(v2sf) =	vpush v19, $0xD;
	s4 =	ssub.s32 s4, s0;
	s13 =	spop (drf);
	s2 =	ssub.s32 s12, s3  }
0x4bb: {  	s15 =	sxor.u32 s19, s8;
	(drf) =	srem.u32 s4, s16;
	s16 =	sld [smem:$0x7CF]  }
0x4bc: {  	s18 =	spop (drf);
	s3 =	ssub.s32 s15, s19;
	s19 =	sxor.u32 s5, s13  }
0x4bd: {  	s5 =	ssub.s32 s19, s5;
	s6 =	sxor.u32 s9, s18;
	s21 =	spop (v2sf);
	(v2sf) =	vpush v19, $0xE  }
0x4be: {  	s6 =	ssub.s32 s6, s9;
	s8 =	sshra.s32 s21, $0x1F;
	s30 =	spop (v2sf)  }
0x4bf: {  	s22 =	sxor.u32 s8, s21;
	s4 =	sshra.s32 s30, $0x1F;
	s31 =	spop (v2sf)  }
0x4c0: {  	s23 =	ssub.s32 s22, s8;
	s9 =	sxor.u32 s4, s30;
	s13 =	sshra.s32 s31, $0x1F  }
0x4c1: {  	(drf) =	srem.u32 s23, s7;
	s7 =	spop (v2sf);
	s9 =	ssub.s32 s9, s4  }
0x4c2: {  	s12 =	sxor.u32 s13, s31;
	s31 =	sld [smem:$0x7D0];
	s18 =	sshra.s32 s7, $0x1F  }
0x4c3: {  	(drf) =	srem.u32 s9, s10;
	s12 =	ssub.s32 s12, s13;
	s20 =	spop (v2sf)  }
0x4c4: {  	s15 =	sxor.u32 s18, s7;
	(drf) =	srem.u32 s12, s16;
	s9 =	sshra.s32 s20, $0x1F  }
0x4c5: {  	s21 =	spop (v2sf);
	s19 =	ssub.s32 s15, s18;
	s12 =	sxor.u32 s9, s20  }
0x4c6: {  	s22 =	spop (v2sf);
	(drf) =	srem.u32 s19, s17;
	s19 =	sshra.s32 s21, $0x1F  }
0x4c7: {  	s12 =	ssub.s32 s12, s9;
	s10 =	spop (v2sf);
	s15 =	sxor.u32 s19, s21  }
0x4c8: {  	s21 =	sshra.s32 s22, $0x1F;
	(drf) =	srem.u32 s12, s11;
	s12 =	sshra.s32 s10, $0x1F  }
0x4c9: {  	s11 =	spop (v2sf);
	s23 =	ssub.s32 s15, s19;
	s30 =	sxor.u32 s21, s22  }
0x4ca: {  	s22 =	sshra.s32 s11, $0x1F;
	s7 =	ssub.s32 s30, s21;
	s30 =	sld [smem:$0x7C7]  }
0x4cb: {  	s15 =	sxor.u32 s12, s10;
	s10 =	sxor.u32 s22, s11;
	s11 =	sld [smem:$0x7C8]  }
0x4cc: {  	(drf) =	srem.u32 s23, s31;
	s23 =	spop (v2sf)  }
0x4cd: {  	v57 =	vmov s2;
	(drf) =	srem.u32 s7, s30;
	s7 =	ssub.s32 s15, s12;
	s20 =	sshra.s32 s23, $0x1F  }
0x4ce: {  	v19 =	vsel vm2, s1, v57;
	(drf) =	srem.u32 s7, s11;
	s7 =	ssub.s32 s10, s22;
	s10 =	sxor.u32 s20, s23  }
0x4cf: {  	v19 =	vsel vm0, s3, v19;
	(drf) =	srem.u32 s7, s26;
	s23 =	spop (drf);
	s15 =	ssub.s32 s10, s20  }
0x4d0: {  	v19 =	vsel vm3, s5, v19;
	s3 =	sxor.u32 s0, s23;
	s5 =	spop (drf);
	(drf) =	srem.u32 s15, s25  }
0x4d1: {  	v19 =	vsel vm4, s6, v19;
	s0 =	ssub.s32 s3, s0;
	s6 =	sxor.u32 s8, s5;
	s7 =	spop (drf)  }
0x4d2: {  	v19 =	vsel vm5, s0, v19;
	s10 =	ssub.s32 s6, s8;
	s15 =	sxor.u32 s4, s7;
	s23 =	spop (drf)  }
0x4d3: {  	v19 =	vsel vm6, s10, v19;
	s1 =	ssub.s32 s15, s4;
	s3 =	sxor.u32 s13, s23;
	s4 =	spop (drf)  }
0x4d4: {  	v19 =	vsel vm7, s1, v19;
	s5 =	ssub.s32 s3, s13;
	s6 =	sxor.u32 s18, s4;
	s7 =	spop (drf)  }
0x4d5: {  	v19 =	vsel vm8, s5, v19;
	s8 =	ssub.s32 s6, s18;
	s10 =	sxor.u32 s9, s7;
	s13 =	spop (drf)  }
0x4d6: {  	v19 =	vsel vm9, s8, v19;
	s15 =	ssub.s32 s10, s9;
	s18 =	sxor.u32 s19, s13;
	s23 =	spop (drf)  }
0x4d7: {  	v19 =	vsel vm10, s15, v19;
	s1 =	ssub.s32 s18, s19;
	s2 =	sxor.u32 s21, s23;
	s3 =	spop (drf)  }
0x4d8: {  	v19 =	vsel vm11, s1, v19;
	s4 =	ssub.s32 s2, s21;
	s5 =	sxor.u32 s12, s3;
	s6 =	spop (drf)  }
0x4d9: {  	v19 =	vsel vm12, s4, v19;
	s7 =	ssub.s32 s5, s12;
	s8 =	sxor.u32 s22, s6;
	s9 =	spop (drf)  }
0x4da: {  	v19 =	vsel vm13, s7, v19;
	s10 =	ssub.s32 s8, s22;
	s12 =	sxor.u32 s20, s9  }
0x4db: {  	v19 =	vsel vm14, s10, v19;
	s13 =	ssub.s32 s12, s20  }
0x4dc: {  	v19 =	vsel vm1, s13, v19  }
0x4dd: {  	v19 =	vadd.s32 v17, v19;
	_ =	sdelay $0x3  }
0x4de: {  	s15 =	simm.s32 $0x8000  }
0x4df: {  	v19 =	vld.idx.msk [tilespmem:v19+s15+$0x0], $0xffff;
	_ =	sdelay $0x3  }
0x4e0: {  	s18 =	sld [smem:$0x7D6]  }
0x4e1: {  	s19 =	sld [smem:$0x7D7];
	v19 =	vsel vm15, v16, v19  }
0x4e2: {  	v58 =	vadd.s32 $0x6, v18;
	[tilespmem:s29+$0x80] =	vst v19  }
0x4e3: {  	[tilespmem:s18+$0x80] =	vst v58  }
0x4e4: {  	v19 =	vld [tilespmem:s19+$0x70];
	_ =	sdelay $0x4  }
0x4e5: {  	(v2sf) =	vpush v19, $0x0  }
0x4e6: {  	(v2sf) =	vpush v19, $0xF  }
0x4e7: {  	(v2sf) =	vpush v19, $0x1  }
0x4e8: {  	(v2sf) =	vpush v19, $0x2;
	_ =	sdelay $0x1  }
0x4e9: {  	(v2sf) =	vpush v19, $0x3;
	_ =	sdelay $0x9  }
0x4ea: {  	s20 =	spop (v2sf)  }
0x4eb: {  	s10 =	sld [smem:$0x7C9];
	(v2sf) =	vpush v19, $0x4;
	s21 =	sshra.s32 s20, $0x1F;
	s22 =	spop (v2sf)  }
0x4ec: {  	s0 =	sxor.u32 s21, s20;
	s23 =	sshra.s32 s22, $0x1F;
	s6 =	spop (v2sf)  }
0x4ed: {  	s0 =	ssub.s32 s0, s21;
	s2 =	sxor.u32 s23, s22;
	s7 =	spop (v2sf)  }
0x4ee: {  	(drf) =	srem.u32 s0, s28;
	s5 =	ssub.s32 s2, s23;
	s0 =	sshra.s32 s6, $0x1F  }
0x4ef: {  	s8 =	spop (v2sf);
	(v2sf) =	vpush v19, $0x5;
	(drf) =	srem.u32 s5, s14;
	s5 =	sshra.s32 s7, $0x1F  }
0x4f0: {  	s2 =	sxor.u32 s0, s6;
	s4 =	sxor.u32 s5, s7;
	s7 =	sld [smem:$0x7D4]  }
0x4f1: {  	s9 =	sshra.s32 s8, $0x1F;
	(v2sf) =	vpush v19, $0x6;
	s2 =	ssub.s32 s2, s0  }
0x4f2: {  	s13 =	sxor.u32 s9, s8;
	(drf) =	srem.u32 s2, s10;
	s12 =	ssub.s32 s4, s5  }
0x4f3: {  	(v2sf) =	vpush v19, $0x7;
	s15 =	ssub.s32 s13, s9;
	(drf) =	srem.u32 s12, s7  }
0x4f4: {  	(v2sf) =	vpush v19, $0x8;
	(drf) =	srem.u32 s15, s24;
	_ =	sdelay $0x1  }
0x4f5: {  	(v2sf) =	vpush v19, $0x9;
	_ =	sdelay $0x1  }
0x4f6: {  	(v2sf) =	vpush v19, $0xA;
	s18 =	spop (drf)  }
0x4f7: {  	s19 =	spop (drf);
	s2 =	sxor.u32 s21, s18  }
0x4f8: {  	s12 =	spop (v2sf);
	(v2sf) =	vpush v19, $0xB;
	s1 =	ssub.s32 s2, s21;
	s21 =	sxor.u32 s23, s19  }
0x4f9: {  	s18 =	sld [smem:$0x7CD];
	s20 =	spop (drf);
	s2 =	ssub.s32 s21, s23  }
0x4fa: {  	(v2sf) =	vpush v19, $0xC;
	s21 =	sld [smem:$0x7CE];
	s23 =	sxor.u32 s0, s20;
	s22 =	spop (drf)  }
0x4fb: {  	s3 =	ssub.s32 s23, s0;
	s0 =	sshra.s32 s12, $0x1F;
	s24 =	spop (drf)  }
0x4fc: {  	(v2sf) =	vpush v19, $0xD;
	s8 =	sxor.u32 s5, s22;
	s13 =	spop (v2sf);
	s4 =	sxor.u32 s0, s12  }
0x4fd: {  	(v2sf) =	vpush v19, $0xE;
	s5 =	ssub.s32 s8, s5;
	s6 =	sxor.u32 s9, s24;
	s8 =	sshra.s32 s13, $0x1F  }
0x4fe: {  	s4 =	ssub.s32 s4, s0;
	s20 =	spop (v2sf);
	s24 =	sld [smem:$0x7CA]  }
0x4ff: {  	s6 =	ssub.s32 s6, s9;
	s15 =	sxor.u32 s8, s13;
	(drf) =	srem.u32 s4, s18  }
0x500: {  	s4 =	sshra.s32 s20, $0x1F;
	s22 =	spop (v2sf);
	s19 =	ssub.s32 s15, s8  }
0x501: {  	s9 =	sxor.u32 s4, s20;
	s13 =	sshra.s32 s22, $0x1F;
	s23 =	spop (v2sf)  }
0x502: {  	(drf) =	srem.u32 s19, s21;
	s9 =	ssub.s32 s9, s4;
	s12 =	sxor.u32 s13, s22  }
0x503: {  	s18 =	sshra.s32 s23, $0x1F;
	s21 =	spop (v2sf);
	(drf) =	srem.u32 s9, s24  }
0x504: {  	s12 =	ssub.s32 s12, s13;
	s19 =	sxor.u32 s18, s23;
	s9 =	sshra.s32 s21, $0x1F  }
0x505: {  	s22 =	spop (v2sf);
	(drf) =	srem.u32 s12, s16;
	s20 =	ssub.s32 s19, s18  }
0x506: {  	s12 =	sxor.u32 s9, s21;
	s19 =	sshra.s32 s22, $0x1F;
	s16 =	sld [smem:$0x7CB]  }
0x507: {  	s23 =	spop (v2sf);
	(drf) =	srem.u32 s20, s17;
	s15 =	sxor.u32 s19, s22  }
0x508: {  	s12 =	ssub.s32 s12, s9;
	s21 =	sshra.s32 s23, $0x1F;
	s15 =	ssub.s32 s15, s19  }
0x509: {  	s20 =	sxor.u32 s21, s23;
	s23 =	spop (v2sf);
	(drf) =	srem.u32 s12, s16  }
0x50a: {  	s22 =	ssub.s32 s20, s21;
	s12 =	sshra.s32 s23, $0x1F;
	(drf) =	srem.u32 s15, s31  }
0x50b: {  	s20 =	spop (v2sf);
	s15 =	sxor.u32 s12, s23;
	(drf) =	srem.u32 s22, s30  }
0x50c: {  	s22 =	sshra.s32 s20, $0x1F;
	s31 =	ssub.s32 s15, s12;
	s23 =	spop (v2sf)  }
0x50d: {  	v59 =	vmov s2;
	s15 =	sxor.u32 s22, s20;
	(drf) =	srem.u32 s31, s11;
	s20 =	sshra.s32 s23, $0x1F  }
0x50e: {  	v19 =	vsel vm2, s1, v59;
	s31 =	smov.u32 s11;
	s2 =	ssub.s32 s15, s22;
	s11 =	sxor.u32 s20, s23  }
0x50f: {  	v19 =	vsel vm0, s3, v19;
	(drf) =	srem.u32 s2, s26;
	s23 =	spop (drf);
	s15 =	ssub.s32 s11, s20  }
0x510: {  	v19 =	vsel vm3, s5, v19;
	s3 =	sxor.u32 s0, s23;
	s5 =	spop (drf);
	(drf) =	srem.u32 s15, s25  }
0x511: {  	v19 =	vsel vm4, s6, v19;
	s0 =	ssub.s32 s3, s0;
	s6 =	sxor.u32 s8, s5;
	s11 =	spop (drf)  }
0x512: {  	v19 =	vsel vm5, s0, v19;
	s15 =	ssub.s32 s6, s8;
	s23 =	sxor.u32 s4, s11;
	s25 =	spop (drf)  }
0x513: {  	v19 =	vsel vm6, s15, v19;
	s1 =	ssub.s32 s23, s4;
	s3 =	sxor.u32 s13, s25;
	s4 =	spop (drf)  }
0x514: {  	v19 =	vsel vm7, s1, v19;
	s5 =	ssub.s32 s3, s13;
	s6 =	sxor.u32 s18, s4;
	s8 =	spop (drf)  }
0x515: {  	v19 =	vsel vm8, s5, v19;
	s11 =	ssub.s32 s6, s18;
	s13 =	sxor.u32 s9, s8;
	s15 =	spop (drf)  }
0x516: {  	v19 =	vsel vm9, s11, v19;
	s18 =	ssub.s32 s13, s9;
	s23 =	sxor.u32 s19, s15;
	s25 =	spop (drf)  }
0x517: {  	v19 =	vsel vm10, s18, v19;
	s3 =	ssub.s32 s23, s19;
	s4 =	sxor.u32 s21, s25;
	s5 =	spop (drf)  }
0x518: {  	v19 =	vsel vm11, s3, v19;
	s6 =	ssub.s32 s4, s21;
	s8 =	sxor.u32 s12, s5;
	s9 =	spop (drf)  }
0x519: {  	v19 =	vsel vm12, s6, v19;
	s11 =	ssub.s32 s8, s12;
	s12 =	sxor.u32 s22, s9;
	s13 =	spop (drf)  }
0x51a: {  	v19 =	vsel vm13, s11, v19;
	s15 =	ssub.s32 s12, s22;
	s18 =	sxor.u32 s20, s13  }
0x51b: {  	v19 =	vsel vm14, s15, v19;
	s19 =	ssub.s32 s18, s20  }
0x51c: {  	v19 =	vsel vm1, s19, v19  }
0x51d: {  	v19 =	vadd.s32 v17, v19;
	_ =	sdelay $0x3  }
0x51e: {  	s20 =	simm.s32 $0x8000  }
0x51f: {  	v19 =	vld.idx.msk [tilespmem:v19+s20+$0x0], $0xffff;
	_ =	sdelay $0x3  }
0x520: {  	s21 =	sld [smem:$0x7D6]  }
0x521: {  	s22 =	sld [smem:$0x7D7];
	v19 =	vsel vm15, v16, v19  }
0x522: {  	v60 =	vadd.s32 $0x7, v18;
	[tilespmem:s29+$0x100] =	vst v19  }
0x523: {  	[tilespmem:s21+$0x100] =	vst v60  }
0x524: {  	v19 =	vld [tilespmem:s22+$0x400];
	_ =	sdelay $0x4  }
0x525: {  	(v2sf) =	vpush v19, $0x0;
	_ =	sdelay $0x1  }
0x526: {  	(v2sf) =	vpush v19, $0xF  }
0x527: {  	(v2sf) =	vpush v19, $0x1  }
0x528: {  	(v2sf) =	vpush v19, $0x2;
	_ =	sdelay $0x1  }
0x529: {  	(v2sf) =	vpush v19, $0x3;
	_ =	sdelay $0x7  }
0x52a: {  	(v2sf) =	vpush v19, $0x4  }
0x52b: {  	s23 =	spop (v2sf)  }
0x52c: {  	s25 =	sshra.s32 s23, $0x1F  }
0x52d: {  	s4 =	spop (v2sf);
	s0 =	sxor.u32 s25, s23  }
0x52e: {  	s3 =	sshra.s32 s4, $0x1F;
	s6 =	spop (v2sf);
	s0 =	ssub.s32 s0, s25  }
0x52f: {  	s2 =	sxor.u32 s3, s4;
	s8 =	sshra.s32 s6, $0x1F;
	s9 =	spop (v2sf)  }
0x530: {  	(drf) =	srem.u32 s0, s28;
	s5 =	ssub.s32 s2, s3;
	s2 =	sxor.u32 s8, s6  }
0x531: {  	s11 =	sshra.s32 s9, $0x1F;
	s12 =	spop (v2sf);
	(v2sf) =	vpush v19, $0x5;
	s28 =	sld [smem:$0x7CC]  }
0x532: {  	(drf) =	srem.u32 s5, s14;
	s2 =	ssub.s32 s2, s8;
	s4 =	sxor.u32 s11, s9  }
0x533: {  	s13 =	sshra.s32 s12, $0x1F;
	(drf) =	srem.u32 s2, s10;
	s15 =	ssub.s32 s4, s11  }
0x534: {  	(v2sf) =	vpush v19, $0x6;
	s18 =	sxor.u32 s13, s12;
	(drf) =	srem.u32 s15, s7  }
0x535: {  	(v2sf) =	vpush v19, $0x7;
	s19 =	ssub.s32 s18, s13  }
0x536: {  	(v2sf) =	vpush v19, $0x8;
	(drf) =	srem.u32 s19, s28  }
0x537: {  	(v2sf) =	vpush v19, $0x9;
	_ =	sdelay $0x1  }
0x538: {  	s14 =	smov.u32 s10;
	s10 =	spop (v2sf);
	(v2sf) =	vpush v19, $0xA  }
0x539: {  	s20 =	spop (drf)  }
0x53a: {  	(v2sf) =	vpush v19, $0xB;
	s21 =	spop (drf);
	s2 =	sxor.u32 s25, s20  }
0x53b: {  	s0 =	sshra.s32 s10, $0x1F;
	s22 =	spop (drf);
	s1 =	ssub.s32 s2, s25  }
0x53c: {  	(v2sf) =	vpush v19, $0xC;
	s23 =	sxor.u32 s3, s21;
	s25 =	spop (drf);
	s6 =	sxor.u32 s8, s22  }
0x53d: {  	(v2sf) =	vpush v19, $0xD;
	s2 =	ssub.s32 s23, s3;
	s3 =	ssub.s32 s6, s8;
	s8 =	sxor.u32 s11, s25  }
0x53e: {  	s4 =	sxor.u32 s0, s10;
	s7 =	spop (drf);
	s5 =	ssub.s32 s8, s11  }
0x53f: {  	s6 =	sxor.u32 s13, s7;
	s7 =	sld [smem:$0x7CD];
	s11 =	spop (v2sf);
	(v2sf) =	vpush v19, $0xE  }
0x540: {  	s29 =	smov.u32 s24;
	s10 =	sld [smem:$0x7CE];
	s4 =	ssub.s32 s4, s0  }
0x541: {  	s25 =	sld [smem:$0x7CF];
	s6 =	ssub.s32 s6, s13;
	s8 =	sshra.s32 s11, $0x1F  }
0x542: {  	s15 =	spop (v2sf);
	s12 =	sxor.u32 s8, s11;
	(drf) =	srem.u32 s4, s7  }
0x543: {  	s4 =	sshra.s32 s15, $0x1F;
	s18 =	spop (v2sf);
	s13 =	ssub.s32 s12, s8  }
0x544: {  	s9 =	sxor.u32 s4, s15;
	s19 =	spop (v2sf);
	(drf) =	srem.u32 s13, s10  }
0x545: {  	s13 =	sshra.s32 s18, $0x1F;
	s9 =	ssub.s32 s9, s4;
	s23 =	spop (v2sf)  }
0x546: {  	s12 =	sxor.u32 s13, s18;
	s18 =	sshra.s32 s19, $0x1F;
	(drf) =	srem.u32 s9, s24  }
0x547: {  	s9 =	sshra.s32 s23, $0x1F;
	s24 =	spop (v2sf);
	s20 =	ssub.s32 s12, s13  }
0x548: {  	s21 =	sxor.u32 s18, s19;
	s12 =	sxor.u32 s9, s23;
	s19 =	sshra.s32 s24, $0x1F  }
0x549: {  	s11 =	spop (v2sf);
	(drf) =	srem.u32 s20, s25;
	s22 =	ssub.s32 s21, s18  }
0x54a: {  	s12 =	ssub.s32 s12, s9;
	s15 =	sxor.u32 s19, s24;
	s21 =	sshra.s32 s11, $0x1F  }
0x54b: {  	s23 =	spop (v2sf);
	s20 =	sxor.u32 s21, s11;
	s11 =	sld [smem:$0x7D0]  }
0x54c: {  	(drf) =	srem.u32 s22, s17;
	s15 =	ssub.s32 s15, s19;
	s24 =	spop (v2sf)  }
0x54d: {  	(drf) =	srem.u32 s12, s16;
	s22 =	ssub.s32 s20, s21;
	s12 =	sshra.s32 s23, $0x1F  }
0x54e: {  	(drf) =	srem.u32 s15, s11;
	s15 =	sxor.u32 s12, s23;
	s23 =	spop (v2sf)  }
0x54f: {  	(drf) =	srem.u32 s22, s30;
	s15 =	ssub.s32 s15, s12;
	s20 =	sshra.s32 s23, $0x1F  }
0x550: {  	s22 =	sshra.s32 s24, $0x1F;
	(drf) =	srem.u32 s15, s31;
	s15 =	sxor.u32 s20, s23  }
0x551: {  	v61 =	vmov s2;
	s24 =	sxor.u32 s22, s24;
	s23 =	ssub.s32 s15, s20;
	s15 =	sld [smem:$0x7D5]  }
0x552: {  	v19 =	vsel vm2, s1, v61;
	s2 =	ssub.s32 s24, s22  }
0x553: {  	v19 =	vsel vm0, s3, v19;
	s24 =	spop (drf);
	(drf) =	srem.u32 s2, s26  }
0x554: {  	v19 =	vsel vm3, s5, v19;
	(drf) =	srem.u32 s23, s15;
	s23 =	sxor.u32 s0, s24;
	s24 =	spop (drf)  }
0x555: {  	v19 =	vsel vm4, s6, v19;
	s0 =	ssub.s32 s23, s0;
	s2 =	sxor.u32 s8, s24;
	s3 =	spop (drf)  }
0x556: {  	v19 =	vsel vm5, s0, v19;
	s5 =	ssub.s32 s2, s8;
	s6 =	sxor.u32 s4, s3;
	s8 =	spop (drf)  }
0x557: {  	v19 =	vsel vm6, s5, v19;
	s15 =	ssub.s32 s6, s4;
	s23 =	sxor.u32 s13, s8;
	s24 =	spop (drf)  }
0x558: {  	v19 =	vsel vm7, s15, v19;
	s1 =	ssub.s32 s23, s13;
	s2 =	sxor.u32 s18, s24;
	s3 =	spop (drf)  }
0x559: {  	v19 =	vsel vm8, s1, v19;
	s4 =	ssub.s32 s2, s18;
	s5 =	sxor.u32 s9, s3;
	s6 =	spop (drf)  }
0x55a: {  	v19 =	vsel vm9, s4, v19;
	s8 =	ssub.s32 s5, s9;
	s9 =	sxor.u32 s19, s6;
	s13 =	spop (drf)  }
0x55b: {  	v19 =	vsel vm10, s8, v19;
	s15 =	ssub.s32 s9, s19;
	s18 =	sxor.u32 s21, s13;
	s19 =	spop (drf)  }
0x55c: {  	v19 =	vsel vm11, s15, v19;
	s21 =	ssub.s32 s18, s21;
	s23 =	sxor.u32 s12, s19;
	s24 =	spop (drf)  }
0x55d: {  	v19 =	vsel vm12, s21, v19;
	s1 =	ssub.s32 s23, s12;
	s3 =	sxor.u32 s22, s24;
	s4 =	spop (drf)  }
0x55e: {  	v19 =	vsel vm13, s1, v19;
	s5 =	ssub.s32 s3, s22;
	s6 =	sxor.u32 s20, s4  }
0x55f: {  	v19 =	vsel vm14, s5, v19;
	s8 =	ssub.s32 s6, s20  }
0x560: {  	v19 =	vsel vm1, s8, v19  }
0x561: {  	v19 =	vadd.s32 v17, v19;
	_ =	sdelay $0x3  }
0x562: {  	s9 =	simm.s32 $0x8000  }
0x563: {  	v19 =	vld.idx.msk [tilespmem:v19+s9+$0x0], $0xffff;
	_ =	sdelay $0x2  }
0x564: {  	s20 =	sld [smem:$0x7D1]  }
0x565: {  	s12 =	sld [smem:$0x7D6]  }
0x566: {  	s13 =	sld [smem:$0x7D7];
	v19 =	vsel vm15, v16, v19  }
0x567: {  	v62 =	vadd.s32 $0x8, v18;
	[tilespmem:s20+$0x180] =	vst v19  }
0x568: {  	[tilespmem:s12+$0x180] =	vst v62  }
0x569: {  	v19 =	vld [tilespmem:s13+$0x410];
	_ =	sdelay $0x4  }
0x56a: {  	(v2sf) =	vpush v19, $0x0  }
0x56b: {  	(v2sf) =	vpush v19, $0xF  }
0x56c: {  	(v2sf) =	vpush v19, $0x1  }
0x56d: {  	(v2sf) =	vpush v19, $0x2;
	_ =	sdelay $0x2  }
0x56e: {  	(v2sf) =	vpush v19, $0x3  }
0x56f: {  	(v2sf) =	vpush v19, $0x4;
	_ =	sdelay $0x1  }
0x570: {  	(v2sf) =	vpush v19, $0x5;
	_ =	sdelay $0x1  }
0x571: {  	(v2sf) =	vpush v19, $0x6  }
0x572: {  	(v2sf) =	vpush v19, $0x7  }
0x573: {  	(v2sf) =	vpush v19, $0x8;
	_ =	sdelay $0x1  }
0x574: {  	s15 =	spop (v2sf)  }
0x575: {  	s5 =	sld [smem:$0x7D2];
	s18 =	spop (v2sf);
	s21 =	sshra.s32 s15, $0x1F  }
0x576: {  	s9 =	sld [smem:$0x7D3];
	s0 =	sxor.u32 s21, s15;
	s19 =	spop (v2sf)  }
0x577: {  	(v2sf) =	vpush v19, $0x9;
	s24 =	sshra.s32 s18, $0x1F;
	s22 =	spop (v2sf);
	s0 =	ssub.s32 s0, s21  }
0x578: {  	(v2sf) =	vpush v19, $0xA;
	s6 =	sxor.u32 s24, s18;
	s23 =	sshra.s32 s19, $0x1F;
	(drf) =	srem.u32 s0, s5  }
0x579: {  	s0 =	ssub.s32 s6, s24;
	s8 =	sxor.u32 s23, s19;
	s15 =	sshra.s32 s22, $0x1F  }
0x57a: {  	(v2sf) =	vpush v19, $0xB;
	s18 =	spop (v2sf);
	(drf) =	srem.u32 s0, s9;
	s12 =	ssub.s32 s8, s23  }
0x57b: {  	s13 =	sxor.u32 s15, s22;
	s19 =	spop (v2sf);
	s22 =	sld [smem:$0x7D4]  }
0x57c: {  	(drf) =	srem.u32 s12, s14;
	s1 =	sshra.s32 s19, $0x1F  }
0x57d: {  	s14 =	ssub.s32 s13, s15;
	s4 =	spop (v2sf);
	s2 =	sxor.u32 s1, s19  }
0x57e: {  	(v2sf) =	vpush v19, $0xC;
	s8 =	sshra.s32 s4, $0x1F;
	(drf) =	srem.u32 s14, s22;
	s14 =	sshra.s32 s18, $0x1F  }
0x57f: {  	s12 =	spop (v2sf);
	s5 =	ssub.s32 s2, s1;
	s3 =	sxor.u32 s14, s18  }
0x580: {  	(v2sf) =	vpush v19, $0xD;
	s6 =	sxor.u32 s8, s4;
	s13 =	spop (v2sf);
	s0 =	ssub.s32 s3, s14  }
0x581: {  	s9 =	ssub.s32 s6, s8;
	s19 =	spop (v2sf);
	(drf) =	srem.u32 s0, s28  }
0x582: {  	(v2sf) =	vpush v19, $0xE;
	(drf) =	srem.u32 s5, s7;
	s7 =	sshra.s32 s12, $0x1F;
	s5 =	sshra.s32 s13, $0x1F  }
0x583: {  	(drf) =	srem.u32 s9, s10;
	s18 =	sxor.u32 s7, s12;
	s3 =	sxor.u32 s5, s13  }
0x584: {  	s9 =	sshra.s32 s19, $0x1F;
	s13 =	spop (drf);
	s0 =	ssub.s32 s18, s7  }
0x585: {  	s3 =	ssub.s32 s3, s5;
	s12 =	sxor.u32 s9, s19;
	s2 =	sxor.u32 s21, s13  }
0x586: {  	s22 =	spop (v2sf);
	(drf) =	srem.u32 s0, s29;
	s0 =	ssub.s32 s12, s9  }
0x587: {  	s2 =	ssub.s32 s2, s21;
	s6 =	spop (v2sf);
	(drf) =	srem.u32 s3, s25  }
0x588: {  	s10 =	sshra.s32 s22, $0x1F;
	(drf) =	srem.u32 s0, s17;
	s17 =	spop (drf)  }
0x589: {  	s4 =	sxor.u32 s10, s22;
	s0 =	sshra.s32 s6, $0x1F;
	s19 =	spop (v2sf)  }
0x58a: {  	s4 =	ssub.s32 s4, s10;
	s3 =	sxor.u32 s0, s6;
	s18 =	spop (drf)  }
0x58b: {  	(drf) =	srem.u32 s4, s16;
	s3 =	ssub.s32 s3, s0;
	s4 =	sshra.s32 s19, $0x1F  }
0x58c: {  	s6 =	sxor.u32 s24, s17;
	(drf) =	srem.u32 s3, s11;
	s3 =	sxor.u32 s4, s19  }
0x58d: {  	s22 =	spop (v2sf);
	s6 =	ssub.s32 s6, s24;
	s3 =	ssub.s32 s3, s4  }
0x58e: {  	s24 =	spop (drf);
	(drf) =	srem.u32 s3, s30;
	s3 =	sshra.s32 s22, $0x1F  }
0x58f: {  	s12 =	sxor.u32 s23, s18;
	s25 =	spop (v2sf);
	s13 =	sxor.u32 s3, s22  }
0x590: {  	s12 =	ssub.s32 s12, s23;
	s30 =	spop (drf);
	s13 =	ssub.s32 s13, s3  }
0x591: {  	s18 =	sxor.u32 s15, s24;
	(drf) =	srem.u32 s13, s31;
	s31 =	spop (v2sf)  }
0x592: {  	s15 =	ssub.s32 s18, s15;
	s13 =	sshra.s32 s25, $0x1F;
	s19 =	sshra.s32 s31, $0x1F  }
0x593: {  	v63 =	vmov s6;
	s16 =	sxor.u32 s13, s25;
	s23 =	sxor.u32 s19, s31;
	s31 =	sld [smem:$0x7D5]  }
0x594: {  	v19 =	vsel vm2, s2, v63;
	s11 =	sxor.u32 s14, s30;
	s24 =	spop (drf);
	s22 =	ssub.s32 s16, s13  }
0x595: {  	v19 =	vsel vm0, s12, v19;
	s21 =	ssub.s32 s11, s14;
	(drf) =	srem.u32 s22, s26;
	s25 =	ssub.s32 s23, s19  }
0x596: {  	v19 =	vsel vm3, s15, v19;
	s30 =	spop (drf);
	s26 =	sxor.u32 s1, s24;
	(drf) =	srem.u32 s25, s31  }
0x597: {  	s15 =	spop (drf);
	v19 =	vsel vm4, s21, v19;
	s16 =	sxor.u32 s8, s30;
	s1 =	ssub.s32 s26, s1  }
0x598: {  	s17 =	spop (drf);
	s21 =	sxor.u32 s7, s15;
	s18 =	ssub.s32 s16, s8;
	v19 =	vsel vm5, s1, v19  }
0x599: {  	s22 =	spop (drf);
	s23 =	ssub.s32 s21, s7;
	s24 =	sxor.u32 s5, s17;
	v19 =	vsel vm6, s18, v19  }
0x59a: {  	s26 =	ssub.s32 s24, s5;
	s30 =	sxor.u32 s9, s22;
	s25 =	spop (drf);
	v19 =	vsel vm7, s23, v19  }
0x59b: {  	s2 =	ssub.s32 s30, s9;
	s31 =	spop (drf);
	s6 =	sxor.u32 s10, s25;
	v19 =	vsel vm8, s26, v19  }
0x59c: {  	s7 =	spop (drf);
	s8 =	ssub.s32 s6, s10;
	s11 =	sxor.u32 s0, s31;
	v19 =	vsel vm9, s2, v19  }
0x59d: {  	s0 =	ssub.s32 s11, s0;
	s14 =	sxor.u32 s4, s7;
	s12 =	spop (drf);
	v19 =	vsel vm10, s8, v19  }
0x59e: {  	s16 =	ssub.s32 s14, s4;
	s17 =	sxor.u32 s3, s12;
	v19 =	vsel vm11, s0, v19;
	s15 =	spop (drf)  }
0x59f: {  	s18 =	ssub.s32 s17, s3;
	v19 =	vsel vm12, s16, v19;
	s21 =	sxor.u32 s13, s15;
	s22 =	spop (drf)  }
0x5a0: {  	v19 =	vsel vm13, s18, v19;
	s23 =	ssub.s32 s21, s13;
	s24 =	sxor.u32 s19, s22  }
0x5a1: {  	v19 =	vsel vm14, s23, v19;
	s25 =	ssub.s32 s24, s19  }
0x5a2: {  	v19 =	vsel vm1, s25, v19  }
0x5a3: {  	v17 =	vadd.s32 v17, v19;
	_ =	sdelay $0x3  }
0x5a4: {  	s28 =	sld [smem:$0x7DA];
	s13 =	simm.s32 $0x8000  }
0x5a5: {  	v17 =	vld.idx.msk [tilespmem:v17+s13+$0x0], $0xffff  }
0x5a6: {  	s9 =	sld [smem:$0x7D6]  }
0x5a7: {  	p2 =	sne.s32 s28, $0x70;
	s30 =	sld [smem:$0x7D8]  }
.Ltmp9:
0x5a8: {  	s31 =	sld [smem:$0x7D9];
	(pc) =	sbr.rel @p2 .LBB2_14-.Ltmp9, $4  }
0x5a9: {  	s26 =	sld [smem:$0x7D7]  }
0x5aa: {  	v16 =	vsel vm15, v16, v17  }
0x5ab: {  	s28 =	sadd.s32 $0x10, s28;
	s29 =	sadd.s32 $0x10, s20;
	s10 =	sadd.s32 $0x10, s9;
	[tilespmem:s20+$0x200] =	vst v16;
	v16 =	vadd.s32 $0x9, v18  }
0x5ac: {  	s14 =	sadd.s32 $0x10, s31;
	s1 =	sadd.s32 $0x80, s26;
	s0 =	sadd.s32 $0x10, s30;
	[tilespmem:s9+$0x200] =	vst v16  }
0x5ad: {  	s0 =	rddreg [dreg:$0x0]  }
0x5ae: {  	s28 =	simm.s32 $0xA100;
	s31 =	simm.s32 $0x80;
	s1 =	simm.s32 $0x9080  }
0x5af: {  	[tilespmem:s28], [sflag:$0x1] =	stream.indirect.gather [hbm4b:s0+s31], $0x80, s1, s31, $0xb8;
	[tilespmem:$0x17680] =	vst v63  }
0x5b0: {  	s29 =	simm.s32 $0xE100;
	s7 =	simm.s32 $0x9100;
	s30 =	simm.s32 $0x1  }
0x5b1: {  	[tilespmem:s29], [sflag:$0x2] =	stream.indirect.gather [hbm4b:s0+s31], $0x80, s7, s31, $0xb8;
	[tilespmem:$0x17680] =	vst v63  }
0x5b2: {  	_ =	swait.ge [sflag:s30], $0x4000  }
0x5b3: {  	[sflag:s30] =	ssyncset.done $0x0  }
0x5b4: {  	[sflag:s30] =	ssyncadd.s32 $0xFFFFC000  }
0x5b5: {  	s8 =	simm.s32 $0x9880;
	s5 =	simm.s32 $0x4;
	s21 =	rddreg [dreg:$0x3]  }
0x5b6: {  	[hbm4b:s21+s31] =	stream.indirect.scatter [tilespmem:s28], [sflag:$0x4], $0x80, s8, s31, $0xb8;
	[tilespmem:$0x17680] =	vst v63  }
0x5b7: {  	_ =	swait.ge [sflag:s5], $0x4000  }
0x5b8: {  	[sflag:s5] =	ssyncset.done $0x0  }
0x5b9: {  	s9 =	simm.s32 $0x9180;
	s10 =	simm.s32 $0x2;
	[sflag:s5] =	ssyncadd.s32 $0xFFFFC000  }
0x5ba: {  	[tilespmem:s28], [sflag:$0x1] =	stream.indirect.gather [hbm4b:s0+s31], $0x80, s9, s31, $0xb8;
	[tilespmem:$0x17680] =	vst v63  }
0x5bb: {  	_ =	swait.ge [sflag:s10], $0x4000  }
0x5bc: {  	[sflag:s10] =	ssyncset.done $0x0  }
0x5bd: {  	s2 =	simm.s32 $0x9900;
	[sflag:s10] =	ssyncadd.s32 $0xFFFFC000  }
0x5be: {  	[hbm4b:s21+s31] =	stream.indirect.scatter [tilespmem:s29], [sflag:$0x4], $0x80, s2, s31, $0xb8;
	[tilespmem:$0x17680] =	vst v63  }
0x5bf: {  	_ =	swait.ge [sflag:s5], $0x4000  }
0x5c0: {  	[sflag:s5] =	ssyncset.done $0x0  }
0x5c1: {  	s11 =	simm.s32 $0x9200;
	[sflag:s5] =	ssyncadd.s32 $0xFFFFC000  }
0x5c2: {  	[tilespmem:s29], [sflag:$0x2] =	stream.indirect.gather [hbm4b:s0+s31], $0x80, s11, s31, $0xb8;
	[tilespmem:$0x17680] =	vst v63  }
0x5c3: {  	_ =	swait.ge [sflag:s30], $0x4000  }
0x5c4: {  	[sflag:s30] =	ssyncset.done $0x0  }
0x5c5: {  	s12 =	simm.s32 $0x9980;
	[sflag:s30] =	ssyncadd.s32 $0xFFFFC000  }
0x5c6: {  	[hbm4b:s21+s31] =	stream.indirect.scatter [tilespmem:s28], [sflag:$0x4], $0x80, s12, s31, $0xb8;
	[tilespmem:$0x17680] =	vst v63  }
0x5c7: {  	_ =	swait.ge [sflag:s5], $0x4000  }
0x5c8: {  	[sflag:s5] =	ssyncset.done $0x0  }
0x5c9: {  	s13 =	simm.s32 $0x9280;
	[sflag:s5] =	ssyncadd.s32 $0xFFFFC000  }
0x5ca: {  	[tilespmem:s28], [sflag:$0x1] =	stream.indirect.gather [hbm4b:s0+s31], $0x80, s13, s31, $0xb8;
	[tilespmem:$0x17680] =	vst v63  }
0x5cb: {  	_ =	swait.ge [sflag:s10], $0x4000  }
0x5cc: {  	[sflag:s10] =	ssyncset.done $0x0  }
0x5cd: {  	s14 =	simm.s32 $0x9A00;
	[sflag:s10] =	ssyncadd.s32 $0xFFFFC000  }
0x5ce: {  	[hbm4b:s21+s31] =	stream.indirect.scatter [tilespmem:s29], [sflag:$0x4], $0x80, s14, s31, $0xb8;
	[tilespmem:$0x17680] =	vst v63  }
0x5cf: {  	_ =	swait.ge [sflag:s5], $0x4000  }
0x5d0: {  	[sflag:s5] =	ssyncset.done $0x0  }
0x5d1: {  	s15 =	simm.s32 $0x9300;
	[sflag:s5] =	ssyncadd.s32 $0xFFFFC000  }
0x5d2: {  	[tilespmem:s29], [sflag:$0x2] =	stream.indirect.gather [hbm4b:s0+s31], $0x80, s15, s31, $0xb8;
	[tilespmem:$0x17680] =	vst v63  }
0x5d3: {  	_ =	swait.ge [sflag:s30], $0x4000  }
0x5d4: {  	[sflag:s30] =	ssyncset.done $0x0  }
0x5d5: {  	s16 =	simm.s32 $0x9A80;
	[sflag:s30] =	ssyncadd.s32 $0xFFFFC000  }
0x5d6: {  	[hbm4b:s21+s31] =	stream.indirect.scatter [tilespmem:s28], [sflag:$0x4], $0x80, s16, s31, $0xb8;
	[tilespmem:$0x17680] =	vst v63  }
0x5d7: {  	_ =	swait.ge [sflag:s5], $0x4000  }
0x5d8: {  	[sflag:s5] =	ssyncset.done $0x0  }
0x5d9: {  	s17 =	simm.s32 $0x9380;
	[sflag:s5] =	ssyncadd.s32 $0xFFFFC000  }
0x5da: {  	[tilespmem:s28], [sflag:$0x1] =	stream.indirect.gather [hbm4b:s0+s31], $0x80, s17, s31, $0xb8;
	[tilespmem:$0x17680] =	vst v63  }
0x5db: {  	_ =	swait.ge [sflag:s10], $0x4000  }
0x5dc: {  	[sflag:s10] =	ssyncset.done $0x0  }
0x5dd: {  	s18 =	simm.s32 $0x9B00;
	[sflag:s10] =	ssyncadd.s32 $0xFFFFC000  }
0x5de: {  	[hbm4b:s21+s31] =	stream.indirect.scatter [tilespmem:s29], [sflag:$0x4], $0x80, s18, s31, $0xb8;
	[tilespmem:$0x17680] =	vst v63  }
0x5df: {  	_ =	swait.ge [sflag:s5], $0x4000  }
0x5e0: {  	[sflag:s5] =	ssyncset.done $0x0  }
0x5e1: {  	s19 =	simm.s32 $0x9400;
	[sflag:s5] =	ssyncadd.s32 $0xFFFFC000  }
0x5e2: {  	[tilespmem:s29], [sflag:$0x2] =	stream.indirect.gather [hbm4b:s0+s31], $0x80, s19, s31, $0xb8;
	[tilespmem:$0x17680] =	vst v63  }
0x5e3: {  	_ =	swait.ge [sflag:s30], $0x4000  }
0x5e4: {  	[sflag:s30] =	ssyncset.done $0x0  }
0x5e5: {  	s20 =	simm.s32 $0x9B80;
	[sflag:s30] =	ssyncadd.s32 $0xFFFFC000  }
0x5e6: {  	[hbm4b:s21+s31] =	stream.indirect.scatter [tilespmem:s28], [sflag:$0x4], $0x80, s20, s31, $0xb8;
	[tilespmem:$0x17680] =	vst v63  }
0x5e7: {  	_ =	swait.ge [sflag:s5], $0x4000  }
0x5e8: {  	[sflag:s5] =	ssyncset.done $0x0  }
0x5e9: {  	s22 =	simm.s32 $0x9480;
	[sflag:s5] =	ssyncadd.s32 $0xFFFFC000  }
0x5ea: {  	[tilespmem:s28], [sflag:$0x1] =	stream.indirect.gather [hbm4b:s0+s31], $0x80, s22, s31, $0xb8;
	[tilespmem:$0x17680] =	vst v63  }
0x5eb: {  	_ =	swait.ge [sflag:s10], $0x4000  }
0x5ec: {  	[sflag:s10] =	ssyncset.done $0x0  }
0x5ed: {  	s23 =	simm.s32 $0x9C00;
	[sflag:s10] =	ssyncadd.s32 $0xFFFFC000  }
0x5ee: {  	[hbm4b:s21+s31] =	stream.indirect.scatter [tilespmem:s29], [sflag:$0x4], $0x80, s23, s31, $0xb8;
	[tilespmem:$0x17680] =	vst v63  }
0x5ef: {  	_ =	swait.ge [sflag:s5], $0x4000  }
0x5f0: {  	[sflag:s5] =	ssyncset.done $0x0  }
0x5f1: {  	s24 =	simm.s32 $0x9500;
	[sflag:s5] =	ssyncadd.s32 $0xFFFFC000  }
0x5f2: {  	[tilespmem:s29], [sflag:$0x2] =	stream.indirect.gather [hbm4b:s0+s31], $0x80, s24, s31, $0xb8;
	[tilespmem:$0x17680] =	vst v63  }
0x5f3: {  	s25 =	simm.s32 $0x9C80;
	_ =	swait.ge [sflag:s30], $0x4000  }
0x5f4: {  	s26 =	simm.s32 $0x9D00;
	s6 =	simm.s32 $0x12100;
	[sflag:s30] =	ssyncset.done $0x0  }
0x5f5: {  	s8 =	simm.s32 $0x12200;
	s9 =	simm.s32 $0x12280;
	[sflag:s30] =	ssyncadd.s32 $0xFFFFC000  }
0x5f6: {  	[hbm4b:s21+s31] =	stream.indirect.scatter [tilespmem:s28], [sflag:$0x4], $0x80, s25, s31, $0xb8;
	[tilespmem:$0x17680] =	vst v63  }
0x5f7: {  	s11 =	simm.s32 $0x12380;
	s12 =	simm.s32 $0x12400;
	_ =	swait.ge [sflag:s5], $0x4000  }
0x5f8: {  	s13 =	simm.s32 $0x12480;
	s14 =	simm.s32 $0x12500;
	[sflag:s5] =	ssyncset.done $0x0  }
0x5f9: {  	s15 =	simm.s32 $0x12580;
	s16 =	simm.s32 $0x12600;
	[sflag:s5] =	ssyncadd.s32 $0xFFFFC000  }
0x5fa: {  	s17 =	simm.s32 $0x12680;
	s18 =	simm.s32 $0x12700;
	_ =	swait.ge [sflag:s10], $0x4000  }
.Ltmp10:
0x5fb: {  	[sflag:s10] =	ssyncset.done $0x0;
	s23 =	rddreg [dreg:$0x7];
	(pc) =	sbr.rel .LBB2_16-.Ltmp10, $4  }
0x5fc: {  	s19 =	simm.s32 $0x12780;
	s4 =	sld [smem:$0x7FD];
	[sflag:s10] =	ssyncadd.s32 $0xFFFFC000  }
0x5fd: {  	[hbm4b:s21+s31] =	stream.indirect.scatter [tilespmem:s29], [sflag:$0x4], $0x80, s26, s31, $0xb8;
	[tilespmem:$0x17680] =	vst v63  }
0x5fe: {  	s20 =	simm.s32 $0x12800;
	s24 =	simm.s32 $0x12880;
	s22 =	rddreg [dreg:$0x5]  }
0x5ff: {  	s25 =	simm.s32 $0x12900;
	s10 =	simm.s32 $0x12300;
	s26 =	rddreg [dreg:$0xb]  }
.LBB2_17:
0x600: {  	_ =	sfence.sel $0x180000  }
0x601: {  	[bflag:$0x0] =	sbarrier.arrive $0xFFFF  }
0x602: {  	_ =	strace $0x90000047  }
0x603: {  	[bflag:$0x2] =	sbarrier.arrive $0xFFFF  }
0x604: {  	s0 =	rddreg [dreg:$0x6]  }
0x605: {  	s0 =	sadd.s32 @!p1 $0x100000, s0  }
0x606: {  	[sflag:s0] =	ssyncadd.tile.s32 @!p1 $0x1;
	_ =	shalt  }
.Lfunc_end2:
_tile_overlayer_lowered:
.L_overlay_start_2:
0x607: {  	(tag) =	ssettag $0x2  }
0x608: {  	s0 =	rddreg [dreg:$0x0];
	s2 =	stileid.u32  }
0x609: {  	s1 =	rddreg [dreg:$0x1];
	p0 =	sne.s32 s2, $0x0  }
0x60a: {  	s3 =	rddreg [dreg:$0x2];
	[bflag:$0x3] =	sbarrier.arrive $0xFFFF;
	s2 =	simm.s32 @!p0 $0x1C04  }
0x60b: {  	[timem:s3], [sflag:s2] =	dma.local @!p0 [hbm:s0], s1  }
0x60c: {  	s0 =	simm.s32 @!p0 $0x4  }
0x60d: {  	_ =	swait.ge @!p0 [sflag:s0], s1  }
0x60e: {  	s1 =	ssub.s32 @!p0 $0x0, s1;
	[sflag:s0] =	ssyncset.done @!p0 $0x0  }
0x60f: {  	[sflag:s0] =	ssyncadd.s32 @!p0 s1  }
0x610: {  	[bflag:$0x3] =	sbarrier.arrive $0xFFFF  }
0x611: {  	_ =	shalt  }

</sc_bundles>
